<compile_context>
chip_gen: v7x
topology: tpu7x:2x2x1
jax: 0.10.2.dev20260603
libtpu: 0.0.44.dev20260713+nightly
codegen_flags: <defaults>
</compile_context>

<pallas_src>
import functools

import jax
import jax.numpy as jnp
import numpy as np
from jax import lax
from jax.experimental import pallas as pl
from jax.experimental.pallas import tpu as pltpu
from jax.experimental.pallas import tpu_sc as plsc

_B = 4096
_DENSE_IN = 13
_F = 26
_V = 1000000
_D = 32
_NFEAT = _F + 1
_NPAIR = (_NFEAT * (_NFEAT - 1)) // 2
_OVER_IN = _D + _NPAIR

_NC = 2
_NS = 16
_NW = _NC * _NS
_N_IDX = _B * _F
_B_PER_W = _N_IDX // _NW
_CHUNK = 128
_NCHUNK = _B_PER_W // _CHUNK

_BB = 1024
_GRID = _B // _BB


def _build_perm() -> np.ndarray:
    iu0, iu1 = np.triu_indices(_NFEAT, k=1)
    ref_pos = {(int(i), int(k)): _D + p for p, (i, k) in enumerate(zip(iu0, iu1))}
    perm = list(range(_D))
    for delta in range(1, _NFEAT):
        for i in range(_NFEAT - delta):
            perm.append(ref_pos[(i, i + delta)])
    return np.array(perm, dtype=np.int32)


_PERM = _build_perm()

_S_NP = (np.arange(26 * _D)[:, None] // _D == np.arange(_F)[None, :]).astype(np.float32)


def _sc_gather(emb_table, idx3d):
    mesh = plsc.VectorSubcoreMesh(
        core_axis_name="c", subcore_axis_name="s",
        num_cores=_NC, num_subcores=_NS,
    )

    @functools.partial(
        pl.kernel,
        out_type=jax.ShapeDtypeStruct((_B, _F * _D), jnp.float32),
        mesh=mesh,
        scratch_types=[
            pltpu.VMEM((_B // _NW, _F), jnp.int32),
            pltpu.VMEM((_F, _CHUNK), jnp.int32),
            pltpu.VMEM((_B_PER_W, _D), jnp.float32),
            pltpu.SemaphoreType.DMA((_NCHUNK,)),
        ],
        compiler_params=pltpu.CompilerParams(
            use_tc_tiling_on_sc=False, needs_layout_passes=False
        ),
    )
    def k(table_hbm, idx_hbm, out_hbm, idx_v, idxT_v, rows_v, sem):
        wid = lax.axis_index("s") * _NC + lax.axis_index("c")
        pltpu.sync_copy(idx_hbm.at[wid], idx_v)
        lanes = lax.iota(jnp.int32, 16)
        for f in range(_F):
            col = jnp.full((16,), f, jnp.int32)
            for g in range(8):
                rows = lanes + g * 16
                vals = plsc.load_gather(idx_v, [rows, col])
                idxT_v[f, pl.ds(g * 16, 16)] = vals
        descs = []
        for j in range(_NCHUNK):
            descs.append(
                pltpu.async_copy(
                    table_hbm.at[idxT_v.at[j]],
                    rows_v.at[pl.ds(j * _CHUNK, _CHUNK)],
                    sem.at[j],
                )
            )
        for f in range(_NCHUNK):
            descs[f].wait()
            pltpu.sync_copy(
                rows_v.at[pl.ds(f * _CHUNK, _CHUNK)],
                out_hbm.at[pl.ds(wid * _CHUNK, _CHUNK), pl.ds(f * _D, _D)],
            )

    return k(emb_table, idx3d)


def _tc_body(x_ref, emb_ref, s_ref,
             dW0_ref, db0_ref, dW1_ref, db1_ref, dW2_ref, db2_ref,
             oW0_ref, ob0_ref, oW1_ref, ob1_ref, oW2_ref, ob2_ref,
             out_ref):
    f32 = jnp.float32

    def mm(a, b):
        return jnp.dot(a, b, preferred_element_type=f32)

    x = x_ref[...]
    h = jnp.maximum(mm(x, dW0_ref[...]) + db0_ref[...], 0.0)
    h = jnp.maximum(mm(h, dW1_ref[...]) + db1_ref[...], 0.0)
    d = jnp.maximum(mm(h, dW2_ref[...]) + db2_ref[...], 0.0)

    comb = jnp.concatenate([d, emb_ref[...]], axis=1)
    shifted = [comb, comb[:, _D:], comb[:, 2 * _D:], comb[:, 3 * _D:]]
    s = s_ref[...]
    pieces = [d]
    for delta in range(1, _NFEAT):
        w = (_NFEAT - delta) * _D
        off = delta * _D
        src = shifted[delta % 4]
        base = (off // 128) * 128
        prod = comb[:, :w] * src[:, base: base + w]
        pieces.append(mm(prod, s[:w, :_NFEAT - delta]))
    cat = jnp.concatenate(pieces, axis=1)

    o = jnp.maximum(mm(cat, oW0_ref[...]) + ob0_ref[...], 0.0)
    o = jnp.maximum(mm(o, oW1_ref[...]) + ob1_ref[...], 0.0)
    out_ref[...] = mm(o, oW2_ref[...]) + ob2_ref[...]


def _tc_forward(dense, emb2d, s_mat, dW0, db0, dW1, db1, dW2, db2,
                oW0p, ob0, oW1, ob1, oW2p, ob2p):
    full = lambda a: pl.BlockSpec(a.shape, lambda i: (0,) * a.ndim)
    return pl.pallas_call(
        _tc_body,
        grid=(_GRID,),
        in_specs=[
            pl.BlockSpec((_BB, _DENSE_IN), lambda i: (i, 0)),
            pl.BlockSpec((_BB, _F * _D), lambda i: (i, 0)),
            full(s_mat),
            full(dW0), full(db0), full(dW1), full(db1), full(dW2), full(db2),
            full(oW0p), full(ob0), full(oW1), full(ob1), full(oW2p), full(ob2p),
        ],
        out_specs=pl.BlockSpec((_BB, 128), lambda i: (i, 0)),
        out_shape=jax.ShapeDtypeStruct((_B, 128), jnp.float32),
        compiler_params=pltpu.CompilerParams(
            dimension_semantics=("arbitrary",),
        ),
    )(dense, emb2d, s_mat, dW0, db0, dW1, db1, dW2, db2,
      oW0p, ob0, oW1, ob1, oW2p, ob2p)


def kernel(dense_features, sparse_indices, emb_table,
           dW0, db0, dW1, db1, dW2, db2,
           oW0, ob0, oW1, ob1, oW2, ob2):
    idx3d = sparse_indices.astype(jnp.int32).reshape(_NW, _B // _NW, _F)
    emb2d = _sc_gather(emb_table, idx3d)

    s_mat = jnp.asarray(_S_NP)
    oW0p = oW0[jnp.asarray(_PERM)]
    oW2p = jnp.pad(oW2, ((0, 0), (0, 127)))
    ob2p = jnp.pad(ob2.reshape(1, 1), ((0, 0), (0, 127)))
    out = _tc_forward(
        dense_features, emb2d, s_mat,
        dW0, db0.reshape(1, -1), dW1, db1.reshape(1, -1), dW2, db2.reshape(1, -1),
        oW0p, ob0.reshape(1, -1), oW1, ob1.reshape(1, -1), oW2p, ob2p,
    )
    return out[:, :1]

# --- scband reference (transcript-rebuilt; emitter-appended) ---
"""Pipeline reference for scband-dlrm-9242769621989 (READ-ONLY COPY).

The authoritative reference and input builder live on the scoring server;
editing this copy changes nothing except your own understanding.
"""

import jax, jax.numpy as jnp
import numpy as np

B = 4096
DENSE_IN = 13
F = 26
V = 1000000
D = 32
OVER_IN = D + ((F + 1) * F) // 2  # D + C(F+1, 2) = 32 + 351 = 383


def _w(k, fan_in, fan_out):
    return jax.random.normal(k, (fan_in, fan_out), dtype=jnp.float32) / np.sqrt(fan_in)


def setup_inputs(seed: int = 0) -> dict:
    key = jax.random.key(seed)
    ks = jax.random.split(key, 12)
    inp = {}
    inp["dense_features"] = jax.random.normal(ks[0], (B, DENSE_IN), dtype=jnp.float32)
    inp["sparse_indices"] = jax.random.randint(ks[1], (B, F), 0, V, dtype=jnp.int64)
    inp["emb_table"] = jax.random.normal(ks[2], (V, D), dtype=jnp.float32) * 0.01
    # DenseArch MLP: 13 -> 512 -> 256 -> 32, relu on every layer
    inp["dW0"] = _w(ks[3], DENSE_IN, 512)
    inp["db0"] = jnp.zeros((512,), dtype=jnp.float32)
    inp["dW1"] = _w(ks[4], 512, 256)
    inp["db1"] = jnp.zeros((256,), dtype=jnp.float32)
    inp["dW2"] = _w(ks[5], 256, D)
    inp["db2"] = jnp.zeros((D,), dtype=jnp.float32)
    # OverArch: MLP 383 -> 512 -> 256 (relu), then final Linear 256 -> 1 (no activation)
    inp["oW0"] = _w(ks[6], OVER_IN, 512)
    inp["ob0"] = jnp.zeros((512,), dtype=jnp.float32)
    inp["oW1"] = _w(ks[7], 512, 256)
    inp["ob1"] = jnp.zeros((256,), dtype=jnp.float32)
    inp["oW2"] = _w(ks[8], 256, 1)
    inp["ob2"] = jnp.zeros((1,), dtype=jnp.float32)
    return inp


def reference(dense_features, sparse_indices, emb_table,
              dW0, db0, dW1, db1, dW2, db2,
              oW0, ob0, oW1, ob1, oW2, ob2):
    # DenseArch: MLP with relu activation on all layers -> B x D
    d = jax.nn.relu(dense_features @ dW0 + db0)
    d = jax.nn.relu(d @ dW1 + db1)
    d = jax.nn.relu(d @ dW2 + db2)
    # SparseArch: embedding (bag) lookups -> B x F x D
    sparse = jnp.take(emb_table, sparse_indices, axis=0)
    # InteractionArch: pairwise dot products of [dense; sparse] features
    combined = jnp.concatenate([d[:, None, :], sparse], axis=1)  # B x (F+1) x D
    interactions = jnp.einsum('bij,bkj->bik', combined, combined)  # B x (F+1) x (F+1)
    iu0, iu1 = jnp.triu_indices(F + 1, k=1)
    interactions_flat = interactions[:, iu0, iu1]  # B x C(F+1, 2)
    concat_dense = jnp.concatenate([d, interactions_flat], axis=1)  # B x OVER_IN
    # OverArch
    o = jax.nn.relu(concat_dense @ oW0 + ob0)
    o = jax.nn.relu(o @ oW1 + ob1)
    logits = o @ oW2 + ob2  # B x 1
    return logits

if __name__ == "__main__":
    import jax
    _d = setup_inputs()
    print(jax.jit(kernel)(*tuple(_d.values())))

</pallas_src>

<mosaic_0001>
#map = affine_map<(d0, d1) -> (0, 0)>
#map1 = affine_map<(d0, d1) -> (0, 0, 0)>
module attributes {stable_mosaic.version = 14 : i64} {
  func.func @k(%arg0: i32, %arg1: i32, %arg2: memref<1000000x32xf32, #tpu.memory_space<hbm>>, %arg3: memref<32x128x26xi32, #tpu.memory_space<hbm>>, %arg4: memref<4096x832xf32, #tpu.memory_space<hbm>>, %arg5: memref<128x26xi32, #tpu.memory_space<vmem>>, %arg6: memref<26x128xi32, #tpu.memory_space<vmem>>, %arg7: memref<3328x32xf32, #tpu.memory_space<vmem>>, %arg8: memref<26x!tpu.dma_semaphore, #tpu.memory_space<semaphore_mem>>) attributes {dimension_semantics = [#tpu.dimension_semantics<core_parallel>, #tpu.dimension_semantics<subcore_parallel>], iteration_bounds = array<i64: 2, 16>, scalar_prefetch = 0 : i64, scratch_operands = 4 : i64, tpu.core_type = #tpu.core_type<sc_vector_subcore>, window_params = [{transform_indices = #map}, {transform_indices = #map1}, {transform_indices = #map}]} {
    %mul3A = arith.constant 2 : i32
    %mul3A_0 = arith.muli %arg1, %mul3A : i32
    %add3A = arith.addi %mul3A_0, %arg0 : i32
    "tpu.region"() ({
      %run_scoped3A = tpu.sem_alloc : memref<!tpu.dma_semaphore, #tpu.memory_space<semaphore_mem>>
      %dma_start3A_2440 = arith.constant 0 : i32
      %dma_start3A_2441 = arith.constant 0 : i32
      %dma_start3A_2442 = tpu.memref_slice %arg3[%add3A, %dma_start3A_2440, %dma_start3A_2441] : memref<32x128x26xi32, #tpu.memory_space<hbm>> -> memref<1x128x26xi32, #tpu.memory_space<hbm>>
      %dma_start3A_2443 = tpu.memref_squeeze %dma_start3A_2442 : memref<1x128x26xi32, #tpu.memory_space<hbm>> -> memref<128x26xi32, #tpu.memory_space<hbm>>
      %dma_start3A_2444 = arith.constant 0 : i32
      %dma_start3A_2445 = arith.constant 0 : i32
      %dma_start3A_2446 = tpu.memref_slice %arg3[%add3A, %dma_start3A_2444, %dma_start3A_2445] : memref<32x128x26xi32, #tpu.memory_space<hbm>> -> memref<1x128x26xi32, #tpu.memory_space<hbm>>
      %dma_start3A_2447 = tpu.memref_squeeze %dma_start3A_2446 : memref<1x128x26xi32, #tpu.memory_space<hbm>> -> memref<128x26xi32, #tpu.memory_space<hbm>>
      tpu.enqueue_dma source(%dma_start3A_2447 : memref<128x26xi32, #tpu.memory_space<hbm>>) target(%arg5 : memref<128x26xi32, #tpu.memory_space<vmem>>) target_semaphore(%run_scoped3A : memref<!tpu.dma_semaphore, #tpu.memory_space<semaphore_mem>>)
      %dma_wait3A_2448 = arith.constant 0 : i32
      %dma_wait3A_2449 = arith.constant 0 : i32
      %dma_wait3A_2450 = tpu.memref_slice %arg3[%add3A, %dma_wait3A_2448, %dma_wait3A_2449] : memref<32x128x26xi32, #tpu.memory_space<hbm>> -> memref<1x128x26xi32, #tpu.memory_space<hbm>>
      %dma_wait3A_2451 = tpu.memref_squeeze %dma_wait3A_2450 : memref<1x128x26xi32, #tpu.memory_space<hbm>> -> memref<128x26xi32, #tpu.memory_space<hbm>>
      %dma_wait3A_2452 = arith.constant 0 : i32
      %dma_wait3A_2453 = arith.constant 0 : i32
      %dma_wait3A_2454 = tpu.memref_slice %arg3[%add3A, %dma_wait3A_2452, %dma_wait3A_2453] : memref<32x128x26xi32, #tpu.memory_space<hbm>> -> memref<1x128x26xi32, #tpu.memory_space<hbm>>
      %dma_wait3A_2455 = tpu.memref_squeeze %dma_wait3A_2454 : memref<1x128x26xi32, #tpu.memory_space<hbm>> -> memref<128x26xi32, #tpu.memory_space<hbm>>
      tpu.wait_dma2 semaphore(%run_scoped3A : memref<!tpu.dma_semaphore, #tpu.memory_space<semaphore_mem>>) src(%dma_wait3A_2455 : memref<128x26xi32, #tpu.memory_space<hbm>>) dst(%arg5 : memref<128x26xi32, #tpu.memory_space<vmem>>)
      tpu.yield
    }) : () -> ()
    %iota3A = tpu.iota {dimensions = array<i32: 0>} : vector<16xi32>
    %broadcast_in_dim3A = arith.constant 0 : i32
    %broadcast_in_dim3A_1 = vector.broadcast %broadcast_in_dim3A : i32 to vector<16xi32>
    %add3A_2 = arith.constant 0 : i32
    %add3A_3 = vector.broadcast %add3A_2 : i32 to vector<16xi32>
    %add3A_4 = arith.addi %iota3A, %add3A_3 : vector<16xi32>
    %gather3A = tpu.vector_load_idx %arg5[%add3A_4, %broadcast_in_dim3A_1] : memref<128x26xi32, #tpu.memory_space<vmem>>[vector<16xi32>, vector<16xi32>], vector<16xi32>,
    %swap3A = arith.constant 0 : i32
    %swap3A_5 = arith.index_cast %swap3A : i32 to index
    %swap3A_6 = arith.constant 0 : index
    %swap3A_7 = tpu.vector_load %arg6[%swap3A_5, %swap3A_6] {strides = array<i32>} : memref<26x128xi32, #tpu.memory_space<vmem>>, vector<16xi32>,
    tpu.vector_store %arg6[%swap3A_5, %swap3A_6], %gather3A {strides = array<i32>} : memref<26x128xi32, #tpu.memory_space<vmem>>, vector<16xi32>,
    %add3A_8 = arith.constant 16 : i32
    %add3A_9 = vector.broadcast %add3A_8 : i32 to vector<16xi32>
    %add3A_10 = arith.addi %iota3A, %add3A_9 : vector<16xi32>
    %gather3A_11 = tpu.vector_load_idx %arg5[%add3A_10, %broadcast_in_dim3A_1] : memref<128x26xi32, #tpu.memory_space<vmem>>[vector<16xi32>, vector<16xi32>], vector<16xi32>,
    %swap3A_12 = arith.constant 0 : i32
    %swap3A_13 = arith.index_cast %swap3A_12 : i32 to index
    %swap3A_14 = arith.constant 16 : index
    %swap3A_15 = tpu.vector_load %arg6[%swap3A_13, %swap3A_14] {strides = array<i32>} : memref<26x128xi32, #tpu.memory_space<vmem>>, vector<16xi32>,
    tpu.vector_store %arg6[%swap3A_13, %swap3A_14], %gather3A_11 {strides = array<i32>} : memref<26x128xi32, #tpu.memory_space<vmem>>, vector<16xi32>,
    %add3A_16 = arith.constant 32 : i32
    %add3A_17 = vector.broadcast %add3A_16 : i32 to vector<16xi32>
    %add3A_18 = arith.addi %iota3A, %add3A_17 : vector<16xi32>
    %gather3A_19 = tpu.vector_load_idx %arg5[%add3A_18, %broadcast_in_dim3A_1] : memref<128x26xi32, #tpu.memory_space<vmem>>[vector<16xi32>, vector<16xi32>], vector<16xi32>,
    %swap3A_20 = arith.constant 0 : i32
    %swap3A_21 = arith.index_cast %swap3A_20 : i32 to index
    %swap3A_22 = arith.constant 32 : index
    %swap3A_23 = tpu.vector_load %arg6[%swap3A_21, %swap3A_22] {strides = array<i32>} : memref<26x128xi32, #tpu.memory_space<vmem>>, vector<16xi32>,
    tpu.vector_store %arg6[%swap3A_21, %swap3A_22], %gather3A_19 {strides = array<i32>} : memref<26x128xi32, #tpu.memory_space<vmem>>, vector<16xi32>,
    %add3A_24 = arith.constant 48 : i32
    %add3A_25 = vector.broadcast %add3A_24 : i32 to vector<16xi32>
    %add3A_26 = arith.addi %iota3A, %add3A_25 : vector<16xi32>
    %gather3A_27 = tpu.vector_load_idx %arg5[%add3A_26, %broadcast_in_dim3A_1] : memref<128x26xi32, #tpu.memory_space<vmem>>[vector<16xi32>, vector<16xi32>], vector<16xi32>,
    %swap3A_28 = arith.constant 0 : i32
    %swap3A_29 = arith.index_cast %swap3A_28 : i32 to index
    %swap3A_30 = arith.constant 48 : index
    %swap3A_31 = tpu.vector_load %arg6[%swap3A_29, %swap3A_30] {strides = array<i32>} : memref<26x128xi32, #tpu.memory_space<vmem>>, vector<16xi32>,
    tpu.vector_store %arg6[%swap3A_29, %swap3A_30], %gather3A_27 {strides = array<i32>} : memref<26x128xi32, #tpu.memory_space<vmem>>, vector<16xi32>,
    %add3A_32 = arith.constant 64 : i32
    %add3A_33 = vector.broadcast %add3A_32 : i32 to vector<16xi32>
    %add3A_34 = arith.addi %iota3A, %add3A_33 : vector<16xi32>
    %gather3A_35 = tpu.vector_load_idx %arg5[%add3A_34, %broadcast_in_dim3A_1] : memref<128x26xi32, #tpu.memory_space<vmem>>[vector<16xi32>, vector<16xi32>], vector<16xi32>,
    %swap3A_36 = arith.constant 0 : i32
    %swap3A_37 = arith.index_cast %swap3A_36 : i32 to index
    %swap3A_38 = arith.constant 64 : index
    %swap3A_39 = tpu.vector_load %arg6[%swap3A_37, %swap3A_38] {strides = array<i32>} : memref<26x128xi32, #tpu.memory_space<vmem>>, vector<16xi32>,
    tpu.vector_store %arg6[%swap3A_37, %swap3A_38], %gather3A_35 {strides = array<i32>} : memref<26x128xi32, #tpu.memory_space<vmem>>, vector<16xi32>,
    %add3A_40 = arith.constant 80 : i32
    %add3A_41 = vector.broadcast %add3A_40 : i32 to vector<16xi32>
    %add3A_42 = arith.addi %iota3A, %add3A_41 : vector<16xi32>
    %gather3A_43 = tpu.vector_load_idx %arg5[%add3A_42, %broadcast_in_dim3A_1] : memref<128x26xi32, #tpu.memory_space<vmem>>[vector<16xi32>, vector<16xi32>], vector<16xi32>,
    %swap3A_44 = arith.constant 0 : i32
    %swap3A_45 = arith.index_cast %swap3A_44 : i32 to index
    %swap3A_46 = arith.constant 80 : index
    %swap3A_47 = tpu.vector_load %arg6[%swap3A_45, %swap3A_46] {strides = array<i32>} : memref<26x128xi32, #tpu.memory_space<vmem>>, vector<16xi32>,
    tpu.vector_store %arg6[%swap3A_45, %swap3A_46], %gather3A_43 {strides = array<i32>} : memref<26x128xi32, #tpu.memory_space<vmem>>, vector<16xi32>,
    %add3A_48 = arith.constant 96 : i32
    %add3A_49 = vector.broadcast %add3A_48 : i32 to vector<16xi32>
    %add3A_50 = arith.addi %iota3A, %add3A_49 : vector<16xi32>
    %gather3A_51 = tpu.vector_load_idx %arg5[%add3A_50, %broadcast_in_dim3A_1] : memref<128x26xi32, #tpu.memory_space<vmem>>[vector<16xi32>, vector<16xi32>], vector<16xi32>,
    %swap3A_52 = arith.constant 0 : i32
    %swap3A_53 = arith.index_cast %swap3A_52 : i32 to index
    %swap3A_54 = arith.constant 96 : index
    %swap3A_55 = tpu.vector_load %arg6[%swap3A_53, %swap3A_54] {strides = array<i32>} : memref<26x128xi32, #tpu.memory_space<vmem>>, vector<16xi32>,
    tpu.vector_store %arg6[%swap3A_53, %swap3A_54], %gather3A_51 {strides = array<i32>} : memref<26x128xi32, #tpu.memory_space<vmem>>, vector<16xi32>,
    %add3A_56 = arith.constant 112 : i32
    %add3A_57 = vector.broadcast %add3A_56 : i32 to vector<16xi32>
    %add3A_58 = arith.addi %iota3A, %add3A_57 : vector<16xi32>
    %gather3A_59 = tpu.vector_load_idx %arg5[%add3A_58, %broadcast_in_dim3A_1] : memref<128x26xi32, #tpu.memory_space<vmem>>[vector<16xi32>, vector<16xi32>], vector<16xi32>,
    %swap3A_60 = arith.constant 0 : i32
    %swap3A_61 = arith.index_cast %swap3A_60 : i32 to index
    %swap3A_62 = arith.constant 112 : index
    %swap3A_63 = tpu.vector_load %arg6[%swap3A_61, %swap3A_62] {strides = array<i32>} : memref<26x128xi32, #tpu.memory_space<vmem>>, vector<16xi32>,
    tpu.vector_store %arg6[%swap3A_61, %swap3A_62], %gather3A_59 {strides = array<i32>} : memref<26x128xi32, #tpu.memory_space<vmem>>, vector<16xi32>,
    %broadcast_in_dim3A_64 = arith.constant 1 : i32
    %broadcast_in_dim3A_65 = vector.broadcast %broadcast_in_dim3A_64 : i32 to vector<16xi32>
    %add3A_66 = arith.constant 0 : i32
    %add3A_67 = vector.broadcast %add3A_66 : i32 to vector<16xi32>
    %add3A_68 = arith.addi %iota3A, %add3A_67 : vector<16xi32>
    %gather3A_69 = tpu.vector_load_idx %arg5[%add3A_68, %broadcast_in_dim3A_65] : memref<128x26xi32, #tpu.memory_space<vmem>>[vector<16xi32>, vector<16xi32>], vector<16xi32>,
    %swap3A_70 = arith.constant 1 : i32
    %swap3A_71 = arith.index_cast %swap3A_70 : i32 to index
    %swap3A_72 = arith.constant 0 : index
    %swap3A_73 = tpu.vector_load %arg6[%swap3A_71, %swap3A_72] {strides = array<i32>} : memref<26x128xi32, #tpu.memory_space<vmem>>, vector<16xi32>,
    tpu.vector_store %arg6[%swap3A_71, %swap3A_72], %gather3A_69 {strides = array<i32>} : memref<26x128xi32, #tpu.memory_space<vmem>>, vector<16xi32>,
    %add3A_74 = arith.constant 16 : i32
    %add3A_75 = vector.broadcast %add3A_74 : i32 to vector<16xi32>
    %add3A_76 = arith.addi %iota3A, %add3A_75 : vector<16xi32>
    %gather3A_77 = tpu.vector_load_idx %arg5[%add3A_76, %broadcast_in_dim3A_65] : memref<128x26xi32, #tpu.memory_space<vmem>>[vector<16xi32>, vector<16xi32>], vector<16xi32>,
    %swap3A_78 = arith.constant 1 : i32
    %swap3A_79 = arith.index_cast %swap3A_78 : i32 to index
    %swap3A_80 = arith.constant 16 : index
    %swap3A_81 = tpu.vector_load %arg6[%swap3A_79, %swap3A_80] {strides = array<i32>} : memref<26x128xi32, #tpu.memory_space<vmem>>, vector<16xi32>,
    tpu.vector_store %arg6[%swap3A_79, %swap3A_80], %gather3A_77 {strides = array<i32>} : memref<26x128xi32, #tpu.memory_space<vmem>>, vector<16xi32>,
    %add3A_82 = arith.constant 32 : i32
    %add3A_83 = vector.broadcast %add3A_82 : i32 to vector<16xi32>
    %add3A_84 = arith.addi %iota3A, %add3A_83 : vector<16xi32>
    %gather3A_85 = tpu.vector_load_idx %arg5[%add3A_84, %broadcast_in_dim3A_65] : memref<128x26xi32, #tpu.memory_space<vmem>>[vector<16xi32>, vector<16xi32>], vector<16xi32>,
    %swap3A_86 = arith.constant 1 : i32
    %swap3A_87 = arith.index_cast %swap3A_86 : i32 to index
    %swap3A_88 = arith.constant 32 : index
    %swap3A_89 = tpu.vector_load %arg6[%swap3A_87, %swap3A_88] {strides = array<i32>} : memref<26x128xi32, #tpu.memory_space<vmem>>, vector<16xi32>,
    tpu.vector_store %arg6[%swap3A_87, %swap3A_88], %gather3A_85 {strides = array<i32>} : memref<26x128xi32, #tpu.memory_space<vmem>>, vector<16xi32>,
    %add3A_90 = arith.constant 48 : i32
    %add3A_91 = vector.broadcast %add3A_90 : i32 to vector<16xi32>
    %add3A_92 = arith.addi %iota3A, %add3A_91 : vector<16xi32>
    %gather3A_93 = tpu.vector_load_idx %arg5[%add3A_92, %broadcast_in_dim3A_65] : memref<128x26xi32, #tpu.memory_space<vmem>>[vector<16xi32>, vector<16xi32>], vector<16xi32>,
    %swap3A_94 = arith.constant 1 : i32
    %swap3A_95 = arith.index_cast %swap3A_94 : i32 to index
    %swap3A_96 = arith.constant 48 : index
    %swap3A_97 = tpu.vector_load %arg6[%swap3A_95, %swap3A_96] {strides = array<i32>} : memref<26x128xi32, #tpu.memory_space<vmem>>, vector<16xi32>,
    tpu.vector_store %arg6[%swap3A_95, %swap3A_96], %gather3A_93 {strides = array<i32>} : memref<26x128xi32, #tpu.memory_space<vmem>>, vector<16xi32>,
    %add3A_98 = arith.constant 64 : i32
    %add3A_99 = vector.broadcast %add3A_98 : i32 to vector<16xi32>
    %add3A_100 = arith.addi %iota3A, %add3A_99 : vector<16xi32>
    %gather3A_101 = tpu.vector_load_idx %arg5[%add3A_100, %broadcast_in_dim3A_65] : memref<128x26xi32, #tpu.memory_space<vmem>>[vector<16xi32>, vector<16xi32>], vector<16xi32>,
    %swap3A_102 = arith.constant 1 : i32
    %swap3A_103 = arith.index_cast %swap3A_102 : i32 to index
    %swap3A_104 = arith.constant 64 : index
    %swap3A_105 = tpu.vector_load %arg6[%swap3A_103, %swap3A_104] {strides = array<i32>} : memref<26x128xi32, #tpu.memory_space<vmem>>, vector<16xi32>,
    tpu.vector_store %arg6[%swap3A_103, %swap3A_104], %gather3A_101 {strides = array<i32>} : memref<26x128xi32, #tpu.memory_space<vmem>>, vector<16xi32>,
    %add3A_106 = arith.constant 80 : i32
    %add3A_107 = vector.broadcast %add3A_106 : i32 to vector<16xi32>
    %add3A_108 = arith.addi %iota3A, %add3A_107 : vector<16xi32>
    %gather3A_109 = tpu.vector_load_idx %arg5[%add3A_108, %broadcast_in_dim3A_65] : memref<128x26xi32, #tpu.memory_space<vmem>>[vector<16xi32>, vector<16xi32>], vector<16xi32>,
    %swap3A_110 = arith.constant 1 : i32
    %swap3A_111 = arith.index_cast %swap3A_110 : i32 to index
    %swap3A_112 = arith.constant 80 : index
    %swap3A_113 = tpu.vector_load %arg6[%swap3A_111, %swap3A_112] {strides = array<i32>} : memref<26x128xi32, #tpu.memory_space<vmem>>, vector<16xi32>,
    tpu.vector_store %arg6[%swap3A_111, %swap3A_112], %gather3A_109 {strides = array<i32>} : memref<26x128xi32, #tpu.memory_space<vmem>>, vector<16xi32>,
    %add3A_114 = arith.constant 96 : i32
    %add3A_115 = vector.broadcast %add3A_114 : i32 to vector<16xi32>
    %add3A_116 = arith.addi %iota3A, %add3A_115 : vector<16xi32>
    %gather3A_117 = tpu.vector_load_idx %arg5[%add3A_116, %broadcast_in_dim3A_65] : memref<128x26xi32, #tpu.memory_space<vmem>>[vector<16xi32>, vector<16xi32>], vector<16xi32>,
    %swap3A_118 = arith.constant 1 : i32
    %swap3A_119 = arith.index_cast %swap3A_118 : i32 to index
    %swap3A_120 = arith.constant 96 : index
    %swap3A_121 = tpu.vector_load %arg6[%swap3A_119, %swap3A_120] {strides = array<i32>} : memref<26x128xi32, #tpu.memory_space<vmem>>, vector<16xi32>,
    tpu.vector_store %arg6[%swap3A_119, %swap3A_120], %gather3A_117 {strides = array<i32>} : memref<26x128xi32, #tpu.memory_space<vmem>>, vector<16xi32>,
    %add3A_122 = arith.constant 112 : i32
    %add3A_123 = vector.broadcast %add3A_122 : i32 to vector<16xi32>
    %add3A_124 = arith.addi %iota3A, %add3A_123 : vector<16xi32>
    %gather3A_125 = tpu.vector_load_idx %arg5[%add3A_124, %broadcast_in_dim3A_65] : memref<128x26xi32, #tpu.memory_space<vmem>>[vector<16xi32>, vector<16xi32>], vector<16xi32>,
    %swap3A_126 = arith.constant 1 : i32
    %swap3A_127 = arith.index_cast %swap3A_126 : i32 to index
    %swap3A_128 = arith.constant 112 : index
    %swap3A_129 = tpu.vector_load %arg6[%swap3A_127, %swap3A_128] {strides = array<i32>} : memref<26x128xi32, #tpu.memory_space<vmem>>, vector<16xi32>,
    tpu.vector_store %arg6[%swap3A_127, %swap3A_128], %gather3A_125 {strides = array<i32>} : memref<26x128xi32, #tpu.memory_space<vmem>>, vector<16xi32>,
    %broadcast_in_dim3A_130 = arith.constant 2 : i32
    %broadcast_in_dim3A_131 = vector.broadcast %broadcast_in_dim3A_130 : i32 to vector<16xi32>
    %add3A_132 = arith.constant 0 : i32
    %add3A_133 = vector.broadcast %add3A_132 : i32 to vector<16xi32>
    %add3A_134 = arith.addi %iota3A, %add3A_133 : vector<16xi32>
    %gather3A_135 = tpu.vector_load_idx %arg5[%add3A_134, %broadcast_in_dim3A_131] : memref<128x26xi32, #tpu.memory_space<vmem>>[vector<16xi32>, vector<16xi32>], vector<16xi32>,
    %swap3A_136 = arith.constant 2 : i32
    %swap3A_137 = arith.index_cast %swap3A_136 : i32 to index
    %swap3A_138 = arith.constant 0 : index
    %swap3A_139 = tpu.vector_load %arg6[%swap3A_137, %swap3A_138] {strides = array<i32>} : memref<26x128xi32, #tpu.memory_space<vmem>>, vector<16xi32>,
    tpu.vector_store %arg6[%swap3A_137, %swap3A_138], %gather3A_135 {strides = array<i32>} : memref<26x128xi32, #tpu.memory_space<vmem>>, vector<16xi32>,
    %add3A_140 = arith.constant 16 : i32
    %add3A_141 = vector.broadcast %add3A_140 : i32 to vector<16xi32>
    %add3A_142 = arith.addi %iota3A, %add3A_141 : vector<16xi32>
    %gather3A_143 = tpu.vector_load_idx %arg5[%add3A_142, %broadcast_in_dim3A_131] : memref<128x26xi32, #tpu.memory_space<vmem>>[vector<16xi32>, vector<16xi32>], vector<16xi32>,
    %swap3A_144 = arith.constant 2 : i32
    %swap3A_145 = arith.index_cast %swap3A_144 : i32 to index
    %swap3A_146 = arith.constant 16 : index
    %swap3A_147 = tpu.vector_load %arg6[%swap3A_145, %swap3A_146] {strides = array<i32>} : memref<26x128xi32, #tpu.memory_space<vmem>>, vector<16xi32>,
    tpu.vector_store %arg6[%swap3A_145, %swap3A_146], %gather3A_143 {strides = array<i32>} : memref<26x128xi32, #tpu.memory_space<vmem>>, vector<16xi32>,
    %add3A_148 = arith.constant 32 : i32
    %add3A_149 = vector.broadcast %add3A_148 : i32 to vector<16xi32>
    %add3A_150 = arith.addi %iota3A, %add3A_149 : vector<16xi32>
    %gather3A_151 = tpu.vector_load_idx %arg5[%add3A_150, %broadcast_in_dim3A_131] : memref<128x26xi32, #tpu.memory_space<vmem>>[vector<16xi32>, vector<16xi32>], vector<16xi32>,
    %swap3A_152 = arith.constant 2 : i32
    %swap3A_153 = arith.index_cast %swap3A_152 : i32 to index
    %swap3A_154 = arith.constant 32 : index
    %swap3A_155 = tpu.vector_load %arg6[%swap3A_153, %swap3A_154] {strides = array<i32>} : memref<26x128xi32, #tpu.memory_space<vmem>>, vector<16xi32>,
    tpu.vector_store %arg6[%swap3A_153, %swap3A_154], %gather3A_151 {strides = array<i32>} : memref<26x128xi32, #tpu.memory_space<vmem>>, vector<16xi32>,
    %add3A_156 = arith.constant 48 : i32
    %add3A_157 = vector.broadcast %add3A_156 : i32 to vector<16xi32>
    %add3A_158 = arith.addi %iota3A, %add3A_157 : vector<16xi32>
    %gather3A_159 = tpu.vector_load_idx %arg5[%add3A_158, %broadcast_in_dim3A_131] : memref<128x26xi32, #tpu.memory_space<vmem>>[vector<16xi32>, vector<16xi32>], vector<16xi32>,
    %swap3A_160 = arith.constant 2 : i32
    %swap3A_161 = arith.index_cast %swap3A_160 : i32 to index
    %swap3A_162 = arith.constant 48 : index
    %swap3A_163 = tpu.vector_load %arg6[%swap3A_161, %swap3A_162] {strides = array<i32>} : memref<26x128xi32, #tpu.memory_space<vmem>>, vector<16xi32>,
    tpu.vector_store %arg6[%swap3A_161, %swap3A_162], %gather3A_159 {strides = array<i32>} : memref<26x128xi32, #tpu.memory_space<vmem>>, vector<16xi32>,
    %add3A_164 = arith.constant 64 : i32
    %add3A_165 = vector.broadcast %add3A_164 : i32 to vector<16xi32>
    %add3A_166 = arith.addi %iota3A, %add3A_165 : vector<16xi32>
    %gather3A_167 = tpu.vector_load_idx %arg5[%add3A_166, %broadcast_in_dim3A_131] : memref<128x26xi32, #tpu.memory_space<vmem>>[vector<16xi32>, vector<16xi32>], vector<16xi32>,
    %swap3A_168 = arith.constant 2 : i32
    %swap3A_169 = arith.index_cast %swap3A_168 : i32 to index
    %swap3A_170 = arith.constant 64 : index
    %swap3A_171 = tpu.vector_load %arg6[%swap3A_169, %swap3A_170] {strides = array<i32>} : memref<26x128xi32, #tpu.memory_space<vmem>>, vector<16xi32>,
    tpu.vector_store %arg6[%swap3A_169, %swap3A_170], %gather3A_167 {strides = array<i32>} : memref<26x128xi32, #tpu.memory_space<vmem>>, vector<16xi32>,
    %add3A_172 = arith.constant 80 : i32
    %add3A_173 = vector.broadcast %add3A_172 : i32 to vector<16xi32>
    %add3A_174 = arith.addi %iota3A, %add3A_173 : vector<16xi32>
    %gather3A_175 = tpu.vector_load_idx %arg5[%add3A_174, %broadcast_in_dim3A_131] : memref<128x26xi32, #tpu.memory_space<vmem>>[vector<16xi32>, vector<16xi32>], vector<16xi32>,
    %swap3A_176 = arith.constant 2 : i32
    %swap3A_177 = arith.index_cast %swap3A_176 : i32 to index
    %swap3A_178 = arith.constant 80 : index
    %swap3A_179 = tpu.vector_load %arg6[%swap3A_177, %swap3A_178] {strides = array<i32>} : memref<26x128xi32, #tpu.memory_space<vmem>>, vector<16xi32>,
    tpu.vector_store %arg6[%swap3A_177, %swap3A_178], %gather3A_175 {strides = array<i32>} : memref<26x128xi32, #tpu.memory_space<vmem>>, vector<16xi32>,
    %add3A_180 = arith.constant 96 : i32
    %add3A_181 = vector.broadcast %add3A_180 : i32 to vector<16xi32>
    %add3A_182 = arith.addi %iota3A, %add3A_181 : vector<16xi32>
    %gather3A_183 = tpu.vector_load_idx %arg5[%add3A_182, %broadcast_in_dim3A_131] : memref<128x26xi32, #tpu.memory_space<vmem>>[vector<16xi32>, vector<16xi32>], vector<16xi32>,
    %swap3A_184 = arith.constant 2 : i32
    %swap3A_185 = arith.index_cast %swap3A_184 : i32 to index
    %swap3A_186 = arith.constant 96 : index
    %swap3A_187 = tpu.vector_load %arg6[%swap3A_185, %swap3A_186] {strides = array<i32>} : memref<26x128xi32, #tpu.memory_space<vmem>>, vector<16xi32>,
    tpu.vector_store %arg6[%swap3A_185, %swap3A_186], %gather3A_183 {strides = array<i32>} : memref<26x128xi32, #tpu.memory_space<vmem>>, vector<16xi32>,
    %add3A_188 = arith.constant 112 : i32
    %add3A_189 = vector.broadcast %add3A_188 : i32 to vector<16xi32>
    %add3A_190 = arith.addi %iota3A, %add3A_189 : vector<16xi32>
    %gather3A_191 = tpu.vector_load_idx %arg5[%add3A_190, %broadcast_in_dim3A_131] : memref<128x26xi32, #tpu.memory_space<vmem>>[vector<16xi32>, vector<16xi32>], vector<16xi32>,
    %swap3A_192 = arith.constant 2 : i32
    %swap3A_193 = arith.index_cast %swap3A_192 : i32 to index
    %swap3A_194 = arith.constant 112 : index
    %swap3A_195 = tpu.vector_load %arg6[%swap3A_193, %swap3A_194] {strides = array<i32>} : memref<26x128xi32, #tpu.memory_space<vmem>>, vector<16xi32>,
    tpu.vector_store %arg6[%swap3A_193, %swap3A_194], %gather3A_191 {strides = array<i32>} : memref<26x128xi32, #tpu.memory_space<vmem>>, vector<16xi32>,
    %broadcast_in_dim3A_196 = arith.constant 3 : i32
    %broadcast_in_dim3A_197 = vector.broadcast %broadcast_in_dim3A_196 : i32 to vector<16xi32>
    %add3A_198 = arith.constant 0 : i32
    %add3A_199 = vector.broadcast %add3A_198 : i32 to vector<16xi32>
    %add3A_200 = arith.addi %iota3A, %add3A_199 : vector<16xi32>
    %gather3A_201 = tpu.vector_load_idx %arg5[%add3A_200, %broadcast_in_dim3A_197] : memref<128x26xi32, #tpu.memory_space<vmem>>[vector<16xi32>, vector<16xi32>], vector<16xi32>,
    %swap3A_202 = arith.constant 3 : i32
    %swap3A_203 = arith.index_cast %swap3A_202 : i32 to index
    %swap3A_204 = arith.constant 0 : index
    %swap3A_205 = tpu.vector_load %arg6[%swap3A_203, %swap3A_204] {strides = array<i32>} : memref<26x128xi32, #tpu.memory_space<vmem>>, vector<16xi32>,
    tpu.vector_store %arg6[%swap3A_203, %swap3A_204], %gather3A_201 {strides = array<i32>} : memref<26x128xi32, #tpu.memory_space<vmem>>, vector<16xi32>,
    %add3A_206 = arith.constant 16 : i32
    %add3A_207 = vector.broadcast %add3A_206 : i32 to vector<16xi32>
    %add3A_208 = arith.addi %iota3A, %add3A_207 : vector<16xi32>
    %gather3A_209 = tpu.vector_load_idx %arg5[%add3A_208, %broadcast_in_dim3A_197] : memref<128x26xi32, #tpu.memory_space<vmem>>[vector<16xi32>, vector<16xi32>], vector<16xi32>,
    %swap3A_210 = arith.constant 3 : i32
    %swap3A_211 = arith.index_cast %swap3A_210 : i32 to index
    %swap3A_212 = arith.constant 16 : index
    %swap3A_213 = tpu.vector_load %arg6[%swap3A_211, %swap3A_212] {strides = array<i32>} : memref<26x128xi32, #tpu.memory_space<vmem>>, vector<16xi32>,
    tpu.vector_store %arg6[%swap3A_211, %swap3A_212], %gather3A_209 {strides = array<i32>} : memref<26x128xi32, #tpu.memory_space<vmem>>, vector<16xi32>,
    %add3A_214 = arith.constant 32 : i32
    %add3A_215 = vector.broadcast %add3A_214 : i32 to vector<16xi32>
    %add3A_216 = arith.addi %iota3A, %add3A_215 : vector<16xi32>
    %gather3A_217 = tpu.vector_load_idx %arg5[%add3A_216, %broadcast_in_dim3A_197] : memref<128x26xi32, #tpu.memory_space<vmem>>[vector<16xi32>, vector<16xi32>], vector<16xi32>,
    %swap3A_218 = arith.constant 3 : i32
    %swap3A_219 = arith.index_cast %swap3A_218 : i32 to index
    %swap3A_220 = arith.constant 32 : index
    %swap3A_221 = tpu.vector_load %arg6[%swap3A_219, %swap3A_220] {strides = array<i32>} : memref<26x128xi32, #tpu.memory_space<vmem>>, vector<16xi32>,
    tpu.vector_store %arg6[%swap3A_219, %swap3A_220], %gather3A_217 {strides = array<i32>} : memref<26x128xi32, #tpu.memory_space<vmem>>, vector<16xi32>,
    %add3A_222 = arith.constant 48 : i32
    %add3A_223 = vector.broadcast %add3A_222 : i32 to vector<16xi32>
    %add3A_224 = arith.addi %iota3A, %add3A_223 : vector<16xi32>
    %gather3A_225 = tpu.vector_load_idx %arg5[%add3A_224, %broadcast_in_dim3A_197] : memref<128x26xi32, #tpu.memory_space<vmem>>[vector<16xi32>, vector<16xi32>], vector<16xi32>,
    %swap3A_226 = arith.constant 3 : i32
    %swap3A_227 = arith.index_cast %swap3A_226 : i32 to index
    %swap3A_228 = arith.constant 48 : index
    %swap3A_229 = tpu.vector_load %arg6[%swap3A_227, %swap3A_228] {strides = array<i32>} : memref<26x128xi32, #tpu.memory_space<vmem>>, vector<16xi32>,
    tpu.vector_store %arg6[%swap3A_227, %swap3A_228], %gather3A_225 {strides = array<i32>} : memref<26x128xi32, #tpu.memory_space<vmem>>, vector<16xi32>,
    %add3A_230 = arith.constant 64 : i32
    %add3A_231 = vector.broadcast %add3A_230 : i32 to vector<16xi32>
    %add3A_232 = arith.addi %iota3A, %add3A_231 : vector<16xi32>
    %gather3A_233 = tpu.vector_load_idx %arg5[%add3A_232, %broadcast_in_dim3A_197] : memref<128x26xi32, #tpu.memory_space<vmem>>[vector<16xi32>, vector<16xi32>], vector<16xi32>,
    %swap3A_234 = arith.constant 3 : i32
    %swap3A_235 = arith.index_cast %swap3A_234 : i32 to index
    %swap3A_236 = arith.constant 64 : index
    %swap3A_237 = tpu.vector_load %arg6[%swap3A_235, %swap3A_236] {strides = array<i32>} : memref<26x128xi32, #tpu.memory_space<vmem>>, vector<16xi32>,
    tpu.vector_store %arg6[%swap3A_235, %swap3A_236], %gather3A_233 {strides = array<i32>} : memref<26x128xi32, #tpu.memory_space<vmem>>, vector<16xi32>,
    %add3A_238 = arith.constant 80 : i32
    %add3A_239 = vector.broadcast %add3A_238 : i32 to vector<16xi32>
    %add3A_240 = arith.addi %iota3A, %add3A_239 : vector<16xi32>
    %gather3A_241 = tpu.vector_load_idx %arg5[%add3A_240, %broadcast_in_dim3A_197] : memref<128x26xi32, #tpu.memory_space<vmem>>[vector<16xi32>, vector<16xi32>], vector<16xi32>,
    %swap3A_242 = arith.constant 3 : i32
    %swap3A_243 = arith.index_cast %swap3A_242 : i32 to index
    %swap3A_244 = arith.constant 80 : index
    %swap3A_245 = tpu.vector_load %arg6[%swap3A_243, %swap3A_244] {strides = array<i32>} : memref<26x128xi32, #tpu.memory_space<vmem>>, vector<16xi32>,
    tpu.vector_store %arg6[%swap3A_243, %swap3A_244], %gather3A_241 {strides = array<i32>} : memref<26x128xi32, #tpu.memory_space<vmem>>, vector<16xi32>,
    %add3A_246 = arith.constant 96 : i32
    %add3A_247 = vector.broadcast %add3A_246 : i32 to vector<16xi32>
    %add3A_248 = arith.addi %iota3A, %add3A_247 : vector<16xi32>
    %gather3A_249 = tpu.vector_load_idx %arg5[%add3A_248, %broadcast_in_dim3A_197] : memref<128x26xi32, #tpu.memory_space<vmem>>[vector<16xi32>, vector<16xi32>], vector<16xi32>,
    %swap3A_250 = arith.constant 3 : i32
    %swap3A_251 = arith.index_cast %swap3A_250 : i32 to index
    %swap3A_252 = arith.constant 96 : index
    %swap3A_253 = tpu.vector_load %arg6[%swap3A_251, %swap3A_252] {strides = array<i32>} : memref<26x128xi32, #tpu.memory_space<vmem>>, vector<16xi32>,
    tpu.vector_store %arg6[%swap3A_251, %swap3A_252], %gather3A_249 {strides = array<i32>} : memref<26x128xi32, #tpu.memory_space<vmem>>, vector<16xi32>,
    %add3A_254 = arith.constant 112 : i32
    %add3A_255 = vector.broadcast %add3A_254 : i32 to vector<16xi32>
    %add3A_256 = arith.addi %iota3A, %add3A_255 : vector<16xi32>
    %gather3A_257 = tpu.vector_load_idx %arg5[%add3A_256, %broadcast_in_dim3A_197] : memref<128x26xi32, #tpu.memory_space<vmem>>[vector<16xi32>, vector<16xi32>], vector<16xi32>,
    %swap3A_258 = arith.constant 3 : i32
    %swap3A_259 = arith.index_cast %swap3A_258 : i32 to index
    %swap3A_260 = arith.constant 112 : index
    %swap3A_261 = tpu.vector_load %arg6[%swap3A_259, %swap3A_260] {strides = array<i32>} : memref<26x128xi32, #tpu.memory_space<vmem>>, vector<16xi32>,
    tpu.vector_store %arg6[%swap3A_259, %swap3A_260], %gather3A_257 {strides = array<i32>} : memref<26x128xi32, #tpu.memory_space<vmem>>, vector<16xi32>,
    %broadcast_in_dim3A_262 = arith.constant 4 : i32
    %broadcast_in_dim3A_263 = vector.broadcast %broadcast_in_dim3A_262 : i32 to vector<16xi32>
    %add3A_264 = arith.constant 0 : i32
    %add3A_265 = vector.broadcast %add3A_264 : i32 to vector<16xi32>
    %add3A_266 = arith.addi %iota3A, %add3A_265 : vector<16xi32>
    %gather3A_267 = tpu.vector_load_idx %arg5[%add3A_266, %broadcast_in_dim3A_263] : memref<128x26xi32, #tpu.memory_space<vmem>>[vector<16xi32>, vector<16xi32>], vector<16xi32>,
    %swap3A_268 = arith.constant 4 : i32
    %swap3A_269 = arith.index_cast %swap3A_268 : i32 to index
    %swap3A_270 = arith.constant 0 : index
    %swap3A_271 = tpu.vector_load %arg6[%swap3A_269, %swap3A_270] {strides = array<i32>} : memref<26x128xi32, #tpu.memory_space<vmem>>, vector<16xi32>,
    tpu.vector_store %arg6[%swap3A_269, %swap3A_270], %gather3A_267 {strides = array<i32>} : memref<26x128xi32, #tpu.memory_space<vmem>>, vector<16xi32>,
    %add3A_272 = arith.constant 16 : i32
    %add3A_273 = vector.broadcast %add3A_272 : i32 to vector<16xi32>
    %add3A_274 = arith.addi %iota3A, %add3A_273 : vector<16xi32>
    %gather3A_275 = tpu.vector_load_idx %arg5[%add3A_274, %broadcast_in_dim3A_263] : memref<128x26xi32, #tpu.memory_space<vmem>>[vector<16xi32>, vector<16xi32>], vector<16xi32>,
    %swap3A_276 = arith.constant 4 : i32
    %swap3A_277 = arith.index_cast %swap3A_276 : i32 to index
    %swap3A_278 = arith.constant 16 : index
    %swap3A_279 = tpu.vector_load %arg6[%swap3A_277, %swap3A_278] {strides = array<i32>} : memref<26x128xi32, #tpu.memory_space<vmem>>, vector<16xi32>,
    tpu.vector_store %arg6[%swap3A_277, %swap3A_278], %gather3A_275 {strides = array<i32>} : memref<26x128xi32, #tpu.memory_space<vmem>>, vector<16xi32>,
    %add3A_280 = arith.constant 32 : i32
    %add3A_281 = vector.broadcast %add3A_280 : i32 to vector<16xi32>
    %add3A_282 = arith.addi %iota3A, %add3A_281 : vector<16xi32>
    %gather3A_283 = tpu.vector_load_idx %arg5[%add3A_282, %broadcast_in_dim3A_263] : memref<128x26xi32, #tpu.memory_space<vmem>>[vector<16xi32>, vector<16xi32>], vector<16xi32>,
    %swap3A_284 = arith.constant 4 : i32
    %swap3A_285 = arith.index_cast %swap3A_284 : i32 to index
    %swap3A_286 = arith.constant 32 : index
    %swap3A_287 = tpu.vector_load %arg6[%swap3A_285, %swap3A_286] {strides = array<i32>} : memref<26x128xi32, #tpu.memory_space<vmem>>, vector<16xi32>,
    tpu.vector_store %arg6[%swap3A_285, %swap3A_286], %gather3A_283 {strides = array<i32>} : memref<26x128xi32, #tpu.memory_space<vmem>>, vector<16xi32>,
    %add3A_288 = arith.constant 48 : i32
    %add3A_289 = vector.broadcast %add3A_288 : i32 to vector<16xi32>
    %add3A_290 = arith.addi %iota3A, %add3A_289 : vector<16xi32>
    %gather3A_291 = tpu.vector_load_idx %arg5[%add3A_290, %broadcast_in_dim3A_263] : memref<128x26xi32, #tpu.memory_space<vmem>>[vector<16xi32>, vector<16xi32>], vector<16xi32>,
    %swap3A_292 = arith.constant 4 : i32
    %swap3A_293 = arith.index_cast %swap3A_292 : i32 to index
    %swap3A_294 = arith.constant 48 : index
    %swap3A_295 = tpu.vector_load %arg6[%swap3A_293, %swap3A_294] {strides = array<i32>} : memref<26x128xi32, #tpu.memory_space<vmem>>, vector<16xi32>,
    tpu.vector_store %arg6[%swap3A_293, %swap3A_294], %gather3A_291 {strides = array<i32>} : memref<26x128xi32, #tpu.memory_space<vmem>>, vector<16xi32>,
    %add3A_296 = arith.constant 64 : i32
    %add3A_297 = vector.broadcast %add3A_296 : i32 to vector<16xi32>
    %add3A_298 = arith.addi %iota3A, %add3A_297 : vector<16xi32>
    %gather3A_299 = tpu.vector_load_idx %arg5[%add3A_298, %broadcast_in_dim3A_263] : memref<128x26xi32, #tpu.memory_space<vmem>>[vector<16xi32>, vector<16xi32>], vector<16xi32>,
    %swap3A_300 = arith.constant 4 : i32
    %swap3A_301 = arith.index_cast %swap3A_300 : i32 to index
    %swap3A_302 = arith.constant 64 : index
    %swap3A_303 = tpu.vector_load %arg6[%swap3A_301, %swap3A_302] {strides = array<i32>} : memref<26x128xi32, #tpu.memory_space<vmem>>, vector<16xi32>,
    tpu.vector_store %arg6[%swap3A_301, %swap3A_302], %gather3A_299 {strides = array<i32>} : memref<26x128xi32, #tpu.memory_space<vmem>>, vector<16xi32>,
    %add3A_304 = arith.constant 80 : i32
    %add3A_305 = vector.broadcast %add3A_304 : i32 to vector<16xi32>
    %add3A_306 = arith.addi %iota3A, %add3A_305 : vector<16xi32>
    %gather3A_307 = tpu.vector_load_idx %arg5[%add3A_306, %broadcast_in_dim3A_263] : memref<128x26xi32, #tpu.memory_space<vmem>>[vector<16xi32>, vector<16xi32>], vector<16xi32>,
    %swap3A_308 = arith.constant 4 : i32
    %swap3A_309 = arith.index_cast %swap3A_308 : i32 to index
    %swap3A_310 = arith.constant 80 : index
    %swap3A_311 = tpu.vector_load %arg6[%swap3A_309, %swap3A_310] {strides = array<i32>} : memref<26x128xi32, #tpu.memory_space<vmem>>, vector<16xi32>,
    tpu.vector_store %arg6[%swap3A_309, %swap3A_310], %gather3A_307 {strides = array<i32>} : memref<26x128xi32, #tpu.memory_space<vmem>>, vector<16xi32>,
    %add3A_312 = arith.constant 96 : i32
    %add3A_313 = vector.broadcast %add3A_312 : i32 to vector<16xi32>
    %add3A_314 = arith.addi %iota3A, %add3A_313 : vector<16xi32>
    %gather3A_315 = tpu.vector_load_idx %arg5[%add3A_314, %broadcast_in_dim3A_263] : memref<128x26xi32, #tpu.memory_space<vmem>>[vector<16xi32>, vector<16xi32>], vector<16xi32>,
    %swap3A_316 = arith.constant 4 : i32
    %swap3A_317 = arith.index_cast %swap3A_316 : i32 to index
    %swap3A_318 = arith.constant 96 : index
    %swap3A_319 = tpu.vector_load %arg6[%swap3A_317, %swap3A_318] {strides = array<i32>} : memref<26x128xi32, #tpu.memory_space<vmem>>, vector<16xi32>,
    tpu.vector_store %arg6[%swap3A_317, %swap3A_318], %gather3A_315 {strides = array<i32>} : memref<26x128xi32, #tpu.memory_space<vmem>>, vector<16xi32>,
    %add3A_320 = arith.constant 112 : i32
    %add3A_321 = vector.broadcast %add3A_320 : i32 to vector<16xi32>
    %add3A_322 = arith.addi %iota3A, %add3A_321 : vector<16xi32>
    %gather3A_323 = tpu.vector_load_idx %arg5[%add3A_322, %broadcast_in_dim3A_263] : memref<128x26xi32, #tpu.memory_space<vmem>>[vector<16xi32>, vector<16xi32>], vector<16xi32>,
    %swap3A_324 = arith.constant 4 : i32
    %swap3A_325 = arith.index_cast %swap3A_324 : i32 to index
    %swap3A_326 = arith.constant 112 : index
    %swap3A_327 = tpu.vector_load %arg6[%swap3A_325, %swap3A_326] {strides = array<i32>} : memref<26x128xi32, #tpu.memory_space<vmem>>, vector<16xi32>,
    tpu.vector_store %arg6[%swap3A_325, %swap3A_326], %gather3A_323 {strides = array<i32>} : memref<26x128xi32, #tpu.memory_space<vmem>>, vector<16xi32>,
    %broadcast_in_dim3A_328 = arith.constant 5 : i32
    %broadcast_in_dim3A_329 = vector.broadcast %broadcast_in_dim3A_328 : i32 to vector<16xi32>
    %add3A_330 = arith.constant 0 : i32
    %add3A_331 = vector.broadcast %add3A_330 : i32 to vector<16xi32>
    %add3A_332 = arith.addi %iota3A, %add3A_331 : vector<16xi32>
    %gather3A_333 = tpu.vector_load_idx %arg5[%add3A_332, %broadcast_in_dim3A_329] : memref<128x26xi32, #tpu.memory_space<vmem>>[vector<16xi32>, vector<16xi32>], vector<16xi32>,
    %swap3A_334 = arith.constant 5 : i32
    %swap3A_335 = arith.index_cast %swap3A_334 : i32 to index
    %swap3A_336 = arith.constant 0 : index
    %swap3A_337 = tpu.vector_load %arg6[%swap3A_335, %swap3A_336] {strides = array<i32>} : memref<26x128xi32, #tpu.memory_space<vmem>>, vector<16xi32>,
    tpu.vector_store %arg6[%swap3A_335, %swap3A_336], %gather3A_333 {strides = array<i32>} : memref<26x128xi32, #tpu.memory_space<vmem>>, vector<16xi32>,
    %add3A_338 = arith.constant 16 : i32
    %add3A_339 = vector.broadcast %add3A_338 : i32 to vector<16xi32>
    %add3A_340 = arith.addi %iota3A, %add3A_339 : vector<16xi32>
    %gather3A_341 = tpu.vector_load_idx %arg5[%add3A_340, %broadcast_in_dim3A_329] : memref<128x26xi32, #tpu.memory_space<vmem>>[vector<16xi32>, vector<16xi32>], vector<16xi32>,
    %swap3A_342 = arith.constant 5 : i32
    %swap3A_343 = arith.index_cast %swap3A_342 : i32 to index
    %swap3A_344 = arith.constant 16 : index
    %swap3A_345 = tpu.vector_load %arg6[%swap3A_343, %swap3A_344] {strides = array<i32>} : memref<26x128xi32, #tpu.memory_space<vmem>>, vector<16xi32>,
    tpu.vector_store %arg6[%swap3A_343, %swap3A_344], %gather3A_341 {strides = array<i32>} : memref<26x128xi32, #tpu.memory_space<vmem>>, vector<16xi32>,
    %add3A_346 = arith.constant 32 : i32
    %add3A_347 = vector.broadcast %add3A_346 : i32 to vector<16xi32>
    %add3A_348 = arith.addi %iota3A, %add3A_347 : vector<16xi32>
    %gather3A_349 = tpu.vector_load_idx %arg5[%add3A_348, %broadcast_in_dim3A_329] : memref<128x26xi32, #tpu.memory_space<vmem>>[vector<16xi32>, vector<16xi32>], vector<16xi32>,
    %swap3A_350 = arith.constant 5 : i32
    %swap3A_351 = arith.index_cast %swap3A_350 : i32 to index
    %swap3A_352 = arith.constant 32 : index
    %swap3A_353 = tpu.vector_load %arg6[%swap3A_351, %swap3A_352] {strides = array<i32>} : memref<26x128xi32, #tpu.memory_space<vmem>>, vector<16xi32>,
    tpu.vector_store %arg6[%swap3A_351, %swap3A_352], %gather3A_349 {strides = array<i32>} : memref<26x128xi32, #tpu.memory_space<vmem>>, vector<16xi32>,
    %add3A_354 = arith.constant 48 : i32
    %add3A_355 = vector.broadcast %add3A_354 : i32 to vector<16xi32>
    %add3A_356 = arith.addi %iota3A, %add3A_355 : vector<16xi32>
    %gather3A_357 = tpu.vector_load_idx %arg5[%add3A_356, %broadcast_in_dim3A_329] : memref<128x26xi32, #tpu.memory_space<vmem>>[vector<16xi32>, vector<16xi32>], vector<16xi32>,
    %swap3A_358 = arith.constant 5 : i32
    %swap3A_359 = arith.index_cast %swap3A_358 : i32 to index
    %swap3A_360 = arith.constant 48 : index
    %swap3A_361 = tpu.vector_load %arg6[%swap3A_359, %swap3A_360] {strides = array<i32>} : memref<26x128xi32, #tpu.memory_space<vmem>>, vector<16xi32>,
    tpu.vector_store %arg6[%swap3A_359, %swap3A_360], %gather3A_357 {strides = array<i32>} : memref<26x128xi32, #tpu.memory_space<vmem>>, vector<16xi32>,
    %add3A_362 = arith.constant 64 : i32
    %add3A_363 = vector.broadcast %add3A_362 : i32 to vector<16xi32>
    %add3A_364 = arith.addi %iota3A, %add3A_363 : vector<16xi32>
    %gather3A_365 = tpu.vector_load_idx %arg5[%add3A_364, %broadcast_in_dim3A_329] : memref<128x26xi32, #tpu.memory_space<vmem>>[vector<16xi32>, vector<16xi32>], vector<16xi32>,
    %swap3A_366 = arith.constant 5 : i32
    %swap3A_367 = arith.index_cast %swap3A_366 : i32 to index
    %swap3A_368 = arith.constant 64 : index
    %swap3A_369 = tpu.vector_load %arg6[%swap3A_367, %swap3A_368] {strides = array<i32>} : memref<26x128xi32, #tpu.memory_space<vmem>>, vector<16xi32>,
    tpu.vector_store %arg6[%swap3A_367, %swap3A_368], %gather3A_365 {strides = array<i32>} : memref<26x128xi32, #tpu.memory_space<vmem>>, vector<16xi32>,
    %add3A_370 = arith.constant 80 : i32
    %add3A_371 = vector.broadcast %add3A_370 : i32 to vector<16xi32>
    %add3A_372 = arith.addi %iota3A, %add3A_371 : vector<16xi32>
    %gather3A_373 = tpu.vector_load_idx %arg5[%add3A_372, %broadcast_in_dim3A_329] : memref<128x26xi32, #tpu.memory_space<vmem>>[vector<16xi32>, vector<16xi32>], vector<16xi32>,
    %swap3A_374 = arith.constant 5 : i32
    %swap3A_375 = arith.index_cast %swap3A_374 : i32 to index
    %swap3A_376 = arith.constant 80 : index
    %swap3A_377 = tpu.vector_load %arg6[%swap3A_375, %swap3A_376] {strides = array<i32>} : memref<26x128xi32, #tpu.memory_space<vmem>>, vector<16xi32>,
    tpu.vector_store %arg6[%swap3A_375, %swap3A_376], %gather3A_373 {strides = array<i32>} : memref<26x128xi32, #tpu.memory_space<vmem>>, vector<16xi32>,
    %add3A_378 = arith.constant 96 : i32
    %add3A_379 = vector.broadcast %add3A_378 : i32 to vector<16xi32>
    %add3A_380 = arith.addi %iota3A, %add3A_379 : vector<16xi32>
    %gather3A_381 = tpu.vector_load_idx %arg5[%add3A_380, %broadcast_in_dim3A_329] : memref<128x26xi32, #tpu.memory_space<vmem>>[vector<16xi32>, vector<16xi32>], vector<16xi32>,
    %swap3A_382 = arith.constant 5 : i32
    %swap3A_383 = arith.index_cast %swap3A_382 : i32 to index
    %swap3A_384 = arith.constant 96 : index
    %swap3A_385 = tpu.vector_load %arg6[%swap3A_383, %swap3A_384] {strides = array<i32>} : memref<26x128xi32, #tpu.memory_space<vmem>>, vector<16xi32>,
    tpu.vector_store %arg6[%swap3A_383, %swap3A_384], %gather3A_381 {strides = array<i32>} : memref<26x128xi32, #tpu.memory_space<vmem>>, vector<16xi32>,
    %add3A_386 = arith.constant 112 : i32
    %add3A_387 = vector.broadcast %add3A_386 : i32 to vector<16xi32>
    %add3A_388 = arith.addi %iota3A, %add3A_387 : vector<16xi32>
    %gather3A_389 = tpu.vector_load_idx %arg5[%add3A_388, %broadcast_in_dim3A_329] : memref<128x26xi32, #tpu.memory_space<vmem>>[vector<16xi32>, vector<16xi32>], vector<16xi32>,
    %swap3A_390 = arith.constant 5 : i32
    %swap3A_391 = arith.index_cast %swap3A_390 : i32 to index
    %swap3A_392 = arith.constant 112 : index
    %swap3A_393 = tpu.vector_load %arg6[%swap3A_391, %swap3A_392] {strides = array<i32>} : memref<26x128xi32, #tpu.memory_space<vmem>>, vector<16xi32>,
    tpu.vector_store %arg6[%swap3A_391, %swap3A_392], %gather3A_389 {strides = array<i32>} : memref<26x128xi32, #tpu.memory_space<vmem>>, vector<16xi32>,
    %broadcast_in_dim3A_394 = arith.constant 6 : i32
    %broadcast_in_dim3A_395 = vector.broadcast %broadcast_in_dim3A_394 : i32 to vector<16xi32>
    %add3A_396 = arith.constant 0 : i32
    %add3A_397 = vector.broadcast %add3A_396 : i32 to vector<16xi32>
    %add3A_398 = arith.addi %iota3A, %add3A_397 : vector<16xi32>
    %gather3A_399 = tpu.vector_load_idx %arg5[%add3A_398, %broadcast_in_dim3A_395] : memref<128x26xi32, #tpu.memory_space<vmem>>[vector<16xi32>, vector<16xi32>], vector<16xi32>,
    %swap3A_400 = arith.constant 6 : i32
    %swap3A_401 = arith.index_cast %swap3A_400 : i32 to index
    %swap3A_402 = arith.constant 0 : index
    %swap3A_403 = tpu.vector_load %arg6[%swap3A_401, %swap3A_402] {strides = array<i32>} : memref<26x128xi32, #tpu.memory_space<vmem>>, vector<16xi32>,
    tpu.vector_store %arg6[%swap3A_401, %swap3A_402], %gather3A_399 {strides = array<i32>} : memref<26x128xi32, #tpu.memory_space<vmem>>, vector<16xi32>,
    %add3A_404 = arith.constant 16 : i32
    %add3A_405 = vector.broadcast %add3A_404 : i32 to vector<16xi32>
    %add3A_406 = arith.addi %iota3A, %add3A_405 : vector<16xi32>
    %gather3A_407 = tpu.vector_load_idx %arg5[%add3A_406, %broadcast_in_dim3A_395] : memref<128x26xi32, #tpu.memory_space<vmem>>[vector<16xi32>, vector<16xi32>], vector<16xi32>,
    %swap3A_408 = arith.constant 6 : i32
    %swap3A_409 = arith.index_cast %swap3A_408 : i32 to index
    %swap3A_410 = arith.constant 16 : index
    %swap3A_411 = tpu.vector_load %arg6[%swap3A_409, %swap3A_410] {strides = array<i32>} : memref<26x128xi32, #tpu.memory_space<vmem>>, vector<16xi32>,
    tpu.vector_store %arg6[%swap3A_409, %swap3A_410], %gather3A_407 {strides = array<i32>} : memref<26x128xi32, #tpu.memory_space<vmem>>, vector<16xi32>,
    %add3A_412 = arith.constant 32 : i32
    %add3A_413 = vector.broadcast %add3A_412 : i32 to vector<16xi32>
    %add3A_414 = arith.addi %iota3A, %add3A_413 : vector<16xi32>
    %gather3A_415 = tpu.vector_load_idx %arg5[%add3A_414, %broadcast_in_dim3A_395] : memref<128x26xi32, #tpu.memory_space<vmem>>[vector<16xi32>, vector<16xi32>], vector<16xi32>,
    %swap3A_416 = arith.constant 6 : i32
    %swap3A_417 = arith.index_cast %swap3A_416 : i32 to index
    %swap3A_418 = arith.constant 32 : index
    %swap3A_419 = tpu.vector_load %arg6[%swap3A_417, %swap3A_418] {strides = array<i32>} : memref<26x128xi32, #tpu.memory_space<vmem>>, vector<16xi32>,
    tpu.vector_store %arg6[%swap3A_417, %swap3A_418], %gather3A_415 {strides = array<i32>} : memref<26x128xi32, #tpu.memory_space<vmem>>, vector<16xi32>,
    %add3A_420 = arith.constant 48 : i32
    %add3A_421 = vector.broadcast %add3A_420 : i32 to vector<16xi32>
    %add3A_422 = arith.addi %iota3A, %add3A_421 : vector<16xi32>
    %gather3A_423 = tpu.vector_load_idx %arg5[%add3A_422, %broadcast_in_dim3A_395] : memref<128x26xi32, #tpu.memory_space<vmem>>[vector<16xi32>, vector<16xi32>], vector<16xi32>,
    %swap3A_424 = arith.constant 6 : i32
    %swap3A_425 = arith.index_cast %swap3A_424 : i32 to index
    %swap3A_426 = arith.constant 48 : index
    %swap3A_427 = tpu.vector_load %arg6[%swap3A_425, %swap3A_426] {strides = array<i32>} : memref<26x128xi32, #tpu.memory_space<vmem>>, vector<16xi32>,
    tpu.vector_store %arg6[%swap3A_425, %swap3A_426], %gather3A_423 {strides = array<i32>} : memref<26x128xi32, #tpu.memory_space<vmem>>, vector<16xi32>,
    %add3A_428 = arith.constant 64 : i32
    %add3A_429 = vector.broadcast %add3A_428 : i32 to vector<16xi32>
    %add3A_430 = arith.addi %iota3A, %add3A_429 : vector<16xi32>
    %gather3A_431 = tpu.vector_load_idx %arg5[%add3A_430, %broadcast_in_dim3A_395] : memref<128x26xi32, #tpu.memory_space<vmem>>[vector<16xi32>, vector<16xi32>], vector<16xi32>,
    %swap3A_432 = arith.constant 6 : i32
    %swap3A_433 = arith.index_cast %swap3A_432 : i32 to index
    %swap3A_434 = arith.constant 64 : index
    %swap3A_435 = tpu.vector_load %arg6[%swap3A_433, %swap3A_434] {strides = array<i32>} : memref<26x128xi32, #tpu.memory_space<vmem>>, vector<16xi32>,
    tpu.vector_store %arg6[%swap3A_433, %swap3A_434], %gather3A_431 {strides = array<i32>} : memref<26x128xi32, #tpu.memory_space<vmem>>, vector<16xi32>,
    %add3A_436 = arith.constant 80 : i32
    %add3A_437 = vector.broadcast %add3A_436 : i32 to vector<16xi32>
    %add3A_438 = arith.addi %iota3A, %add3A_437 : vector<16xi32>
    %gather3A_439 = tpu.vector_load_idx %arg5[%add3A_438, %broadcast_in_dim3A_395] : memref<128x26xi32, #tpu.memory_space<vmem>>[vector<16xi32>, vector<16xi32>], vector<16xi32>,
    %swap3A_440 = arith.constant 6 : i32
    %swap3A_441 = arith.index_cast %swap3A_440 : i32 to index
    %swap3A_442 = arith.constant 80 : index
    %swap3A_443 = tpu.vector_load %arg6[%swap3A_441, %swap3A_442] {strides = array<i32>} : memref<26x128xi32, #tpu.memory_space<vmem>>, vector<16xi32>,
    tpu.vector_store %arg6[%swap3A_441, %swap3A_442], %gather3A_439 {strides = array<i32>} : memref<26x128xi32, #tpu.memory_space<vmem>>, vector<16xi32>,
    %add3A_444 = arith.constant 96 : i32
    %add3A_445 = vector.broadcast %add3A_444 : i32 to vector<16xi32>
    %add3A_446 = arith.addi %iota3A, %add3A_445 : vector<16xi32>
    %gather3A_447 = tpu.vector_load_idx %arg5[%add3A_446, %broadcast_in_dim3A_395] : memref<128x26xi32, #tpu.memory_space<vmem>>[vector<16xi32>, vector<16xi32>], vector<16xi32>,
    %swap3A_448 = arith.constant 6 : i32
    %swap3A_449 = arith.index_cast %swap3A_448 : i32 to index
    %swap3A_450 = arith.constant 96 : index
    %swap3A_451 = tpu.vector_load %arg6[%swap3A_449, %swap3A_450] {strides = array<i32>} : memref<26x128xi32, #tpu.memory_space<vmem>>, vector<16xi32>,
    tpu.vector_store %arg6[%swap3A_449, %swap3A_450], %gather3A_447 {strides = array<i32>} : memref<26x128xi32, #tpu.memory_space<vmem>>, vector<16xi32>,
    %add3A_452 = arith.constant 112 : i32
    %add3A_453 = vector.broadcast %add3A_452 : i32 to vector<16xi32>
    %add3A_454 = arith.addi %iota3A, %add3A_453 : vector<16xi32>
    %gather3A_455 = tpu.vector_load_idx %arg5[%add3A_454, %broadcast_in_dim3A_395] : memref<128x26xi32, #tpu.memory_space<vmem>>[vector<16xi32>, vector<16xi32>], vector<16xi32>,
    %swap3A_456 = arith.constant 6 : i32
    %swap3A_457 = arith.index_cast %swap3A_456 : i32 to index
    %swap3A_458 = arith.constant 112 : index
    %swap3A_459 = tpu.vector_load %arg6[%swap3A_457, %swap3A_458] {strides = array<i32>} : memref<26x128xi32, #tpu.memory_space<vmem>>, vector<16xi32>,
    tpu.vector_store %arg6[%swap3A_457, %swap3A_458], %gather3A_455 {strides = array<i32>} : memref<26x128xi32, #tpu.memory_space<vmem>>, vector<16xi32>,
    %broadcast_in_dim3A_460 = arith.constant 7 : i32
    %broadcast_in_dim3A_461 = vector.broadcast %broadcast_in_dim3A_460 : i32 to vector<16xi32>
    %add3A_462 = arith.constant 0 : i32
    %add3A_463 = vector.broadcast %add3A_462 : i32 to vector<16xi32>
    %add3A_464 = arith.addi %iota3A, %add3A_463 : vector<16xi32>
    %gather3A_465 = tpu.vector_load_idx %arg5[%add3A_464, %broadcast_in_dim3A_461] : memref<128x26xi32, #tpu.memory_space<vmem>>[vector<16xi32>, vector<16xi32>], vector<16xi32>,
    %swap3A_466 = arith.constant 7 : i32
    %swap3A_467 = arith.index_cast %swap3A_466 : i32 to index
    %swap3A_468 = arith.constant 0 : index
    %swap3A_469 = tpu.vector_load %arg6[%swap3A_467, %swap3A_468] {strides = array<i32>} : memref<26x128xi32, #tpu.memory_space<vmem>>, vector<16xi32>,
    tpu.vector_store %arg6[%swap3A_467, %swap3A_468], %gather3A_465 {strides = array<i32>} : memref<26x128xi32, #tpu.memory_space<vmem>>, vector<16xi32>,
    %add3A_470 = arith.constant 16 : i32
    %add3A_471 = vector.broadcast %add3A_470 : i32 to vector<16xi32>
    %add3A_472 = arith.addi %iota3A, %add3A_471 : vector<16xi32>
    %gather3A_473 = tpu.vector_load_idx %arg5[%add3A_472, %broadcast_in_dim3A_461] : memref<128x26xi32, #tpu.memory_space<vmem>>[vector<16xi32>, vector<16xi32>], vector<16xi32>,
    %swap3A_474 = arith.constant 7 : i32
    %swap3A_475 = arith.index_cast %swap3A_474 : i32 to index
    %swap3A_476 = arith.constant 16 : index
    %swap3A_477 = tpu.vector_load %arg6[%swap3A_475, %swap3A_476] {strides = array<i32>} : memref<26x128xi32, #tpu.memory_space<vmem>>, vector<16xi32>,
    tpu.vector_store %arg6[%swap3A_475, %swap3A_476], %gather3A_473 {strides = array<i32>} : memref<26x128xi32, #tpu.memory_space<vmem>>, vector<16xi32>,
    %add3A_478 = arith.constant 32 : i32
    %add3A_479 = vector.broadcast %add3A_478 : i32 to vector<16xi32>
    %add3A_480 = arith.addi %iota3A, %add3A_479 : vector<16xi32>
    %gather3A_481 = tpu.vector_load_idx %arg5[%add3A_480, %broadcast_in_dim3A_461] : memref<128x26xi32, #tpu.memory_space<vmem>>[vector<16xi32>, vector<16xi32>], vector<16xi32>,
    %swap3A_482 = arith.constant 7 : i32
    %swap3A_483 = arith.index_cast %swap3A_482 : i32 to index
    %swap3A_484 = arith.constant 32 : index
    %swap3A_485 = tpu.vector_load %arg6[%swap3A_483, %swap3A_484] {strides = array<i32>} : memref<26x128xi32, #tpu.memory_space<vmem>>, vector<16xi32>,
    tpu.vector_store %arg6[%swap3A_483, %swap3A_484], %gather3A_481 {strides = array<i32>} : memref<26x128xi32, #tpu.memory_space<vmem>>, vector<16xi32>,
    %add3A_486 = arith.constant 48 : i32
    %add3A_487 = vector.broadcast %add3A_486 : i32 to vector<16xi32>
    %add3A_488 = arith.addi %iota3A, %add3A_487 : vector<16xi32>
    %gather3A_489 = tpu.vector_load_idx %arg5[%add3A_488, %broadcast_in_dim3A_461] : memref<128x26xi32, #tpu.memory_space<vmem>>[vector<16xi32>, vector<16xi32>], vector<16xi32>,
    %swap3A_490 = arith.constant 7 : i32
    %swap3A_491 = arith.index_cast %swap3A_490 : i32 to index
    %swap3A_492 = arith.constant 48 : index
    %swap3A_493 = tpu.vector_load %arg6[%swap3A_491, %swap3A_492] {strides = array<i32>} : memref<26x128xi32, #tpu.memory_space<vmem>>, vector<16xi32>,
    tpu.vector_store %arg6[%swap3A_491, %swap3A_492], %gather3A_489 {strides = array<i32>} : memref<26x128xi32, #tpu.memory_space<vmem>>, vector<16xi32>,
    %add3A_494 = arith.constant 64 : i32
    %add3A_495 = vector.broadcast %add3A_494 : i32 to vector<16xi32>
    %add3A_496 = arith.addi %iota3A, %add3A_495 : vector<16xi32>
    %gather3A_497 = tpu.vector_load_idx %arg5[%add3A_496, %broadcast_in_dim3A_461] : memref<128x26xi32, #tpu.memory_space<vmem>>[vector<16xi32>, vector<16xi32>], vector<16xi32>,
    %swap3A_498 = arith.constant 7 : i32
    %swap3A_499 = arith.index_cast %swap3A_498 : i32 to index
    %swap3A_500 = arith.constant 64 : index
    %swap3A_501 = tpu.vector_load %arg6[%swap3A_499, %swap3A_500] {strides = array<i32>} : memref<26x128xi32, #tpu.memory_space<vmem>>, vector<16xi32>,
    tpu.vector_store %arg6[%swap3A_499, %swap3A_500], %gather3A_497 {strides = array<i32>} : memref<26x128xi32, #tpu.memory_space<vmem>>, vector<16xi32>,
    %add3A_502 = arith.constant 80 : i32
    %add3A_503 = vector.broadcast %add3A_502 : i32 to vector<16xi32>
    %add3A_504 = arith.addi %iota3A, %add3A_503 : vector<16xi32>
    %gather3A_505 = tpu.vector_load_idx %arg5[%add3A_504, %broadcast_in_dim3A_461] : memref<128x26xi32, #tpu.memory_space<vmem>>[vector<16xi32>, vector<16xi32>], vector<16xi32>,
    %swap3A_506 = arith.constant 7 : i32
    %swap3A_507 = arith.index_cast %swap3A_506 : i32 to index
    %swap3A_508 = arith.constant 80 : index
    %swap3A_509 = tpu.vector_load %arg6[%swap3A_507, %swap3A_508] {strides = array<i32>} : memref<26x128xi32, #tpu.memory_space<vmem>>, vector<16xi32>,
    tpu.vector_store %arg6[%swap3A_507, %swap3A_508], %gather3A_505 {strides = array<i32>} : memref<26x128xi32, #tpu.memory_space<vmem>>, vector<16xi32>,
    %add3A_510 = arith.constant 96 : i32
    %add3A_511 = vector.broadcast %add3A_510 : i32 to vector<16xi32>
    %add3A_512 = arith.addi %iota3A, %add3A_511 : vector<16xi32>
    %gather3A_513 = tpu.vector_load_idx %arg5[%add3A_512, %broadcast_in_dim3A_461] : memref<128x26xi32, #tpu.memory_space<vmem>>[vector<16xi32>, vector<16xi32>], vector<16xi32>,
    %swap3A_514 = arith.constant 7 : i32
    %swap3A_515 = arith.index_cast %swap3A_514 : i32 to index
    %swap3A_516 = arith.constant 96 : index
    %swap3A_517 = tpu.vector_load %arg6[%swap3A_515, %swap3A_516] {strides = array<i32>} : memref<26x128xi32, #tpu.memory_space<vmem>>, vector<16xi32>,
    tpu.vector_store %arg6[%swap3A_515, %swap3A_516], %gather3A_513 {strides = array<i32>} : memref<26x128xi32, #tpu.memory_space<vmem>>, vector<16xi32>,
    %add3A_518 = arith.constant 112 : i32
    %add3A_519 = vector.broadcast %add3A_518 : i32 to vector<16xi32>
    %add3A_520 = arith.addi %iota3A, %add3A_519 : vector<16xi32>
    %gather3A_521 = tpu.vector_load_idx %arg5[%add3A_520, %broadcast_in_dim3A_461] : memref<128x26xi32, #tpu.memory_space<vmem>>[vector<16xi32>, vector<16xi32>], vector<16xi32>,
    %swap3A_522 = arith.constant 7 : i32
    %swap3A_523 = arith.index_cast %swap3A_522 : i32 to index
    %swap3A_524 = arith.constant 112 : index
    %swap3A_525 = tpu.vector_load %arg6[%swap3A_523, %swap3A_524] {strides = array<i32>} : memref<26x128xi32, #tpu.memory_space<vmem>>, vector<16xi32>,
    tpu.vector_store %arg6[%swap3A_523, %swap3A_524], %gather3A_521 {strides = array<i32>} : memref<26x128xi32, #tpu.memory_space<vmem>>, vector<16xi32>,
    %broadcast_in_dim3A_526 = arith.constant 8 : i32
    %broadcast_in_dim3A_527 = vector.broadcast %broadcast_in_dim3A_526 : i32 to vector<16xi32>
    %add3A_528 = arith.constant 0 : i32
    %add3A_529 = vector.broadcast %add3A_528 : i32 to vector<16xi32>
    %add3A_530 = arith.addi %iota3A, %add3A_529 : vector<16xi32>
    %gather3A_531 = tpu.vector_load_idx %arg5[%add3A_530, %broadcast_in_dim3A_527] : memref<128x26xi32, #tpu.memory_space<vmem>>[vector<16xi32>, vector<16xi32>], vector<16xi32>,
    %swap3A_532 = arith.constant 8 : i32
    %swap3A_533 = arith.index_cast %swap3A_532 : i32 to index
    %swap3A_534 = arith.constant 0 : index
    %swap3A_535 = tpu.vector_load %arg6[%swap3A_533, %swap3A_534] {strides = array<i32>} : memref<26x128xi32, #tpu.memory_space<vmem>>, vector<16xi32>,
    tpu.vector_store %arg6[%swap3A_533, %swap3A_534], %gather3A_531 {strides = array<i32>} : memref<26x128xi32, #tpu.memory_space<vmem>>, vector<16xi32>,
    %add3A_536 = arith.constant 16 : i32
    %add3A_537 = vector.broadcast %add3A_536 : i32 to vector<16xi32>
    %add3A_538 = arith.addi %iota3A, %add3A_537 : vector<16xi32>
    %gather3A_539 = tpu.vector_load_idx %arg5[%add3A_538, %broadcast_in_dim3A_527] : memref<128x26xi32, #tpu.memory_space<vmem>>[vector<16xi32>, vector<16xi32>], vector<16xi32>,
    %swap3A_540 = arith.constant 8 : i32
    %swap3A_541 = arith.index_cast %swap3A_540 : i32 to index
    %swap3A_542 = arith.constant 16 : index
    %swap3A_543 = tpu.vector_load %arg6[%swap3A_541, %swap3A_542] {strides = array<i32>} : memref<26x128xi32, #tpu.memory_space<vmem>>, vector<16xi32>,
    tpu.vector_store %arg6[%swap3A_541, %swap3A_542], %gather3A_539 {strides = array<i32>} : memref<26x128xi32, #tpu.memory_space<vmem>>, vector<16xi32>,
    %add3A_544 = arith.constant 32 : i32
    %add3A_545 = vector.broadcast %add3A_544 : i32 to vector<16xi32>
    %add3A_546 = arith.addi %iota3A, %add3A_545 : vector<16xi32>
    %gather3A_547 = tpu.vector_load_idx %arg5[%add3A_546, %broadcast_in_dim3A_527] : memref<128x26xi32, #tpu.memory_space<vmem>>[vector<16xi32>, vector<16xi32>], vector<16xi32>,
    %swap3A_548 = arith.constant 8 : i32
    %swap3A_549 = arith.index_cast %swap3A_548 : i32 to index
    %swap3A_550 = arith.constant 32 : index
    %swap3A_551 = tpu.vector_load %arg6[%swap3A_549, %swap3A_550] {strides = array<i32>} : memref<26x128xi32, #tpu.memory_space<vmem>>, vector<16xi32>,
    tpu.vector_store %arg6[%swap3A_549, %swap3A_550], %gather3A_547 {strides = array<i32>} : memref<26x128xi32, #tpu.memory_space<vmem>>, vector<16xi32>,
    %add3A_552 = arith.constant 48 : i32
    %add3A_553 = vector.broadcast %add3A_552 : i32 to vector<16xi32>
    %add3A_554 = arith.addi %iota3A, %add3A_553 : vector<16xi32>
    %gather3A_555 = tpu.vector_load_idx %arg5[%add3A_554, %broadcast_in_dim3A_527] : memref<128x26xi32, #tpu.memory_space<vmem>>[vector<16xi32>, vector<16xi32>], vector<16xi32>,
    %swap3A_556 = arith.constant 8 : i32
    %swap3A_557 = arith.index_cast %swap3A_556 : i32 to index
    %swap3A_558 = arith.constant 48 : index
    %swap3A_559 = tpu.vector_load %arg6[%swap3A_557, %swap3A_558] {strides = array<i32>} : memref<26x128xi32, #tpu.memory_space<vmem>>, vector<16xi32>,
    tpu.vector_store %arg6[%swap3A_557, %swap3A_558], %gather3A_555 {strides = array<i32>} : memref<26x128xi32, #tpu.memory_space<vmem>>, vector<16xi32>,
    %add3A_560 = arith.constant 64 : i32
    %add3A_561 = vector.broadcast %add3A_560 : i32 to vector<16xi32>
    %add3A_562 = arith.addi %iota3A, %add3A_561 : vector<16xi32>
    %gather3A_563 = tpu.vector_load_idx %arg5[%add3A_562, %broadcast_in_dim3A_527] : memref<128x26xi32, #tpu.memory_space<vmem>>[vector<16xi32>, vector<16xi32>], vector<16xi32>,
    %swap3A_564 = arith.constant 8 : i32
    %swap3A_565 = arith.index_cast %swap3A_564 : i32 to index
    %swap3A_566 = arith.constant 64 : index
    %swap3A_567 = tpu.vector_load %arg6[%swap3A_565, %swap3A_566] {strides = array<i32>} : memref<26x128xi32, #tpu.memory_space<vmem>>, vector<16xi32>,
    tpu.vector_store %arg6[%swap3A_565, %swap3A_566], %gather3A_563 {strides = array<i32>} : memref<26x128xi32, #tpu.memory_space<vmem>>, vector<16xi32>,
    %add3A_568 = arith.constant 80 : i32
    %add3A_569 = vector.broadcast %add3A_568 : i32 to vector<16xi32>
    %add3A_570 = arith.addi %iota3A, %add3A_569 : vector<16xi32>
    %gather3A_571 = tpu.vector_load_idx %arg5[%add3A_570, %broadcast_in_dim3A_527] : memref<128x26xi32, #tpu.memory_space<vmem>>[vector<16xi32>, vector<16xi32>], vector<16xi32>,
    %swap3A_572 = arith.constant 8 : i32
    %swap3A_573 = arith.index_cast %swap3A_572 : i32 to index
    %swap3A_574 = arith.constant 80 : index
    %swap3A_575 = tpu.vector_load %arg6[%swap3A_573, %swap3A_574] {strides = array<i32>} : memref<26x128xi32, #tpu.memory_space<vmem>>, vector<16xi32>,
    tpu.vector_store %arg6[%swap3A_573, %swap3A_574], %gather3A_571 {strides = array<i32>} : memref<26x128xi32, #tpu.memory_space<vmem>>, vector<16xi32>,
    %add3A_576 = arith.constant 96 : i32
    %add3A_577 = vector.broadcast %add3A_576 : i32 to vector<16xi32>
    %add3A_578 = arith.addi %iota3A, %add3A_577 : vector<16xi32>
    %gather3A_579 = tpu.vector_load_idx %arg5[%add3A_578, %broadcast_in_dim3A_527] : memref<128x26xi32, #tpu.memory_space<vmem>>[vector<16xi32>, vector<16xi32>], vector<16xi32>,
    %swap3A_580 = arith.constant 8 : i32
    %swap3A_581 = arith.index_cast %swap3A_580 : i32 to index
    %swap3A_582 = arith.constant 96 : index
    %swap3A_583 = tpu.vector_load %arg6[%swap3A_581, %swap3A_582] {strides = array<i32>} : memref<26x128xi32, #tpu.memory_space<vmem>>, vector<16xi32>,
    tpu.vector_store %arg6[%swap3A_581, %swap3A_582], %gather3A_579 {strides = array<i32>} : memref<26x128xi32, #tpu.memory_space<vmem>>, vector<16xi32>,
    %add3A_584 = arith.constant 112 : i32
    %add3A_585 = vector.broadcast %add3A_584 : i32 to vector<16xi32>
    %add3A_586 = arith.addi %iota3A, %add3A_585 : vector<16xi32>
    %gather3A_587 = tpu.vector_load_idx %arg5[%add3A_586, %broadcast_in_dim3A_527] : memref<128x26xi32, #tpu.memory_space<vmem>>[vector<16xi32>, vector<16xi32>], vector<16xi32>,
    %swap3A_588 = arith.constant 8 : i32
    %swap3A_589 = arith.index_cast %swap3A_588 : i32 to index
    %swap3A_590 = arith.constant 112 : index
    %swap3A_591 = tpu.vector_load %arg6[%swap3A_589, %swap3A_590] {strides = array<i32>} : memref<26x128xi32, #tpu.memory_space<vmem>>, vector<16xi32>,
    tpu.vector_store %arg6[%swap3A_589, %swap3A_590], %gather3A_587 {strides = array<i32>} : memref<26x128xi32, #tpu.memory_space<vmem>>, vector<16xi32>,
    %broadcast_in_dim3A_592 = arith.constant 9 : i32
    %broadcast_in_dim3A_593 = vector.broadcast %broadcast_in_dim3A_592 : i32 to vector<16xi32>
    %add3A_594 = arith.constant 0 : i32
    %add3A_595 = vector.broadcast %add3A_594 : i32 to vector<16xi32>
    %add3A_596 = arith.addi %iota3A, %add3A_595 : vector<16xi32>
    %gather3A_597 = tpu.vector_load_idx %arg5[%add3A_596, %broadcast_in_dim3A_593] : memref<128x26xi32, #tpu.memory_space<vmem>>[vector<16xi32>, vector<16xi32>], vector<16xi32>,
    %swap3A_598 = arith.constant 9 : i32
    %swap3A_599 = arith.index_cast %swap3A_598 : i32 to index
    %swap3A_600 = arith.constant 0 : index
    %swap3A_601 = tpu.vector_load %arg6[%swap3A_599, %swap3A_600] {strides = array<i32>} : memref<26x128xi32, #tpu.memory_space<vmem>>, vector<16xi32>,
    tpu.vector_store %arg6[%swap3A_599, %swap3A_600], %gather3A_597 {strides = array<i32>} : memref<26x128xi32, #tpu.memory_space<vmem>>, vector<16xi32>,
    %add3A_602 = arith.constant 16 : i32
    %add3A_603 = vector.broadcast %add3A_602 : i32 to vector<16xi32>
    %add3A_604 = arith.addi %iota3A, %add3A_603 : vector<16xi32>
    %gather3A_605 = tpu.vector_load_idx %arg5[%add3A_604, %broadcast_in_dim3A_593] : memref<128x26xi32, #tpu.memory_space<vmem>>[vector<16xi32>, vector<16xi32>], vector<16xi32>,
    %swap3A_606 = arith.constant 9 : i32
    %swap3A_607 = arith.index_cast %swap3A_606 : i32 to index
    %swap3A_608 = arith.constant 16 : index
    %swap3A_609 = tpu.vector_load %arg6[%swap3A_607, %swap3A_608] {strides = array<i32>} : memref<26x128xi32, #tpu.memory_space<vmem>>, vector<16xi32>,
    tpu.vector_store %arg6[%swap3A_607, %swap3A_608], %gather3A_605 {strides = array<i32>} : memref<26x128xi32, #tpu.memory_space<vmem>>, vector<16xi32>,
    %add3A_610 = arith.constant 32 : i32
    %add3A_611 = vector.broadcast %add3A_610 : i32 to vector<16xi32>
    %add3A_612 = arith.addi %iota3A, %add3A_611 : vector<16xi32>
    %gather3A_613 = tpu.vector_load_idx %arg5[%add3A_612, %broadcast_in_dim3A_593] : memref<128x26xi32, #tpu.memory_space<vmem>>[vector<16xi32>, vector<16xi32>], vector<16xi32>,
    %swap3A_614 = arith.constant 9 : i32
    %swap3A_615 = arith.index_cast %swap3A_614 : i32 to index
    %swap3A_616 = arith.constant 32 : index
    %swap3A_617 = tpu.vector_load %arg6[%swap3A_615, %swap3A_616] {strides = array<i32>} : memref<26x128xi32, #tpu.memory_space<vmem>>, vector<16xi32>,
    tpu.vector_store %arg6[%swap3A_615, %swap3A_616], %gather3A_613 {strides = array<i32>} : memref<26x128xi32, #tpu.memory_space<vmem>>, vector<16xi32>,
    %add3A_618 = arith.constant 48 : i32
    %add3A_619 = vector.broadcast %add3A_618 : i32 to vector<16xi32>
    %add3A_620 = arith.addi %iota3A, %add3A_619 : vector<16xi32>
    %gather3A_621 = tpu.vector_load_idx %arg5[%add3A_620, %broadcast_in_dim3A_593] : memref<128x26xi32, #tpu.memory_space<vmem>>[vector<16xi32>, vector<16xi32>], vector<16xi32>,
    %swap3A_622 = arith.constant 9 : i32
    %swap3A_623 = arith.index_cast %swap3A_622 : i32 to index
    %swap3A_624 = arith.constant 48 : index
    %swap3A_625 = tpu.vector_load %arg6[%swap3A_623, %swap3A_624] {strides = array<i32>} : memref<26x128xi32, #tpu.memory_space<vmem>>, vector<16xi32>,
    tpu.vector_store %arg6[%swap3A_623, %swap3A_624], %gather3A_621 {strides = array<i32>} : memref<26x128xi32, #tpu.memory_space<vmem>>, vector<16xi32>,
    %add3A_626 = arith.constant 64 : i32
    %add3A_627 = vector.broadcast %add3A_626 : i32 to vector<16xi32>
    %add3A_628 = arith.addi %iota3A, %add3A_627 : vector<16xi32>
    %gather3A_629 = tpu.vector_load_idx %arg5[%add3A_628, %broadcast_in_dim3A_593] : memref<128x26xi32, #tpu.memory_space<vmem>>[vector<16xi32>, vector<16xi32>], vector<16xi32>,
    %swap3A_630 = arith.constant 9 : i32
    %swap3A_631 = arith.index_cast %swap3A_630 : i32 to index
    %swap3A_632 = arith.constant 64 : index
    %swap3A_633 = tpu.vector_load %arg6[%swap3A_631, %swap3A_632] {strides = array<i32>} : memref<26x128xi32, #tpu.memory_space<vmem>>, vector<16xi32>,
    tpu.vector_store %arg6[%swap3A_631, %swap3A_632], %gather3A_629 {strides = array<i32>} : memref<26x128xi32, #tpu.memory_space<vmem>>, vector<16xi32>,
    %add3A_634 = arith.constant 80 : i32
    %add3A_635 = vector.broadcast %add3A_634 : i32 to vector<16xi32>
    %add3A_636 = arith.addi %iota3A, %add3A_635 : vector<16xi32>
    %gather3A_637 = tpu.vector_load_idx %arg5[%add3A_636, %broadcast_in_dim3A_593] : memref<128x26xi32, #tpu.memory_space<vmem>>[vector<16xi32>, vector<16xi32>], vector<16xi32>,
    %swap3A_638 = arith.constant 9 : i32
    %swap3A_639 = arith.index_cast %swap3A_638 : i32 to index
    %swap3A_640 = arith.constant 80 : index
    %swap3A_641 = tpu.vector_load %arg6[%swap3A_639, %swap3A_640] {strides = array<i32>} : memref<26x128xi32, #tpu.memory_space<vmem>>, vector<16xi32>,
    tpu.vector_store %arg6[%swap3A_639, %swap3A_640], %gather3A_637 {strides = array<i32>} : memref<26x128xi32, #tpu.memory_space<vmem>>, vector<16xi32>,
    %add3A_642 = arith.constant 96 : i32
    %add3A_643 = vector.broadcast %add3A_642 : i32 to vector<16xi32>
    %add3A_644 = arith.addi %iota3A, %add3A_643 : vector<16xi32>
    %gather3A_645 = tpu.vector_load_idx %arg5[%add3A_644, %broadcast_in_dim3A_593] : memref<128x26xi32, #tpu.memory_space<vmem>>[vector<16xi32>, vector<16xi32>], vector<16xi32>,
    %swap3A_646 = arith.constant 9 : i32
    %swap3A_647 = arith.index_cast %swap3A_646 : i32 to index
    %swap3A_648 = arith.constant 96 : index
    %swap3A_649 = tpu.vector_load %arg6[%swap3A_647, %swap3A_648] {strides = array<i32>} : memref<26x128xi32, #tpu.memory_space<vmem>>, vector<16xi32>,
    tpu.vector_store %arg6[%swap3A_647, %swap3A_648], %gather3A_645 {strides = array<i32>} : memref<26x128xi32, #tpu.memory_space<vmem>>, vector<16xi32>,
    %add3A_650 = arith.constant 112 : i32
    %add3A_651 = vector.broadcast %add3A_650 : i32 to vector<16xi32>
    %add3A_652 = arith.addi %iota3A, %add3A_651 : vector<16xi32>
    %gather3A_653 = tpu.vector_load_idx %arg5[%add3A_652, %broadcast_in_dim3A_593] : memref<128x26xi32, #tpu.memory_space<vmem>>[vector<16xi32>, vector<16xi32>], vector<16xi32>,
    %swap3A_654 = arith.constant 9 : i32
    %swap3A_655 = arith.index_cast %swap3A_654 : i32 to index
    %swap3A_656 = arith.constant 112 : index
    %swap3A_657 = tpu.vector_load %arg6[%swap3A_655, %swap3A_656] {strides = array<i32>} : memref<26x128xi32, #tpu.memory_space<vmem>>, vector<16xi32>,
    tpu.vector_store %arg6[%swap3A_655, %swap3A_656], %gather3A_653 {strides = array<i32>} : memref<26x128xi32, #tpu.memory_space<vmem>>, vector<16xi32>,
    %broadcast_in_dim3A_658 = arith.constant 10 : i32
    %broadcast_in_dim3A_659 = vector.broadcast %broadcast_in_dim3A_658 : i32 to vector<16xi32>
    %add3A_660 = arith.constant 0 : i32
    %add3A_661 = vector.broadcast %add3A_660 : i32 to vector<16xi32>
    %add3A_662 = arith.addi %iota3A, %add3A_661 : vector<16xi32>
    %gather3A_663 = tpu.vector_load_idx %arg5[%add3A_662, %broadcast_in_dim3A_659] : memref<128x26xi32, #tpu.memory_space<vmem>>[vector<16xi32>, vector<16xi32>], vector<16xi32>,
    %swap3A_664 = arith.constant 10 : i32
    %swap3A_665 = arith.index_cast %swap3A_664 : i32 to index
    %swap3A_666 = arith.constant 0 : index
    %swap3A_667 = tpu.vector_load %arg6[%swap3A_665, %swap3A_666] {strides = array<i32>} : memref<26x128xi32, #tpu.memory_space<vmem>>, vector<16xi32>,
    tpu.vector_store %arg6[%swap3A_665, %swap3A_666], %gather3A_663 {strides = array<i32>} : memref<26x128xi32, #tpu.memory_space<vmem>>, vector<16xi32>,
    %add3A_668 = arith.constant 16 : i32
    %add3A_669 = vector.broadcast %add3A_668 : i32 to vector<16xi32>
    %add3A_670 = arith.addi %iota3A, %add3A_669 : vector<16xi32>
    %gather3A_671 = tpu.vector_load_idx %arg5[%add3A_670, %broadcast_in_dim3A_659] : memref<128x26xi32, #tpu.memory_space<vmem>>[vector<16xi32>, vector<16xi32>], vector<16xi32>,
    %swap3A_672 = arith.constant 10 : i32
    %swap3A_673 = arith.index_cast %swap3A_672 : i32 to index
    %swap3A_674 = arith.constant 16 : index
    %swap3A_675 = tpu.vector_load %arg6[%swap3A_673, %swap3A_674] {strides = array<i32>} : memref<26x128xi32, #tpu.memory_space<vmem>>, vector<16xi32>,
    tpu.vector_store %arg6[%swap3A_673, %swap3A_674], %gather3A_671 {strides = array<i32>} : memref<26x128xi32, #tpu.memory_space<vmem>>, vector<16xi32>,
    %add3A_676 = arith.constant 32 : i32
    %add3A_677 = vector.broadcast %add3A_676 : i32 to vector<16xi32>
    %add3A_678 = arith.addi %iota3A, %add3A_677 : vector<16xi32>
    %gather3A_679 = tpu.vector_load_idx %arg5[%add3A_678, %broadcast_in_dim3A_659] : memref<128x26xi32, #tpu.memory_space<vmem>>[vector<16xi32>, vector<16xi32>], vector<16xi32>,
    %swap3A_680 = arith.constant 10 : i32
    %swap3A_681 = arith.index_cast %swap3A_680 : i32 to index
    %swap3A_682 = arith.constant 32 : index
    %swap3A_683 = tpu.vector_load %arg6[%swap3A_681, %swap3A_682] {strides = array<i32>} : memref<26x128xi32, #tpu.memory_space<vmem>>, vector<16xi32>,
    tpu.vector_store %arg6[%swap3A_681, %swap3A_682], %gather3A_679 {strides = array<i32>} : memref<26x128xi32, #tpu.memory_space<vmem>>, vector<16xi32>,
    %add3A_684 = arith.constant 48 : i32
    %add3A_685 = vector.broadcast %add3A_684 : i32 to vector<16xi32>
    %add3A_686 = arith.addi %iota3A, %add3A_685 : vector<16xi32>
    %gather3A_687 = tpu.vector_load_idx %arg5[%add3A_686, %broadcast_in_dim3A_659] : memref<128x26xi32, #tpu.memory_space<vmem>>[vector<16xi32>, vector<16xi32>], vector<16xi32>,
    %swap3A_688 = arith.constant 10 : i32
    %swap3A_689 = arith.index_cast %swap3A_688 : i32 to index
    %swap3A_690 = arith.constant 48 : index
    %swap3A_691 = tpu.vector_load %arg6[%swap3A_689, %swap3A_690] {strides = array<i32>} : memref<26x128xi32, #tpu.memory_space<vmem>>, vector<16xi32>,
    tpu.vector_store %arg6[%swap3A_689, %swap3A_690], %gather3A_687 {strides = array<i32>} : memref<26x128xi32, #tpu.memory_space<vmem>>, vector<16xi32>,
    %add3A_692 = arith.constant 64 : i32
    %add3A_693 = vector.broadcast %add3A_692 : i32 to vector<16xi32>
    %add3A_694 = arith.addi %iota3A, %add3A_693 : vector<16xi32>
    %gather3A_695 = tpu.vector_load_idx %arg5[%add3A_694, %broadcast_in_dim3A_659] : memref<128x26xi32, #tpu.memory_space<vmem>>[vector<16xi32>, vector<16xi32>], vector<16xi32>,
    %swap3A_696 = arith.constant 10 : i32
    %swap3A_697 = arith.index_cast %swap3A_696 : i32 to index
    %swap3A_698 = arith.constant 64 : index
    %swap3A_699 = tpu.vector_load %arg6[%swap3A_697, %swap3A_698] {strides = array<i32>} : memref<26x128xi32, #tpu.memory_space<vmem>>, vector<16xi32>,
    tpu.vector_store %arg6[%swap3A_697, %swap3A_698], %gather3A_695 {strides = array<i32>} : memref<26x128xi32, #tpu.memory_space<vmem>>, vector<16xi32>,
    %add3A_700 = arith.constant 80 : i32
    %add3A_701 = vector.broadcast %add3A_700 : i32 to vector<16xi32>
    %add3A_702 = arith.addi %iota3A, %add3A_701 : vector<16xi32>
    %gather3A_703 = tpu.vector_load_idx %arg5[%add3A_702, %broadcast_in_dim3A_659] : memref<128x26xi32, #tpu.memory_space<vmem>>[vector<16xi32>, vector<16xi32>], vector<16xi32>,
    %swap3A_704 = arith.constant 10 : i32
    %swap3A_705 = arith.index_cast %swap3A_704 : i32 to index
    %swap3A_706 = arith.constant 80 : index
    %swap3A_707 = tpu.vector_load %arg6[%swap3A_705, %swap3A_706] {strides = array<i32>} : memref<26x128xi32, #tpu.memory_space<vmem>>, vector<16xi32>,
    tpu.vector_store %arg6[%swap3A_705, %swap3A_706], %gather3A_703 {strides = array<i32>} : memref<26x128xi32, #tpu.memory_space<vmem>>, vector<16xi32>,
    %add3A_708 = arith.constant 96 : i32
    %add3A_709 = vector.broadcast %add3A_708 : i32 to vector<16xi32>
    %add3A_710 = arith.addi %iota3A, %add3A_709 : vector<16xi32>
    %gather3A_711 = tpu.vector_load_idx %arg5[%add3A_710, %broadcast_in_dim3A_659] : memref<128x26xi32, #tpu.memory_space<vmem>>[vector<16xi32>, vector<16xi32>], vector<16xi32>,
    %swap3A_712 = arith.constant 10 : i32
    %swap3A_713 = arith.index_cast %swap3A_712 : i32 to index
    %swap3A_714 = arith.constant 96 : index
    %swap3A_715 = tpu.vector_load %arg6[%swap3A_713, %swap3A_714] {strides = array<i32>} : memref<26x128xi32, #tpu.memory_space<vmem>>, vector<16xi32>,
    tpu.vector_store %arg6[%swap3A_713, %swap3A_714], %gather3A_711 {strides = array<i32>} : memref<26x128xi32, #tpu.memory_space<vmem>>, vector<16xi32>,
    %add3A_716 = arith.constant 112 : i32
    %add3A_717 = vector.broadcast %add3A_716 : i32 to vector<16xi32>
    %add3A_718 = arith.addi %iota3A, %add3A_717 : vector<16xi32>
    %gather3A_719 = tpu.vector_load_idx %arg5[%add3A_718, %broadcast_in_dim3A_659] : memref<128x26xi32, #tpu.memory_space<vmem>>[vector<16xi32>, vector<16xi32>], vector<16xi32>,
    %swap3A_720 = arith.constant 10 : i32
    %swap3A_721 = arith.index_cast %swap3A_720 : i32 to index
    %swap3A_722 = arith.constant 112 : index
    %swap3A_723 = tpu.vector_load %arg6[%swap3A_721, %swap3A_722] {strides = array<i32>} : memref<26x128xi32, #tpu.memory_space<vmem>>, vector<16xi32>,
    tpu.vector_store %arg6[%swap3A_721, %swap3A_722], %gather3A_719 {strides = array<i32>} : memref<26x128xi32, #tpu.memory_space<vmem>>, vector<16xi32>,
    %broadcast_in_dim3A_724 = arith.constant 11 : i32
    %broadcast_in_dim3A_725 = vector.broadcast %broadcast_in_dim3A_724 : i32 to vector<16xi32>
    %add3A_726 = arith.constant 0 : i32
    %add3A_727 = vector.broadcast %add3A_726 : i32 to vector<16xi32>
    %add3A_728 = arith.addi %iota3A, %add3A_727 : vector<16xi32>
    %gather3A_729 = tpu.vector_load_idx %arg5[%add3A_728, %broadcast_in_dim3A_725] : memref<128x26xi32, #tpu.memory_space<vmem>>[vector<16xi32>, vector<16xi32>], vector<16xi32>,
    %swap3A_730 = arith.constant 11 : i32
    %swap3A_731 = arith.index_cast %swap3A_730 : i32 to index
    %swap3A_732 = arith.constant 0 : index
    %swap3A_733 = tpu.vector_load %arg6[%swap3A_731, %swap3A_732] {strides = array<i32>} : memref<26x128xi32, #tpu.memory_space<vmem>>, vector<16xi32>,
    tpu.vector_store %arg6[%swap3A_731, %swap3A_732], %gather3A_729 {strides = array<i32>} : memref<26x128xi32, #tpu.memory_space<vmem>>, vector<16xi32>,
    %add3A_734 = arith.constant 16 : i32
    %add3A_735 = vector.broadcast %add3A_734 : i32 to vector<16xi32>
    %add3A_736 = arith.addi %iota3A, %add3A_735 : vector<16xi32>
    %gather3A_737 = tpu.vector_load_idx %arg5[%add3A_736, %broadcast_in_dim3A_725] : memref<128x26xi32, #tpu.memory_space<vmem>>[vector<16xi32>, vector<16xi32>], vector<16xi32>,
    %swap3A_738 = arith.constant 11 : i32
    %swap3A_739 = arith.index_cast %swap3A_738 : i32 to index
    %swap3A_740 = arith.constant 16 : index
    %swap3A_741 = tpu.vector_load %arg6[%swap3A_739, %swap3A_740] {strides = array<i32>} : memref<26x128xi32, #tpu.memory_space<vmem>>, vector<16xi32>,
    tpu.vector_store %arg6[%swap3A_739, %swap3A_740], %gather3A_737 {strides = array<i32>} : memref<26x128xi32, #tpu.memory_space<vmem>>, vector<16xi32>,
    %add3A_742 = arith.constant 32 : i32
    %add3A_743 = vector.broadcast %add3A_742 : i32 to vector<16xi32>
    %add3A_744 = arith.addi %iota3A, %add3A_743 : vector<16xi32>
    %gather3A_745 = tpu.vector_load_idx %arg5[%add3A_744, %broadcast_in_dim3A_725] : memref<128x26xi32, #tpu.memory_space<vmem>>[vector<16xi32>, vector<16xi32>], vector<16xi32>,
    %swap3A_746 = arith.constant 11 : i32
    %swap3A_747 = arith.index_cast %swap3A_746 : i32 to index
    %swap3A_748 = arith.constant 32 : index
    %swap3A_749 = tpu.vector_load %arg6[%swap3A_747, %swap3A_748] {strides = array<i32>} : memref<26x128xi32, #tpu.memory_space<vmem>>, vector<16xi32>,
    tpu.vector_store %arg6[%swap3A_747, %swap3A_748], %gather3A_745 {strides = array<i32>} : memref<26x128xi32, #tpu.memory_space<vmem>>, vector<16xi32>,
    %add3A_750 = arith.constant 48 : i32
    %add3A_751 = vector.broadcast %add3A_750 : i32 to vector<16xi32>
    %add3A_752 = arith.addi %iota3A, %add3A_751 : vector<16xi32>
    %gather3A_753 = tpu.vector_load_idx %arg5[%add3A_752, %broadcast_in_dim3A_725] : memref<128x26xi32, #tpu.memory_space<vmem>>[vector<16xi32>, vector<16xi32>], vector<16xi32>,
    %swap3A_754 = arith.constant 11 : i32
    %swap3A_755 = arith.index_cast %swap3A_754 : i32 to index
    %swap3A_756 = arith.constant 48 : index
    %swap3A_757 = tpu.vector_load %arg6[%swap3A_755, %swap3A_756] {strides = array<i32>} : memref<26x128xi32, #tpu.memory_space<vmem>>, vector<16xi32>,
    tpu.vector_store %arg6[%swap3A_755, %swap3A_756], %gather3A_753 {strides = array<i32>} : memref<26x128xi32, #tpu.memory_space<vmem>>, vector<16xi32>,
    %add3A_758 = arith.constant 64 : i32
    %add3A_759 = vector.broadcast %add3A_758 : i32 to vector<16xi32>
    %add3A_760 = arith.addi %iota3A, %add3A_759 : vector<16xi32>
    %gather3A_761 = tpu.vector_load_idx %arg5[%add3A_760, %broadcast_in_dim3A_725] : memref<128x26xi32, #tpu.memory_space<vmem>>[vector<16xi32>, vector<16xi32>], vector<16xi32>,
    %swap3A_762 = arith.constant 11 : i32
    %swap3A_763 = arith.index_cast %swap3A_762 : i32 to index
    %swap3A_764 = arith.constant 64 : index
    %swap3A_765 = tpu.vector_load %arg6[%swap3A_763, %swap3A_764] {strides = array<i32>} : memref<26x128xi32, #tpu.memory_space<vmem>>, vector<16xi32>,
    tpu.vector_store %arg6[%swap3A_763, %swap3A_764], %gather3A_761 {strides = array<i32>} : memref<26x128xi32, #tpu.memory_space<vmem>>, vector<16xi32>,
    %add3A_766 = arith.constant 80 : i32
    %add3A_767 = vector.broadcast %add3A_766 : i32 to vector<16xi32>
    %add3A_768 = arith.addi %iota3A, %add3A_767 : vector<16xi32>
    %gather3A_769 = tpu.vector_load_idx %arg5[%add3A_768, %broadcast_in_dim3A_725] : memref<128x26xi32, #tpu.memory_space<vmem>>[vector<16xi32>, vector<16xi32>], vector<16xi32>,
    %swap3A_770 = arith.constant 11 : i32
    %swap3A_771 = arith.index_cast %swap3A_770 : i32 to index
    %swap3A_772 = arith.constant 80 : index
    %swap3A_773 = tpu.vector_load %arg6[%swap3A_771, %swap3A_772] {strides = array<i32>} : memref<26x128xi32, #tpu.memory_space<vmem>>, vector<16xi32>,
    tpu.vector_store %arg6[%swap3A_771, %swap3A_772], %gather3A_769 {strides = array<i32>} : memref<26x128xi32, #tpu.memory_space<vmem>>, vector<16xi32>,
    %add3A_774 = arith.constant 96 : i32
    %add3A_775 = vector.broadcast %add3A_774 : i32 to vector<16xi32>
    %add3A_776 = arith.addi %iota3A, %add3A_775 : vector<16xi32>
    %gather3A_777 = tpu.vector_load_idx %arg5[%add3A_776, %broadcast_in_dim3A_725] : memref<128x26xi32, #tpu.memory_space<vmem>>[vector<16xi32>, vector<16xi32>], vector<16xi32>,
    %swap3A_778 = arith.constant 11 : i32
    %swap3A_779 = arith.index_cast %swap3A_778 : i32 to index
    %swap3A_780 = arith.constant 96 : index
    %swap3A_781 = tpu.vector_load %arg6[%swap3A_779, %swap3A_780] {strides = array<i32>} : memref<26x128xi32, #tpu.memory_space<vmem>>, vector<16xi32>,
    tpu.vector_store %arg6[%swap3A_779, %swap3A_780], %gather3A_777 {strides = array<i32>} : memref<26x128xi32, #tpu.memory_space<vmem>>, vector<16xi32>,
    %add3A_782 = arith.constant 112 : i32
    %add3A_783 = vector.broadcast %add3A_782 : i32 to vector<16xi32>
    %add3A_784 = arith.addi %iota3A, %add3A_783 : vector<16xi32>
    %gather3A_785 = tpu.vector_load_idx %arg5[%add3A_784, %broadcast_in_dim3A_725] : memref<128x26xi32, #tpu.memory_space<vmem>>[vector<16xi32>, vector<16xi32>], vector<16xi32>,
    %swap3A_786 = arith.constant 11 : i32
    %swap3A_787 = arith.index_cast %swap3A_786 : i32 to index
    %swap3A_788 = arith.constant 112 : index
    %swap3A_789 = tpu.vector_load %arg6[%swap3A_787, %swap3A_788] {strides = array<i32>} : memref<26x128xi32, #tpu.memory_space<vmem>>, vector<16xi32>,
    tpu.vector_store %arg6[%swap3A_787, %swap3A_788], %gather3A_785 {strides = array<i32>} : memref<26x128xi32, #tpu.memory_space<vmem>>, vector<16xi32>,
    %broadcast_in_dim3A_790 = arith.constant 12 : i32
    %broadcast_in_dim3A_791 = vector.broadcast %broadcast_in_dim3A_790 : i32 to vector<16xi32>
    %add3A_792 = arith.constant 0 : i32
    %add3A_793 = vector.broadcast %add3A_792 : i32 to vector<16xi32>
    %add3A_794 = arith.addi %iota3A, %add3A_793 : vector<16xi32>
    %gather3A_795 = tpu.vector_load_idx %arg5[%add3A_794, %broadcast_in_dim3A_791] : memref<128x26xi32, #tpu.memory_space<vmem>>[vector<16xi32>, vector<16xi32>], vector<16xi32>,
    %swap3A_796 = arith.constant 12 : i32
    %swap3A_797 = arith.index_cast %swap3A_796 : i32 to index
    %swap3A_798 = arith.constant 0 : index
    %swap3A_799 = tpu.vector_load %arg6[%swap3A_797, %swap3A_798] {strides = array<i32>} : memref<26x128xi32, #tpu.memory_space<vmem>>, vector<16xi32>,
    tpu.vector_store %arg6[%swap3A_797, %swap3A_798], %gather3A_795 {strides = array<i32>} : memref<26x128xi32, #tpu.memory_space<vmem>>, vector<16xi32>,
    %add3A_800 = arith.constant 16 : i32
    %add3A_801 = vector.broadcast %add3A_800 : i32 to vector<16xi32>
    %add3A_802 = arith.addi %iota3A, %add3A_801 : vector<16xi32>
    %gather3A_803 = tpu.vector_load_idx %arg5[%add3A_802, %broadcast_in_dim3A_791] : memref<128x26xi32, #tpu.memory_space<vmem>>[vector<16xi32>, vector<16xi32>], vector<16xi32>,
    %swap3A_804 = arith.constant 12 : i32
    %swap3A_805 = arith.index_cast %swap3A_804 : i32 to index
    %swap3A_806 = arith.constant 16 : index
    %swap3A_807 = tpu.vector_load %arg6[%swap3A_805, %swap3A_806] {strides = array<i32>} : memref<26x128xi32, #tpu.memory_space<vmem>>, vector<16xi32>,
    tpu.vector_store %arg6[%swap3A_805, %swap3A_806], %gather3A_803 {strides = array<i32>} : memref<26x128xi32, #tpu.memory_space<vmem>>, vector<16xi32>,
    %add3A_808 = arith.constant 32 : i32
    %add3A_809 = vector.broadcast %add3A_808 : i32 to vector<16xi32>
    %add3A_810 = arith.addi %iota3A, %add3A_809 : vector<16xi32>
    %gather3A_811 = tpu.vector_load_idx %arg5[%add3A_810, %broadcast_in_dim3A_791] : memref<128x26xi32, #tpu.memory_space<vmem>>[vector<16xi32>, vector<16xi32>], vector<16xi32>,
    %swap3A_812 = arith.constant 12 : i32
    %swap3A_813 = arith.index_cast %swap3A_812 : i32 to index
    %swap3A_814 = arith.constant 32 : index
    %swap3A_815 = tpu.vector_load %arg6[%swap3A_813, %swap3A_814] {strides = array<i32>} : memref<26x128xi32, #tpu.memory_space<vmem>>, vector<16xi32>,
    tpu.vector_store %arg6[%swap3A_813, %swap3A_814], %gather3A_811 {strides = array<i32>} : memref<26x128xi32, #tpu.memory_space<vmem>>, vector<16xi32>,
    %add3A_816 = arith.constant 48 : i32
    %add3A_817 = vector.broadcast %add3A_816 : i32 to vector<16xi32>
    %add3A_818 = arith.addi %iota3A, %add3A_817 : vector<16xi32>
    %gather3A_819 = tpu.vector_load_idx %arg5[%add3A_818, %broadcast_in_dim3A_791] : memref<128x26xi32, #tpu.memory_space<vmem>>[vector<16xi32>, vector<16xi32>], vector<16xi32>,
    %swap3A_820 = arith.constant 12 : i32
    %swap3A_821 = arith.index_cast %swap3A_820 : i32 to index
    %swap3A_822 = arith.constant 48 : index
    %swap3A_823 = tpu.vector_load %arg6[%swap3A_821, %swap3A_822] {strides = array<i32>} : memref<26x128xi32, #tpu.memory_space<vmem>>, vector<16xi32>,
    tpu.vector_store %arg6[%swap3A_821, %swap3A_822], %gather3A_819 {strides = array<i32>} : memref<26x128xi32, #tpu.memory_space<vmem>>, vector<16xi32>,
    %add3A_824 = arith.constant 64 : i32
    %add3A_825 = vector.broadcast %add3A_824 : i32 to vector<16xi32>
    %add3A_826 = arith.addi %iota3A, %add3A_825 : vector<16xi32>
    %gather3A_827 = tpu.vector_load_idx %arg5[%add3A_826, %broadcast_in_dim3A_791] : memref<128x26xi32, #tpu.memory_space<vmem>>[vector<16xi32>, vector<16xi32>], vector<16xi32>,
    %swap3A_828 = arith.constant 12 : i32
    %swap3A_829 = arith.index_cast %swap3A_828 : i32 to index
    %swap3A_830 = arith.constant 64 : index
    %swap3A_831 = tpu.vector_load %arg6[%swap3A_829, %swap3A_830] {strides = array<i32>} : memref<26x128xi32, #tpu.memory_space<vmem>>, vector<16xi32>,
    tpu.vector_store %arg6[%swap3A_829, %swap3A_830], %gather3A_827 {strides = array<i32>} : memref<26x128xi32, #tpu.memory_space<vmem>>, vector<16xi32>,
    %add3A_832 = arith.constant 80 : i32
    %add3A_833 = vector.broadcast %add3A_832 : i32 to vector<16xi32>
    %add3A_834 = arith.addi %iota3A, %add3A_833 : vector<16xi32>
    %gather3A_835 = tpu.vector_load_idx %arg5[%add3A_834, %broadcast_in_dim3A_791] : memref<128x26xi32, #tpu.memory_space<vmem>>[vector<16xi32>, vector<16xi32>], vector<16xi32>,
    %swap3A_836 = arith.constant 12 : i32
    %swap3A_837 = arith.index_cast %swap3A_836 : i32 to index
    %swap3A_838 = arith.constant 80 : index
    %swap3A_839 = tpu.vector_load %arg6[%swap3A_837, %swap3A_838] {strides = array<i32>} : memref<26x128xi32, #tpu.memory_space<vmem>>, vector<16xi32>,
    tpu.vector_store %arg6[%swap3A_837, %swap3A_838], %gather3A_835 {strides = array<i32>} : memref<26x128xi32, #tpu.memory_space<vmem>>, vector<16xi32>,
    %add3A_840 = arith.constant 96 : i32
    %add3A_841 = vector.broadcast %add3A_840 : i32 to vector<16xi32>
    %add3A_842 = arith.addi %iota3A, %add3A_841 : vector<16xi32>
    %gather3A_843 = tpu.vector_load_idx %arg5[%add3A_842, %broadcast_in_dim3A_791] : memref<128x26xi32, #tpu.memory_space<vmem>>[vector<16xi32>, vector<16xi32>], vector<16xi32>,
    %swap3A_844 = arith.constant 12 : i32
    %swap3A_845 = arith.index_cast %swap3A_844 : i32 to index
    %swap3A_846 = arith.constant 96 : index
    %swap3A_847 = tpu.vector_load %arg6[%swap3A_845, %swap3A_846] {strides = array<i32>} : memref<26x128xi32, #tpu.memory_space<vmem>>, vector<16xi32>,
    tpu.vector_store %arg6[%swap3A_845, %swap3A_846], %gather3A_843 {strides = array<i32>} : memref<26x128xi32, #tpu.memory_space<vmem>>, vector<16xi32>,
    %add3A_848 = arith.constant 112 : i32
    %add3A_849 = vector.broadcast %add3A_848 : i32 to vector<16xi32>
    %add3A_850 = arith.addi %iota3A, %add3A_849 : vector<16xi32>
    %gather3A_851 = tpu.vector_load_idx %arg5[%add3A_850, %broadcast_in_dim3A_791] : memref<128x26xi32, #tpu.memory_space<vmem>>[vector<16xi32>, vector<16xi32>], vector<16xi32>,
    %swap3A_852 = arith.constant 12 : i32
    %swap3A_853 = arith.index_cast %swap3A_852 : i32 to index
    %swap3A_854 = arith.constant 112 : index
    %swap3A_855 = tpu.vector_load %arg6[%swap3A_853, %swap3A_854] {strides = array<i32>} : memref<26x128xi32, #tpu.memory_space<vmem>>, vector<16xi32>,
    tpu.vector_store %arg6[%swap3A_853, %swap3A_854], %gather3A_851 {strides = array<i32>} : memref<26x128xi32, #tpu.memory_space<vmem>>, vector<16xi32>,
    %broadcast_in_dim3A_856 = arith.constant 13 : i32
    %broadcast_in_dim3A_857 = vector.broadcast %broadcast_in_dim3A_856 : i32 to vector<16xi32>
    %add3A_858 = arith.constant 0 : i32
    %add3A_859 = vector.broadcast %add3A_858 : i32 to vector<16xi32>
    %add3A_860 = arith.addi %iota3A, %add3A_859 : vector<16xi32>
    %gather3A_861 = tpu.vector_load_idx %arg5[%add3A_860, %broadcast_in_dim3A_857] : memref<128x26xi32, #tpu.memory_space<vmem>>[vector<16xi32>, vector<16xi32>], vector<16xi32>,
    %swap3A_862 = arith.constant 13 : i32
    %swap3A_863 = arith.index_cast %swap3A_862 : i32 to index
    %swap3A_864 = arith.constant 0 : index
    %swap3A_865 = tpu.vector_load %arg6[%swap3A_863, %swap3A_864] {strides = array<i32>} : memref<26x128xi32, #tpu.memory_space<vmem>>, vector<16xi32>,
    tpu.vector_store %arg6[%swap3A_863, %swap3A_864], %gather3A_861 {strides = array<i32>} : memref<26x128xi32, #tpu.memory_space<vmem>>, vector<16xi32>,
    %add3A_866 = arith.constant 16 : i32
    %add3A_867 = vector.broadcast %add3A_866 : i32 to vector<16xi32>
    %add3A_868 = arith.addi %iota3A, %add3A_867 : vector<16xi32>
    %gather3A_869 = tpu.vector_load_idx %arg5[%add3A_868, %broadcast_in_dim3A_857] : memref<128x26xi32, #tpu.memory_space<vmem>>[vector<16xi32>, vector<16xi32>], vector<16xi32>,
    %swap3A_870 = arith.constant 13 : i32
    %swap3A_871 = arith.index_cast %swap3A_870 : i32 to index
    %swap3A_872 = arith.constant 16 : index
    %swap3A_873 = tpu.vector_load %arg6[%swap3A_871, %swap3A_872] {strides = array<i32>} : memref<26x128xi32, #tpu.memory_space<vmem>>, vector<16xi32>,
    tpu.vector_store %arg6[%swap3A_871, %swap3A_872], %gather3A_869 {strides = array<i32>} : memref<26x128xi32, #tpu.memory_space<vmem>>, vector<16xi32>,
    %add3A_874 = arith.constant 32 : i32
    %add3A_875 = vector.broadcast %add3A_874 : i32 to vector<16xi32>
    %add3A_876 = arith.addi %iota3A, %add3A_875 : vector<16xi32>
    %gather3A_877 = tpu.vector_load_idx %arg5[%add3A_876, %broadcast_in_dim3A_857] : memref<128x26xi32, #tpu.memory_space<vmem>>[vector<16xi32>, vector<16xi32>], vector<16xi32>,
    %swap3A_878 = arith.constant 13 : i32
    %swap3A_879 = arith.index_cast %swap3A_878 : i32 to index
    %swap3A_880 = arith.constant 32 : index
    %swap3A_881 = tpu.vector_load %arg6[%swap3A_879, %swap3A_880] {strides = array<i32>} : memref<26x128xi32, #tpu.memory_space<vmem>>, vector<16xi32>,
    tpu.vector_store %arg6[%swap3A_879, %swap3A_880], %gather3A_877 {strides = array<i32>} : memref<26x128xi32, #tpu.memory_space<vmem>>, vector<16xi32>,
    %add3A_882 = arith.constant 48 : i32
    %add3A_883 = vector.broadcast %add3A_882 : i32 to vector<16xi32>
    %add3A_884 = arith.addi %iota3A, %add3A_883 : vector<16xi32>
    %gather3A_885 = tpu.vector_load_idx %arg5[%add3A_884, %broadcast_in_dim3A_857] : memref<128x26xi32, #tpu.memory_space<vmem>>[vector<16xi32>, vector<16xi32>], vector<16xi32>,
    %swap3A_886 = arith.constant 13 : i32
    %swap3A_887 = arith.index_cast %swap3A_886 : i32 to index
    %swap3A_888 = arith.constant 48 : index
    %swap3A_889 = tpu.vector_load %arg6[%swap3A_887, %swap3A_888] {strides = array<i32>} : memref<26x128xi32, #tpu.memory_space<vmem>>, vector<16xi32>,
    tpu.vector_store %arg6[%swap3A_887, %swap3A_888], %gather3A_885 {strides = array<i32>} : memref<26x128xi32, #tpu.memory_space<vmem>>, vector<16xi32>,
    %add3A_890 = arith.constant 64 : i32
    %add3A_891 = vector.broadcast %add3A_890 : i32 to vector<16xi32>
    %add3A_892 = arith.addi %iota3A, %add3A_891 : vector<16xi32>
    %gather3A_893 = tpu.vector_load_idx %arg5[%add3A_892, %broadcast_in_dim3A_857] : memref<128x26xi32, #tpu.memory_space<vmem>>[vector<16xi32>, vector<16xi32>], vector<16xi32>,
    %swap3A_894 = arith.constant 13 : i32
    %swap3A_895 = arith.index_cast %swap3A_894 : i32 to index
    %swap3A_896 = arith.constant 64 : index
    %swap3A_897 = tpu.vector_load %arg6[%swap3A_895, %swap3A_896] {strides = array<i32>} : memref<26x128xi32, #tpu.memory_space<vmem>>, vector<16xi32>,
    tpu.vector_store %arg6[%swap3A_895, %swap3A_896], %gather3A_893 {strides = array<i32>} : memref<26x128xi32, #tpu.memory_space<vmem>>, vector<16xi32>,
    %add3A_898 = arith.constant 80 : i32
    %add3A_899 = vector.broadcast %add3A_898 : i32 to vector<16xi32>
    %add3A_900 = arith.addi %iota3A, %add3A_899 : vector<16xi32>
    %gather3A_901 = tpu.vector_load_idx %arg5[%add3A_900, %broadcast_in_dim3A_857] : memref<128x26xi32, #tpu.memory_space<vmem>>[vector<16xi32>, vector<16xi32>], vector<16xi32>,
    %swap3A_902 = arith.constant 13 : i32
    %swap3A_903 = arith.index_cast %swap3A_902 : i32 to index
    %swap3A_904 = arith.constant 80 : index
    %swap3A_905 = tpu.vector_load %arg6[%swap3A_903, %swap3A_904] {strides = array<i32>} : memref<26x128xi32, #tpu.memory_space<vmem>>, vector<16xi32>,
    tpu.vector_store %arg6[%swap3A_903, %swap3A_904], %gather3A_901 {strides = array<i32>} : memref<26x128xi32, #tpu.memory_space<vmem>>, vector<16xi32>,
    %add3A_906 = arith.constant 96 : i32
    %add3A_907 = vector.broadcast %add3A_906 : i32 to vector<16xi32>
    %add3A_908 = arith.addi %iota3A, %add3A_907 : vector<16xi32>
    %gather3A_909 = tpu.vector_load_idx %arg5[%add3A_908, %broadcast_in_dim3A_857] : memref<128x26xi32, #tpu.memory_space<vmem>>[vector<16xi32>, vector<16xi32>], vector<16xi32>,
    %swap3A_910 = arith.constant 13 : i32
    %swap3A_911 = arith.index_cast %swap3A_910 : i32 to index
    %swap3A_912 = arith.constant 96 : index
    %swap3A_913 = tpu.vector_load %arg6[%swap3A_911, %swap3A_912] {strides = array<i32>} : memref<26x128xi32, #tpu.memory_space<vmem>>, vector<16xi32>,
    tpu.vector_store %arg6[%swap3A_911, %swap3A_912], %gather3A_909 {strides = array<i32>} : memref<26x128xi32, #tpu.memory_space<vmem>>, vector<16xi32>,
    %add3A_914 = arith.constant 112 : i32
    %add3A_915 = vector.broadcast %add3A_914 : i32 to vector<16xi32>
    %add3A_916 = arith.addi %iota3A, %add3A_915 : vector<16xi32>
    %gather3A_917 = tpu.vector_load_idx %arg5[%add3A_916, %broadcast_in_dim3A_857] : memref<128x26xi32, #tpu.memory_space<vmem>>[vector<16xi32>, vector<16xi32>], vector<16xi32>,
    %swap3A_918 = arith.constant 13 : i32
    %swap3A_919 = arith.index_cast %swap3A_918 : i32 to index
    %swap3A_920 = arith.constant 112 : index
    %swap3A_921 = tpu.vector_load %arg6[%swap3A_919, %swap3A_920] {strides = array<i32>} : memref<26x128xi32, #tpu.memory_space<vmem>>, vector<16xi32>,
    tpu.vector_store %arg6[%swap3A_919, %swap3A_920], %gather3A_917 {strides = array<i32>} : memref<26x128xi32, #tpu.memory_space<vmem>>, vector<16xi32>,
    %broadcast_in_dim3A_922 = arith.constant 14 : i32
    %broadcast_in_dim3A_923 = vector.broadcast %broadcast_in_dim3A_922 : i32 to vector<16xi32>
    %add3A_924 = arith.constant 0 : i32
    %add3A_925 = vector.broadcast %add3A_924 : i32 to vector<16xi32>
    %add3A_926 = arith.addi %iota3A, %add3A_925 : vector<16xi32>
    %gather3A_927 = tpu.vector_load_idx %arg5[%add3A_926, %broadcast_in_dim3A_923] : memref<128x26xi32, #tpu.memory_space<vmem>>[vector<16xi32>, vector<16xi32>], vector<16xi32>,
    %swap3A_928 = arith.constant 14 : i32
    %swap3A_929 = arith.index_cast %swap3A_928 : i32 to index
    %swap3A_930 = arith.constant 0 : index
    %swap3A_931 = tpu.vector_load %arg6[%swap3A_929, %swap3A_930] {strides = array<i32>} : memref<26x128xi32, #tpu.memory_space<vmem>>, vector<16xi32>,
    tpu.vector_store %arg6[%swap3A_929, %swap3A_930], %gather3A_927 {strides = array<i32>} : memref<26x128xi32, #tpu.memory_space<vmem>>, vector<16xi32>,
    %add3A_932 = arith.constant 16 : i32
    %add3A_933 = vector.broadcast %add3A_932 : i32 to vector<16xi32>
    %add3A_934 = arith.addi %iota3A, %add3A_933 : vector<16xi32>
    %gather3A_935 = tpu.vector_load_idx %arg5[%add3A_934, %broadcast_in_dim3A_923] : memref<128x26xi32, #tpu.memory_space<vmem>>[vector<16xi32>, vector<16xi32>], vector<16xi32>,
    %swap3A_936 = arith.constant 14 : i32
    %swap3A_937 = arith.index_cast %swap3A_936 : i32 to index
    %swap3A_938 = arith.constant 16 : index
    %swap3A_939 = tpu.vector_load %arg6[%swap3A_937, %swap3A_938] {strides = array<i32>} : memref<26x128xi32, #tpu.memory_space<vmem>>, vector<16xi32>,
    tpu.vector_store %arg6[%swap3A_937, %swap3A_938], %gather3A_935 {strides = array<i32>} : memref<26x128xi32, #tpu.memory_space<vmem>>, vector<16xi32>,
    %add3A_940 = arith.constant 32 : i32
    %add3A_941 = vector.broadcast %add3A_940 : i32 to vector<16xi32>
    %add3A_942 = arith.addi %iota3A, %add3A_941 : vector<16xi32>
    %gather3A_943 = tpu.vector_load_idx %arg5[%add3A_942, %broadcast_in_dim3A_923] : memref<128x26xi32, #tpu.memory_space<vmem>>[vector<16xi32>, vector<16xi32>], vector<16xi32>,
    %swap3A_944 = arith.constant 14 : i32
    %swap3A_945 = arith.index_cast %swap3A_944 : i32 to index
    %swap3A_946 = arith.constant 32 : index
    %swap3A_947 = tpu.vector_load %arg6[%swap3A_945, %swap3A_946] {strides = array<i32>} : memref<26x128xi32, #tpu.memory_space<vmem>>, vector<16xi32>,
    tpu.vector_store %arg6[%swap3A_945, %swap3A_946], %gather3A_943 {strides = array<i32>} : memref<26x128xi32, #tpu.memory_space<vmem>>, vector<16xi32>,
    %add3A_948 = arith.constant 48 : i32
    %add3A_949 = vector.broadcast %add3A_948 : i32 to vector<16xi32>
    %add3A_950 = arith.addi %iota3A, %add3A_949 : vector<16xi32>
    %gather3A_951 = tpu.vector_load_idx %arg5[%add3A_950, %broadcast_in_dim3A_923] : memref<128x26xi32, #tpu.memory_space<vmem>>[vector<16xi32>, vector<16xi32>], vector<16xi32>,
    %swap3A_952 = arith.constant 14 : i32
    %swap3A_953 = arith.index_cast %swap3A_952 : i32 to index
    %swap3A_954 = arith.constant 48 : index
    %swap3A_955 = tpu.vector_load %arg6[%swap3A_953, %swap3A_954] {strides = array<i32>} : memref<26x128xi32, #tpu.memory_space<vmem>>, vector<16xi32>,
    tpu.vector_store %arg6[%swap3A_953, %swap3A_954], %gather3A_951 {strides = array<i32>} : memref<26x128xi32, #tpu.memory_space<vmem>>, vector<16xi32>,
    %add3A_956 = arith.constant 64 : i32
    %add3A_957 = vector.broadcast %add3A_956 : i32 to vector<16xi32>
    %add3A_958 = arith.addi %iota3A, %add3A_957 : vector<16xi32>
    %gather3A_959 = tpu.vector_load_idx %arg5[%add3A_958, %broadcast_in_dim3A_923] : memref<128x26xi32, #tpu.memory_space<vmem>>[vector<16xi32>, vector<16xi32>], vector<16xi32>,
    %swap3A_960 = arith.constant 14 : i32
    %swap3A_961 = arith.index_cast %swap3A_960 : i32 to index
    %swap3A_962 = arith.constant 64 : index
    %swap3A_963 = tpu.vector_load %arg6[%swap3A_961, %swap3A_962] {strides = array<i32>} : memref<26x128xi32, #tpu.memory_space<vmem>>, vector<16xi32>,
    tpu.vector_store %arg6[%swap3A_961, %swap3A_962], %gather3A_959 {strides = array<i32>} : memref<26x128xi32, #tpu.memory_space<vmem>>, vector<16xi32>,
    %add3A_964 = arith.constant 80 : i32
    %add3A_965 = vector.broadcast %add3A_964 : i32 to vector<16xi32>
    %add3A_966 = arith.addi %iota3A, %add3A_965 : vector<16xi32>
    %gather3A_967 = tpu.vector_load_idx %arg5[%add3A_966, %broadcast_in_dim3A_923] : memref<128x26xi32, #tpu.memory_space<vmem>>[vector<16xi32>, vector<16xi32>], vector<16xi32>,
    %swap3A_968 = arith.constant 14 : i32
    %swap3A_969 = arith.index_cast %swap3A_968 : i32 to index
    %swap3A_970 = arith.constant 80 : index
    %swap3A_971 = tpu.vector_load %arg6[%swap3A_969, %swap3A_970] {strides = array<i32>} : memref<26x128xi32, #tpu.memory_space<vmem>>, vector<16xi32>,
    tpu.vector_store %arg6[%swap3A_969, %swap3A_970], %gather3A_967 {strides = array<i32>} : memref<26x128xi32, #tpu.memory_space<vmem>>, vector<16xi32>,
    %add3A_972 = arith.constant 96 : i32
    %add3A_973 = vector.broadcast %add3A_972 : i32 to vector<16xi32>
    %add3A_974 = arith.addi %iota3A, %add3A_973 : vector<16xi32>
    %gather3A_975 = tpu.vector_load_idx %arg5[%add3A_974, %broadcast_in_dim3A_923] : memref<128x26xi32, #tpu.memory_space<vmem>>[vector<16xi32>, vector<16xi32>], vector<16xi32>,
    %swap3A_976 = arith.constant 14 : i32
    %swap3A_977 = arith.index_cast %swap3A_976 : i32 to index
    %swap3A_978 = arith.constant 96 : index
    %swap3A_979 = tpu.vector_load %arg6[%swap3A_977, %swap3A_978] {strides = array<i32>} : memref<26x128xi32, #tpu.memory_space<vmem>>, vector<16xi32>,
    tpu.vector_store %arg6[%swap3A_977, %swap3A_978], %gather3A_975 {strides = array<i32>} : memref<26x128xi32, #tpu.memory_space<vmem>>, vector<16xi32>,
    %add3A_980 = arith.constant 112 : i32
    %add3A_981 = vector.broadcast %add3A_980 : i32 to vector<16xi32>
    %add3A_982 = arith.addi %iota3A, %add3A_981 : vector<16xi32>
    %gather3A_983 = tpu.vector_load_idx %arg5[%add3A_982, %broadcast_in_dim3A_923] : memref<128x26xi32, #tpu.memory_space<vmem>>[vector<16xi32>, vector<16xi32>], vector<16xi32>,
    %swap3A_984 = arith.constant 14 : i32
    %swap3A_985 = arith.index_cast %swap3A_984 : i32 to index
    %swap3A_986 = arith.constant 112 : index
    %swap3A_987 = tpu.vector_load %arg6[%swap3A_985, %swap3A_986] {strides = array<i32>} : memref<26x128xi32, #tpu.memory_space<vmem>>, vector<16xi32>,
    tpu.vector_store %arg6[%swap3A_985, %swap3A_986], %gather3A_983 {strides = array<i32>} : memref<26x128xi32, #tpu.memory_space<vmem>>, vector<16xi32>,
    %broadcast_in_dim3A_988 = arith.constant 15 : i32
    %broadcast_in_dim3A_989 = vector.broadcast %broadcast_in_dim3A_988 : i32 to vector<16xi32>
    %add3A_990 = arith.constant 0 : i32
    %add3A_991 = vector.broadcast %add3A_990 : i32 to vector<16xi32>
    %add3A_992 = arith.addi %iota3A, %add3A_991 : vector<16xi32>
    %gather3A_993 = tpu.vector_load_idx %arg5[%add3A_992, %broadcast_in_dim3A_989] : memref<128x26xi32, #tpu.memory_space<vmem>>[vector<16xi32>, vector<16xi32>], vector<16xi32>,
    %swap3A_994 = arith.constant 15 : i32
    %swap3A_995 = arith.index_cast %swap3A_994 : i32 to index
    %swap3A_996 = arith.constant 0 : index
    %swap3A_997 = tpu.vector_load %arg6[%swap3A_995, %swap3A_996] {strides = array<i32>} : memref<26x128xi32, #tpu.memory_space<vmem>>, vector<16xi32>,
    tpu.vector_store %arg6[%swap3A_995, %swap3A_996], %gather3A_993 {strides = array<i32>} : memref<26x128xi32, #tpu.memory_space<vmem>>, vector<16xi32>,
    %add3A_998 = arith.constant 16 : i32
    %add3A_999 = vector.broadcast %add3A_998 : i32 to vector<16xi32>
    %add3A_1000 = arith.addi %iota3A, %add3A_999 : vector<16xi32>
    %gather3A_1001 = tpu.vector_load_idx %arg5[%add3A_1000, %broadcast_in_dim3A_989] : memref<128x26xi32, #tpu.memory_space<vmem>>[vector<16xi32>, vector<16xi32>], vector<16xi32>,
    %swap3A_1002 = arith.constant 15 : i32
    %swap3A_1003 = arith.index_cast %swap3A_1002 : i32 to index
    %swap3A_1004 = arith.constant 16 : index
    %swap3A_1005 = tpu.vector_load %arg6[%swap3A_1003, %swap3A_1004] {strides = array<i32>} : memref<26x128xi32, #tpu.memory_space<vmem>>, vector<16xi32>,
    tpu.vector_store %arg6[%swap3A_1003, %swap3A_1004], %gather3A_1001 {strides = array<i32>} : memref<26x128xi32, #tpu.memory_space<vmem>>, vector<16xi32>,
    %add3A_1006 = arith.constant 32 : i32
    %add3A_1007 = vector.broadcast %add3A_1006 : i32 to vector<16xi32>
    %add3A_1008 = arith.addi %iota3A, %add3A_1007 : vector<16xi32>
    %gather3A_1009 = tpu.vector_load_idx %arg5[%add3A_1008, %broadcast_in_dim3A_989] : memref<128x26xi32, #tpu.memory_space<vmem>>[vector<16xi32>, vector<16xi32>], vector<16xi32>,
    %swap3A_1010 = arith.constant 15 : i32
    %swap3A_1011 = arith.index_cast %swap3A_1010 : i32 to index
    %swap3A_1012 = arith.constant 32 : index
    %swap3A_1013 = tpu.vector_load %arg6[%swap3A_1011, %swap3A_1012] {strides = array<i32>} : memref<26x128xi32, #tpu.memory_space<vmem>>, vector<16xi32>,
    tpu.vector_store %arg6[%swap3A_1011, %swap3A_1012], %gather3A_1009 {strides = array<i32>} : memref<26x128xi32, #tpu.memory_space<vmem>>, vector<16xi32>,
    %add3A_1014 = arith.constant 48 : i32
    %add3A_1015 = vector.broadcast %add3A_1014 : i32 to vector<16xi32>
    %add3A_1016 = arith.addi %iota3A, %add3A_1015 : vector<16xi32>
    %gather3A_1017 = tpu.vector_load_idx %arg5[%add3A_1016, %broadcast_in_dim3A_989] : memref<128x26xi32, #tpu.memory_space<vmem>>[vector<16xi32>, vector<16xi32>], vector<16xi32>,
    %swap3A_1018 = arith.constant 15 : i32
    %swap3A_1019 = arith.index_cast %swap3A_1018 : i32 to index
    %swap3A_1020 = arith.constant 48 : index
    %swap3A_1021 = tpu.vector_load %arg6[%swap3A_1019, %swap3A_1020] {strides = array<i32>} : memref<26x128xi32, #tpu.memory_space<vmem>>, vector<16xi32>,
    tpu.vector_store %arg6[%swap3A_1019, %swap3A_1020], %gather3A_1017 {strides = array<i32>} : memref<26x128xi32, #tpu.memory_space<vmem>>, vector<16xi32>,
    %add3A_1022 = arith.constant 64 : i32
    %add3A_1023 = vector.broadcast %add3A_1022 : i32 to vector<16xi32>
    %add3A_1024 = arith.addi %iota3A, %add3A_1023 : vector<16xi32>
    %gather3A_1025 = tpu.vector_load_idx %arg5[%add3A_1024, %broadcast_in_dim3A_989] : memref<128x26xi32, #tpu.memory_space<vmem>>[vector<16xi32>, vector<16xi32>], vector<16xi32>,
    %swap3A_1026 = arith.constant 15 : i32
    %swap3A_1027 = arith.index_cast %swap3A_1026 : i32 to index
    %swap3A_1028 = arith.constant 64 : index
    %swap3A_1029 = tpu.vector_load %arg6[%swap3A_1027, %swap3A_1028] {strides = array<i32>} : memref<26x128xi32, #tpu.memory_space<vmem>>, vector<16xi32>,
    tpu.vector_store %arg6[%swap3A_1027, %swap3A_1028], %gather3A_1025 {strides = array<i32>} : memref<26x128xi32, #tpu.memory_space<vmem>>, vector<16xi32>,
    %add3A_1030 = arith.constant 80 : i32
    %add3A_1031 = vector.broadcast %add3A_1030 : i32 to vector<16xi32>
    %add3A_1032 = arith.addi %iota3A, %add3A_1031 : vector<16xi32>
    %gather3A_1033 = tpu.vector_load_idx %arg5[%add3A_1032, %broadcast_in_dim3A_989] : memref<128x26xi32, #tpu.memory_space<vmem>>[vector<16xi32>, vector<16xi32>], vector<16xi32>,
    %swap3A_1034 = arith.constant 15 : i32
    %swap3A_1035 = arith.index_cast %swap3A_1034 : i32 to index
    %swap3A_1036 = arith.constant 80 : index
    %swap3A_1037 = tpu.vector_load %arg6[%swap3A_1035, %swap3A_1036] {strides = array<i32>} : memref<26x128xi32, #tpu.memory_space<vmem>>, vector<16xi32>,
    tpu.vector_store %arg6[%swap3A_1035, %swap3A_1036], %gather3A_1033 {strides = array<i32>} : memref<26x128xi32, #tpu.memory_space<vmem>>, vector<16xi32>,
    %add3A_1038 = arith.constant 96 : i32
    %add3A_1039 = vector.broadcast %add3A_1038 : i32 to vector<16xi32>
    %add3A_1040 = arith.addi %iota3A, %add3A_1039 : vector<16xi32>
    %gather3A_1041 = tpu.vector_load_idx %arg5[%add3A_1040, %broadcast_in_dim3A_989] : memref<128x26xi32, #tpu.memory_space<vmem>>[vector<16xi32>, vector<16xi32>], vector<16xi32>,
    %swap3A_1042 = arith.constant 15 : i32
    %swap3A_1043 = arith.index_cast %swap3A_1042 : i32 to index
    %swap3A_1044 = arith.constant 96 : index
    %swap3A_1045 = tpu.vector_load %arg6[%swap3A_1043, %swap3A_1044] {strides = array<i32>} : memref<26x128xi32, #tpu.memory_space<vmem>>, vector<16xi32>,
    tpu.vector_store %arg6[%swap3A_1043, %swap3A_1044], %gather3A_1041 {strides = array<i32>} : memref<26x128xi32, #tpu.memory_space<vmem>>, vector<16xi32>,
    %add3A_1046 = arith.constant 112 : i32
    %add3A_1047 = vector.broadcast %add3A_1046 : i32 to vector<16xi32>
    %add3A_1048 = arith.addi %iota3A, %add3A_1047 : vector<16xi32>
    %gather3A_1049 = tpu.vector_load_idx %arg5[%add3A_1048, %broadcast_in_dim3A_989] : memref<128x26xi32, #tpu.memory_space<vmem>>[vector<16xi32>, vector<16xi32>], vector<16xi32>,
    %swap3A_1050 = arith.constant 15 : i32
    %swap3A_1051 = arith.index_cast %swap3A_1050 : i32 to index
    %swap3A_1052 = arith.constant 112 : index
    %swap3A_1053 = tpu.vector_load %arg6[%swap3A_1051, %swap3A_1052] {strides = array<i32>} : memref<26x128xi32, #tpu.memory_space<vmem>>, vector<16xi32>,
    tpu.vector_store %arg6[%swap3A_1051, %swap3A_1052], %gather3A_1049 {strides = array<i32>} : memref<26x128xi32, #tpu.memory_space<vmem>>, vector<16xi32>,
    %broadcast_in_dim3A_1054 = arith.constant 16 : i32
    %broadcast_in_dim3A_1055 = vector.broadcast %broadcast_in_dim3A_1054 : i32 to vector<16xi32>
    %add3A_1056 = arith.constant 0 : i32
    %add3A_1057 = vector.broadcast %add3A_1056 : i32 to vector<16xi32>
    %add3A_1058 = arith.addi %iota3A, %add3A_1057 : vector<16xi32>
    %gather3A_1059 = tpu.vector_load_idx %arg5[%add3A_1058, %broadcast_in_dim3A_1055] : memref<128x26xi32, #tpu.memory_space<vmem>>[vector<16xi32>, vector<16xi32>], vector<16xi32>,
    %swap3A_1060 = arith.constant 16 : i32
    %swap3A_1061 = arith.index_cast %swap3A_1060 : i32 to index
    %swap3A_1062 = arith.constant 0 : index
    %swap3A_1063 = tpu.vector_load %arg6[%swap3A_1061, %swap3A_1062] {strides = array<i32>} : memref<26x128xi32, #tpu.memory_space<vmem>>, vector<16xi32>,
    tpu.vector_store %arg6[%swap3A_1061, %swap3A_1062], %gather3A_1059 {strides = array<i32>} : memref<26x128xi32, #tpu.memory_space<vmem>>, vector<16xi32>,
    %add3A_1064 = arith.constant 16 : i32
    %add3A_1065 = vector.broadcast %add3A_1064 : i32 to vector<16xi32>
    %add3A_1066 = arith.addi %iota3A, %add3A_1065 : vector<16xi32>
    %gather3A_1067 = tpu.vector_load_idx %arg5[%add3A_1066, %broadcast_in_dim3A_1055] : memref<128x26xi32, #tpu.memory_space<vmem>>[vector<16xi32>, vector<16xi32>], vector<16xi32>,
    %swap3A_1068 = arith.constant 16 : i32
    %swap3A_1069 = arith.index_cast %swap3A_1068 : i32 to index
    %swap3A_1070 = arith.constant 16 : index
    %swap3A_1071 = tpu.vector_load %arg6[%swap3A_1069, %swap3A_1070] {strides = array<i32>} : memref<26x128xi32, #tpu.memory_space<vmem>>, vector<16xi32>,
    tpu.vector_store %arg6[%swap3A_1069, %swap3A_1070], %gather3A_1067 {strides = array<i32>} : memref<26x128xi32, #tpu.memory_space<vmem>>, vector<16xi32>,
    %add3A_1072 = arith.constant 32 : i32
    %add3A_1073 = vector.broadcast %add3A_1072 : i32 to vector<16xi32>
    %add3A_1074 = arith.addi %iota3A, %add3A_1073 : vector<16xi32>
    %gather3A_1075 = tpu.vector_load_idx %arg5[%add3A_1074, %broadcast_in_dim3A_1055] : memref<128x26xi32, #tpu.memory_space<vmem>>[vector<16xi32>, vector<16xi32>], vector<16xi32>,
    %swap3A_1076 = arith.constant 16 : i32
    %swap3A_1077 = arith.index_cast %swap3A_1076 : i32 to index
    %swap3A_1078 = arith.constant 32 : index
    %swap3A_1079 = tpu.vector_load %arg6[%swap3A_1077, %swap3A_1078] {strides = array<i32>} : memref<26x128xi32, #tpu.memory_space<vmem>>, vector<16xi32>,
    tpu.vector_store %arg6[%swap3A_1077, %swap3A_1078], %gather3A_1075 {strides = array<i32>} : memref<26x128xi32, #tpu.memory_space<vmem>>, vector<16xi32>,
    %add3A_1080 = arith.constant 48 : i32
    %add3A_1081 = vector.broadcast %add3A_1080 : i32 to vector<16xi32>
    %add3A_1082 = arith.addi %iota3A, %add3A_1081 : vector<16xi32>
    %gather3A_1083 = tpu.vector_load_idx %arg5[%add3A_1082, %broadcast_in_dim3A_1055] : memref<128x26xi32, #tpu.memory_space<vmem>>[vector<16xi32>, vector<16xi32>], vector<16xi32>,
    %swap3A_1084 = arith.constant 16 : i32
    %swap3A_1085 = arith.index_cast %swap3A_1084 : i32 to index
    %swap3A_1086 = arith.constant 48 : index
    %swap3A_1087 = tpu.vector_load %arg6[%swap3A_1085, %swap3A_1086] {strides = array<i32>} : memref<26x128xi32, #tpu.memory_space<vmem>>, vector<16xi32>,
    tpu.vector_store %arg6[%swap3A_1085, %swap3A_1086], %gather3A_1083 {strides = array<i32>} : memref<26x128xi32, #tpu.memory_space<vmem>>, vector<16xi32>,
    %add3A_1088 = arith.constant 64 : i32
    %add3A_1089 = vector.broadcast %add3A_1088 : i32 to vector<16xi32>
    %add3A_1090 = arith.addi %iota3A, %add3A_1089 : vector<16xi32>
    %gather3A_1091 = tpu.vector_load_idx %arg5[%add3A_1090, %broadcast_in_dim3A_1055] : memref<128x26xi32, #tpu.memory_space<vmem>>[vector<16xi32>, vector<16xi32>], vector<16xi32>,
    %swap3A_1092 = arith.constant 16 : i32
    %swap3A_1093 = arith.index_cast %swap3A_1092 : i32 to index
    %swap3A_1094 = arith.constant 64 : index
    %swap3A_1095 = tpu.vector_load %arg6[%swap3A_1093, %swap3A_1094] {strides = array<i32>} : memref<26x128xi32, #tpu.memory_space<vmem>>, vector<16xi32>,
    tpu.vector_store %arg6[%swap3A_1093, %swap3A_1094], %gather3A_1091 {strides = array<i32>} : memref<26x128xi32, #tpu.memory_space<vmem>>, vector<16xi32>,
    %add3A_1096 = arith.constant 80 : i32
    %add3A_1097 = vector.broadcast %add3A_1096 : i32 to vector<16xi32>
    %add3A_1098 = arith.addi %iota3A, %add3A_1097 : vector<16xi32>
    %gather3A_1099 = tpu.vector_load_idx %arg5[%add3A_1098, %broadcast_in_dim3A_1055] : memref<128x26xi32, #tpu.memory_space<vmem>>[vector<16xi32>, vector<16xi32>], vector<16xi32>,
    %swap3A_1100 = arith.constant 16 : i32
    %swap3A_1101 = arith.index_cast %swap3A_1100 : i32 to index
    %swap3A_1102 = arith.constant 80 : index
    %swap3A_1103 = tpu.vector_load %arg6[%swap3A_1101, %swap3A_1102] {strides = array<i32>} : memref<26x128xi32, #tpu.memory_space<vmem>>, vector<16xi32>,
    tpu.vector_store %arg6[%swap3A_1101, %swap3A_1102], %gather3A_1099 {strides = array<i32>} : memref<26x128xi32, #tpu.memory_space<vmem>>, vector<16xi32>,
    %add3A_1104 = arith.constant 96 : i32
    %add3A_1105 = vector.broadcast %add3A_1104 : i32 to vector<16xi32>
    %add3A_1106 = arith.addi %iota3A, %add3A_1105 : vector<16xi32>
    %gather3A_1107 = tpu.vector_load_idx %arg5[%add3A_1106, %broadcast_in_dim3A_1055] : memref<128x26xi32, #tpu.memory_space<vmem>>[vector<16xi32>, vector<16xi32>], vector<16xi32>,
    %swap3A_1108 = arith.constant 16 : i32
    %swap3A_1109 = arith.index_cast %swap3A_1108 : i32 to index
    %swap3A_1110 = arith.constant 96 : index
    %swap3A_1111 = tpu.vector_load %arg6[%swap3A_1109, %swap3A_1110] {strides = array<i32>} : memref<26x128xi32, #tpu.memory_space<vmem>>, vector<16xi32>,
    tpu.vector_store %arg6[%swap3A_1109, %swap3A_1110], %gather3A_1107 {strides = array<i32>} : memref<26x128xi32, #tpu.memory_space<vmem>>, vector<16xi32>,
    %add3A_1112 = arith.constant 112 : i32
    %add3A_1113 = vector.broadcast %add3A_1112 : i32 to vector<16xi32>
    %add3A_1114 = arith.addi %iota3A, %add3A_1113 : vector<16xi32>
    %gather3A_1115 = tpu.vector_load_idx %arg5[%add3A_1114, %broadcast_in_dim3A_1055] : memref<128x26xi32, #tpu.memory_space<vmem>>[vector<16xi32>, vector<16xi32>], vector<16xi32>,
    %swap3A_1116 = arith.constant 16 : i32
    %swap3A_1117 = arith.index_cast %swap3A_1116 : i32 to index
    %swap3A_1118 = arith.constant 112 : index
    %swap3A_1119 = tpu.vector_load %arg6[%swap3A_1117, %swap3A_1118] {strides = array<i32>} : memref<26x128xi32, #tpu.memory_space<vmem>>, vector<16xi32>,
    tpu.vector_store %arg6[%swap3A_1117, %swap3A_1118], %gather3A_1115 {strides = array<i32>} : memref<26x128xi32, #tpu.memory_space<vmem>>, vector<16xi32>,
    %broadcast_in_dim3A_1120 = arith.constant 17 : i32
    %broadcast_in_dim3A_1121 = vector.broadcast %broadcast_in_dim3A_1120 : i32 to vector<16xi32>
    %add3A_1122 = arith.constant 0 : i32
    %add3A_1123 = vector.broadcast %add3A_1122 : i32 to vector<16xi32>
    %add3A_1124 = arith.addi %iota3A, %add3A_1123 : vector<16xi32>
    %gather3A_1125 = tpu.vector_load_idx %arg5[%add3A_1124, %broadcast_in_dim3A_1121] : memref<128x26xi32, #tpu.memory_space<vmem>>[vector<16xi32>, vector<16xi32>], vector<16xi32>,
    %swap3A_1126 = arith.constant 17 : i32
    %swap3A_1127 = arith.index_cast %swap3A_1126 : i32 to index
    %swap3A_1128 = arith.constant 0 : index
    %swap3A_1129 = tpu.vector_load %arg6[%swap3A_1127, %swap3A_1128] {strides = array<i32>} : memref<26x128xi32, #tpu.memory_space<vmem>>, vector<16xi32>,
    tpu.vector_store %arg6[%swap3A_1127, %swap3A_1128], %gather3A_1125 {strides = array<i32>} : memref<26x128xi32, #tpu.memory_space<vmem>>, vector<16xi32>,
    %add3A_1130 = arith.constant 16 : i32
    %add3A_1131 = vector.broadcast %add3A_1130 : i32 to vector<16xi32>
    %add3A_1132 = arith.addi %iota3A, %add3A_1131 : vector<16xi32>
    %gather3A_1133 = tpu.vector_load_idx %arg5[%add3A_1132, %broadcast_in_dim3A_1121] : memref<128x26xi32, #tpu.memory_space<vmem>>[vector<16xi32>, vector<16xi32>], vector<16xi32>,
    %swap3A_1134 = arith.constant 17 : i32
    %swap3A_1135 = arith.index_cast %swap3A_1134 : i32 to index
    %swap3A_1136 = arith.constant 16 : index
    %swap3A_1137 = tpu.vector_load %arg6[%swap3A_1135, %swap3A_1136] {strides = array<i32>} : memref<26x128xi32, #tpu.memory_space<vmem>>, vector<16xi32>,
    tpu.vector_store %arg6[%swap3A_1135, %swap3A_1136], %gather3A_1133 {strides = array<i32>} : memref<26x128xi32, #tpu.memory_space<vmem>>, vector<16xi32>,
    %add3A_1138 = arith.constant 32 : i32
    %add3A_1139 = vector.broadcast %add3A_1138 : i32 to vector<16xi32>
    %add3A_1140 = arith.addi %iota3A, %add3A_1139 : vector<16xi32>
    %gather3A_1141 = tpu.vector_load_idx %arg5[%add3A_1140, %broadcast_in_dim3A_1121] : memref<128x26xi32, #tpu.memory_space<vmem>>[vector<16xi32>, vector<16xi32>], vector<16xi32>,
    %swap3A_1142 = arith.constant 17 : i32
    %swap3A_1143 = arith.index_cast %swap3A_1142 : i32 to index
    %swap3A_1144 = arith.constant 32 : index
    %swap3A_1145 = tpu.vector_load %arg6[%swap3A_1143, %swap3A_1144] {strides = array<i32>} : memref<26x128xi32, #tpu.memory_space<vmem>>, vector<16xi32>,
    tpu.vector_store %arg6[%swap3A_1143, %swap3A_1144], %gather3A_1141 {strides = array<i32>} : memref<26x128xi32, #tpu.memory_space<vmem>>, vector<16xi32>,
    %add3A_1146 = arith.constant 48 : i32
    %add3A_1147 = vector.broadcast %add3A_1146 : i32 to vector<16xi32>
    %add3A_1148 = arith.addi %iota3A, %add3A_1147 : vector<16xi32>
    %gather3A_1149 = tpu.vector_load_idx %arg5[%add3A_1148, %broadcast_in_dim3A_1121] : memref<128x26xi32, #tpu.memory_space<vmem>>[vector<16xi32>, vector<16xi32>], vector<16xi32>,
    %swap3A_1150 = arith.constant 17 : i32
    %swap3A_1151 = arith.index_cast %swap3A_1150 : i32 to index
    %swap3A_1152 = arith.constant 48 : index
    %swap3A_1153 = tpu.vector_load %arg6[%swap3A_1151, %swap3A_1152] {strides = array<i32>} : memref<26x128xi32, #tpu.memory_space<vmem>>, vector<16xi32>,
    tpu.vector_store %arg6[%swap3A_1151, %swap3A_1152], %gather3A_1149 {strides = array<i32>} : memref<26x128xi32, #tpu.memory_space<vmem>>, vector<16xi32>,
    %add3A_1154 = arith.constant 64 : i32
    %add3A_1155 = vector.broadcast %add3A_1154 : i32 to vector<16xi32>
    %add3A_1156 = arith.addi %iota3A, %add3A_1155 : vector<16xi32>
    %gather3A_1157 = tpu.vector_load_idx %arg5[%add3A_1156, %broadcast_in_dim3A_1121] : memref<128x26xi32, #tpu.memory_space<vmem>>[vector<16xi32>, vector<16xi32>], vector<16xi32>,
    %swap3A_1158 = arith.constant 17 : i32
    %swap3A_1159 = arith.index_cast %swap3A_1158 : i32 to index
    %swap3A_1160 = arith.constant 64 : index
    %swap3A_1161 = tpu.vector_load %arg6[%swap3A_1159, %swap3A_1160] {strides = array<i32>} : memref<26x128xi32, #tpu.memory_space<vmem>>, vector<16xi32>,
    tpu.vector_store %arg6[%swap3A_1159, %swap3A_1160], %gather3A_1157 {strides = array<i32>} : memref<26x128xi32, #tpu.memory_space<vmem>>, vector<16xi32>,
    %add3A_1162 = arith.constant 80 : i32
    %add3A_1163 = vector.broadcast %add3A_1162 : i32 to vector<16xi32>
    %add3A_1164 = arith.addi %iota3A, %add3A_1163 : vector<16xi32>
    %gather3A_1165 = tpu.vector_load_idx %arg5[%add3A_1164, %broadcast_in_dim3A_1121] : memref<128x26xi32, #tpu.memory_space<vmem>>[vector<16xi32>, vector<16xi32>], vector<16xi32>,
    %swap3A_1166 = arith.constant 17 : i32
    %swap3A_1167 = arith.index_cast %swap3A_1166 : i32 to index
    %swap3A_1168 = arith.constant 80 : index
    %swap3A_1169 = tpu.vector_load %arg6[%swap3A_1167, %swap3A_1168] {strides = array<i32>} : memref<26x128xi32, #tpu.memory_space<vmem>>, vector<16xi32>,
    tpu.vector_store %arg6[%swap3A_1167, %swap3A_1168], %gather3A_1165 {strides = array<i32>} : memref<26x128xi32, #tpu.memory_space<vmem>>, vector<16xi32>,
    %add3A_1170 = arith.constant 96 : i32
    %add3A_1171 = vector.broadcast %add3A_1170 : i32 to vector<16xi32>
    %add3A_1172 = arith.addi %iota3A, %add3A_1171 : vector<16xi32>
    %gather3A_1173 = tpu.vector_load_idx %arg5[%add3A_1172, %broadcast_in_dim3A_1121] : memref<128x26xi32, #tpu.memory_space<vmem>>[vector<16xi32>, vector<16xi32>], vector<16xi32>,
    %swap3A_1174 = arith.constant 17 : i32
    %swap3A_1175 = arith.index_cast %swap3A_1174 : i32 to index
    %swap3A_1176 = arith.constant 96 : index
    %swap3A_1177 = tpu.vector_load %arg6[%swap3A_1175, %swap3A_1176] {strides = array<i32>} : memref<26x128xi32, #tpu.memory_space<vmem>>, vector<16xi32>,
    tpu.vector_store %arg6[%swap3A_1175, %swap3A_1176], %gather3A_1173 {strides = array<i32>} : memref<26x128xi32, #tpu.memory_space<vmem>>, vector<16xi32>,
    %add3A_1178 = arith.constant 112 : i32
    %add3A_1179 = vector.broadcast %add3A_1178 : i32 to vector<16xi32>
    %add3A_1180 = arith.addi %iota3A, %add3A_1179 : vector<16xi32>
    %gather3A_1181 = tpu.vector_load_idx %arg5[%add3A_1180, %broadcast_in_dim3A_1121] : memref<128x26xi32, #tpu.memory_space<vmem>>[vector<16xi32>, vector<16xi32>], vector<16xi32>,
    %swap3A_1182 = arith.constant 17 : i32
    %swap3A_1183 = arith.index_cast %swap3A_1182 : i32 to index
    %swap3A_1184 = arith.constant 112 : index
    %swap3A_1185 = tpu.vector_load %arg6[%swap3A_1183, %swap3A_1184] {strides = array<i32>} : memref<26x128xi32, #tpu.memory_space<vmem>>, vector<16xi32>,
    tpu.vector_store %arg6[%swap3A_1183, %swap3A_1184], %gather3A_1181 {strides = array<i32>} : memref<26x128xi32, #tpu.memory_space<vmem>>, vector<16xi32>,
    %broadcast_in_dim3A_1186 = arith.constant 18 : i32
    %broadcast_in_dim3A_1187 = vector.broadcast %broadcast_in_dim3A_1186 : i32 to vector<16xi32>
    %add3A_1188 = arith.constant 0 : i32
    %add3A_1189 = vector.broadcast %add3A_1188 : i32 to vector<16xi32>
    %add3A_1190 = arith.addi %iota3A, %add3A_1189 : vector<16xi32>
    %gather3A_1191 = tpu.vector_load_idx %arg5[%add3A_1190, %broadcast_in_dim3A_1187] : memref<128x26xi32, #tpu.memory_space<vmem>>[vector<16xi32>, vector<16xi32>], vector<16xi32>,
    %swap3A_1192 = arith.constant 18 : i32
    %swap3A_1193 = arith.index_cast %swap3A_1192 : i32 to index
    %swap3A_1194 = arith.constant 0 : index
    %swap3A_1195 = tpu.vector_load %arg6[%swap3A_1193, %swap3A_1194] {strides = array<i32>} : memref<26x128xi32, #tpu.memory_space<vmem>>, vector<16xi32>,
    tpu.vector_store %arg6[%swap3A_1193, %swap3A_1194], %gather3A_1191 {strides = array<i32>} : memref<26x128xi32, #tpu.memory_space<vmem>>, vector<16xi32>,
    %add3A_1196 = arith.constant 16 : i32
    %add3A_1197 = vector.broadcast %add3A_1196 : i32 to vector<16xi32>
    %add3A_1198 = arith.addi %iota3A, %add3A_1197 : vector<16xi32>
    %gather3A_1199 = tpu.vector_load_idx %arg5[%add3A_1198, %broadcast_in_dim3A_1187] : memref<128x26xi32, #tpu.memory_space<vmem>>[vector<16xi32>, vector<16xi32>], vector<16xi32>,
    %swap3A_1200 = arith.constant 18 : i32
    %swap3A_1201 = arith.index_cast %swap3A_1200 : i32 to index
    %swap3A_1202 = arith.constant 16 : index
    %swap3A_1203 = tpu.vector_load %arg6[%swap3A_1201, %swap3A_1202] {strides = array<i32>} : memref<26x128xi32, #tpu.memory_space<vmem>>, vector<16xi32>,
    tpu.vector_store %arg6[%swap3A_1201, %swap3A_1202], %gather3A_1199 {strides = array<i32>} : memref<26x128xi32, #tpu.memory_space<vmem>>, vector<16xi32>,
    %add3A_1204 = arith.constant 32 : i32
    %add3A_1205 = vector.broadcast %add3A_1204 : i32 to vector<16xi32>
    %add3A_1206 = arith.addi %iota3A, %add3A_1205 : vector<16xi32>
    %gather3A_1207 = tpu.vector_load_idx %arg5[%add3A_1206, %broadcast_in_dim3A_1187] : memref<128x26xi32, #tpu.memory_space<vmem>>[vector<16xi32>, vector<16xi32>], vector<16xi32>,
    %swap3A_1208 = arith.constant 18 : i32
    %swap3A_1209 = arith.index_cast %swap3A_1208 : i32 to index
    %swap3A_1210 = arith.constant 32 : index
    %swap3A_1211 = tpu.vector_load %arg6[%swap3A_1209, %swap3A_1210] {strides = array<i32>} : memref<26x128xi32, #tpu.memory_space<vmem>>, vector<16xi32>,
    tpu.vector_store %arg6[%swap3A_1209, %swap3A_1210], %gather3A_1207 {strides = array<i32>} : memref<26x128xi32, #tpu.memory_space<vmem>>, vector<16xi32>,
    %add3A_1212 = arith.constant 48 : i32
    %add3A_1213 = vector.broadcast %add3A_1212 : i32 to vector<16xi32>
    %add3A_1214 = arith.addi %iota3A, %add3A_1213 : vector<16xi32>
    %gather3A_1215 = tpu.vector_load_idx %arg5[%add3A_1214, %broadcast_in_dim3A_1187] : memref<128x26xi32, #tpu.memory_space<vmem>>[vector<16xi32>, vector<16xi32>], vector<16xi32>,
    %swap3A_1216 = arith.constant 18 : i32
    %swap3A_1217 = arith.index_cast %swap3A_1216 : i32 to index
    %swap3A_1218 = arith.constant 48 : index
    %swap3A_1219 = tpu.vector_load %arg6[%swap3A_1217, %swap3A_1218] {strides = array<i32>} : memref<26x128xi32, #tpu.memory_space<vmem>>, vector<16xi32>,
    tpu.vector_store %arg6[%swap3A_1217, %swap3A_1218], %gather3A_1215 {strides = array<i32>} : memref<26x128xi32, #tpu.memory_space<vmem>>, vector<16xi32>,
    %add3A_1220 = arith.constant 64 : i32
    %add3A_1221 = vector.broadcast %add3A_1220 : i32 to vector<16xi32>
    %add3A_1222 = arith.addi %iota3A, %add3A_1221 : vector<16xi32>
    %gather3A_1223 = tpu.vector_load_idx %arg5[%add3A_1222, %broadcast_in_dim3A_1187] : memref<128x26xi32, #tpu.memory_space<vmem>>[vector<16xi32>, vector<16xi32>], vector<16xi32>,
    %swap3A_1224 = arith.constant 18 : i32
    %swap3A_1225 = arith.index_cast %swap3A_1224 : i32 to index
    %swap3A_1226 = arith.constant 64 : index
    %swap3A_1227 = tpu.vector_load %arg6[%swap3A_1225, %swap3A_1226] {strides = array<i32>} : memref<26x128xi32, #tpu.memory_space<vmem>>, vector<16xi32>,
    tpu.vector_store %arg6[%swap3A_1225, %swap3A_1226], %gather3A_1223 {strides = array<i32>} : memref<26x128xi32, #tpu.memory_space<vmem>>, vector<16xi32>,
    %add3A_1228 = arith.constant 80 : i32
    %add3A_1229 = vector.broadcast %add3A_1228 : i32 to vector<16xi32>
    %add3A_1230 = arith.addi %iota3A, %add3A_1229 : vector<16xi32>
    %gather3A_1231 = tpu.vector_load_idx %arg5[%add3A_1230, %broadcast_in_dim3A_1187] : memref<128x26xi32, #tpu.memory_space<vmem>>[vector<16xi32>, vector<16xi32>], vector<16xi32>,
    %swap3A_1232 = arith.constant 18 : i32
    %swap3A_1233 = arith.index_cast %swap3A_1232 : i32 to index
    %swap3A_1234 = arith.constant 80 : index
    %swap3A_1235 = tpu.vector_load %arg6[%swap3A_1233, %swap3A_1234] {strides = array<i32>} : memref<26x128xi32, #tpu.memory_space<vmem>>, vector<16xi32>,
    tpu.vector_store %arg6[%swap3A_1233, %swap3A_1234], %gather3A_1231 {strides = array<i32>} : memref<26x128xi32, #tpu.memory_space<vmem>>, vector<16xi32>,
    %add3A_1236 = arith.constant 96 : i32
    %add3A_1237 = vector.broadcast %add3A_1236 : i32 to vector<16xi32>
    %add3A_1238 = arith.addi %iota3A, %add3A_1237 : vector<16xi32>
    %gather3A_1239 = tpu.vector_load_idx %arg5[%add3A_1238, %broadcast_in_dim3A_1187] : memref<128x26xi32, #tpu.memory_space<vmem>>[vector<16xi32>, vector<16xi32>], vector<16xi32>,
    %swap3A_1240 = arith.constant 18 : i32
    %swap3A_1241 = arith.index_cast %swap3A_1240 : i32 to index
    %swap3A_1242 = arith.constant 96 : index
    %swap3A_1243 = tpu.vector_load %arg6[%swap3A_1241, %swap3A_1242] {strides = array<i32>} : memref<26x128xi32, #tpu.memory_space<vmem>>, vector<16xi32>,
    tpu.vector_store %arg6[%swap3A_1241, %swap3A_1242], %gather3A_1239 {strides = array<i32>} : memref<26x128xi32, #tpu.memory_space<vmem>>, vector<16xi32>,
    %add3A_1244 = arith.constant 112 : i32
    %add3A_1245 = vector.broadcast %add3A_1244 : i32 to vector<16xi32>
    %add3A_1246 = arith.addi %iota3A, %add3A_1245 : vector<16xi32>
    %gather3A_1247 = tpu.vector_load_idx %arg5[%add3A_1246, %broadcast_in_dim3A_1187] : memref<128x26xi32, #tpu.memory_space<vmem>>[vector<16xi32>, vector<16xi32>], vector<16xi32>,
    %swap3A_1248 = arith.constant 18 : i32
    %swap3A_1249 = arith.index_cast %swap3A_1248 : i32 to index
    %swap3A_1250 = arith.constant 112 : index
    %swap3A_1251 = tpu.vector_load %arg6[%swap3A_1249, %swap3A_1250] {strides = array<i32>} : memref<26x128xi32, #tpu.memory_space<vmem>>, vector<16xi32>,
    tpu.vector_store %arg6[%swap3A_1249, %swap3A_1250], %gather3A_1247 {strides = array<i32>} : memref<26x128xi32, #tpu.memory_space<vmem>>, vector<16xi32>,
    %broadcast_in_dim3A_1252 = arith.constant 19 : i32
    %broadcast_in_dim3A_1253 = vector.broadcast %broadcast_in_dim3A_1252 : i32 to vector<16xi32>
    %add3A_1254 = arith.constant 0 : i32
    %add3A_1255 = vector.broadcast %add3A_1254 : i32 to vector<16xi32>
    %add3A_1256 = arith.addi %iota3A, %add3A_1255 : vector<16xi32>
    %gather3A_1257 = tpu.vector_load_idx %arg5[%add3A_1256, %broadcast_in_dim3A_1253] : memref<128x26xi32, #tpu.memory_space<vmem>>[vector<16xi32>, vector<16xi32>], vector<16xi32>,
    %swap3A_1258 = arith.constant 19 : i32
    %swap3A_1259 = arith.index_cast %swap3A_1258 : i32 to index
    %swap3A_1260 = arith.constant 0 : index
    %swap3A_1261 = tpu.vector_load %arg6[%swap3A_1259, %swap3A_1260] {strides = array<i32>} : memref<26x128xi32, #tpu.memory_space<vmem>>, vector<16xi32>,
    tpu.vector_store %arg6[%swap3A_1259, %swap3A_1260], %gather3A_1257 {strides = array<i32>} : memref<26x128xi32, #tpu.memory_space<vmem>>, vector<16xi32>,
    %add3A_1262 = arith.constant 16 : i32
    %add3A_1263 = vector.broadcast %add3A_1262 : i32 to vector<16xi32>
    %add3A_1264 = arith.addi %iota3A, %add3A_1263 : vector<16xi32>
    %gather3A_1265 = tpu.vector_load_idx %arg5[%add3A_1264, %broadcast_in_dim3A_1253] : memref<128x26xi32, #tpu.memory_space<vmem>>[vector<16xi32>, vector<16xi32>], vector<16xi32>,
    %swap3A_1266 = arith.constant 19 : i32
    %swap3A_1267 = arith.index_cast %swap3A_1266 : i32 to index
    %swap3A_1268 = arith.constant 16 : index
    %swap3A_1269 = tpu.vector_load %arg6[%swap3A_1267, %swap3A_1268] {strides = array<i32>} : memref<26x128xi32, #tpu.memory_space<vmem>>, vector<16xi32>,
    tpu.vector_store %arg6[%swap3A_1267, %swap3A_1268], %gather3A_1265 {strides = array<i32>} : memref<26x128xi32, #tpu.memory_space<vmem>>, vector<16xi32>,
    %add3A_1270 = arith.constant 32 : i32
    %add3A_1271 = vector.broadcast %add3A_1270 : i32 to vector<16xi32>
    %add3A_1272 = arith.addi %iota3A, %add3A_1271 : vector<16xi32>
    %gather3A_1273 = tpu.vector_load_idx %arg5[%add3A_1272, %broadcast_in_dim3A_1253] : memref<128x26xi32, #tpu.memory_space<vmem>>[vector<16xi32>, vector<16xi32>], vector<16xi32>,
    %swap3A_1274 = arith.constant 19 : i32
    %swap3A_1275 = arith.index_cast %swap3A_1274 : i32 to index
    %swap3A_1276 = arith.constant 32 : index
    %swap3A_1277 = tpu.vector_load %arg6[%swap3A_1275, %swap3A_1276] {strides = array<i32>} : memref<26x128xi32, #tpu.memory_space<vmem>>, vector<16xi32>,
    tpu.vector_store %arg6[%swap3A_1275, %swap3A_1276], %gather3A_1273 {strides = array<i32>} : memref<26x128xi32, #tpu.memory_space<vmem>>, vector<16xi32>,
    %add3A_1278 = arith.constant 48 : i32
    %add3A_1279 = vector.broadcast %add3A_1278 : i32 to vector<16xi32>
    %add3A_1280 = arith.addi %iota3A, %add3A_1279 : vector<16xi32>
    %gather3A_1281 = tpu.vector_load_idx %arg5[%add3A_1280, %broadcast_in_dim3A_1253] : memref<128x26xi32, #tpu.memory_space<vmem>>[vector<16xi32>, vector<16xi32>], vector<16xi32>,
    %swap3A_1282 = arith.constant 19 : i32
    %swap3A_1283 = arith.index_cast %swap3A_1282 : i32 to index
    %swap3A_1284 = arith.constant 48 : index
    %swap3A_1285 = tpu.vector_load %arg6[%swap3A_1283, %swap3A_1284] {strides = array<i32>} : memref<26x128xi32, #tpu.memory_space<vmem>>, vector<16xi32>,
    tpu.vector_store %arg6[%swap3A_1283, %swap3A_1284], %gather3A_1281 {strides = array<i32>} : memref<26x128xi32, #tpu.memory_space<vmem>>, vector<16xi32>,
    %add3A_1286 = arith.constant 64 : i32
    %add3A_1287 = vector.broadcast %add3A_1286 : i32 to vector<16xi32>
    %add3A_1288 = arith.addi %iota3A, %add3A_1287 : vector<16xi32>
    %gather3A_1289 = tpu.vector_load_idx %arg5[%add3A_1288, %broadcast_in_dim3A_1253] : memref<128x26xi32, #tpu.memory_space<vmem>>[vector<16xi32>, vector<16xi32>], vector<16xi32>,
    %swap3A_1290 = arith.constant 19 : i32
    %swap3A_1291 = arith.index_cast %swap3A_1290 : i32 to index
    %swap3A_1292 = arith.constant 64 : index
    %swap3A_1293 = tpu.vector_load %arg6[%swap3A_1291, %swap3A_1292] {strides = array<i32>} : memref<26x128xi32, #tpu.memory_space<vmem>>, vector<16xi32>,
    tpu.vector_store %arg6[%swap3A_1291, %swap3A_1292], %gather3A_1289 {strides = array<i32>} : memref<26x128xi32, #tpu.memory_space<vmem>>, vector<16xi32>,
    %add3A_1294 = arith.constant 80 : i32
    %add3A_1295 = vector.broadcast %add3A_1294 : i32 to vector<16xi32>
    %add3A_1296 = arith.addi %iota3A, %add3A_1295 : vector<16xi32>
    %gather3A_1297 = tpu.vector_load_idx %arg5[%add3A_1296, %broadcast_in_dim3A_1253] : memref<128x26xi32, #tpu.memory_space<vmem>>[vector<16xi32>, vector<16xi32>], vector<16xi32>,
    %swap3A_1298 = arith.constant 19 : i32
    %swap3A_1299 = arith.index_cast %swap3A_1298 : i32 to index
    %swap3A_1300 = arith.constant 80 : index
    %swap3A_1301 = tpu.vector_load %arg6[%swap3A_1299, %swap3A_1300] {strides = array<i32>} : memref<26x128xi32, #tpu.memory_space<vmem>>, vector<16xi32>,
    tpu.vector_store %arg6[%swap3A_1299, %swap3A_1300], %gather3A_1297 {strides = array<i32>} : memref<26x128xi32, #tpu.memory_space<vmem>>, vector<16xi32>,
    %add3A_1302 = arith.constant 96 : i32
    %add3A_1303 = vector.broadcast %add3A_1302 : i32 to vector<16xi32>
    %add3A_1304 = arith.addi %iota3A, %add3A_1303 : vector<16xi32>
    %gather3A_1305 = tpu.vector_load_idx %arg5[%add3A_1304, %broadcast_in_dim3A_1253] : memref<128x26xi32, #tpu.memory_space<vmem>>[vector<16xi32>, vector<16xi32>], vector<16xi32>,
    %swap3A_1306 = arith.constant 19 : i32
    %swap3A_1307 = arith.index_cast %swap3A_1306 : i32 to index
    %swap3A_1308 = arith.constant 96 : index
    %swap3A_1309 = tpu.vector_load %arg6[%swap3A_1307, %swap3A_1308] {strides = array<i32>} : memref<26x128xi32, #tpu.memory_space<vmem>>, vector<16xi32>,
    tpu.vector_store %arg6[%swap3A_1307, %swap3A_1308], %gather3A_1305 {strides = array<i32>} : memref<26x128xi32, #tpu.memory_space<vmem>>, vector<16xi32>,
    %add3A_1310 = arith.constant 112 : i32
    %add3A_1311 = vector.broadcast %add3A_1310 : i32 to vector<16xi32>
    %add3A_1312 = arith.addi %iota3A, %add3A_1311 : vector<16xi32>
    %gather3A_1313 = tpu.vector_load_idx %arg5[%add3A_1312, %broadcast_in_dim3A_1253] : memref<128x26xi32, #tpu.memory_space<vmem>>[vector<16xi32>, vector<16xi32>], vector<16xi32>,
    %swap3A_1314 = arith.constant 19 : i32
    %swap3A_1315 = arith.index_cast %swap3A_1314 : i32 to index
    %swap3A_1316 = arith.constant 112 : index
    %swap3A_1317 = tpu.vector_load %arg6[%swap3A_1315, %swap3A_1316] {strides = array<i32>} : memref<26x128xi32, #tpu.memory_space<vmem>>, vector<16xi32>,
    tpu.vector_store %arg6[%swap3A_1315, %swap3A_1316], %gather3A_1313 {strides = array<i32>} : memref<26x128xi32, #tpu.memory_space<vmem>>, vector<16xi32>,
    %broadcast_in_dim3A_1318 = arith.constant 20 : i32
    %broadcast_in_dim3A_1319 = vector.broadcast %broadcast_in_dim3A_1318 : i32 to vector<16xi32>
    %add3A_1320 = arith.constant 0 : i32
    %add3A_1321 = vector.broadcast %add3A_1320 : i32 to vector<16xi32>
    %add3A_1322 = arith.addi %iota3A, %add3A_1321 : vector<16xi32>
    %gather3A_1323 = tpu.vector_load_idx %arg5[%add3A_1322, %broadcast_in_dim3A_1319] : memref<128x26xi32, #tpu.memory_space<vmem>>[vector<16xi32>, vector<16xi32>], vector<16xi32>,
    %swap3A_1324 = arith.constant 20 : i32
    %swap3A_1325 = arith.index_cast %swap3A_1324 : i32 to index
    %swap3A_1326 = arith.constant 0 : index
    %swap3A_1327 = tpu.vector_load %arg6[%swap3A_1325, %swap3A_1326] {strides = array<i32>} : memref<26x128xi32, #tpu.memory_space<vmem>>, vector<16xi32>,
    tpu.vector_store %arg6[%swap3A_1325, %swap3A_1326], %gather3A_1323 {strides = array<i32>} : memref<26x128xi32, #tpu.memory_space<vmem>>, vector<16xi32>,
    %add3A_1328 = arith.constant 16 : i32
    %add3A_1329 = vector.broadcast %add3A_1328 : i32 to vector<16xi32>
    %add3A_1330 = arith.addi %iota3A, %add3A_1329 : vector<16xi32>
    %gather3A_1331 = tpu.vector_load_idx %arg5[%add3A_1330, %broadcast_in_dim3A_1319] : memref<128x26xi32, #tpu.memory_space<vmem>>[vector<16xi32>, vector<16xi32>], vector<16xi32>,
    %swap3A_1332 = arith.constant 20 : i32
    %swap3A_1333 = arith.index_cast %swap3A_1332 : i32 to index
    %swap3A_1334 = arith.constant 16 : index
    %swap3A_1335 = tpu.vector_load %arg6[%swap3A_1333, %swap3A_1334] {strides = array<i32>} : memref<26x128xi32, #tpu.memory_space<vmem>>, vector<16xi32>,
    tpu.vector_store %arg6[%swap3A_1333, %swap3A_1334], %gather3A_1331 {strides = array<i32>} : memref<26x128xi32, #tpu.memory_space<vmem>>, vector<16xi32>,
    %add3A_1336 = arith.constant 32 : i32
    %add3A_1337 = vector.broadcast %add3A_1336 : i32 to vector<16xi32>
    %add3A_1338 = arith.addi %iota3A, %add3A_1337 : vector<16xi32>
    %gather3A_1339 = tpu.vector_load_idx %arg5[%add3A_1338, %broadcast_in_dim3A_1319] : memref<128x26xi32, #tpu.memory_space<vmem>>[vector<16xi32>, vector<16xi32>], vector<16xi32>,
    %swap3A_1340 = arith.constant 20 : i32
    %swap3A_1341 = arith.index_cast %swap3A_1340 : i32 to index
    %swap3A_1342 = arith.constant 32 : index
    %swap3A_1343 = tpu.vector_load %arg6[%swap3A_1341, %swap3A_1342] {strides = array<i32>} : memref<26x128xi32, #tpu.memory_space<vmem>>, vector<16xi32>,
    tpu.vector_store %arg6[%swap3A_1341, %swap3A_1342], %gather3A_1339 {strides = array<i32>} : memref<26x128xi32, #tpu.memory_space<vmem>>, vector<16xi32>,
    %add3A_1344 = arith.constant 48 : i32
    %add3A_1345 = vector.broadcast %add3A_1344 : i32 to vector<16xi32>
    %add3A_1346 = arith.addi %iota3A, %add3A_1345 : vector<16xi32>
    %gather3A_1347 = tpu.vector_load_idx %arg5[%add3A_1346, %broadcast_in_dim3A_1319] : memref<128x26xi32, #tpu.memory_space<vmem>>[vector<16xi32>, vector<16xi32>], vector<16xi32>,
    %swap3A_1348 = arith.constant 20 : i32
    %swap3A_1349 = arith.index_cast %swap3A_1348 : i32 to index
    %swap3A_1350 = arith.constant 48 : index
    %swap3A_1351 = tpu.vector_load %arg6[%swap3A_1349, %swap3A_1350] {strides = array<i32>} : memref<26x128xi32, #tpu.memory_space<vmem>>, vector<16xi32>,
    tpu.vector_store %arg6[%swap3A_1349, %swap3A_1350], %gather3A_1347 {strides = array<i32>} : memref<26x128xi32, #tpu.memory_space<vmem>>, vector<16xi32>,
    %add3A_1352 = arith.constant 64 : i32
    %add3A_1353 = vector.broadcast %add3A_1352 : i32 to vector<16xi32>
    %add3A_1354 = arith.addi %iota3A, %add3A_1353 : vector<16xi32>
    %gather3A_1355 = tpu.vector_load_idx %arg5[%add3A_1354, %broadcast_in_dim3A_1319] : memref<128x26xi32, #tpu.memory_space<vmem>>[vector<16xi32>, vector<16xi32>], vector<16xi32>,
    %swap3A_1356 = arith.constant 20 : i32
    %swap3A_1357 = arith.index_cast %swap3A_1356 : i32 to index
    %swap3A_1358 = arith.constant 64 : index
    %swap3A_1359 = tpu.vector_load %arg6[%swap3A_1357, %swap3A_1358] {strides = array<i32>} : memref<26x128xi32, #tpu.memory_space<vmem>>, vector<16xi32>,
    tpu.vector_store %arg6[%swap3A_1357, %swap3A_1358], %gather3A_1355 {strides = array<i32>} : memref<26x128xi32, #tpu.memory_space<vmem>>, vector<16xi32>,
    %add3A_1360 = arith.constant 80 : i32
    %add3A_1361 = vector.broadcast %add3A_1360 : i32 to vector<16xi32>
    %add3A_1362 = arith.addi %iota3A, %add3A_1361 : vector<16xi32>
    %gather3A_1363 = tpu.vector_load_idx %arg5[%add3A_1362, %broadcast_in_dim3A_1319] : memref<128x26xi32, #tpu.memory_space<vmem>>[vector<16xi32>, vector<16xi32>], vector<16xi32>,
    %swap3A_1364 = arith.constant 20 : i32
    %swap3A_1365 = arith.index_cast %swap3A_1364 : i32 to index
    %swap3A_1366 = arith.constant 80 : index
    %swap3A_1367 = tpu.vector_load %arg6[%swap3A_1365, %swap3A_1366] {strides = array<i32>} : memref<26x128xi32, #tpu.memory_space<vmem>>, vector<16xi32>,
    tpu.vector_store %arg6[%swap3A_1365, %swap3A_1366], %gather3A_1363 {strides = array<i32>} : memref<26x128xi32, #tpu.memory_space<vmem>>, vector<16xi32>,
    %add3A_1368 = arith.constant 96 : i32
    %add3A_1369 = vector.broadcast %add3A_1368 : i32 to vector<16xi32>
    %add3A_1370 = arith.addi %iota3A, %add3A_1369 : vector<16xi32>
    %gather3A_1371 = tpu.vector_load_idx %arg5[%add3A_1370, %broadcast_in_dim3A_1319] : memref<128x26xi32, #tpu.memory_space<vmem>>[vector<16xi32>, vector<16xi32>], vector<16xi32>,
    %swap3A_1372 = arith.constant 20 : i32
    %swap3A_1373 = arith.index_cast %swap3A_1372 : i32 to index
    %swap3A_1374 = arith.constant 96 : index
    %swap3A_1375 = tpu.vector_load %arg6[%swap3A_1373, %swap3A_1374] {strides = array<i32>} : memref<26x128xi32, #tpu.memory_space<vmem>>, vector<16xi32>,
    tpu.vector_store %arg6[%swap3A_1373, %swap3A_1374], %gather3A_1371 {strides = array<i32>} : memref<26x128xi32, #tpu.memory_space<vmem>>, vector<16xi32>,
    %add3A_1376 = arith.constant 112 : i32
    %add3A_1377 = vector.broadcast %add3A_1376 : i32 to vector<16xi32>
    %add3A_1378 = arith.addi %iota3A, %add3A_1377 : vector<16xi32>
    %gather3A_1379 = tpu.vector_load_idx %arg5[%add3A_1378, %broadcast_in_dim3A_1319] : memref<128x26xi32, #tpu.memory_space<vmem>>[vector<16xi32>, vector<16xi32>], vector<16xi32>,
    %swap3A_1380 = arith.constant 20 : i32
    %swap3A_1381 = arith.index_cast %swap3A_1380 : i32 to index
    %swap3A_1382 = arith.constant 112 : index
    %swap3A_1383 = tpu.vector_load %arg6[%swap3A_1381, %swap3A_1382] {strides = array<i32>} : memref<26x128xi32, #tpu.memory_space<vmem>>, vector<16xi32>,
    tpu.vector_store %arg6[%swap3A_1381, %swap3A_1382], %gather3A_1379 {strides = array<i32>} : memref<26x128xi32, #tpu.memory_space<vmem>>, vector<16xi32>,
    %broadcast_in_dim3A_1384 = arith.constant 21 : i32
    %broadcast_in_dim3A_1385 = vector.broadcast %broadcast_in_dim3A_1384 : i32 to vector<16xi32>
    %add3A_1386 = arith.constant 0 : i32
    %add3A_1387 = vector.broadcast %add3A_1386 : i32 to vector<16xi32>
    %add3A_1388 = arith.addi %iota3A, %add3A_1387 : vector<16xi32>
    %gather3A_1389 = tpu.vector_load_idx %arg5[%add3A_1388, %broadcast_in_dim3A_1385] : memref<128x26xi32, #tpu.memory_space<vmem>>[vector<16xi32>, vector<16xi32>], vector<16xi32>,
    %swap3A_1390 = arith.constant 21 : i32
    %swap3A_1391 = arith.index_cast %swap3A_1390 : i32 to index
    %swap3A_1392 = arith.constant 0 : index
    %swap3A_1393 = tpu.vector_load %arg6[%swap3A_1391, %swap3A_1392] {strides = array<i32>} : memref<26x128xi32, #tpu.memory_space<vmem>>, vector<16xi32>,
    tpu.vector_store %arg6[%swap3A_1391, %swap3A_1392], %gather3A_1389 {strides = array<i32>} : memref<26x128xi32, #tpu.memory_space<vmem>>, vector<16xi32>,
    %add3A_1394 = arith.constant 16 : i32
    %add3A_1395 = vector.broadcast %add3A_1394 : i32 to vector<16xi32>
    %add3A_1396 = arith.addi %iota3A, %add3A_1395 : vector<16xi32>
    %gather3A_1397 = tpu.vector_load_idx %arg5[%add3A_1396, %broadcast_in_dim3A_1385] : memref<128x26xi32, #tpu.memory_space<vmem>>[vector<16xi32>, vector<16xi32>], vector<16xi32>,
    %swap3A_1398 = arith.constant 21 : i32
    %swap3A_1399 = arith.index_cast %swap3A_1398 : i32 to index
    %swap3A_1400 = arith.constant 16 : index
    %swap3A_1401 = tpu.vector_load %arg6[%swap3A_1399, %swap3A_1400] {strides = array<i32>} : memref<26x128xi32, #tpu.memory_space<vmem>>, vector<16xi32>,
    tpu.vector_store %arg6[%swap3A_1399, %swap3A_1400], %gather3A_1397 {strides = array<i32>} : memref<26x128xi32, #tpu.memory_space<vmem>>, vector<16xi32>,
    %add3A_1402 = arith.constant 32 : i32
    %add3A_1403 = vector.broadcast %add3A_1402 : i32 to vector<16xi32>
    %add3A_1404 = arith.addi %iota3A, %add3A_1403 : vector<16xi32>
    %gather3A_1405 = tpu.vector_load_idx %arg5[%add3A_1404, %broadcast_in_dim3A_1385] : memref<128x26xi32, #tpu.memory_space<vmem>>[vector<16xi32>, vector<16xi32>], vector<16xi32>,
    %swap3A_1406 = arith.constant 21 : i32
    %swap3A_1407 = arith.index_cast %swap3A_1406 : i32 to index
    %swap3A_1408 = arith.constant 32 : index
    %swap3A_1409 = tpu.vector_load %arg6[%swap3A_1407, %swap3A_1408] {strides = array<i32>} : memref<26x128xi32, #tpu.memory_space<vmem>>, vector<16xi32>,
    tpu.vector_store %arg6[%swap3A_1407, %swap3A_1408], %gather3A_1405 {strides = array<i32>} : memref<26x128xi32, #tpu.memory_space<vmem>>, vector<16xi32>,
    %add3A_1410 = arith.constant 48 : i32
    %add3A_1411 = vector.broadcast %add3A_1410 : i32 to vector<16xi32>
    %add3A_1412 = arith.addi %iota3A, %add3A_1411 : vector<16xi32>
    %gather3A_1413 = tpu.vector_load_idx %arg5[%add3A_1412, %broadcast_in_dim3A_1385] : memref<128x26xi32, #tpu.memory_space<vmem>>[vector<16xi32>, vector<16xi32>], vector<16xi32>,
    %swap3A_1414 = arith.constant 21 : i32
    %swap3A_1415 = arith.index_cast %swap3A_1414 : i32 to index
    %swap3A_1416 = arith.constant 48 : index
    %swap3A_1417 = tpu.vector_load %arg6[%swap3A_1415, %swap3A_1416] {strides = array<i32>} : memref<26x128xi32, #tpu.memory_space<vmem>>, vector<16xi32>,
    tpu.vector_store %arg6[%swap3A_1415, %swap3A_1416], %gather3A_1413 {strides = array<i32>} : memref<26x128xi32, #tpu.memory_space<vmem>>, vector<16xi32>,
    %add3A_1418 = arith.constant 64 : i32
    %add3A_1419 = vector.broadcast %add3A_1418 : i32 to vector<16xi32>
    %add3A_1420 = arith.addi %iota3A, %add3A_1419 : vector<16xi32>
    %gather3A_1421 = tpu.vector_load_idx %arg5[%add3A_1420, %broadcast_in_dim3A_1385] : memref<128x26xi32, #tpu.memory_space<vmem>>[vector<16xi32>, vector<16xi32>], vector<16xi32>,
    %swap3A_1422 = arith.constant 21 : i32
    %swap3A_1423 = arith.index_cast %swap3A_1422 : i32 to index
    %swap3A_1424 = arith.constant 64 : index
    %swap3A_1425 = tpu.vector_load %arg6[%swap3A_1423, %swap3A_1424] {strides = array<i32>} : memref<26x128xi32, #tpu.memory_space<vmem>>, vector<16xi32>,
    tpu.vector_store %arg6[%swap3A_1423, %swap3A_1424], %gather3A_1421 {strides = array<i32>} : memref<26x128xi32, #tpu.memory_space<vmem>>, vector<16xi32>,
    %add3A_1426 = arith.constant 80 : i32
    %add3A_1427 = vector.broadcast %add3A_1426 : i32 to vector<16xi32>
    %add3A_1428 = arith.addi %iota3A, %add3A_1427 : vector<16xi32>
    %gather3A_1429 = tpu.vector_load_idx %arg5[%add3A_1428, %broadcast_in_dim3A_1385] : memref<128x26xi32, #tpu.memory_space<vmem>>[vector<16xi32>, vector<16xi32>], vector<16xi32>,
    %swap3A_1430 = arith.constant 21 : i32
    %swap3A_1431 = arith.index_cast %swap3A_1430 : i32 to index
    %swap3A_1432 = arith.constant 80 : index
    %swap3A_1433 = tpu.vector_load %arg6[%swap3A_1431, %swap3A_1432] {strides = array<i32>} : memref<26x128xi32, #tpu.memory_space<vmem>>, vector<16xi32>,
    tpu.vector_store %arg6[%swap3A_1431, %swap3A_1432], %gather3A_1429 {strides = array<i32>} : memref<26x128xi32, #tpu.memory_space<vmem>>, vector<16xi32>,
    %add3A_1434 = arith.constant 96 : i32
    %add3A_1435 = vector.broadcast %add3A_1434 : i32 to vector<16xi32>
    %add3A_1436 = arith.addi %iota3A, %add3A_1435 : vector<16xi32>
    %gather3A_1437 = tpu.vector_load_idx %arg5[%add3A_1436, %broadcast_in_dim3A_1385] : memref<128x26xi32, #tpu.memory_space<vmem>>[vector<16xi32>, vector<16xi32>], vector<16xi32>,
    %swap3A_1438 = arith.constant 21 : i32
    %swap3A_1439 = arith.index_cast %swap3A_1438 : i32 to index
    %swap3A_1440 = arith.constant 96 : index
    %swap3A_1441 = tpu.vector_load %arg6[%swap3A_1439, %swap3A_1440] {strides = array<i32>} : memref<26x128xi32, #tpu.memory_space<vmem>>, vector<16xi32>,
    tpu.vector_store %arg6[%swap3A_1439, %swap3A_1440], %gather3A_1437 {strides = array<i32>} : memref<26x128xi32, #tpu.memory_space<vmem>>, vector<16xi32>,
    %add3A_1442 = arith.constant 112 : i32
    %add3A_1443 = vector.broadcast %add3A_1442 : i32 to vector<16xi32>
    %add3A_1444 = arith.addi %iota3A, %add3A_1443 : vector<16xi32>
    %gather3A_1445 = tpu.vector_load_idx %arg5[%add3A_1444, %broadcast_in_dim3A_1385] : memref<128x26xi32, #tpu.memory_space<vmem>>[vector<16xi32>, vector<16xi32>], vector<16xi32>,
    %swap3A_1446 = arith.constant 21 : i32
    %swap3A_1447 = arith.index_cast %swap3A_1446 : i32 to index
    %swap3A_1448 = arith.constant 112 : index
    %swap3A_1449 = tpu.vector_load %arg6[%swap3A_1447, %swap3A_1448] {strides = array<i32>} : memref<26x128xi32, #tpu.memory_space<vmem>>, vector<16xi32>,
    tpu.vector_store %arg6[%swap3A_1447, %swap3A_1448], %gather3A_1445 {strides = array<i32>} : memref<26x128xi32, #tpu.memory_space<vmem>>, vector<16xi32>,
    %broadcast_in_dim3A_1450 = arith.constant 22 : i32
    %broadcast_in_dim3A_1451 = vector.broadcast %broadcast_in_dim3A_1450 : i32 to vector<16xi32>
    %add3A_1452 = arith.constant 0 : i32
    %add3A_1453 = vector.broadcast %add3A_1452 : i32 to vector<16xi32>
    %add3A_1454 = arith.addi %iota3A, %add3A_1453 : vector<16xi32>
    %gather3A_1455 = tpu.vector_load_idx %arg5[%add3A_1454, %broadcast_in_dim3A_1451] : memref<128x26xi32, #tpu.memory_space<vmem>>[vector<16xi32>, vector<16xi32>], vector<16xi32>,
    %swap3A_1456 = arith.constant 22 : i32
    %swap3A_1457 = arith.index_cast %swap3A_1456 : i32 to index
    %swap3A_1458 = arith.constant 0 : index
    %swap3A_1459 = tpu.vector_load %arg6[%swap3A_1457, %swap3A_1458] {strides = array<i32>} : memref<26x128xi32, #tpu.memory_space<vmem>>, vector<16xi32>,
    tpu.vector_store %arg6[%swap3A_1457, %swap3A_1458], %gather3A_1455 {strides = array<i32>} : memref<26x128xi32, #tpu.memory_space<vmem>>, vector<16xi32>,
    %add3A_1460 = arith.constant 16 : i32
    %add3A_1461 = vector.broadcast %add3A_1460 : i32 to vector<16xi32>
    %add3A_1462 = arith.addi %iota3A, %add3A_1461 : vector<16xi32>
    %gather3A_1463 = tpu.vector_load_idx %arg5[%add3A_1462, %broadcast_in_dim3A_1451] : memref<128x26xi32, #tpu.memory_space<vmem>>[vector<16xi32>, vector<16xi32>], vector<16xi32>,
    %swap3A_1464 = arith.constant 22 : i32
    %swap3A_1465 = arith.index_cast %swap3A_1464 : i32 to index
    %swap3A_1466 = arith.constant 16 : index
    %swap3A_1467 = tpu.vector_load %arg6[%swap3A_1465, %swap3A_1466] {strides = array<i32>} : memref<26x128xi32, #tpu.memory_space<vmem>>, vector<16xi32>,
    tpu.vector_store %arg6[%swap3A_1465, %swap3A_1466], %gather3A_1463 {strides = array<i32>} : memref<26x128xi32, #tpu.memory_space<vmem>>, vector<16xi32>,
    %add3A_1468 = arith.constant 32 : i32
    %add3A_1469 = vector.broadcast %add3A_1468 : i32 to vector<16xi32>
    %add3A_1470 = arith.addi %iota3A, %add3A_1469 : vector<16xi32>
    %gather3A_1471 = tpu.vector_load_idx %arg5[%add3A_1470, %broadcast_in_dim3A_1451] : memref<128x26xi32, #tpu.memory_space<vmem>>[vector<16xi32>, vector<16xi32>], vector<16xi32>,
    %swap3A_1472 = arith.constant 22 : i32
    %swap3A_1473 = arith.index_cast %swap3A_1472 : i32 to index
    %swap3A_1474 = arith.constant 32 : index
    %swap3A_1475 = tpu.vector_load %arg6[%swap3A_1473, %swap3A_1474] {strides = array<i32>} : memref<26x128xi32, #tpu.memory_space<vmem>>, vector<16xi32>,
    tpu.vector_store %arg6[%swap3A_1473, %swap3A_1474], %gather3A_1471 {strides = array<i32>} : memref<26x128xi32, #tpu.memory_space<vmem>>, vector<16xi32>,
    %add3A_1476 = arith.constant 48 : i32
    %add3A_1477 = vector.broadcast %add3A_1476 : i32 to vector<16xi32>
    %add3A_1478 = arith.addi %iota3A, %add3A_1477 : vector<16xi32>
    %gather3A_1479 = tpu.vector_load_idx %arg5[%add3A_1478, %broadcast_in_dim3A_1451] : memref<128x26xi32, #tpu.memory_space<vmem>>[vector<16xi32>, vector<16xi32>], vector<16xi32>,
    %swap3A_1480 = arith.constant 22 : i32
    %swap3A_1481 = arith.index_cast %swap3A_1480 : i32 to index
    %swap3A_1482 = arith.constant 48 : index
    %swap3A_1483 = tpu.vector_load %arg6[%swap3A_1481, %swap3A_1482] {strides = array<i32>} : memref<26x128xi32, #tpu.memory_space<vmem>>, vector<16xi32>,
    tpu.vector_store %arg6[%swap3A_1481, %swap3A_1482], %gather3A_1479 {strides = array<i32>} : memref<26x128xi32, #tpu.memory_space<vmem>>, vector<16xi32>,
    %add3A_1484 = arith.constant 64 : i32
    %add3A_1485 = vector.broadcast %add3A_1484 : i32 to vector<16xi32>
    %add3A_1486 = arith.addi %iota3A, %add3A_1485 : vector<16xi32>
    %gather3A_1487 = tpu.vector_load_idx %arg5[%add3A_1486, %broadcast_in_dim3A_1451] : memref<128x26xi32, #tpu.memory_space<vmem>>[vector<16xi32>, vector<16xi32>], vector<16xi32>,
    %swap3A_1488 = arith.constant 22 : i32
    %swap3A_1489 = arith.index_cast %swap3A_1488 : i32 to index
    %swap3A_1490 = arith.constant 64 : index
    %swap3A_1491 = tpu.vector_load %arg6[%swap3A_1489, %swap3A_1490] {strides = array<i32>} : memref<26x128xi32, #tpu.memory_space<vmem>>, vector<16xi32>,
    tpu.vector_store %arg6[%swap3A_1489, %swap3A_1490], %gather3A_1487 {strides = array<i32>} : memref<26x128xi32, #tpu.memory_space<vmem>>, vector<16xi32>,
    %add3A_1492 = arith.constant 80 : i32
    %add3A_1493 = vector.broadcast %add3A_1492 : i32 to vector<16xi32>
    %add3A_1494 = arith.addi %iota3A, %add3A_1493 : vector<16xi32>
    %gather3A_1495 = tpu.vector_load_idx %arg5[%add3A_1494, %broadcast_in_dim3A_1451] : memref<128x26xi32, #tpu.memory_space<vmem>>[vector<16xi32>, vector<16xi32>], vector<16xi32>,
    %swap3A_1496 = arith.constant 22 : i32
    %swap3A_1497 = arith.index_cast %swap3A_1496 : i32 to index
    %swap3A_1498 = arith.constant 80 : index
    %swap3A_1499 = tpu.vector_load %arg6[%swap3A_1497, %swap3A_1498] {strides = array<i32>} : memref<26x128xi32, #tpu.memory_space<vmem>>, vector<16xi32>,
    tpu.vector_store %arg6[%swap3A_1497, %swap3A_1498], %gather3A_1495 {strides = array<i32>} : memref<26x128xi32, #tpu.memory_space<vmem>>, vector<16xi32>,
    %add3A_1500 = arith.constant 96 : i32
    %add3A_1501 = vector.broadcast %add3A_1500 : i32 to vector<16xi32>
    %add3A_1502 = arith.addi %iota3A, %add3A_1501 : vector<16xi32>
    %gather3A_1503 = tpu.vector_load_idx %arg5[%add3A_1502, %broadcast_in_dim3A_1451] : memref<128x26xi32, #tpu.memory_space<vmem>>[vector<16xi32>, vector<16xi32>], vector<16xi32>,
    %swap3A_1504 = arith.constant 22 : i32
    %swap3A_1505 = arith.index_cast %swap3A_1504 : i32 to index
    %swap3A_1506 = arith.constant 96 : index
    %swap3A_1507 = tpu.vector_load %arg6[%swap3A_1505, %swap3A_1506] {strides = array<i32>} : memref<26x128xi32, #tpu.memory_space<vmem>>, vector<16xi32>,
    tpu.vector_store %arg6[%swap3A_1505, %swap3A_1506], %gather3A_1503 {strides = array<i32>} : memref<26x128xi32, #tpu.memory_space<vmem>>, vector<16xi32>,
    %add3A_1508 = arith.constant 112 : i32
    %add3A_1509 = vector.broadcast %add3A_1508 : i32 to vector<16xi32>
    %add3A_1510 = arith.addi %iota3A, %add3A_1509 : vector<16xi32>
    %gather3A_1511 = tpu.vector_load_idx %arg5[%add3A_1510, %broadcast_in_dim3A_1451] : memref<128x26xi32, #tpu.memory_space<vmem>>[vector<16xi32>, vector<16xi32>], vector<16xi32>,
    %swap3A_1512 = arith.constant 22 : i32
    %swap3A_1513 = arith.index_cast %swap3A_1512 : i32 to index
    %swap3A_1514 = arith.constant 112 : index
    %swap3A_1515 = tpu.vector_load %arg6[%swap3A_1513, %swap3A_1514] {strides = array<i32>} : memref<26x128xi32, #tpu.memory_space<vmem>>, vector<16xi32>,
    tpu.vector_store %arg6[%swap3A_1513, %swap3A_1514], %gather3A_1511 {strides = array<i32>} : memref<26x128xi32, #tpu.memory_space<vmem>>, vector<16xi32>,
    %broadcast_in_dim3A_1516 = arith.constant 23 : i32
    %broadcast_in_dim3A_1517 = vector.broadcast %broadcast_in_dim3A_1516 : i32 to vector<16xi32>
    %add3A_1518 = arith.constant 0 : i32
    %add3A_1519 = vector.broadcast %add3A_1518 : i32 to vector<16xi32>
    %add3A_1520 = arith.addi %iota3A, %add3A_1519 : vector<16xi32>
    %gather3A_1521 = tpu.vector_load_idx %arg5[%add3A_1520, %broadcast_in_dim3A_1517] : memref<128x26xi32, #tpu.memory_space<vmem>>[vector<16xi32>, vector<16xi32>], vector<16xi32>,
    %swap3A_1522 = arith.constant 23 : i32
    %swap3A_1523 = arith.index_cast %swap3A_1522 : i32 to index
    %swap3A_1524 = arith.constant 0 : index
    %swap3A_1525 = tpu.vector_load %arg6[%swap3A_1523, %swap3A_1524] {strides = array<i32>} : memref<26x128xi32, #tpu.memory_space<vmem>>, vector<16xi32>,
    tpu.vector_store %arg6[%swap3A_1523, %swap3A_1524], %gather3A_1521 {strides = array<i32>} : memref<26x128xi32, #tpu.memory_space<vmem>>, vector<16xi32>,
    %add3A_1526 = arith.constant 16 : i32
    %add3A_1527 = vector.broadcast %add3A_1526 : i32 to vector<16xi32>
    %add3A_1528 = arith.addi %iota3A, %add3A_1527 : vector<16xi32>
    %gather3A_1529 = tpu.vector_load_idx %arg5[%add3A_1528, %broadcast_in_dim3A_1517] : memref<128x26xi32, #tpu.memory_space<vmem>>[vector<16xi32>, vector<16xi32>], vector<16xi32>,
    %swap3A_1530 = arith.constant 23 : i32
    %swap3A_1531 = arith.index_cast %swap3A_1530 : i32 to index
    %swap3A_1532 = arith.constant 16 : index
    %swap3A_1533 = tpu.vector_load %arg6[%swap3A_1531, %swap3A_1532] {strides = array<i32>} : memref<26x128xi32, #tpu.memory_space<vmem>>, vector<16xi32>,
    tpu.vector_store %arg6[%swap3A_1531, %swap3A_1532], %gather3A_1529 {strides = array<i32>} : memref<26x128xi32, #tpu.memory_space<vmem>>, vector<16xi32>,
    %add3A_1534 = arith.constant 32 : i32
    %add3A_1535 = vector.broadcast %add3A_1534 : i32 to vector<16xi32>
    %add3A_1536 = arith.addi %iota3A, %add3A_1535 : vector<16xi32>
    %gather3A_1537 = tpu.vector_load_idx %arg5[%add3A_1536, %broadcast_in_dim3A_1517] : memref<128x26xi32, #tpu.memory_space<vmem>>[vector<16xi32>, vector<16xi32>], vector<16xi32>,
    %swap3A_1538 = arith.constant 23 : i32
    %swap3A_1539 = arith.index_cast %swap3A_1538 : i32 to index
    %swap3A_1540 = arith.constant 32 : index
    %swap3A_1541 = tpu.vector_load %arg6[%swap3A_1539, %swap3A_1540] {strides = array<i32>} : memref<26x128xi32, #tpu.memory_space<vmem>>, vector<16xi32>,
    tpu.vector_store %arg6[%swap3A_1539, %swap3A_1540], %gather3A_1537 {strides = array<i32>} : memref<26x128xi32, #tpu.memory_space<vmem>>, vector<16xi32>,
    %add3A_1542 = arith.constant 48 : i32
    %add3A_1543 = vector.broadcast %add3A_1542 : i32 to vector<16xi32>
    %add3A_1544 = arith.addi %iota3A, %add3A_1543 : vector<16xi32>
    %gather3A_1545 = tpu.vector_load_idx %arg5[%add3A_1544, %broadcast_in_dim3A_1517] : memref<128x26xi32, #tpu.memory_space<vmem>>[vector<16xi32>, vector<16xi32>], vector<16xi32>,
    %swap3A_1546 = arith.constant 23 : i32
    %swap3A_1547 = arith.index_cast %swap3A_1546 : i32 to index
    %swap3A_1548 = arith.constant 48 : index
    %swap3A_1549 = tpu.vector_load %arg6[%swap3A_1547, %swap3A_1548] {strides = array<i32>} : memref<26x128xi32, #tpu.memory_space<vmem>>, vector<16xi32>,
    tpu.vector_store %arg6[%swap3A_1547, %swap3A_1548], %gather3A_1545 {strides = array<i32>} : memref<26x128xi32, #tpu.memory_space<vmem>>, vector<16xi32>,
    %add3A_1550 = arith.constant 64 : i32
    %add3A_1551 = vector.broadcast %add3A_1550 : i32 to vector<16xi32>
    %add3A_1552 = arith.addi %iota3A, %add3A_1551 : vector<16xi32>
    %gather3A_1553 = tpu.vector_load_idx %arg5[%add3A_1552, %broadcast_in_dim3A_1517] : memref<128x26xi32, #tpu.memory_space<vmem>>[vector<16xi32>, vector<16xi32>], vector<16xi32>,
    %swap3A_1554 = arith.constant 23 : i32
    %swap3A_1555 = arith.index_cast %swap3A_1554 : i32 to index
    %swap3A_1556 = arith.constant 64 : index
    %swap3A_1557 = tpu.vector_load %arg6[%swap3A_1555, %swap3A_1556] {strides = array<i32>} : memref<26x128xi32, #tpu.memory_space<vmem>>, vector<16xi32>,
    tpu.vector_store %arg6[%swap3A_1555, %swap3A_1556], %gather3A_1553 {strides = array<i32>} : memref<26x128xi32, #tpu.memory_space<vmem>>, vector<16xi32>,
    %add3A_1558 = arith.constant 80 : i32
    %add3A_1559 = vector.broadcast %add3A_1558 : i32 to vector<16xi32>
    %add3A_1560 = arith.addi %iota3A, %add3A_1559 : vector<16xi32>
    %gather3A_1561 = tpu.vector_load_idx %arg5[%add3A_1560, %broadcast_in_dim3A_1517] : memref<128x26xi32, #tpu.memory_space<vmem>>[vector<16xi32>, vector<16xi32>], vector<16xi32>,
    %swap3A_1562 = arith.constant 23 : i32
    %swap3A_1563 = arith.index_cast %swap3A_1562 : i32 to index
    %swap3A_1564 = arith.constant 80 : index
    %swap3A_1565 = tpu.vector_load %arg6[%swap3A_1563, %swap3A_1564] {strides = array<i32>} : memref<26x128xi32, #tpu.memory_space<vmem>>, vector<16xi32>,
    tpu.vector_store %arg6[%swap3A_1563, %swap3A_1564], %gather3A_1561 {strides = array<i32>} : memref<26x128xi32, #tpu.memory_space<vmem>>, vector<16xi32>,
    %add3A_1566 = arith.constant 96 : i32
    %add3A_1567 = vector.broadcast %add3A_1566 : i32 to vector<16xi32>
    %add3A_1568 = arith.addi %iota3A, %add3A_1567 : vector<16xi32>
    %gather3A_1569 = tpu.vector_load_idx %arg5[%add3A_1568, %broadcast_in_dim3A_1517] : memref<128x26xi32, #tpu.memory_space<vmem>>[vector<16xi32>, vector<16xi32>], vector<16xi32>,
    %swap3A_1570 = arith.constant 23 : i32
    %swap3A_1571 = arith.index_cast %swap3A_1570 : i32 to index
    %swap3A_1572 = arith.constant 96 : index
    %swap3A_1573 = tpu.vector_load %arg6[%swap3A_1571, %swap3A_1572] {strides = array<i32>} : memref<26x128xi32, #tpu.memory_space<vmem>>, vector<16xi32>,
    tpu.vector_store %arg6[%swap3A_1571, %swap3A_1572], %gather3A_1569 {strides = array<i32>} : memref<26x128xi32, #tpu.memory_space<vmem>>, vector<16xi32>,
    %add3A_1574 = arith.constant 112 : i32
    %add3A_1575 = vector.broadcast %add3A_1574 : i32 to vector<16xi32>
    %add3A_1576 = arith.addi %iota3A, %add3A_1575 : vector<16xi32>
    %gather3A_1577 = tpu.vector_load_idx %arg5[%add3A_1576, %broadcast_in_dim3A_1517] : memref<128x26xi32, #tpu.memory_space<vmem>>[vector<16xi32>, vector<16xi32>], vector<16xi32>,
    %swap3A_1578 = arith.constant 23 : i32
    %swap3A_1579 = arith.index_cast %swap3A_1578 : i32 to index
    %swap3A_1580 = arith.constant 112 : index
    %swap3A_1581 = tpu.vector_load %arg6[%swap3A_1579, %swap3A_1580] {strides = array<i32>} : memref<26x128xi32, #tpu.memory_space<vmem>>, vector<16xi32>,
    tpu.vector_store %arg6[%swap3A_1579, %swap3A_1580], %gather3A_1577 {strides = array<i32>} : memref<26x128xi32, #tpu.memory_space<vmem>>, vector<16xi32>,
    %broadcast_in_dim3A_1582 = arith.constant 24 : i32
    %broadcast_in_dim3A_1583 = vector.broadcast %broadcast_in_dim3A_1582 : i32 to vector<16xi32>
    %add3A_1584 = arith.constant 0 : i32
    %add3A_1585 = vector.broadcast %add3A_1584 : i32 to vector<16xi32>
    %add3A_1586 = arith.addi %iota3A, %add3A_1585 : vector<16xi32>
    %gather3A_1587 = tpu.vector_load_idx %arg5[%add3A_1586, %broadcast_in_dim3A_1583] : memref<128x26xi32, #tpu.memory_space<vmem>>[vector<16xi32>, vector<16xi32>], vector<16xi32>,
    %swap3A_1588 = arith.constant 24 : i32
    %swap3A_1589 = arith.index_cast %swap3A_1588 : i32 to index
    %swap3A_1590 = arith.constant 0 : index
    %swap3A_1591 = tpu.vector_load %arg6[%swap3A_1589, %swap3A_1590] {strides = array<i32>} : memref<26x128xi32, #tpu.memory_space<vmem>>, vector<16xi32>,
    tpu.vector_store %arg6[%swap3A_1589, %swap3A_1590], %gather3A_1587 {strides = array<i32>} : memref<26x128xi32, #tpu.memory_space<vmem>>, vector<16xi32>,
    %add3A_1592 = arith.constant 16 : i32
    %add3A_1593 = vector.broadcast %add3A_1592 : i32 to vector<16xi32>
    %add3A_1594 = arith.addi %iota3A, %add3A_1593 : vector<16xi32>
    %gather3A_1595 = tpu.vector_load_idx %arg5[%add3A_1594, %broadcast_in_dim3A_1583] : memref<128x26xi32, #tpu.memory_space<vmem>>[vector<16xi32>, vector<16xi32>], vector<16xi32>,
    %swap3A_1596 = arith.constant 24 : i32
    %swap3A_1597 = arith.index_cast %swap3A_1596 : i32 to index
    %swap3A_1598 = arith.constant 16 : index
    %swap3A_1599 = tpu.vector_load %arg6[%swap3A_1597, %swap3A_1598] {strides = array<i32>} : memref<26x128xi32, #tpu.memory_space<vmem>>, vector<16xi32>,
    tpu.vector_store %arg6[%swap3A_1597, %swap3A_1598], %gather3A_1595 {strides = array<i32>} : memref<26x128xi32, #tpu.memory_space<vmem>>, vector<16xi32>,
    %add3A_1600 = arith.constant 32 : i32
    %add3A_1601 = vector.broadcast %add3A_1600 : i32 to vector<16xi32>
    %add3A_1602 = arith.addi %iota3A, %add3A_1601 : vector<16xi32>
    %gather3A_1603 = tpu.vector_load_idx %arg5[%add3A_1602, %broadcast_in_dim3A_1583] : memref<128x26xi32, #tpu.memory_space<vmem>>[vector<16xi32>, vector<16xi32>], vector<16xi32>,
    %swap3A_1604 = arith.constant 24 : i32
    %swap3A_1605 = arith.index_cast %swap3A_1604 : i32 to index
    %swap3A_1606 = arith.constant 32 : index
    %swap3A_1607 = tpu.vector_load %arg6[%swap3A_1605, %swap3A_1606] {strides = array<i32>} : memref<26x128xi32, #tpu.memory_space<vmem>>, vector<16xi32>,
    tpu.vector_store %arg6[%swap3A_1605, %swap3A_1606], %gather3A_1603 {strides = array<i32>} : memref<26x128xi32, #tpu.memory_space<vmem>>, vector<16xi32>,
    %add3A_1608 = arith.constant 48 : i32
    %add3A_1609 = vector.broadcast %add3A_1608 : i32 to vector<16xi32>
    %add3A_1610 = arith.addi %iota3A, %add3A_1609 : vector<16xi32>
    %gather3A_1611 = tpu.vector_load_idx %arg5[%add3A_1610, %broadcast_in_dim3A_1583] : memref<128x26xi32, #tpu.memory_space<vmem>>[vector<16xi32>, vector<16xi32>], vector<16xi32>,
    %swap3A_1612 = arith.constant 24 : i32
    %swap3A_1613 = arith.index_cast %swap3A_1612 : i32 to index
    %swap3A_1614 = arith.constant 48 : index
    %swap3A_1615 = tpu.vector_load %arg6[%swap3A_1613, %swap3A_1614] {strides = array<i32>} : memref<26x128xi32, #tpu.memory_space<vmem>>, vector<16xi32>,
    tpu.vector_store %arg6[%swap3A_1613, %swap3A_1614], %gather3A_1611 {strides = array<i32>} : memref<26x128xi32, #tpu.memory_space<vmem>>, vector<16xi32>,
    %add3A_1616 = arith.constant 64 : i32
    %add3A_1617 = vector.broadcast %add3A_1616 : i32 to vector<16xi32>
    %add3A_1618 = arith.addi %iota3A, %add3A_1617 : vector<16xi32>
    %gather3A_1619 = tpu.vector_load_idx %arg5[%add3A_1618, %broadcast_in_dim3A_1583] : memref<128x26xi32, #tpu.memory_space<vmem>>[vector<16xi32>, vector<16xi32>], vector<16xi32>,
    %swap3A_1620 = arith.constant 24 : i32
    %swap3A_1621 = arith.index_cast %swap3A_1620 : i32 to index
    %swap3A_1622 = arith.constant 64 : index
    %swap3A_1623 = tpu.vector_load %arg6[%swap3A_1621, %swap3A_1622] {strides = array<i32>} : memref<26x128xi32, #tpu.memory_space<vmem>>, vector<16xi32>,
    tpu.vector_store %arg6[%swap3A_1621, %swap3A_1622], %gather3A_1619 {strides = array<i32>} : memref<26x128xi32, #tpu.memory_space<vmem>>, vector<16xi32>,
    %add3A_1624 = arith.constant 80 : i32
    %add3A_1625 = vector.broadcast %add3A_1624 : i32 to vector<16xi32>
    %add3A_1626 = arith.addi %iota3A, %add3A_1625 : vector<16xi32>
    %gather3A_1627 = tpu.vector_load_idx %arg5[%add3A_1626, %broadcast_in_dim3A_1583] : memref<128x26xi32, #tpu.memory_space<vmem>>[vector<16xi32>, vector<16xi32>], vector<16xi32>,
    %swap3A_1628 = arith.constant 24 : i32
    %swap3A_1629 = arith.index_cast %swap3A_1628 : i32 to index
    %swap3A_1630 = arith.constant 80 : index
    %swap3A_1631 = tpu.vector_load %arg6[%swap3A_1629, %swap3A_1630] {strides = array<i32>} : memref<26x128xi32, #tpu.memory_space<vmem>>, vector<16xi32>,
    tpu.vector_store %arg6[%swap3A_1629, %swap3A_1630], %gather3A_1627 {strides = array<i32>} : memref<26x128xi32, #tpu.memory_space<vmem>>, vector<16xi32>,
    %add3A_1632 = arith.constant 96 : i32
    %add3A_1633 = vector.broadcast %add3A_1632 : i32 to vector<16xi32>
    %add3A_1634 = arith.addi %iota3A, %add3A_1633 : vector<16xi32>
    %gather3A_1635 = tpu.vector_load_idx %arg5[%add3A_1634, %broadcast_in_dim3A_1583] : memref<128x26xi32, #tpu.memory_space<vmem>>[vector<16xi32>, vector<16xi32>], vector<16xi32>,
    %swap3A_1636 = arith.constant 24 : i32
    %swap3A_1637 = arith.index_cast %swap3A_1636 : i32 to index
    %swap3A_1638 = arith.constant 96 : index
    %swap3A_1639 = tpu.vector_load %arg6[%swap3A_1637, %swap3A_1638] {strides = array<i32>} : memref<26x128xi32, #tpu.memory_space<vmem>>, vector<16xi32>,
    tpu.vector_store %arg6[%swap3A_1637, %swap3A_1638], %gather3A_1635 {strides = array<i32>} : memref<26x128xi32, #tpu.memory_space<vmem>>, vector<16xi32>,
    %add3A_1640 = arith.constant 112 : i32
    %add3A_1641 = vector.broadcast %add3A_1640 : i32 to vector<16xi32>
    %add3A_1642 = arith.addi %iota3A, %add3A_1641 : vector<16xi32>
    %gather3A_1643 = tpu.vector_load_idx %arg5[%add3A_1642, %broadcast_in_dim3A_1583] : memref<128x26xi32, #tpu.memory_space<vmem>>[vector<16xi32>, vector<16xi32>], vector<16xi32>,
    %swap3A_1644 = arith.constant 24 : i32
    %swap3A_1645 = arith.index_cast %swap3A_1644 : i32 to index
    %swap3A_1646 = arith.constant 112 : index
    %swap3A_1647 = tpu.vector_load %arg6[%swap3A_1645, %swap3A_1646] {strides = array<i32>} : memref<26x128xi32, #tpu.memory_space<vmem>>, vector<16xi32>,
    tpu.vector_store %arg6[%swap3A_1645, %swap3A_1646], %gather3A_1643 {strides = array<i32>} : memref<26x128xi32, #tpu.memory_space<vmem>>, vector<16xi32>,
    %broadcast_in_dim3A_1648 = arith.constant 25 : i32
    %broadcast_in_dim3A_1649 = vector.broadcast %broadcast_in_dim3A_1648 : i32 to vector<16xi32>
    %add3A_1650 = arith.constant 0 : i32
    %add3A_1651 = vector.broadcast %add3A_1650 : i32 to vector<16xi32>
    %add3A_1652 = arith.addi %iota3A, %add3A_1651 : vector<16xi32>
    %gather3A_1653 = tpu.vector_load_idx %arg5[%add3A_1652, %broadcast_in_dim3A_1649] : memref<128x26xi32, #tpu.memory_space<vmem>>[vector<16xi32>, vector<16xi32>], vector<16xi32>,
    %swap3A_1654 = arith.constant 25 : i32
    %swap3A_1655 = arith.index_cast %swap3A_1654 : i32 to index
    %swap3A_1656 = arith.constant 0 : index
    %swap3A_1657 = tpu.vector_load %arg6[%swap3A_1655, %swap3A_1656] {strides = array<i32>} : memref<26x128xi32, #tpu.memory_space<vmem>>, vector<16xi32>,
    tpu.vector_store %arg6[%swap3A_1655, %swap3A_1656], %gather3A_1653 {strides = array<i32>} : memref<26x128xi32, #tpu.memory_space<vmem>>, vector<16xi32>,
    %add3A_1658 = arith.constant 16 : i32
    %add3A_1659 = vector.broadcast %add3A_1658 : i32 to vector<16xi32>
    %add3A_1660 = arith.addi %iota3A, %add3A_1659 : vector<16xi32>
    %gather3A_1661 = tpu.vector_load_idx %arg5[%add3A_1660, %broadcast_in_dim3A_1649] : memref<128x26xi32, #tpu.memory_space<vmem>>[vector<16xi32>, vector<16xi32>], vector<16xi32>,
    %swap3A_1662 = arith.constant 25 : i32
    %swap3A_1663 = arith.index_cast %swap3A_1662 : i32 to index
    %swap3A_1664 = arith.constant 16 : index
    %swap3A_1665 = tpu.vector_load %arg6[%swap3A_1663, %swap3A_1664] {strides = array<i32>} : memref<26x128xi32, #tpu.memory_space<vmem>>, vector<16xi32>,
    tpu.vector_store %arg6[%swap3A_1663, %swap3A_1664], %gather3A_1661 {strides = array<i32>} : memref<26x128xi32, #tpu.memory_space<vmem>>, vector<16xi32>,
    %add3A_1666 = arith.constant 32 : i32
    %add3A_1667 = vector.broadcast %add3A_1666 : i32 to vector<16xi32>
    %add3A_1668 = arith.addi %iota3A, %add3A_1667 : vector<16xi32>
    %gather3A_1669 = tpu.vector_load_idx %arg5[%add3A_1668, %broadcast_in_dim3A_1649] : memref<128x26xi32, #tpu.memory_space<vmem>>[vector<16xi32>, vector<16xi32>], vector<16xi32>,
    %swap3A_1670 = arith.constant 25 : i32
    %swap3A_1671 = arith.index_cast %swap3A_1670 : i32 to index
    %swap3A_1672 = arith.constant 32 : index
    %swap3A_1673 = tpu.vector_load %arg6[%swap3A_1671, %swap3A_1672] {strides = array<i32>} : memref<26x128xi32, #tpu.memory_space<vmem>>, vector<16xi32>,
    tpu.vector_store %arg6[%swap3A_1671, %swap3A_1672], %gather3A_1669 {strides = array<i32>} : memref<26x128xi32, #tpu.memory_space<vmem>>, vector<16xi32>,
    %add3A_1674 = arith.constant 48 : i32
    %add3A_1675 = vector.broadcast %add3A_1674 : i32 to vector<16xi32>
    %add3A_1676 = arith.addi %iota3A, %add3A_1675 : vector<16xi32>
    %gather3A_1677 = tpu.vector_load_idx %arg5[%add3A_1676, %broadcast_in_dim3A_1649] : memref<128x26xi32, #tpu.memory_space<vmem>>[vector<16xi32>, vector<16xi32>], vector<16xi32>,
    %swap3A_1678 = arith.constant 25 : i32
    %swap3A_1679 = arith.index_cast %swap3A_1678 : i32 to index
    %swap3A_1680 = arith.constant 48 : index
    %swap3A_1681 = tpu.vector_load %arg6[%swap3A_1679, %swap3A_1680] {strides = array<i32>} : memref<26x128xi32, #tpu.memory_space<vmem>>, vector<16xi32>,
    tpu.vector_store %arg6[%swap3A_1679, %swap3A_1680], %gather3A_1677 {strides = array<i32>} : memref<26x128xi32, #tpu.memory_space<vmem>>, vector<16xi32>,
    %add3A_1682 = arith.constant 64 : i32
    %add3A_1683 = vector.broadcast %add3A_1682 : i32 to vector<16xi32>
    %add3A_1684 = arith.addi %iota3A, %add3A_1683 : vector<16xi32>
    %gather3A_1685 = tpu.vector_load_idx %arg5[%add3A_1684, %broadcast_in_dim3A_1649] : memref<128x26xi32, #tpu.memory_space<vmem>>[vector<16xi32>, vector<16xi32>], vector<16xi32>,
    %swap3A_1686 = arith.constant 25 : i32
    %swap3A_1687 = arith.index_cast %swap3A_1686 : i32 to index
    %swap3A_1688 = arith.constant 64 : index
    %swap3A_1689 = tpu.vector_load %arg6[%swap3A_1687, %swap3A_1688] {strides = array<i32>} : memref<26x128xi32, #tpu.memory_space<vmem>>, vector<16xi32>,
    tpu.vector_store %arg6[%swap3A_1687, %swap3A_1688], %gather3A_1685 {strides = array<i32>} : memref<26x128xi32, #tpu.memory_space<vmem>>, vector<16xi32>,
    %add3A_1690 = arith.constant 80 : i32
    %add3A_1691 = vector.broadcast %add3A_1690 : i32 to vector<16xi32>
    %add3A_1692 = arith.addi %iota3A, %add3A_1691 : vector<16xi32>
    %gather3A_1693 = tpu.vector_load_idx %arg5[%add3A_1692, %broadcast_in_dim3A_1649] : memref<128x26xi32, #tpu.memory_space<vmem>>[vector<16xi32>, vector<16xi32>], vector<16xi32>,
    %swap3A_1694 = arith.constant 25 : i32
    %swap3A_1695 = arith.index_cast %swap3A_1694 : i32 to index
    %swap3A_1696 = arith.constant 80 : index
    %swap3A_1697 = tpu.vector_load %arg6[%swap3A_1695, %swap3A_1696] {strides = array<i32>} : memref<26x128xi32, #tpu.memory_space<vmem>>, vector<16xi32>,
    tpu.vector_store %arg6[%swap3A_1695, %swap3A_1696], %gather3A_1693 {strides = array<i32>} : memref<26x128xi32, #tpu.memory_space<vmem>>, vector<16xi32>,
    %add3A_1698 = arith.constant 96 : i32
    %add3A_1699 = vector.broadcast %add3A_1698 : i32 to vector<16xi32>
    %add3A_1700 = arith.addi %iota3A, %add3A_1699 : vector<16xi32>
    %gather3A_1701 = tpu.vector_load_idx %arg5[%add3A_1700, %broadcast_in_dim3A_1649] : memref<128x26xi32, #tpu.memory_space<vmem>>[vector<16xi32>, vector<16xi32>], vector<16xi32>,
    %swap3A_1702 = arith.constant 25 : i32
    %swap3A_1703 = arith.index_cast %swap3A_1702 : i32 to index
    %swap3A_1704 = arith.constant 96 : index
    %swap3A_1705 = tpu.vector_load %arg6[%swap3A_1703, %swap3A_1704] {strides = array<i32>} : memref<26x128xi32, #tpu.memory_space<vmem>>, vector<16xi32>,
    tpu.vector_store %arg6[%swap3A_1703, %swap3A_1704], %gather3A_1701 {strides = array<i32>} : memref<26x128xi32, #tpu.memory_space<vmem>>, vector<16xi32>,
    %add3A_1706 = arith.constant 112 : i32
    %add3A_1707 = vector.broadcast %add3A_1706 : i32 to vector<16xi32>
    %add3A_1708 = arith.addi %iota3A, %add3A_1707 : vector<16xi32>
    %gather3A_1709 = tpu.vector_load_idx %arg5[%add3A_1708, %broadcast_in_dim3A_1649] : memref<128x26xi32, #tpu.memory_space<vmem>>[vector<16xi32>, vector<16xi32>], vector<16xi32>,
    %swap3A_1710 = arith.constant 25 : i32
    %swap3A_1711 = arith.index_cast %swap3A_1710 : i32 to index
    %swap3A_1712 = arith.constant 112 : index
    %swap3A_1713 = tpu.vector_load %arg6[%swap3A_1711, %swap3A_1712] {strides = array<i32>} : memref<26x128xi32, #tpu.memory_space<vmem>>, vector<16xi32>,
    tpu.vector_store %arg6[%swap3A_1711, %swap3A_1712], %gather3A_1709 {strides = array<i32>} : memref<26x128xi32, #tpu.memory_space<vmem>>, vector<16xi32>,
    %dma_start3A = arith.constant 0 : i32
    %dma_start3A_1714 = arith.constant 0 : i32
    %dma_start3A_1715 = arith.constant 0 : i32
    %dma_start3A_1716 = arith.constant 0 : i32
    %dma_start3A_1717 = tpu.memref_slice %arg7[%dma_start3A_1715, %dma_start3A_1716] : memref<3328x32xf32, #tpu.memory_space<vmem>> -> memref<128x32xf32, #tpu.memory_space<vmem>>
    %dma_start3A_1718 = arith.constant 0 : i32
    %dma_start3A_1719 = tpu.memref_slice %arg6[%dma_start3A, %dma_start3A_1718] : memref<26x128xi32, #tpu.memory_space<vmem>> -> memref<1x128xi32, #tpu.memory_space<vmem>>
    %dma_start3A_1720 = tpu.memref_squeeze %dma_start3A_1719 : memref<1x128xi32, #tpu.memory_space<vmem>> -> memref<128xi32, #tpu.memory_space<vmem>>
    %dma_start3A_1721 = arith.constant 0 : i32
    %dma_start3A_1722 = arith.constant 0 : i32
    %dma_start3A_1723 = tpu.memref_slice %arg2[%dma_start3A_1721, %dma_start3A_1722] : memref<1000000x32xf32, #tpu.memory_space<hbm>> -> memref<1000000x32xf32, #tpu.memory_space<hbm>>
    %dma_start3A_1724 = tpu.memref_slice %arg8[%dma_start3A_1714] : memref<26x!tpu.dma_semaphore, #tpu.memory_space<semaphore_mem>> -> memref<1x!tpu.dma_semaphore, #tpu.memory_space<semaphore_mem>>
    %dma_start3A_1725 = tpu.memref_squeeze %dma_start3A_1724 : memref<1x!tpu.dma_semaphore, #tpu.memory_space<semaphore_mem>> -> memref<!tpu.dma_semaphore, #tpu.memory_space<semaphore_mem>>
    tpu.enqueue_indirect_dma source(%dma_start3A_1723 : memref<1000000x32xf32, #tpu.memory_space<hbm>>) target(%dma_start3A_1717 : memref<128x32xf32, #tpu.memory_space<vmem>>) offsets(%dma_start3A_1720 : memref<128xi32, #tpu.memory_space<vmem>>) semaphore(%dma_start3A_1725 : memref<!tpu.dma_semaphore, #tpu.memory_space<semaphore_mem>>)
    %dma_start3A_1726 = arith.constant 1 : i32
    %dma_start3A_1727 = arith.constant 1 : i32
    %dma_start3A_1728 = arith.constant 128 : i32
    %dma_start3A_1729 = arith.constant 0 : i32
    %dma_start3A_1730 = tpu.memref_slice %arg7[%dma_start3A_1728, %dma_start3A_1729] : memref<3328x32xf32, #tpu.memory_space<vmem>> -> memref<128x32xf32, #tpu.memory_space<vmem>>
    %dma_start3A_1731 = arith.constant 0 : i32
    %dma_start3A_1732 = tpu.memref_slice %arg6[%dma_start3A_1726, %dma_start3A_1731] : memref<26x128xi32, #tpu.memory_space<vmem>> -> memref<1x128xi32, #tpu.memory_space<vmem>>
    %dma_start3A_1733 = tpu.memref_squeeze %dma_start3A_1732 : memref<1x128xi32, #tpu.memory_space<vmem>> -> memref<128xi32, #tpu.memory_space<vmem>>
    %dma_start3A_1734 = arith.constant 0 : i32
    %dma_start3A_1735 = arith.constant 0 : i32
    %dma_start3A_1736 = tpu.memref_slice %arg2[%dma_start3A_1734, %dma_start3A_1735] : memref<1000000x32xf32, #tpu.memory_space<hbm>> -> memref<1000000x32xf32, #tpu.memory_space<hbm>>
    %dma_start3A_1737 = tpu.memref_slice %arg8[%dma_start3A_1727] : memref<26x!tpu.dma_semaphore, #tpu.memory_space<semaphore_mem>> -> memref<1x!tpu.dma_semaphore, #tpu.memory_space<semaphore_mem>>
    %dma_start3A_1738 = tpu.memref_squeeze %dma_start3A_1737 : memref<1x!tpu.dma_semaphore, #tpu.memory_space<semaphore_mem>> -> memref<!tpu.dma_semaphore, #tpu.memory_space<semaphore_mem>>
    tpu.enqueue_indirect_dma source(%dma_start3A_1736 : memref<1000000x32xf32, #tpu.memory_space<hbm>>) target(%dma_start3A_1730 : memref<128x32xf32, #tpu.memory_space<vmem>>) offsets(%dma_start3A_1733 : memref<128xi32, #tpu.memory_space<vmem>>) semaphore(%dma_start3A_1738 : memref<!tpu.dma_semaphore, #tpu.memory_space<semaphore_mem>>)
    %dma_start3A_1739 = arith.constant 2 : i32
    %dma_start3A_1740 = arith.constant 2 : i32
    %dma_start3A_1741 = arith.constant 256 : i32
    %dma_start3A_1742 = arith.constant 0 : i32
    %dma_start3A_1743 = tpu.memref_slice %arg7[%dma_start3A_1741, %dma_start3A_1742] : memref<3328x32xf32, #tpu.memory_space<vmem>> -> memref<128x32xf32, #tpu.memory_space<vmem>>
    %dma_start3A_1744 = arith.constant 0 : i32
    %dma_start3A_1745 = tpu.memref_slice %arg6[%dma_start3A_1739, %dma_start3A_1744] : memref<26x128xi32, #tpu.memory_space<vmem>> -> memref<1x128xi32, #tpu.memory_space<vmem>>
    %dma_start3A_1746 = tpu.memref_squeeze %dma_start3A_1745 : memref<1x128xi32, #tpu.memory_space<vmem>> -> memref<128xi32, #tpu.memory_space<vmem>>
    %dma_start3A_1747 = arith.constant 0 : i32
    %dma_start3A_1748 = arith.constant 0 : i32
    %dma_start3A_1749 = tpu.memref_slice %arg2[%dma_start3A_1747, %dma_start3A_1748] : memref<1000000x32xf32, #tpu.memory_space<hbm>> -> memref<1000000x32xf32, #tpu.memory_space<hbm>>
    %dma_start3A_1750 = tpu.memref_slice %arg8[%dma_start3A_1740] : memref<26x!tpu.dma_semaphore, #tpu.memory_space<semaphore_mem>> -> memref<1x!tpu.dma_semaphore, #tpu.memory_space<semaphore_mem>>
    %dma_start3A_1751 = tpu.memref_squeeze %dma_start3A_1750 : memref<1x!tpu.dma_semaphore, #tpu.memory_space<semaphore_mem>> -> memref<!tpu.dma_semaphore, #tpu.memory_space<semaphore_mem>>
    tpu.enqueue_indirect_dma source(%dma_start3A_1749 : memref<1000000x32xf32, #tpu.memory_space<hbm>>) target(%dma_start3A_1743 : memref<128x32xf32, #tpu.memory_space<vmem>>) offsets(%dma_start3A_1746 : memref<128xi32, #tpu.memory_space<vmem>>) semaphore(%dma_start3A_1751 : memref<!tpu.dma_semaphore, #tpu.memory_space<semaphore_mem>>)
    %dma_start3A_1752 = arith.constant 3 : i32
    %dma_start3A_1753 = arith.constant 3 : i32
    %dma_start3A_1754 = arith.constant 384 : i32
    %dma_start3A_1755 = arith.constant 0 : i32
    %dma_start3A_1756 = tpu.memref_slice %arg7[%dma_start3A_1754, %dma_start3A_1755] : memref<3328x32xf32, #tpu.memory_space<vmem>> -> memref<128x32xf32, #tpu.memory_space<vmem>>
    %dma_start3A_1757 = arith.constant 0 : i32
    %dma_start3A_1758 = tpu.memref_slice %arg6[%dma_start3A_1752, %dma_start3A_1757] : memref<26x128xi32, #tpu.memory_space<vmem>> -> memref<1x128xi32, #tpu.memory_space<vmem>>
    %dma_start3A_1759 = tpu.memref_squeeze %dma_start3A_1758 : memref<1x128xi32, #tpu.memory_space<vmem>> -> memref<128xi32, #tpu.memory_space<vmem>>
    %dma_start3A_1760 = arith.constant 0 : i32
    %dma_start3A_1761 = arith.constant 0 : i32
    %dma_start3A_1762 = tpu.memref_slice %arg2[%dma_start3A_1760, %dma_start3A_1761] : memref<1000000x32xf32, #tpu.memory_space<hbm>> -> memref<1000000x32xf32, #tpu.memory_space<hbm>>
    %dma_start3A_1763 = tpu.memref_slice %arg8[%dma_start3A_1753] : memref<26x!tpu.dma_semaphore, #tpu.memory_space<semaphore_mem>> -> memref<1x!tpu.dma_semaphore, #tpu.memory_space<semaphore_mem>>
    %dma_start3A_1764 = tpu.memref_squeeze %dma_start3A_1763 : memref<1x!tpu.dma_semaphore, #tpu.memory_space<semaphore_mem>> -> memref<!tpu.dma_semaphore, #tpu.memory_space<semaphore_mem>>
    tpu.enqueue_indirect_dma source(%dma_start3A_1762 : memref<1000000x32xf32, #tpu.memory_space<hbm>>) target(%dma_start3A_1756 : memref<128x32xf32, #tpu.memory_space<vmem>>) offsets(%dma_start3A_1759 : memref<128xi32, #tpu.memory_space<vmem>>) semaphore(%dma_start3A_1764 : memref<!tpu.dma_semaphore, #tpu.memory_space<semaphore_mem>>)
    %dma_start3A_1765 = arith.constant 4 : i32
    %dma_start3A_1766 = arith.constant 4 : i32
    %dma_start3A_1767 = arith.constant 512 : i32
    %dma_start3A_1768 = arith.constant 0 : i32
    %dma_start3A_1769 = tpu.memref_slice %arg7[%dma_start3A_1767, %dma_start3A_1768] : memref<3328x32xf32, #tpu.memory_space<vmem>> -> memref<128x32xf32, #tpu.memory_space<vmem>>
    %dma_start3A_1770 = arith.constant 0 : i32
    %dma_start3A_1771 = tpu.memref_slice %arg6[%dma_start3A_1765, %dma_start3A_1770] : memref<26x128xi32, #tpu.memory_space<vmem>> -> memref<1x128xi32, #tpu.memory_space<vmem>>
    %dma_start3A_1772 = tpu.memref_squeeze %dma_start3A_1771 : memref<1x128xi32, #tpu.memory_space<vmem>> -> memref<128xi32, #tpu.memory_space<vmem>>
    %dma_start3A_1773 = arith.constant 0 : i32
    %dma_start3A_1774 = arith.constant 0 : i32
    %dma_start3A_1775 = tpu.memref_slice %arg2[%dma_start3A_1773, %dma_start3A_1774] : memref<1000000x32xf32, #tpu.memory_space<hbm>> -> memref<1000000x32xf32, #tpu.memory_space<hbm>>
    %dma_start3A_1776 = tpu.memref_slice %arg8[%dma_start3A_1766] : memref<26x!tpu.dma_semaphore, #tpu.memory_space<semaphore_mem>> -> memref<1x!tpu.dma_semaphore, #tpu.memory_space<semaphore_mem>>
    %dma_start3A_1777 = tpu.memref_squeeze %dma_start3A_1776 : memref<1x!tpu.dma_semaphore, #tpu.memory_space<semaphore_mem>> -> memref<!tpu.dma_semaphore, #tpu.memory_space<semaphore_mem>>
    tpu.enqueue_indirect_dma source(%dma_start3A_1775 : memref<1000000x32xf32, #tpu.memory_space<hbm>>) target(%dma_start3A_1769 : memref<128x32xf32, #tpu.memory_space<vmem>>) offsets(%dma_start3A_1772 : memref<128xi32, #tpu.memory_space<vmem>>) semaphore(%dma_start3A_1777 : memref<!tpu.dma_semaphore, #tpu.memory_space<semaphore_mem>>)
    %dma_start3A_1778 = arith.constant 5 : i32
    %dma_start3A_1779 = arith.constant 5 : i32
    %dma_start3A_1780 = arith.constant 640 : i32
    %dma_start3A_1781 = arith.constant 0 : i32
    %dma_start3A_1782 = tpu.memref_slice %arg7[%dma_start3A_1780, %dma_start3A_1781] : memref<3328x32xf32, #tpu.memory_space<vmem>> -> memref<128x32xf32, #tpu.memory_space<vmem>>
    %dma_start3A_1783 = arith.constant 0 : i32
    %dma_start3A_1784 = tpu.memref_slice %arg6[%dma_start3A_1778, %dma_start3A_1783] : memref<26x128xi32, #tpu.memory_space<vmem>> -> memref<1x128xi32, #tpu.memory_space<vmem>>
    %dma_start3A_1785 = tpu.memref_squeeze %dma_start3A_1784 : memref<1x128xi32, #tpu.memory_space<vmem>> -> memref<128xi32, #tpu.memory_space<vmem>>
    %dma_start3A_1786 = arith.constant 0 : i32
    %dma_start3A_1787 = arith.constant 0 : i32
    %dma_start3A_1788 = tpu.memref_slice %arg2[%dma_start3A_1786, %dma_start3A_1787] : memref<1000000x32xf32, #tpu.memory_space<hbm>> -> memref<1000000x32xf32, #tpu.memory_space<hbm>>
    %dma_start3A_1789 = tpu.memref_slice %arg8[%dma_start3A_1779] : memref<26x!tpu.dma_semaphore, #tpu.memory_space<semaphore_mem>> -> memref<1x!tpu.dma_semaphore, #tpu.memory_space<semaphore_mem>>
    %dma_start3A_1790 = tpu.memref_squeeze %dma_start3A_1789 : memref<1x!tpu.dma_semaphore, #tpu.memory_space<semaphore_mem>> -> memref<!tpu.dma_semaphore, #tpu.memory_space<semaphore_mem>>
    tpu.enqueue_indirect_dma source(%dma_start3A_1788 : memref<1000000x32xf32, #tpu.memory_space<hbm>>) target(%dma_start3A_1782 : memref<128x32xf32, #tpu.memory_space<vmem>>) offsets(%dma_start3A_1785 : memref<128xi32, #tpu.memory_space<vmem>>) semaphore(%dma_start3A_1790 : memref<!tpu.dma_semaphore, #tpu.memory_space<semaphore_mem>>)
    %dma_start3A_1791 = arith.constant 6 : i32
    %dma_start3A_1792 = arith.constant 6 : i32
    %dma_start3A_1793 = arith.constant 768 : i32
    %dma_start3A_1794 = arith.constant 0 : i32
    %dma_start3A_1795 = tpu.memref_slice %arg7[%dma_start3A_1793, %dma_start3A_1794] : memref<3328x32xf32, #tpu.memory_space<vmem>> -> memref<128x32xf32, #tpu.memory_space<vmem>>
    %dma_start3A_1796 = arith.constant 0 : i32
    %dma_start3A_1797 = tpu.memref_slice %arg6[%dma_start3A_1791, %dma_start3A_1796] : memref<26x128xi32, #tpu.memory_space<vmem>> -> memref<1x128xi32, #tpu.memory_space<vmem>>
    %dma_start3A_1798 = tpu.memref_squeeze %dma_start3A_1797 : memref<1x128xi32, #tpu.memory_space<vmem>> -> memref<128xi32, #tpu.memory_space<vmem>>
    %dma_start3A_1799 = arith.constant 0 : i32
    %dma_start3A_1800 = arith.constant 0 : i32
    %dma_start3A_1801 = tpu.memref_slice %arg2[%dma_start3A_1799, %dma_start3A_1800] : memref<1000000x32xf32, #tpu.memory_space<hbm>> -> memref<1000000x32xf32, #tpu.memory_space<hbm>>
    %dma_start3A_1802 = tpu.memref_slice %arg8[%dma_start3A_1792] : memref<26x!tpu.dma_semaphore, #tpu.memory_space<semaphore_mem>> -> memref<1x!tpu.dma_semaphore, #tpu.memory_space<semaphore_mem>>
    %dma_start3A_1803 = tpu.memref_squeeze %dma_start3A_1802 : memref<1x!tpu.dma_semaphore, #tpu.memory_space<semaphore_mem>> -> memref<!tpu.dma_semaphore, #tpu.memory_space<semaphore_mem>>
    tpu.enqueue_indirect_dma source(%dma_start3A_1801 : memref<1000000x32xf32, #tpu.memory_space<hbm>>) target(%dma_start3A_1795 : memref<128x32xf32, #tpu.memory_space<vmem>>) offsets(%dma_start3A_1798 : memref<128xi32, #tpu.memory_space<vmem>>) semaphore(%dma_start3A_1803 : memref<!tpu.dma_semaphore, #tpu.memory_space<semaphore_mem>>)
    %dma_start3A_1804 = arith.constant 7 : i32
    %dma_start3A_1805 = arith.constant 7 : i32
    %dma_start3A_1806 = arith.constant 896 : i32
    %dma_start3A_1807 = arith.constant 0 : i32
    %dma_start3A_1808 = tpu.memref_slice %arg7[%dma_start3A_1806, %dma_start3A_1807] : memref<3328x32xf32, #tpu.memory_space<vmem>> -> memref<128x32xf32, #tpu.memory_space<vmem>>
    %dma_start3A_1809 = arith.constant 0 : i32
    %dma_start3A_1810 = tpu.memref_slice %arg6[%dma_start3A_1804, %dma_start3A_1809] : memref<26x128xi32, #tpu.memory_space<vmem>> -> memref<1x128xi32, #tpu.memory_space<vmem>>
    %dma_start3A_1811 = tpu.memref_squeeze %dma_start3A_1810 : memref<1x128xi32, #tpu.memory_space<vmem>> -> memref<128xi32, #tpu.memory_space<vmem>>
    %dma_start3A_1812 = arith.constant 0 : i32
    %dma_start3A_1813 = arith.constant 0 : i32
    %dma_start3A_1814 = tpu.memref_slice %arg2[%dma_start3A_1812, %dma_start3A_1813] : memref<1000000x32xf32, #tpu.memory_space<hbm>> -> memref<1000000x32xf32, #tpu.memory_space<hbm>>
    %dma_start3A_1815 = tpu.memref_slice %arg8[%dma_start3A_1805] : memref<26x!tpu.dma_semaphore, #tpu.memory_space<semaphore_mem>> -> memref<1x!tpu.dma_semaphore, #tpu.memory_space<semaphore_mem>>
    %dma_start3A_1816 = tpu.memref_squeeze %dma_start3A_1815 : memref<1x!tpu.dma_semaphore, #tpu.memory_space<semaphore_mem>> -> memref<!tpu.dma_semaphore, #tpu.memory_space<semaphore_mem>>
    tpu.enqueue_indirect_dma source(%dma_start3A_1814 : memref<1000000x32xf32, #tpu.memory_space<hbm>>) target(%dma_start3A_1808 : memref<128x32xf32, #tpu.memory_space<vmem>>) offsets(%dma_start3A_1811 : memref<128xi32, #tpu.memory_space<vmem>>) semaphore(%dma_start3A_1816 : memref<!tpu.dma_semaphore, #tpu.memory_space<semaphore_mem>>)
    %dma_start3A_1817 = arith.constant 8 : i32
    %dma_start3A_1818 = arith.constant 8 : i32
    %dma_start3A_1819 = arith.constant 1024 : i32
    %dma_start3A_1820 = arith.constant 0 : i32
    %dma_start3A_1821 = tpu.memref_slice %arg7[%dma_start3A_1819, %dma_start3A_1820] : memref<3328x32xf32, #tpu.memory_space<vmem>> -> memref<128x32xf32, #tpu.memory_space<vmem>>
    %dma_start3A_1822 = arith.constant 0 : i32
    %dma_start3A_1823 = tpu.memref_slice %arg6[%dma_start3A_1817, %dma_start3A_1822] : memref<26x128xi32, #tpu.memory_space<vmem>> -> memref<1x128xi32, #tpu.memory_space<vmem>>
    %dma_start3A_1824 = tpu.memref_squeeze %dma_start3A_1823 : memref<1x128xi32, #tpu.memory_space<vmem>> -> memref<128xi32, #tpu.memory_space<vmem>>
    %dma_start3A_1825 = arith.constant 0 : i32
    %dma_start3A_1826 = arith.constant 0 : i32
    %dma_start3A_1827 = tpu.memref_slice %arg2[%dma_start3A_1825, %dma_start3A_1826] : memref<1000000x32xf32, #tpu.memory_space<hbm>> -> memref<1000000x32xf32, #tpu.memory_space<hbm>>
    %dma_start3A_1828 = tpu.memref_slice %arg8[%dma_start3A_1818] : memref<26x!tpu.dma_semaphore, #tpu.memory_space<semaphore_mem>> -> memref<1x!tpu.dma_semaphore, #tpu.memory_space<semaphore_mem>>
    %dma_start3A_1829 = tpu.memref_squeeze %dma_start3A_1828 : memref<1x!tpu.dma_semaphore, #tpu.memory_space<semaphore_mem>> -> memref<!tpu.dma_semaphore, #tpu.memory_space<semaphore_mem>>
    tpu.enqueue_indirect_dma source(%dma_start3A_1827 : memref<1000000x32xf32, #tpu.memory_space<hbm>>) target(%dma_start3A_1821 : memref<128x32xf32, #tpu.memory_space<vmem>>) offsets(%dma_start3A_1824 : memref<128xi32, #tpu.memory_space<vmem>>) semaphore(%dma_start3A_1829 : memref<!tpu.dma_semaphore, #tpu.memory_space<semaphore_mem>>)
    %dma_start3A_1830 = arith.constant 9 : i32
    %dma_start3A_1831 = arith.constant 9 : i32
    %dma_start3A_1832 = arith.constant 1152 : i32
    %dma_start3A_1833 = arith.constant 0 : i32
    %dma_start3A_1834 = tpu.memref_slice %arg7[%dma_start3A_1832, %dma_start3A_1833] : memref<3328x32xf32, #tpu.memory_space<vmem>> -> memref<128x32xf32, #tpu.memory_space<vmem>>
    %dma_start3A_1835 = arith.constant 0 : i32
    %dma_start3A_1836 = tpu.memref_slice %arg6[%dma_start3A_1830, %dma_start3A_1835] : memref<26x128xi32, #tpu.memory_space<vmem>> -> memref<1x128xi32, #tpu.memory_space<vmem>>
    %dma_start3A_1837 = tpu.memref_squeeze %dma_start3A_1836 : memref<1x128xi32, #tpu.memory_space<vmem>> -> memref<128xi32, #tpu.memory_space<vmem>>
    %dma_start3A_1838 = arith.constant 0 : i32
    %dma_start3A_1839 = arith.constant 0 : i32
    %dma_start3A_1840 = tpu.memref_slice %arg2[%dma_start3A_1838, %dma_start3A_1839] : memref<1000000x32xf32, #tpu.memory_space<hbm>> -> memref<1000000x32xf32, #tpu.memory_space<hbm>>
    %dma_start3A_1841 = tpu.memref_slice %arg8[%dma_start3A_1831] : memref<26x!tpu.dma_semaphore, #tpu.memory_space<semaphore_mem>> -> memref<1x!tpu.dma_semaphore, #tpu.memory_space<semaphore_mem>>
    %dma_start3A_1842 = tpu.memref_squeeze %dma_start3A_1841 : memref<1x!tpu.dma_semaphore, #tpu.memory_space<semaphore_mem>> -> memref<!tpu.dma_semaphore, #tpu.memory_space<semaphore_mem>>
    tpu.enqueue_indirect_dma source(%dma_start3A_1840 : memref<1000000x32xf32, #tpu.memory_space<hbm>>) target(%dma_start3A_1834 : memref<128x32xf32, #tpu.memory_space<vmem>>) offsets(%dma_start3A_1837 : memref<128xi32, #tpu.memory_space<vmem>>) semaphore(%dma_start3A_1842 : memref<!tpu.dma_semaphore, #tpu.memory_space<semaphore_mem>>)
    %dma_start3A_1843 = arith.constant 10 : i32
    %dma_start3A_1844 = arith.constant 10 : i32
    %dma_start3A_1845 = arith.constant 1280 : i32
    %dma_start3A_1846 = arith.constant 0 : i32
    %dma_start3A_1847 = tpu.memref_slice %arg7[%dma_start3A_1845, %dma_start3A_1846] : memref<3328x32xf32, #tpu.memory_space<vmem>> -> memref<128x32xf32, #tpu.memory_space<vmem>>
    %dma_start3A_1848 = arith.constant 0 : i32
    %dma_start3A_1849 = tpu.memref_slice %arg6[%dma_start3A_1843, %dma_start3A_1848] : memref<26x128xi32, #tpu.memory_space<vmem>> -> memref<1x128xi32, #tpu.memory_space<vmem>>
    %dma_start3A_1850 = tpu.memref_squeeze %dma_start3A_1849 : memref<1x128xi32, #tpu.memory_space<vmem>> -> memref<128xi32, #tpu.memory_space<vmem>>
    %dma_start3A_1851 = arith.constant 0 : i32
    %dma_start3A_1852 = arith.constant 0 : i32
    %dma_start3A_1853 = tpu.memref_slice %arg2[%dma_start3A_1851, %dma_start3A_1852] : memref<1000000x32xf32, #tpu.memory_space<hbm>> -> memref<1000000x32xf32, #tpu.memory_space<hbm>>
    %dma_start3A_1854 = tpu.memref_slice %arg8[%dma_start3A_1844] : memref<26x!tpu.dma_semaphore, #tpu.memory_space<semaphore_mem>> -> memref<1x!tpu.dma_semaphore, #tpu.memory_space<semaphore_mem>>
    %dma_start3A_1855 = tpu.memref_squeeze %dma_start3A_1854 : memref<1x!tpu.dma_semaphore, #tpu.memory_space<semaphore_mem>> -> memref<!tpu.dma_semaphore, #tpu.memory_space<semaphore_mem>>
    tpu.enqueue_indirect_dma source(%dma_start3A_1853 : memref<1000000x32xf32, #tpu.memory_space<hbm>>) target(%dma_start3A_1847 : memref<128x32xf32, #tpu.memory_space<vmem>>) offsets(%dma_start3A_1850 : memref<128xi32, #tpu.memory_space<vmem>>) semaphore(%dma_start3A_1855 : memref<!tpu.dma_semaphore, #tpu.memory_space<semaphore_mem>>)
    %dma_start3A_1856 = arith.constant 11 : i32
    %dma_start3A_1857 = arith.constant 11 : i32
    %dma_start3A_1858 = arith.constant 1408 : i32
    %dma_start3A_1859 = arith.constant 0 : i32
    %dma_start3A_1860 = tpu.memref_slice %arg7[%dma_start3A_1858, %dma_start3A_1859] : memref<3328x32xf32, #tpu.memory_space<vmem>> -> memref<128x32xf32, #tpu.memory_space<vmem>>
    %dma_start3A_1861 = arith.constant 0 : i32
    %dma_start3A_1862 = tpu.memref_slice %arg6[%dma_start3A_1856, %dma_start3A_1861] : memref<26x128xi32, #tpu.memory_space<vmem>> -> memref<1x128xi32, #tpu.memory_space<vmem>>
    %dma_start3A_1863 = tpu.memref_squeeze %dma_start3A_1862 : memref<1x128xi32, #tpu.memory_space<vmem>> -> memref<128xi32, #tpu.memory_space<vmem>>
    %dma_start3A_1864 = arith.constant 0 : i32
    %dma_start3A_1865 = arith.constant 0 : i32
    %dma_start3A_1866 = tpu.memref_slice %arg2[%dma_start3A_1864, %dma_start3A_1865] : memref<1000000x32xf32, #tpu.memory_space<hbm>> -> memref<1000000x32xf32, #tpu.memory_space<hbm>>
    %dma_start3A_1867 = tpu.memref_slice %arg8[%dma_start3A_1857] : memref<26x!tpu.dma_semaphore, #tpu.memory_space<semaphore_mem>> -> memref<1x!tpu.dma_semaphore, #tpu.memory_space<semaphore_mem>>
    %dma_start3A_1868 = tpu.memref_squeeze %dma_start3A_1867 : memref<1x!tpu.dma_semaphore, #tpu.memory_space<semaphore_mem>> -> memref<!tpu.dma_semaphore, #tpu.memory_space<semaphore_mem>>
    tpu.enqueue_indirect_dma source(%dma_start3A_1866 : memref<1000000x32xf32, #tpu.memory_space<hbm>>) target(%dma_start3A_1860 : memref<128x32xf32, #tpu.memory_space<vmem>>) offsets(%dma_start3A_1863 : memref<128xi32, #tpu.memory_space<vmem>>) semaphore(%dma_start3A_1868 : memref<!tpu.dma_semaphore, #tpu.memory_space<semaphore_mem>>)
    %dma_start3A_1869 = arith.constant 12 : i32
    %dma_start3A_1870 = arith.constant 12 : i32
    %dma_start3A_1871 = arith.constant 1536 : i32
    %dma_start3A_1872 = arith.constant 0 : i32
    %dma_start3A_1873 = tpu.memref_slice %arg7[%dma_start3A_1871, %dma_start3A_1872] : memref<3328x32xf32, #tpu.memory_space<vmem>> -> memref<128x32xf32, #tpu.memory_space<vmem>>
    %dma_start3A_1874 = arith.constant 0 : i32
    %dma_start3A_1875 = tpu.memref_slice %arg6[%dma_start3A_1869, %dma_start3A_1874] : memref<26x128xi32, #tpu.memory_space<vmem>> -> memref<1x128xi32, #tpu.memory_space<vmem>>
    %dma_start3A_1876 = tpu.memref_squeeze %dma_start3A_1875 : memref<1x128xi32, #tpu.memory_space<vmem>> -> memref<128xi32, #tpu.memory_space<vmem>>
    %dma_start3A_1877 = arith.constant 0 : i32
    %dma_start3A_1878 = arith.constant 0 : i32
    %dma_start3A_1879 = tpu.memref_slice %arg2[%dma_start3A_1877, %dma_start3A_1878] : memref<1000000x32xf32, #tpu.memory_space<hbm>> -> memref<1000000x32xf32, #tpu.memory_space<hbm>>
    %dma_start3A_1880 = tpu.memref_slice %arg8[%dma_start3A_1870] : memref<26x!tpu.dma_semaphore, #tpu.memory_space<semaphore_mem>> -> memref<1x!tpu.dma_semaphore, #tpu.memory_space<semaphore_mem>>
    %dma_start3A_1881 = tpu.memref_squeeze %dma_start3A_1880 : memref<1x!tpu.dma_semaphore, #tpu.memory_space<semaphore_mem>> -> memref<!tpu.dma_semaphore, #tpu.memory_space<semaphore_mem>>
    tpu.enqueue_indirect_dma source(%dma_start3A_1879 : memref<1000000x32xf32, #tpu.memory_space<hbm>>) target(%dma_start3A_1873 : memref<128x32xf32, #tpu.memory_space<vmem>>) offsets(%dma_start3A_1876 : memref<128xi32, #tpu.memory_space<vmem>>) semaphore(%dma_start3A_1881 : memref<!tpu.dma_semaphore, #tpu.memory_space<semaphore_mem>>)
    %dma_start3A_1882 = arith.constant 13 : i32
    %dma_start3A_1883 = arith.constant 13 : i32
    %dma_start3A_1884 = arith.constant 1664 : i32
    %dma_start3A_1885 = arith.constant 0 : i32
    %dma_start3A_1886 = tpu.memref_slice %arg7[%dma_start3A_1884, %dma_start3A_1885] : memref<3328x32xf32, #tpu.memory_space<vmem>> -> memref<128x32xf32, #tpu.memory_space<vmem>>
    %dma_start3A_1887 = arith.constant 0 : i32
    %dma_start3A_1888 = tpu.memref_slice %arg6[%dma_start3A_1882, %dma_start3A_1887] : memref<26x128xi32, #tpu.memory_space<vmem>> -> memref<1x128xi32, #tpu.memory_space<vmem>>
    %dma_start3A_1889 = tpu.memref_squeeze %dma_start3A_1888 : memref<1x128xi32, #tpu.memory_space<vmem>> -> memref<128xi32, #tpu.memory_space<vmem>>
    %dma_start3A_1890 = arith.constant 0 : i32
    %dma_start3A_1891 = arith.constant 0 : i32
    %dma_start3A_1892 = tpu.memref_slice %arg2[%dma_start3A_1890, %dma_start3A_1891] : memref<1000000x32xf32, #tpu.memory_space<hbm>> -> memref<1000000x32xf32, #tpu.memory_space<hbm>>
    %dma_start3A_1893 = tpu.memref_slice %arg8[%dma_start3A_1883] : memref<26x!tpu.dma_semaphore, #tpu.memory_space<semaphore_mem>> -> memref<1x!tpu.dma_semaphore, #tpu.memory_space<semaphore_mem>>
    %dma_start3A_1894 = tpu.memref_squeeze %dma_start3A_1893 : memref<1x!tpu.dma_semaphore, #tpu.memory_space<semaphore_mem>> -> memref<!tpu.dma_semaphore, #tpu.memory_space<semaphore_mem>>
    tpu.enqueue_indirect_dma source(%dma_start3A_1892 : memref<1000000x32xf32, #tpu.memory_space<hbm>>) target(%dma_start3A_1886 : memref<128x32xf32, #tpu.memory_space<vmem>>) offsets(%dma_start3A_1889 : memref<128xi32, #tpu.memory_space<vmem>>) semaphore(%dma_start3A_1894 : memref<!tpu.dma_semaphore, #tpu.memory_space<semaphore_mem>>)
    %dma_start3A_1895 = arith.constant 14 : i32
    %dma_start3A_1896 = arith.constant 14 : i32
    %dma_start3A_1897 = arith.constant 1792 : i32
    %dma_start3A_1898 = arith.constant 0 : i32
    %dma_start3A_1899 = tpu.memref_slice %arg7[%dma_start3A_1897, %dma_start3A_1898] : memref<3328x32xf32, #tpu.memory_space<vmem>> -> memref<128x32xf32, #tpu.memory_space<vmem>>
    %dma_start3A_1900 = arith.constant 0 : i32
    %dma_start3A_1901 = tpu.memref_slice %arg6[%dma_start3A_1895, %dma_start3A_1900] : memref<26x128xi32, #tpu.memory_space<vmem>> -> memref<1x128xi32, #tpu.memory_space<vmem>>
    %dma_start3A_1902 = tpu.memref_squeeze %dma_start3A_1901 : memref<1x128xi32, #tpu.memory_space<vmem>> -> memref<128xi32, #tpu.memory_space<vmem>>
    %dma_start3A_1903 = arith.constant 0 : i32
    %dma_start3A_1904 = arith.constant 0 : i32
    %dma_start3A_1905 = tpu.memref_slice %arg2[%dma_start3A_1903, %dma_start3A_1904] : memref<1000000x32xf32, #tpu.memory_space<hbm>> -> memref<1000000x32xf32, #tpu.memory_space<hbm>>
    %dma_start3A_1906 = tpu.memref_slice %arg8[%dma_start3A_1896] : memref<26x!tpu.dma_semaphore, #tpu.memory_space<semaphore_mem>> -> memref<1x!tpu.dma_semaphore, #tpu.memory_space<semaphore_mem>>
    %dma_start3A_1907 = tpu.memref_squeeze %dma_start3A_1906 : memref<1x!tpu.dma_semaphore, #tpu.memory_space<semaphore_mem>> -> memref<!tpu.dma_semaphore, #tpu.memory_space<semaphore_mem>>
    tpu.enqueue_indirect_dma source(%dma_start3A_1905 : memref<1000000x32xf32, #tpu.memory_space<hbm>>) target(%dma_start3A_1899 : memref<128x32xf32, #tpu.memory_space<vmem>>) offsets(%dma_start3A_1902 : memref<128xi32, #tpu.memory_space<vmem>>) semaphore(%dma_start3A_1907 : memref<!tpu.dma_semaphore, #tpu.memory_space<semaphore_mem>>)
    %dma_start3A_1908 = arith.constant 15 : i32
    %dma_start3A_1909 = arith.constant 15 : i32
    %dma_start3A_1910 = arith.constant 1920 : i32
    %dma_start3A_1911 = arith.constant 0 : i32
    %dma_start3A_1912 = tpu.memref_slice %arg7[%dma_start3A_1910, %dma_start3A_1911] : memref<3328x32xf32, #tpu.memory_space<vmem>> -> memref<128x32xf32, #tpu.memory_space<vmem>>
    %dma_start3A_1913 = arith.constant 0 : i32
    %dma_start3A_1914 = tpu.memref_slice %arg6[%dma_start3A_1908, %dma_start3A_1913] : memref<26x128xi32, #tpu.memory_space<vmem>> -> memref<1x128xi32, #tpu.memory_space<vmem>>
    %dma_start3A_1915 = tpu.memref_squeeze %dma_start3A_1914 : memref<1x128xi32, #tpu.memory_space<vmem>> -> memref<128xi32, #tpu.memory_space<vmem>>
    %dma_start3A_1916 = arith.constant 0 : i32
    %dma_start3A_1917 = arith.constant 0 : i32
    %dma_start3A_1918 = tpu.memref_slice %arg2[%dma_start3A_1916, %dma_start3A_1917] : memref<1000000x32xf32, #tpu.memory_space<hbm>> -> memref<1000000x32xf32, #tpu.memory_space<hbm>>
    %dma_start3A_1919 = tpu.memref_slice %arg8[%dma_start3A_1909] : memref<26x!tpu.dma_semaphore, #tpu.memory_space<semaphore_mem>> -> memref<1x!tpu.dma_semaphore, #tpu.memory_space<semaphore_mem>>
    %dma_start3A_1920 = tpu.memref_squeeze %dma_start3A_1919 : memref<1x!tpu.dma_semaphore, #tpu.memory_space<semaphore_mem>> -> memref<!tpu.dma_semaphore, #tpu.memory_space<semaphore_mem>>
    tpu.enqueue_indirect_dma source(%dma_start3A_1918 : memref<1000000x32xf32, #tpu.memory_space<hbm>>) target(%dma_start3A_1912 : memref<128x32xf32, #tpu.memory_space<vmem>>) offsets(%dma_start3A_1915 : memref<128xi32, #tpu.memory_space<vmem>>) semaphore(%dma_start3A_1920 : memref<!tpu.dma_semaphore, #tpu.memory_space<semaphore_mem>>)
    %dma_start3A_1921 = arith.constant 16 : i32
    %dma_start3A_1922 = arith.constant 16 : i32
    %dma_start3A_1923 = arith.constant 2048 : i32
    %dma_start3A_1924 = arith.constant 0 : i32
    %dma_start3A_1925 = tpu.memref_slice %arg7[%dma_start3A_1923, %dma_start3A_1924] : memref<3328x32xf32, #tpu.memory_space<vmem>> -> memref<128x32xf32, #tpu.memory_space<vmem>>
    %dma_start3A_1926 = arith.constant 0 : i32
    %dma_start3A_1927 = tpu.memref_slice %arg6[%dma_start3A_1921, %dma_start3A_1926] : memref<26x128xi32, #tpu.memory_space<vmem>> -> memref<1x128xi32, #tpu.memory_space<vmem>>
    %dma_start3A_1928 = tpu.memref_squeeze %dma_start3A_1927 : memref<1x128xi32, #tpu.memory_space<vmem>> -> memref<128xi32, #tpu.memory_space<vmem>>
    %dma_start3A_1929 = arith.constant 0 : i32
    %dma_start3A_1930 = arith.constant 0 : i32
    %dma_start3A_1931 = tpu.memref_slice %arg2[%dma_start3A_1929, %dma_start3A_1930] : memref<1000000x32xf32, #tpu.memory_space<hbm>> -> memref<1000000x32xf32, #tpu.memory_space<hbm>>
    %dma_start3A_1932 = tpu.memref_slice %arg8[%dma_start3A_1922] : memref<26x!tpu.dma_semaphore, #tpu.memory_space<semaphore_mem>> -> memref<1x!tpu.dma_semaphore, #tpu.memory_space<semaphore_mem>>
    %dma_start3A_1933 = tpu.memref_squeeze %dma_start3A_1932 : memref<1x!tpu.dma_semaphore, #tpu.memory_space<semaphore_mem>> -> memref<!tpu.dma_semaphore, #tpu.memory_space<semaphore_mem>>
    tpu.enqueue_indirect_dma source(%dma_start3A_1931 : memref<1000000x32xf32, #tpu.memory_space<hbm>>) target(%dma_start3A_1925 : memref<128x32xf32, #tpu.memory_space<vmem>>) offsets(%dma_start3A_1928 : memref<128xi32, #tpu.memory_space<vmem>>) semaphore(%dma_start3A_1933 : memref<!tpu.dma_semaphore, #tpu.memory_space<semaphore_mem>>)
    %dma_start3A_1934 = arith.constant 17 : i32
    %dma_start3A_1935 = arith.constant 17 : i32
    %dma_start3A_1936 = arith.constant 2176 : i32
    %dma_start3A_1937 = arith.constant 0 : i32
    %dma_start3A_1938 = tpu.memref_slice %arg7[%dma_start3A_1936, %dma_start3A_1937] : memref<3328x32xf32, #tpu.memory_space<vmem>> -> memref<128x32xf32, #tpu.memory_space<vmem>>
    %dma_start3A_1939 = arith.constant 0 : i32
    %dma_start3A_1940 = tpu.memref_slice %arg6[%dma_start3A_1934, %dma_start3A_1939] : memref<26x128xi32, #tpu.memory_space<vmem>> -> memref<1x128xi32, #tpu.memory_space<vmem>>
    %dma_start3A_1941 = tpu.memref_squeeze %dma_start3A_1940 : memref<1x128xi32, #tpu.memory_space<vmem>> -> memref<128xi32, #tpu.memory_space<vmem>>
    %dma_start3A_1942 = arith.constant 0 : i32
    %dma_start3A_1943 = arith.constant 0 : i32
    %dma_start3A_1944 = tpu.memref_slice %arg2[%dma_start3A_1942, %dma_start3A_1943] : memref<1000000x32xf32, #tpu.memory_space<hbm>> -> memref<1000000x32xf32, #tpu.memory_space<hbm>>
    %dma_start3A_1945 = tpu.memref_slice %arg8[%dma_start3A_1935] : memref<26x!tpu.dma_semaphore, #tpu.memory_space<semaphore_mem>> -> memref<1x!tpu.dma_semaphore, #tpu.memory_space<semaphore_mem>>
    %dma_start3A_1946 = tpu.memref_squeeze %dma_start3A_1945 : memref<1x!tpu.dma_semaphore, #tpu.memory_space<semaphore_mem>> -> memref<!tpu.dma_semaphore, #tpu.memory_space<semaphore_mem>>
    tpu.enqueue_indirect_dma source(%dma_start3A_1944 : memref<1000000x32xf32, #tpu.memory_space<hbm>>) target(%dma_start3A_1938 : memref<128x32xf32, #tpu.memory_space<vmem>>) offsets(%dma_start3A_1941 : memref<128xi32, #tpu.memory_space<vmem>>) semaphore(%dma_start3A_1946 : memref<!tpu.dma_semaphore, #tpu.memory_space<semaphore_mem>>)
    %dma_start3A_1947 = arith.constant 18 : i32
    %dma_start3A_1948 = arith.constant 18 : i32
    %dma_start3A_1949 = arith.constant 2304 : i32
    %dma_start3A_1950 = arith.constant 0 : i32
    %dma_start3A_1951 = tpu.memref_slice %arg7[%dma_start3A_1949, %dma_start3A_1950] : memref<3328x32xf32, #tpu.memory_space<vmem>> -> memref<128x32xf32, #tpu.memory_space<vmem>>
    %dma_start3A_1952 = arith.constant 0 : i32
    %dma_start3A_1953 = tpu.memref_slice %arg6[%dma_start3A_1947, %dma_start3A_1952] : memref<26x128xi32, #tpu.memory_space<vmem>> -> memref<1x128xi32, #tpu.memory_space<vmem>>
    %dma_start3A_1954 = tpu.memref_squeeze %dma_start3A_1953 : memref<1x128xi32, #tpu.memory_space<vmem>> -> memref<128xi32, #tpu.memory_space<vmem>>
    %dma_start3A_1955 = arith.constant 0 : i32
    %dma_start3A_1956 = arith.constant 0 : i32
    %dma_start3A_1957 = tpu.memref_slice %arg2[%dma_start3A_1955, %dma_start3A_1956] : memref<1000000x32xf32, #tpu.memory_space<hbm>> -> memref<1000000x32xf32, #tpu.memory_space<hbm>>
    %dma_start3A_1958 = tpu.memref_slice %arg8[%dma_start3A_1948] : memref<26x!tpu.dma_semaphore, #tpu.memory_space<semaphore_mem>> -> memref<1x!tpu.dma_semaphore, #tpu.memory_space<semaphore_mem>>
    %dma_start3A_1959 = tpu.memref_squeeze %dma_start3A_1958 : memref<1x!tpu.dma_semaphore, #tpu.memory_space<semaphore_mem>> -> memref<!tpu.dma_semaphore, #tpu.memory_space<semaphore_mem>>
    tpu.enqueue_indirect_dma source(%dma_start3A_1957 : memref<1000000x32xf32, #tpu.memory_space<hbm>>) target(%dma_start3A_1951 : memref<128x32xf32, #tpu.memory_space<vmem>>) offsets(%dma_start3A_1954 : memref<128xi32, #tpu.memory_space<vmem>>) semaphore(%dma_start3A_1959 : memref<!tpu.dma_semaphore, #tpu.memory_space<semaphore_mem>>)
    %dma_start3A_1960 = arith.constant 19 : i32
    %dma_start3A_1961 = arith.constant 19 : i32
    %dma_start3A_1962 = arith.constant 2432 : i32
    %dma_start3A_1963 = arith.constant 0 : i32
    %dma_start3A_1964 = tpu.memref_slice %arg7[%dma_start3A_1962, %dma_start3A_1963] : memref<3328x32xf32, #tpu.memory_space<vmem>> -> memref<128x32xf32, #tpu.memory_space<vmem>>
    %dma_start3A_1965 = arith.constant 0 : i32
    %dma_start3A_1966 = tpu.memref_slice %arg6[%dma_start3A_1960, %dma_start3A_1965] : memref<26x128xi32, #tpu.memory_space<vmem>> -> memref<1x128xi32, #tpu.memory_space<vmem>>
    %dma_start3A_1967 = tpu.memref_squeeze %dma_start3A_1966 : memref<1x128xi32, #tpu.memory_space<vmem>> -> memref<128xi32, #tpu.memory_space<vmem>>
    %dma_start3A_1968 = arith.constant 0 : i32
    %dma_start3A_1969 = arith.constant 0 : i32
    %dma_start3A_1970 = tpu.memref_slice %arg2[%dma_start3A_1968, %dma_start3A_1969] : memref<1000000x32xf32, #tpu.memory_space<hbm>> -> memref<1000000x32xf32, #tpu.memory_space<hbm>>
    %dma_start3A_1971 = tpu.memref_slice %arg8[%dma_start3A_1961] : memref<26x!tpu.dma_semaphore, #tpu.memory_space<semaphore_mem>> -> memref<1x!tpu.dma_semaphore, #tpu.memory_space<semaphore_mem>>
    %dma_start3A_1972 = tpu.memref_squeeze %dma_start3A_1971 : memref<1x!tpu.dma_semaphore, #tpu.memory_space<semaphore_mem>> -> memref<!tpu.dma_semaphore, #tpu.memory_space<semaphore_mem>>
    tpu.enqueue_indirect_dma source(%dma_start3A_1970 : memref<1000000x32xf32, #tpu.memory_space<hbm>>) target(%dma_start3A_1964 : memref<128x32xf32, #tpu.memory_space<vmem>>) offsets(%dma_start3A_1967 : memref<128xi32, #tpu.memory_space<vmem>>) semaphore(%dma_start3A_1972 : memref<!tpu.dma_semaphore, #tpu.memory_space<semaphore_mem>>)
    %dma_start3A_1973 = arith.constant 20 : i32
    %dma_start3A_1974 = arith.constant 20 : i32
    %dma_start3A_1975 = arith.constant 2560 : i32
    %dma_start3A_1976 = arith.constant 0 : i32
    %dma_start3A_1977 = tpu.memref_slice %arg7[%dma_start3A_1975, %dma_start3A_1976] : memref<3328x32xf32, #tpu.memory_space<vmem>> -> memref<128x32xf32, #tpu.memory_space<vmem>>
    %dma_start3A_1978 = arith.constant 0 : i32
    %dma_start3A_1979 = tpu.memref_slice %arg6[%dma_start3A_1973, %dma_start3A_1978] : memref<26x128xi32, #tpu.memory_space<vmem>> -> memref<1x128xi32, #tpu.memory_space<vmem>>
    %dma_start3A_1980 = tpu.memref_squeeze %dma_start3A_1979 : memref<1x128xi32, #tpu.memory_space<vmem>> -> memref<128xi32, #tpu.memory_space<vmem>>
    %dma_start3A_1981 = arith.constant 0 : i32
    %dma_start3A_1982 = arith.constant 0 : i32
    %dma_start3A_1983 = tpu.memref_slice %arg2[%dma_start3A_1981, %dma_start3A_1982] : memref<1000000x32xf32, #tpu.memory_space<hbm>> -> memref<1000000x32xf32, #tpu.memory_space<hbm>>
    %dma_start3A_1984 = tpu.memref_slice %arg8[%dma_start3A_1974] : memref<26x!tpu.dma_semaphore, #tpu.memory_space<semaphore_mem>> -> memref<1x!tpu.dma_semaphore, #tpu.memory_space<semaphore_mem>>
    %dma_start3A_1985 = tpu.memref_squeeze %dma_start3A_1984 : memref<1x!tpu.dma_semaphore, #tpu.memory_space<semaphore_mem>> -> memref<!tpu.dma_semaphore, #tpu.memory_space<semaphore_mem>>
    tpu.enqueue_indirect_dma source(%dma_start3A_1983 : memref<1000000x32xf32, #tpu.memory_space<hbm>>) target(%dma_start3A_1977 : memref<128x32xf32, #tpu.memory_space<vmem>>) offsets(%dma_start3A_1980 : memref<128xi32, #tpu.memory_space<vmem>>) semaphore(%dma_start3A_1985 : memref<!tpu.dma_semaphore, #tpu.memory_space<semaphore_mem>>)
    %dma_start3A_1986 = arith.constant 21 : i32
    %dma_start3A_1987 = arith.constant 21 : i32
    %dma_start3A_1988 = arith.constant 2688 : i32
    %dma_start3A_1989 = arith.constant 0 : i32
    %dma_start3A_1990 = tpu.memref_slice %arg7[%dma_start3A_1988, %dma_start3A_1989] : memref<3328x32xf32, #tpu.memory_space<vmem>> -> memref<128x32xf32, #tpu.memory_space<vmem>>
    %dma_start3A_1991 = arith.constant 0 : i32
    %dma_start3A_1992 = tpu.memref_slice %arg6[%dma_start3A_1986, %dma_start3A_1991] : memref<26x128xi32, #tpu.memory_space<vmem>> -> memref<1x128xi32, #tpu.memory_space<vmem>>
    %dma_start3A_1993 = tpu.memref_squeeze %dma_start3A_1992 : memref<1x128xi32, #tpu.memory_space<vmem>> -> memref<128xi32, #tpu.memory_space<vmem>>
    %dma_start3A_1994 = arith.constant 0 : i32
    %dma_start3A_1995 = arith.constant 0 : i32
    %dma_start3A_1996 = tpu.memref_slice %arg2[%dma_start3A_1994, %dma_start3A_1995] : memref<1000000x32xf32, #tpu.memory_space<hbm>> -> memref<1000000x32xf32, #tpu.memory_space<hbm>>
    %dma_start3A_1997 = tpu.memref_slice %arg8[%dma_start3A_1987] : memref<26x!tpu.dma_semaphore, #tpu.memory_space<semaphore_mem>> -> memref<1x!tpu.dma_semaphore, #tpu.memory_space<semaphore_mem>>
    %dma_start3A_1998 = tpu.memref_squeeze %dma_start3A_1997 : memref<1x!tpu.dma_semaphore, #tpu.memory_space<semaphore_mem>> -> memref<!tpu.dma_semaphore, #tpu.memory_space<semaphore_mem>>
    tpu.enqueue_indirect_dma source(%dma_start3A_1996 : memref<1000000x32xf32, #tpu.memory_space<hbm>>) target(%dma_start3A_1990 : memref<128x32xf32, #tpu.memory_space<vmem>>) offsets(%dma_start3A_1993 : memref<128xi32, #tpu.memory_space<vmem>>) semaphore(%dma_start3A_1998 : memref<!tpu.dma_semaphore, #tpu.memory_space<semaphore_mem>>)
    %dma_start3A_1999 = arith.constant 22 : i32
    %dma_start3A_2000 = arith.constant 22 : i32
    %dma_start3A_2001 = arith.constant 2816 : i32
    %dma_start3A_2002 = arith.constant 0 : i32
    %dma_start3A_2003 = tpu.memref_slice %arg7[%dma_start3A_2001, %dma_start3A_2002] : memref<3328x32xf32, #tpu.memory_space<vmem>> -> memref<128x32xf32, #tpu.memory_space<vmem>>
    %dma_start3A_2004 = arith.constant 0 : i32
    %dma_start3A_2005 = tpu.memref_slice %arg6[%dma_start3A_1999, %dma_start3A_2004] : memref<26x128xi32, #tpu.memory_space<vmem>> -> memref<1x128xi32, #tpu.memory_space<vmem>>
    %dma_start3A_2006 = tpu.memref_squeeze %dma_start3A_2005 : memref<1x128xi32, #tpu.memory_space<vmem>> -> memref<128xi32, #tpu.memory_space<vmem>>
    %dma_start3A_2007 = arith.constant 0 : i32
    %dma_start3A_2008 = arith.constant 0 : i32
    %dma_start3A_2009 = tpu.memref_slice %arg2[%dma_start3A_2007, %dma_start3A_2008] : memref<1000000x32xf32, #tpu.memory_space<hbm>> -> memref<1000000x32xf32, #tpu.memory_space<hbm>>
    %dma_start3A_2010 = tpu.memref_slice %arg8[%dma_start3A_2000] : memref<26x!tpu.dma_semaphore, #tpu.memory_space<semaphore_mem>> -> memref<1x!tpu.dma_semaphore, #tpu.memory_space<semaphore_mem>>
    %dma_start3A_2011 = tpu.memref_squeeze %dma_start3A_2010 : memref<1x!tpu.dma_semaphore, #tpu.memory_space<semaphore_mem>> -> memref<!tpu.dma_semaphore, #tpu.memory_space<semaphore_mem>>
    tpu.enqueue_indirect_dma source(%dma_start3A_2009 : memref<1000000x32xf32, #tpu.memory_space<hbm>>) target(%dma_start3A_2003 : memref<128x32xf32, #tpu.memory_space<vmem>>) offsets(%dma_start3A_2006 : memref<128xi32, #tpu.memory_space<vmem>>) semaphore(%dma_start3A_2011 : memref<!tpu.dma_semaphore, #tpu.memory_space<semaphore_mem>>)
    %dma_start3A_2012 = arith.constant 23 : i32
    %dma_start3A_2013 = arith.constant 23 : i32
    %dma_start3A_2014 = arith.constant 2944 : i32
    %dma_start3A_2015 = arith.constant 0 : i32
    %dma_start3A_2016 = tpu.memref_slice %arg7[%dma_start3A_2014, %dma_start3A_2015] : memref<3328x32xf32, #tpu.memory_space<vmem>> -> memref<128x32xf32, #tpu.memory_space<vmem>>
    %dma_start3A_2017 = arith.constant 0 : i32
    %dma_start3A_2018 = tpu.memref_slice %arg6[%dma_start3A_2012, %dma_start3A_2017] : memref<26x128xi32, #tpu.memory_space<vmem>> -> memref<1x128xi32, #tpu.memory_space<vmem>>
    %dma_start3A_2019 = tpu.memref_squeeze %dma_start3A_2018 : memref<1x128xi32, #tpu.memory_space<vmem>> -> memref<128xi32, #tpu.memory_space<vmem>>
    %dma_start3A_2020 = arith.constant 0 : i32
    %dma_start3A_2021 = arith.constant 0 : i32
    %dma_start3A_2022 = tpu.memref_slice %arg2[%dma_start3A_2020, %dma_start3A_2021] : memref<1000000x32xf32, #tpu.memory_space<hbm>> -> memref<1000000x32xf32, #tpu.memory_space<hbm>>
    %dma_start3A_2023 = tpu.memref_slice %arg8[%dma_start3A_2013] : memref<26x!tpu.dma_semaphore, #tpu.memory_space<semaphore_mem>> -> memref<1x!tpu.dma_semaphore, #tpu.memory_space<semaphore_mem>>
    %dma_start3A_2024 = tpu.memref_squeeze %dma_start3A_2023 : memref<1x!tpu.dma_semaphore, #tpu.memory_space<semaphore_mem>> -> memref<!tpu.dma_semaphore, #tpu.memory_space<semaphore_mem>>
    tpu.enqueue_indirect_dma source(%dma_start3A_2022 : memref<1000000x32xf32, #tpu.memory_space<hbm>>) target(%dma_start3A_2016 : memref<128x32xf32, #tpu.memory_space<vmem>>) offsets(%dma_start3A_2019 : memref<128xi32, #tpu.memory_space<vmem>>) semaphore(%dma_start3A_2024 : memref<!tpu.dma_semaphore, #tpu.memory_space<semaphore_mem>>)
    %dma_start3A_2025 = arith.constant 24 : i32
    %dma_start3A_2026 = arith.constant 24 : i32
    %dma_start3A_2027 = arith.constant 3072 : i32
    %dma_start3A_2028 = arith.constant 0 : i32
    %dma_start3A_2029 = tpu.memref_slice %arg7[%dma_start3A_2027, %dma_start3A_2028] : memref<3328x32xf32, #tpu.memory_space<vmem>> -> memref<128x32xf32, #tpu.memory_space<vmem>>
    %dma_start3A_2030 = arith.constant 0 : i32
    %dma_start3A_2031 = tpu.memref_slice %arg6[%dma_start3A_2025, %dma_start3A_2030] : memref<26x128xi32, #tpu.memory_space<vmem>> -> memref<1x128xi32, #tpu.memory_space<vmem>>
    %dma_start3A_2032 = tpu.memref_squeeze %dma_start3A_2031 : memref<1x128xi32, #tpu.memory_space<vmem>> -> memref<128xi32, #tpu.memory_space<vmem>>
    %dma_start3A_2033 = arith.constant 0 : i32
    %dma_start3A_2034 = arith.constant 0 : i32
    %dma_start3A_2035 = tpu.memref_slice %arg2[%dma_start3A_2033, %dma_start3A_2034] : memref<1000000x32xf32, #tpu.memory_space<hbm>> -> memref<1000000x32xf32, #tpu.memory_space<hbm>>
    %dma_start3A_2036 = tpu.memref_slice %arg8[%dma_start3A_2026] : memref<26x!tpu.dma_semaphore, #tpu.memory_space<semaphore_mem>> -> memref<1x!tpu.dma_semaphore, #tpu.memory_space<semaphore_mem>>
    %dma_start3A_2037 = tpu.memref_squeeze %dma_start3A_2036 : memref<1x!tpu.dma_semaphore, #tpu.memory_space<semaphore_mem>> -> memref<!tpu.dma_semaphore, #tpu.memory_space<semaphore_mem>>
    tpu.enqueue_indirect_dma source(%dma_start3A_2035 : memref<1000000x32xf32, #tpu.memory_space<hbm>>) target(%dma_start3A_2029 : memref<128x32xf32, #tpu.memory_space<vmem>>) offsets(%dma_start3A_2032 : memref<128xi32, #tpu.memory_space<vmem>>) semaphore(%dma_start3A_2037 : memref<!tpu.dma_semaphore, #tpu.memory_space<semaphore_mem>>)
    %dma_start3A_2038 = arith.constant 25 : i32
    %dma_start3A_2039 = arith.constant 25 : i32
    %dma_start3A_2040 = arith.constant 3200 : i32
    %dma_start3A_2041 = arith.constant 0 : i32
    %dma_start3A_2042 = tpu.memref_slice %arg7[%dma_start3A_2040, %dma_start3A_2041] : memref<3328x32xf32, #tpu.memory_space<vmem>> -> memref<128x32xf32, #tpu.memory_space<vmem>>
    %dma_start3A_2043 = arith.constant 0 : i32
    %dma_start3A_2044 = tpu.memref_slice %arg6[%dma_start3A_2038, %dma_start3A_2043] : memref<26x128xi32, #tpu.memory_space<vmem>> -> memref<1x128xi32, #tpu.memory_space<vmem>>
    %dma_start3A_2045 = tpu.memref_squeeze %dma_start3A_2044 : memref<1x128xi32, #tpu.memory_space<vmem>> -> memref<128xi32, #tpu.memory_space<vmem>>
    %dma_start3A_2046 = arith.constant 0 : i32
    %dma_start3A_2047 = arith.constant 0 : i32
    %dma_start3A_2048 = tpu.memref_slice %arg2[%dma_start3A_2046, %dma_start3A_2047] : memref<1000000x32xf32, #tpu.memory_space<hbm>> -> memref<1000000x32xf32, #tpu.memory_space<hbm>>
    %dma_start3A_2049 = tpu.memref_slice %arg8[%dma_start3A_2039] : memref<26x!tpu.dma_semaphore, #tpu.memory_space<semaphore_mem>> -> memref<1x!tpu.dma_semaphore, #tpu.memory_space<semaphore_mem>>
    %dma_start3A_2050 = tpu.memref_squeeze %dma_start3A_2049 : memref<1x!tpu.dma_semaphore, #tpu.memory_space<semaphore_mem>> -> memref<!tpu.dma_semaphore, #tpu.memory_space<semaphore_mem>>
    tpu.enqueue_indirect_dma source(%dma_start3A_2048 : memref<1000000x32xf32, #tpu.memory_space<hbm>>) target(%dma_start3A_2042 : memref<128x32xf32, #tpu.memory_space<vmem>>) offsets(%dma_start3A_2045 : memref<128xi32, #tpu.memory_space<vmem>>) semaphore(%dma_start3A_2050 : memref<!tpu.dma_semaphore, #tpu.memory_space<semaphore_mem>>)
    %dma_wait3A = arith.constant 0 : i32
    %dma_wait3A_2051 = arith.constant 0 : i32
    %dma_wait3A_2052 = arith.constant 0 : i32
    %dma_wait3A_2053 = arith.constant 0 : i32
    %dma_wait3A_2054 = tpu.memref_slice %arg7[%dma_wait3A_2052, %dma_wait3A_2053] : memref<3328x32xf32, #tpu.memory_space<vmem>> -> memref<128x32xf32, #tpu.memory_space<vmem>>
    %dma_wait3A_2055 = arith.constant 0 : i32
    %dma_wait3A_2056 = tpu.memref_slice %arg6[%dma_wait3A, %dma_wait3A_2055] : memref<26x128xi32, #tpu.memory_space<vmem>> -> memref<1x128xi32, #tpu.memory_space<vmem>>
    %dma_wait3A_2057 = tpu.memref_squeeze %dma_wait3A_2056 : memref<1x128xi32, #tpu.memory_space<vmem>> -> memref<128xi32, #tpu.memory_space<vmem>>
    %dma_wait3A_2058 = arith.constant 0 : i32
    %dma_wait3A_2059 = arith.constant 0 : i32
    %dma_wait3A_2060 = tpu.memref_slice %arg2[%dma_wait3A_2058, %dma_wait3A_2059] : memref<1000000x32xf32, #tpu.memory_space<hbm>> -> memref<1000000x32xf32, #tpu.memory_space<hbm>>
    %dma_wait3A_2061 = tpu.memref_slice %arg8[%dma_wait3A_2051] : memref<26x!tpu.dma_semaphore, #tpu.memory_space<semaphore_mem>> -> memref<1x!tpu.dma_semaphore, #tpu.memory_space<semaphore_mem>>
    %dma_wait3A_2062 = tpu.memref_squeeze %dma_wait3A_2061 : memref<1x!tpu.dma_semaphore, #tpu.memory_space<semaphore_mem>> -> memref<!tpu.dma_semaphore, #tpu.memory_space<semaphore_mem>>
    tpu.wait_indirect_dma semaphore(%dma_wait3A_2062 : memref<!tpu.dma_semaphore, #tpu.memory_space<semaphore_mem>>) src(%dma_wait3A_2060 : memref<1000000x32xf32, #tpu.memory_space<hbm>>) dst(%dma_wait3A_2054 : memref<128x32xf32, #tpu.memory_space<vmem>>)
    %mul3A_2063 = arith.constant 128 : i32
    %mul3A_2064 = arith.muli %add3A, %mul3A_2063 : i32
    "tpu.region"() ({
      %run_scoped3A = tpu.sem_alloc : memref<!tpu.dma_semaphore, #tpu.memory_space<semaphore_mem>>
      %dma_start3A_2440 = arith.constant 0 : i32
      %dma_start3A_2441 = arith.constant 0 : i32
      %dma_start3A_2442 = tpu.memref_slice %arg7[%dma_start3A_2440, %dma_start3A_2441] : memref<3328x32xf32, #tpu.memory_space<vmem>> -> memref<128x32xf32, #tpu.memory_space<vmem>>
      %dma_start3A_2443 = arith.constant 0 : i32
      %dma_start3A_2444 = tpu.memref_slice %arg4[%mul3A_2064, %dma_start3A_2443] : memref<4096x832xf32, #tpu.memory_space<hbm>> -> memref<128x32xf32, #tpu.memory_space<hbm>>
      %dma_start3A_2445 = arith.constant 0 : i32
      %dma_start3A_2446 = tpu.memref_slice %arg4[%mul3A_2064, %dma_start3A_2445] : memref<4096x832xf32, #tpu.memory_space<hbm>> -> memref<128x32xf32, #tpu.memory_space<hbm>>
      %dma_start3A_2447 = arith.constant 0 : i32
      %dma_start3A_2448 = arith.constant 0 : i32
      %dma_start3A_2449 = tpu.memref_slice %arg7[%dma_start3A_2447, %dma_start3A_2448] : memref<3328x32xf32, #tpu.memory_space<vmem>> -> memref<128x32xf32, #tpu.memory_space<vmem>>
      tpu.enqueue_dma source(%dma_start3A_2449 : memref<128x32xf32, #tpu.memory_space<vmem>>) target(%dma_start3A_2446 : memref<128x32xf32, #tpu.memory_space<hbm>>) target_semaphore(%run_scoped3A : memref<!tpu.dma_semaphore, #tpu.memory_space<semaphore_mem>>)
      %dma_wait3A_2450 = arith.constant 0 : i32
      %dma_wait3A_2451 = arith.constant 0 : i32
      %dma_wait3A_2452 = tpu.memref_slice %arg7[%dma_wait3A_2450, %dma_wait3A_2451] : memref<3328x32xf32, #tpu.memory_space<vmem>> -> memref<128x32xf32, #tpu.memory_space<vmem>>
      %dma_wait3A_2453 = arith.constant 0 : i32
      %dma_wait3A_2454 = tpu.memref_slice %arg4[%mul3A_2064, %dma_wait3A_2453] : memref<4096x832xf32, #tpu.memory_space<hbm>> -> memref<128x32xf32, #tpu.memory_space<hbm>>
      %dma_wait3A_2455 = arith.constant 0 : i32
      %dma_wait3A_2456 = tpu.memref_slice %arg4[%mul3A_2064, %dma_wait3A_2455] : memref<4096x832xf32, #tpu.memory_space<hbm>> -> memref<128x32xf32, #tpu.memory_space<hbm>>
      %dma_wait3A_2457 = arith.constant 0 : i32
      %dma_wait3A_2458 = arith.constant 0 : i32
      %dma_wait3A_2459 = tpu.memref_slice %arg7[%dma_wait3A_2457, %dma_wait3A_2458] : memref<3328x32xf32, #tpu.memory_space<vmem>> -> memref<128x32xf32, #tpu.memory_space<vmem>>
      tpu.wait_dma2 semaphore(%run_scoped3A : memref<!tpu.dma_semaphore, #tpu.memory_space<semaphore_mem>>) src(%dma_wait3A_2459 : memref<128x32xf32, #tpu.memory_space<vmem>>) dst(%dma_wait3A_2456 : memref<128x32xf32, #tpu.memory_space<hbm>>)
      tpu.yield
    }) : () -> ()
    %dma_wait3A_2065 = arith.constant 1 : i32
    %dma_wait3A_2066 = arith.constant 1 : i32
    %dma_wait3A_2067 = arith.constant 128 : i32
    %dma_wait3A_2068 = arith.constant 0 : i32
    %dma_wait3A_2069 = tpu.memref_slice %arg7[%dma_wait3A_2067, %dma_wait3A_2068] : memref<3328x32xf32, #tpu.memory_space<vmem>> -> memref<128x32xf32, #tpu.memory_space<vmem>>
    %dma_wait3A_2070 = arith.constant 0 : i32
    %dma_wait3A_2071 = tpu.memref_slice %arg6[%dma_wait3A_2065, %dma_wait3A_2070] : memref<26x128xi32, #tpu.memory_space<vmem>> -> memref<1x128xi32, #tpu.memory_space<vmem>>
    %dma_wait3A_2072 = tpu.memref_squeeze %dma_wait3A_2071 : memref<1x128xi32, #tpu.memory_space<vmem>> -> memref<128xi32, #tpu.memory_space<vmem>>
    %dma_wait3A_2073 = arith.constant 0 : i32
    %dma_wait3A_2074 = arith.constant 0 : i32
    %dma_wait3A_2075 = tpu.memref_slice %arg2[%dma_wait3A_2073, %dma_wait3A_2074] : memref<1000000x32xf32, #tpu.memory_space<hbm>> -> memref<1000000x32xf32, #tpu.memory_space<hbm>>
    %dma_wait3A_2076 = tpu.memref_slice %arg8[%dma_wait3A_2066] : memref<26x!tpu.dma_semaphore, #tpu.memory_space<semaphore_mem>> -> memref<1x!tpu.dma_semaphore, #tpu.memory_space<semaphore_mem>>
    %dma_wait3A_2077 = tpu.memref_squeeze %dma_wait3A_2076 : memref<1x!tpu.dma_semaphore, #tpu.memory_space<semaphore_mem>> -> memref<!tpu.dma_semaphore, #tpu.memory_space<semaphore_mem>>
    tpu.wait_indirect_dma semaphore(%dma_wait3A_2077 : memref<!tpu.dma_semaphore, #tpu.memory_space<semaphore_mem>>) src(%dma_wait3A_2075 : memref<1000000x32xf32, #tpu.memory_space<hbm>>) dst(%dma_wait3A_2069 : memref<128x32xf32, #tpu.memory_space<vmem>>)
    %mul3A_2078 = arith.constant 128 : i32
    %mul3A_2079 = arith.muli %add3A, %mul3A_2078 : i32
    "tpu.region"() ({
      %run_scoped3A = tpu.sem_alloc : memref<!tpu.dma_semaphore, #tpu.memory_space<semaphore_mem>>
      %dma_start3A_2440 = arith.constant 128 : i32
      %dma_start3A_2441 = arith.constant 0 : i32
      %dma_start3A_2442 = tpu.memref_slice %arg7[%dma_start3A_2440, %dma_start3A_2441] : memref<3328x32xf32, #tpu.memory_space<vmem>> -> memref<128x32xf32, #tpu.memory_space<vmem>>
      %dma_start3A_2443 = arith.constant 32 : i32
      %dma_start3A_2444 = tpu.memref_slice %arg4[%mul3A_2079, %dma_start3A_2443] : memref<4096x832xf32, #tpu.memory_space<hbm>> -> memref<128x32xf32, #tpu.memory_space<hbm>>
      %dma_start3A_2445 = arith.constant 32 : i32
      %dma_start3A_2446 = tpu.memref_slice %arg4[%mul3A_2079, %dma_start3A_2445] : memref<4096x832xf32, #tpu.memory_space<hbm>> -> memref<128x32xf32, #tpu.memory_space<hbm>>
      %dma_start3A_2447 = arith.constant 128 : i32
      %dma_start3A_2448 = arith.constant 0 : i32
      %dma_start3A_2449 = tpu.memref_slice %arg7[%dma_start3A_2447, %dma_start3A_2448] : memref<3328x32xf32, #tpu.memory_space<vmem>> -> memref<128x32xf32, #tpu.memory_space<vmem>>
      tpu.enqueue_dma source(%dma_start3A_2449 : memref<128x32xf32, #tpu.memory_space<vmem>>) target(%dma_start3A_2446 : memref<128x32xf32, #tpu.memory_space<hbm>>) target_semaphore(%run_scoped3A : memref<!tpu.dma_semaphore, #tpu.memory_space<semaphore_mem>>)
      %dma_wait3A_2450 = arith.constant 128 : i32
      %dma_wait3A_2451 = arith.constant 0 : i32
      %dma_wait3A_2452 = tpu.memref_slice %arg7[%dma_wait3A_2450, %dma_wait3A_2451] : memref<3328x32xf32, #tpu.memory_space<vmem>> -> memref<128x32xf32, #tpu.memory_space<vmem>>
      %dma_wait3A_2453 = arith.constant 32 : i32
      %dma_wait3A_2454 = tpu.memref_slice %arg4[%mul3A_2079, %dma_wait3A_2453] : memref<4096x832xf32, #tpu.memory_space<hbm>> -> memref<128x32xf32, #tpu.memory_space<hbm>>
      %dma_wait3A_2455 = arith.constant 32 : i32
      %dma_wait3A_2456 = tpu.memref_slice %arg4[%mul3A_2079, %dma_wait3A_2455] : memref<4096x832xf32, #tpu.memory_space<hbm>> -> memref<128x32xf32, #tpu.memory_space<hbm>>
      %dma_wait3A_2457 = arith.constant 128 : i32
      %dma_wait3A_2458 = arith.constant 0 : i32
      %dma_wait3A_2459 = tpu.memref_slice %arg7[%dma_wait3A_2457, %dma_wait3A_2458] : memref<3328x32xf32, #tpu.memory_space<vmem>> -> memref<128x32xf32, #tpu.memory_space<vmem>>
      tpu.wait_dma2 semaphore(%run_scoped3A : memref<!tpu.dma_semaphore, #tpu.memory_space<semaphore_mem>>) src(%dma_wait3A_2459 : memref<128x32xf32, #tpu.memory_space<vmem>>) dst(%dma_wait3A_2456 : memref<128x32xf32, #tpu.memory_space<hbm>>)
      tpu.yield
    }) : () -> ()
    %dma_wait3A_2080 = arith.constant 2 : i32
    %dma_wait3A_2081 = arith.constant 2 : i32
    %dma_wait3A_2082 = arith.constant 256 : i32
    %dma_wait3A_2083 = arith.constant 0 : i32
    %dma_wait3A_2084 = tpu.memref_slice %arg7[%dma_wait3A_2082, %dma_wait3A_2083] : memref<3328x32xf32, #tpu.memory_space<vmem>> -> memref<128x32xf32, #tpu.memory_space<vmem>>
    %dma_wait3A_2085 = arith.constant 0 : i32
    %dma_wait3A_2086 = tpu.memref_slice %arg6[%dma_wait3A_2080, %dma_wait3A_2085] : memref<26x128xi32, #tpu.memory_space<vmem>> -> memref<1x128xi32, #tpu.memory_space<vmem>>
    %dma_wait3A_2087 = tpu.memref_squeeze %dma_wait3A_2086 : memref<1x128xi32, #tpu.memory_space<vmem>> -> memref<128xi32, #tpu.memory_space<vmem>>
    %dma_wait3A_2088 = arith.constant 0 : i32
    %dma_wait3A_2089 = arith.constant 0 : i32
    %dma_wait3A_2090 = tpu.memref_slice %arg2[%dma_wait3A_2088, %dma_wait3A_2089] : memref<1000000x32xf32, #tpu.memory_space<hbm>> -> memref<1000000x32xf32, #tpu.memory_space<hbm>>
    %dma_wait3A_2091 = tpu.memref_slice %arg8[%dma_wait3A_2081] : memref<26x!tpu.dma_semaphore, #tpu.memory_space<semaphore_mem>> -> memref<1x!tpu.dma_semaphore, #tpu.memory_space<semaphore_mem>>
    %dma_wait3A_2092 = tpu.memref_squeeze %dma_wait3A_2091 : memref<1x!tpu.dma_semaphore, #tpu.memory_space<semaphore_mem>> -> memref<!tpu.dma_semaphore, #tpu.memory_space<semaphore_mem>>
    tpu.wait_indirect_dma semaphore(%dma_wait3A_2092 : memref<!tpu.dma_semaphore, #tpu.memory_space<semaphore_mem>>) src(%dma_wait3A_2090 : memref<1000000x32xf32, #tpu.memory_space<hbm>>) dst(%dma_wait3A_2084 : memref<128x32xf32, #tpu.memory_space<vmem>>)
    %mul3A_2093 = arith.constant 128 : i32
    %mul3A_2094 = arith.muli %add3A, %mul3A_2093 : i32
    "tpu.region"() ({
      %run_scoped3A = tpu.sem_alloc : memref<!tpu.dma_semaphore, #tpu.memory_space<semaphore_mem>>
      %dma_start3A_2440 = arith.constant 256 : i32
      %dma_start3A_2441 = arith.constant 0 : i32
      %dma_start3A_2442 = tpu.memref_slice %arg7[%dma_start3A_2440, %dma_start3A_2441] : memref<3328x32xf32, #tpu.memory_space<vmem>> -> memref<128x32xf32, #tpu.memory_space<vmem>>
      %dma_start3A_2443 = arith.constant 64 : i32
      %dma_start3A_2444 = tpu.memref_slice %arg4[%mul3A_2094, %dma_start3A_2443] : memref<4096x832xf32, #tpu.memory_space<hbm>> -> memref<128x32xf32, #tpu.memory_space<hbm>>
      %dma_start3A_2445 = arith.constant 64 : i32
      %dma_start3A_2446 = tpu.memref_slice %arg4[%mul3A_2094, %dma_start3A_2445] : memref<4096x832xf32, #tpu.memory_space<hbm>> -> memref<128x32xf32, #tpu.memory_space<hbm>>
      %dma_start3A_2447 = arith.constant 256 : i32
      %dma_start3A_2448 = arith.constant 0 : i32
      %dma_start3A_2449 = tpu.memref_slice %arg7[%dma_start3A_2447, %dma_start3A_2448] : memref<3328x32xf32, #tpu.memory_space<vmem>> -> memref<128x32xf32, #tpu.memory_space<vmem>>
      tpu.enqueue_dma source(%dma_start3A_2449 : memref<128x32xf32, #tpu.memory_space<vmem>>) target(%dma_start3A_2446 : memref<128x32xf32, #tpu.memory_space<hbm>>) target_semaphore(%run_scoped3A : memref<!tpu.dma_semaphore, #tpu.memory_space<semaphore_mem>>)
      %dma_wait3A_2450 = arith.constant 256 : i32
      %dma_wait3A_2451 = arith.constant 0 : i32
      %dma_wait3A_2452 = tpu.memref_slice %arg7[%dma_wait3A_2450, %dma_wait3A_2451] : memref<3328x32xf32, #tpu.memory_space<vmem>> -> memref<128x32xf32, #tpu.memory_space<vmem>>
      %dma_wait3A_2453 = arith.constant 64 : i32
      %dma_wait3A_2454 = tpu.memref_slice %arg4[%mul3A_2094, %dma_wait3A_2453] : memref<4096x832xf32, #tpu.memory_space<hbm>> -> memref<128x32xf32, #tpu.memory_space<hbm>>
      %dma_wait3A_2455 = arith.constant 64 : i32
      %dma_wait3A_2456 = tpu.memref_slice %arg4[%mul3A_2094, %dma_wait3A_2455] : memref<4096x832xf32, #tpu.memory_space<hbm>> -> memref<128x32xf32, #tpu.memory_space<hbm>>
      %dma_wait3A_2457 = arith.constant 256 : i32
      %dma_wait3A_2458 = arith.constant 0 : i32
      %dma_wait3A_2459 = tpu.memref_slice %arg7[%dma_wait3A_2457, %dma_wait3A_2458] : memref<3328x32xf32, #tpu.memory_space<vmem>> -> memref<128x32xf32, #tpu.memory_space<vmem>>
      tpu.wait_dma2 semaphore(%run_scoped3A : memref<!tpu.dma_semaphore, #tpu.memory_space<semaphore_mem>>) src(%dma_wait3A_2459 : memref<128x32xf32, #tpu.memory_space<vmem>>) dst(%dma_wait3A_2456 : memref<128x32xf32, #tpu.memory_space<hbm>>)
      tpu.yield
    }) : () -> ()
    %dma_wait3A_2095 = arith.constant 3 : i32
    %dma_wait3A_2096 = arith.constant 3 : i32
    %dma_wait3A_2097 = arith.constant 384 : i32
    %dma_wait3A_2098 = arith.constant 0 : i32
    %dma_wait3A_2099 = tpu.memref_slice %arg7[%dma_wait3A_2097, %dma_wait3A_2098] : memref<3328x32xf32, #tpu.memory_space<vmem>> -> memref<128x32xf32, #tpu.memory_space<vmem>>
    %dma_wait3A_2100 = arith.constant 0 : i32
    %dma_wait3A_2101 = tpu.memref_slice %arg6[%dma_wait3A_2095, %dma_wait3A_2100] : memref<26x128xi32, #tpu.memory_space<vmem>> -> memref<1x128xi32, #tpu.memory_space<vmem>>
    %dma_wait3A_2102 = tpu.memref_squeeze %dma_wait3A_2101 : memref<1x128xi32, #tpu.memory_space<vmem>> -> memref<128xi32, #tpu.memory_space<vmem>>
    %dma_wait3A_2103 = arith.constant 0 : i32
    %dma_wait3A_2104 = arith.constant 0 : i32
    %dma_wait3A_2105 = tpu.memref_slice %arg2[%dma_wait3A_2103, %dma_wait3A_2104] : memref<1000000x32xf32, #tpu.memory_space<hbm>> -> memref<1000000x32xf32, #tpu.memory_space<hbm>>
    %dma_wait3A_2106 = tpu.memref_slice %arg8[%dma_wait3A_2096] : memref<26x!tpu.dma_semaphore, #tpu.memory_space<semaphore_mem>> -> memref<1x!tpu.dma_semaphore, #tpu.memory_space<semaphore_mem>>
    %dma_wait3A_2107 = tpu.memref_squeeze %dma_wait3A_2106 : memref<1x!tpu.dma_semaphore, #tpu.memory_space<semaphore_mem>> -> memref<!tpu.dma_semaphore, #tpu.memory_space<semaphore_mem>>
    tpu.wait_indirect_dma semaphore(%dma_wait3A_2107 : memref<!tpu.dma_semaphore, #tpu.memory_space<semaphore_mem>>) src(%dma_wait3A_2105 : memref<1000000x32xf32, #tpu.memory_space<hbm>>) dst(%dma_wait3A_2099 : memref<128x32xf32, #tpu.memory_space<vmem>>)
    %mul3A_2108 = arith.constant 128 : i32
    %mul3A_2109 = arith.muli %add3A, %mul3A_2108 : i32
    "tpu.region"() ({
      %run_scoped3A = tpu.sem_alloc : memref<!tpu.dma_semaphore, #tpu.memory_space<semaphore_mem>>
      %dma_start3A_2440 = arith.constant 384 : i32
      %dma_start3A_2441 = arith.constant 0 : i32
      %dma_start3A_2442 = tpu.memref_slice %arg7[%dma_start3A_2440, %dma_start3A_2441] : memref<3328x32xf32, #tpu.memory_space<vmem>> -> memref<128x32xf32, #tpu.memory_space<vmem>>
      %dma_start3A_2443 = arith.constant 96 : i32
      %dma_start3A_2444 = tpu.memref_slice %arg4[%mul3A_2109, %dma_start3A_2443] : memref<4096x832xf32, #tpu.memory_space<hbm>> -> memref<128x32xf32, #tpu.memory_space<hbm>>
      %dma_start3A_2445 = arith.constant 96 : i32
      %dma_start3A_2446 = tpu.memref_slice %arg4[%mul3A_2109, %dma_start3A_2445] : memref<4096x832xf32, #tpu.memory_space<hbm>> -> memref<128x32xf32, #tpu.memory_space<hbm>>
      %dma_start3A_2447 = arith.constant 384 : i32
      %dma_start3A_2448 = arith.constant 0 : i32
      %dma_start3A_2449 = tpu.memref_slice %arg7[%dma_start3A_2447, %dma_start3A_2448] : memref<3328x32xf32, #tpu.memory_space<vmem>> -> memref<128x32xf32, #tpu.memory_space<vmem>>
      tpu.enqueue_dma source(%dma_start3A_2449 : memref<128x32xf32, #tpu.memory_space<vmem>>) target(%dma_start3A_2446 : memref<128x32xf32, #tpu.memory_space<hbm>>) target_semaphore(%run_scoped3A : memref<!tpu.dma_semaphore, #tpu.memory_space<semaphore_mem>>)
      %dma_wait3A_2450 = arith.constant 384 : i32
      %dma_wait3A_2451 = arith.constant 0 : i32
      %dma_wait3A_2452 = tpu.memref_slice %arg7[%dma_wait3A_2450, %dma_wait3A_2451] : memref<3328x32xf32, #tpu.memory_space<vmem>> -> memref<128x32xf32, #tpu.memory_space<vmem>>
      %dma_wait3A_2453 = arith.constant 96 : i32
      %dma_wait3A_2454 = tpu.memref_slice %arg4[%mul3A_2109, %dma_wait3A_2453] : memref<4096x832xf32, #tpu.memory_space<hbm>> -> memref<128x32xf32, #tpu.memory_space<hbm>>
      %dma_wait3A_2455 = arith.constant 96 : i32
      %dma_wait3A_2456 = tpu.memref_slice %arg4[%mul3A_2109, %dma_wait3A_2455] : memref<4096x832xf32, #tpu.memory_space<hbm>> -> memref<128x32xf32, #tpu.memory_space<hbm>>
      %dma_wait3A_2457 = arith.constant 384 : i32
      %dma_wait3A_2458 = arith.constant 0 : i32
      %dma_wait3A_2459 = tpu.memref_slice %arg7[%dma_wait3A_2457, %dma_wait3A_2458] : memref<3328x32xf32, #tpu.memory_space<vmem>> -> memref<128x32xf32, #tpu.memory_space<vmem>>
      tpu.wait_dma2 semaphore(%run_scoped3A : memref<!tpu.dma_semaphore, #tpu.memory_space<semaphore_mem>>) src(%dma_wait3A_2459 : memref<128x32xf32, #tpu.memory_space<vmem>>) dst(%dma_wait3A_2456 : memref<128x32xf32, #tpu.memory_space<hbm>>)
      tpu.yield
    }) : () -> ()
    %dma_wait3A_2110 = arith.constant 4 : i32
    %dma_wait3A_2111 = arith.constant 4 : i32
    %dma_wait3A_2112 = arith.constant 512 : i32
    %dma_wait3A_2113 = arith.constant 0 : i32
    %dma_wait3A_2114 = tpu.memref_slice %arg7[%dma_wait3A_2112, %dma_wait3A_2113] : memref<3328x32xf32, #tpu.memory_space<vmem>> -> memref<128x32xf32, #tpu.memory_space<vmem>>
    %dma_wait3A_2115 = arith.constant 0 : i32
    %dma_wait3A_2116 = tpu.memref_slice %arg6[%dma_wait3A_2110, %dma_wait3A_2115] : memref<26x128xi32, #tpu.memory_space<vmem>> -> memref<1x128xi32, #tpu.memory_space<vmem>>
    %dma_wait3A_2117 = tpu.memref_squeeze %dma_wait3A_2116 : memref<1x128xi32, #tpu.memory_space<vmem>> -> memref<128xi32, #tpu.memory_space<vmem>>
    %dma_wait3A_2118 = arith.constant 0 : i32
    %dma_wait3A_2119 = arith.constant 0 : i32
    %dma_wait3A_2120 = tpu.memref_slice %arg2[%dma_wait3A_2118, %dma_wait3A_2119] : memref<1000000x32xf32, #tpu.memory_space<hbm>> -> memref<1000000x32xf32, #tpu.memory_space<hbm>>
    %dma_wait3A_2121 = tpu.memref_slice %arg8[%dma_wait3A_2111] : memref<26x!tpu.dma_semaphore, #tpu.memory_space<semaphore_mem>> -> memref<1x!tpu.dma_semaphore, #tpu.memory_space<semaphore_mem>>
    %dma_wait3A_2122 = tpu.memref_squeeze %dma_wait3A_2121 : memref<1x!tpu.dma_semaphore, #tpu.memory_space<semaphore_mem>> -> memref<!tpu.dma_semaphore, #tpu.memory_space<semaphore_mem>>
    tpu.wait_indirect_dma semaphore(%dma_wait3A_2122 : memref<!tpu.dma_semaphore, #tpu.memory_space<semaphore_mem>>) src(%dma_wait3A_2120 : memref<1000000x32xf32, #tpu.memory_space<hbm>>) dst(%dma_wait3A_2114 : memref<128x32xf32, #tpu.memory_space<vmem>>)
    %mul3A_2123 = arith.constant 128 : i32
    %mul3A_2124 = arith.muli %add3A, %mul3A_2123 : i32
    "tpu.region"() ({
      %run_scoped3A = tpu.sem_alloc : memref<!tpu.dma_semaphore, #tpu.memory_space<semaphore_mem>>
      %dma_start3A_2440 = arith.constant 512 : i32
      %dma_start3A_2441 = arith.constant 0 : i32
      %dma_start3A_2442 = tpu.memref_slice %arg7[%dma_start3A_2440, %dma_start3A_2441] : memref<3328x32xf32, #tpu.memory_space<vmem>> -> memref<128x32xf32, #tpu.memory_space<vmem>>
      %dma_start3A_2443 = arith.constant 128 : i32
      %dma_start3A_2444 = tpu.memref_slice %arg4[%mul3A_2124, %dma_start3A_2443] : memref<4096x832xf32, #tpu.memory_space<hbm>> -> memref<128x32xf32, #tpu.memory_space<hbm>>
      %dma_start3A_2445 = arith.constant 128 : i32
      %dma_start3A_2446 = tpu.memref_slice %arg4[%mul3A_2124, %dma_start3A_2445] : memref<4096x832xf32, #tpu.memory_space<hbm>> -> memref<128x32xf32, #tpu.memory_space<hbm>>
      %dma_start3A_2447 = arith.constant 512 : i32
      %dma_start3A_2448 = arith.constant 0 : i32
      %dma_start3A_2449 = tpu.memref_slice %arg7[%dma_start3A_2447, %dma_start3A_2448] : memref<3328x32xf32, #tpu.memory_space<vmem>> -> memref<128x32xf32, #tpu.memory_space<vmem>>
      tpu.enqueue_dma source(%dma_start3A_2449 : memref<128x32xf32, #tpu.memory_space<vmem>>) target(%dma_start3A_2446 : memref<128x32xf32, #tpu.memory_space<hbm>>) target_semaphore(%run_scoped3A : memref<!tpu.dma_semaphore, #tpu.memory_space<semaphore_mem>>)
      %dma_wait3A_2450 = arith.constant 512 : i32
      %dma_wait3A_2451 = arith.constant 0 : i32
      %dma_wait3A_2452 = tpu.memref_slice %arg7[%dma_wait3A_2450, %dma_wait3A_2451] : memref<3328x32xf32, #tpu.memory_space<vmem>> -> memref<128x32xf32, #tpu.memory_space<vmem>>
      %dma_wait3A_2453 = arith.constant 128 : i32
      %dma_wait3A_2454 = tpu.memref_slice %arg4[%mul3A_2124, %dma_wait3A_2453] : memref<4096x832xf32, #tpu.memory_space<hbm>> -> memref<128x32xf32, #tpu.memory_space<hbm>>
      %dma_wait3A_2455 = arith.constant 128 : i32
      %dma_wait3A_2456 = tpu.memref_slice %arg4[%mul3A_2124, %dma_wait3A_2455] : memref<4096x832xf32, #tpu.memory_space<hbm>> -> memref<128x32xf32, #tpu.memory_space<hbm>>
      %dma_wait3A_2457 = arith.constant 512 : i32
      %dma_wait3A_2458 = arith.constant 0 : i32
      %dma_wait3A_2459 = tpu.memref_slice %arg7[%dma_wait3A_2457, %dma_wait3A_2458] : memref<3328x32xf32, #tpu.memory_space<vmem>> -> memref<128x32xf32, #tpu.memory_space<vmem>>
      tpu.wait_dma2 semaphore(%run_scoped3A : memref<!tpu.dma_semaphore, #tpu.memory_space<semaphore_mem>>) src(%dma_wait3A_2459 : memref<128x32xf32, #tpu.memory_space<vmem>>) dst(%dma_wait3A_2456 : memref<128x32xf32, #tpu.memory_space<hbm>>)
      tpu.yield
    }) : () -> ()
    %dma_wait3A_2125 = arith.constant 5 : i32
    %dma_wait3A_2126 = arith.constant 5 : i32
    %dma_wait3A_2127 = arith.constant 640 : i32
    %dma_wait3A_2128 = arith.constant 0 : i32
    %dma_wait3A_2129 = tpu.memref_slice %arg7[%dma_wait3A_2127, %dma_wait3A_2128] : memref<3328x32xf32, #tpu.memory_space<vmem>> -> memref<128x32xf32, #tpu.memory_space<vmem>>
    %dma_wait3A_2130 = arith.constant 0 : i32
    %dma_wait3A_2131 = tpu.memref_slice %arg6[%dma_wait3A_2125, %dma_wait3A_2130] : memref<26x128xi32, #tpu.memory_space<vmem>> -> memref<1x128xi32, #tpu.memory_space<vmem>>
    %dma_wait3A_2132 = tpu.memref_squeeze %dma_wait3A_2131 : memref<1x128xi32, #tpu.memory_space<vmem>> -> memref<128xi32, #tpu.memory_space<vmem>>
    %dma_wait3A_2133 = arith.constant 0 : i32
    %dma_wait3A_2134 = arith.constant 0 : i32
    %dma_wait3A_2135 = tpu.memref_slice %arg2[%dma_wait3A_2133, %dma_wait3A_2134] : memref<1000000x32xf32, #tpu.memory_space<hbm>> -> memref<1000000x32xf32, #tpu.memory_space<hbm>>
    %dma_wait3A_2136 = tpu.memref_slice %arg8[%dma_wait3A_2126] : memref<26x!tpu.dma_semaphore, #tpu.memory_space<semaphore_mem>> -> memref<1x!tpu.dma_semaphore, #tpu.memory_space<semaphore_mem>>
    %dma_wait3A_2137 = tpu.memref_squeeze %dma_wait3A_2136 : memref<1x!tpu.dma_semaphore, #tpu.memory_space<semaphore_mem>> -> memref<!tpu.dma_semaphore, #tpu.memory_space<semaphore_mem>>
    tpu.wait_indirect_dma semaphore(%dma_wait3A_2137 : memref<!tpu.dma_semaphore, #tpu.memory_space<semaphore_mem>>) src(%dma_wait3A_2135 : memref<1000000x32xf32, #tpu.memory_space<hbm>>) dst(%dma_wait3A_2129 : memref<128x32xf32, #tpu.memory_space<vmem>>)
    %mul3A_2138 = arith.constant 128 : i32
    %mul3A_2139 = arith.muli %add3A, %mul3A_2138 : i32
    "tpu.region"() ({
      %run_scoped3A = tpu.sem_alloc : memref<!tpu.dma_semaphore, #tpu.memory_space<semaphore_mem>>
      %dma_start3A_2440 = arith.constant 640 : i32
      %dma_start3A_2441 = arith.constant 0 : i32
      %dma_start3A_2442 = tpu.memref_slice %arg7[%dma_start3A_2440, %dma_start3A_2441] : memref<3328x32xf32, #tpu.memory_space<vmem>> -> memref<128x32xf32, #tpu.memory_space<vmem>>
      %dma_start3A_2443 = arith.constant 160 : i32
      %dma_start3A_2444 = tpu.memref_slice %arg4[%mul3A_2139, %dma_start3A_2443] : memref<4096x832xf32, #tpu.memory_space<hbm>> -> memref<128x32xf32, #tpu.memory_space<hbm>>
      %dma_start3A_2445 = arith.constant 160 : i32
      %dma_start3A_2446 = tpu.memref_slice %arg4[%mul3A_2139, %dma_start3A_2445] : memref<4096x832xf32, #tpu.memory_space<hbm>> -> memref<128x32xf32, #tpu.memory_space<hbm>>
      %dma_start3A_2447 = arith.constant 640 : i32
      %dma_start3A_2448 = arith.constant 0 : i32
      %dma_start3A_2449 = tpu.memref_slice %arg7[%dma_start3A_2447, %dma_start3A_2448] : memref<3328x32xf32, #tpu.memory_space<vmem>> -> memref<128x32xf32, #tpu.memory_space<vmem>>
      tpu.enqueue_dma source(%dma_start3A_2449 : memref<128x32xf32, #tpu.memory_space<vmem>>) target(%dma_start3A_2446 : memref<128x32xf32, #tpu.memory_space<hbm>>) target_semaphore(%run_scoped3A : memref<!tpu.dma_semaphore, #tpu.memory_space<semaphore_mem>>)
      %dma_wait3A_2450 = arith.constant 640 : i32
      %dma_wait3A_2451 = arith.constant 0 : i32
      %dma_wait3A_2452 = tpu.memref_slice %arg7[%dma_wait3A_2450, %dma_wait3A_2451] : memref<3328x32xf32, #tpu.memory_space<vmem>> -> memref<128x32xf32, #tpu.memory_space<vmem>>
      %dma_wait3A_2453 = arith.constant 160 : i32
      %dma_wait3A_2454 = tpu.memref_slice %arg4[%mul3A_2139, %dma_wait3A_2453] : memref<4096x832xf32, #tpu.memory_space<hbm>> -> memref<128x32xf32, #tpu.memory_space<hbm>>
      %dma_wait3A_2455 = arith.constant 160 : i32
      %dma_wait3A_2456 = tpu.memref_slice %arg4[%mul3A_2139, %dma_wait3A_2455] : memref<4096x832xf32, #tpu.memory_space<hbm>> -> memref<128x32xf32, #tpu.memory_space<hbm>>
      %dma_wait3A_2457 = arith.constant 640 : i32
      %dma_wait3A_2458 = arith.constant 0 : i32
      %dma_wait3A_2459 = tpu.memref_slice %arg7[%dma_wait3A_2457, %dma_wait3A_2458] : memref<3328x32xf32, #tpu.memory_space<vmem>> -> memref<128x32xf32, #tpu.memory_space<vmem>>
      tpu.wait_dma2 semaphore(%run_scoped3A : memref<!tpu.dma_semaphore, #tpu.memory_space<semaphore_mem>>) src(%dma_wait3A_2459 : memref<128x32xf32, #tpu.memory_space<vmem>>) dst(%dma_wait3A_2456 : memref<128x32xf32, #tpu.memory_space<hbm>>)
      tpu.yield
    }) : () -> ()
    %dma_wait3A_2140 = arith.constant 6 : i32
    %dma_wait3A_2141 = arith.constant 6 : i32
    %dma_wait3A_2142 = arith.constant 768 : i32
    %dma_wait3A_2143 = arith.constant 0 : i32
    %dma_wait3A_2144 = tpu.memref_slice %arg7[%dma_wait3A_2142, %dma_wait3A_2143] : memref<3328x32xf32, #tpu.memory_space<vmem>> -> memref<128x32xf32, #tpu.memory_space<vmem>>
    %dma_wait3A_2145 = arith.constant 0 : i32
    %dma_wait3A_2146 = tpu.memref_slice %arg6[%dma_wait3A_2140, %dma_wait3A_2145] : memref<26x128xi32, #tpu.memory_space<vmem>> -> memref<1x128xi32, #tpu.memory_space<vmem>>
    %dma_wait3A_2147 = tpu.memref_squeeze %dma_wait3A_2146 : memref<1x128xi32, #tpu.memory_space<vmem>> -> memref<128xi32, #tpu.memory_space<vmem>>
    %dma_wait3A_2148 = arith.constant 0 : i32
    %dma_wait3A_2149 = arith.constant 0 : i32
    %dma_wait3A_2150 = tpu.memref_slice %arg2[%dma_wait3A_2148, %dma_wait3A_2149] : memref<1000000x32xf32, #tpu.memory_space<hbm>> -> memref<1000000x32xf32, #tpu.memory_space<hbm>>
    %dma_wait3A_2151 = tpu.memref_slice %arg8[%dma_wait3A_2141] : memref<26x!tpu.dma_semaphore, #tpu.memory_space<semaphore_mem>> -> memref<1x!tpu.dma_semaphore, #tpu.memory_space<semaphore_mem>>
    %dma_wait3A_2152 = tpu.memref_squeeze %dma_wait3A_2151 : memref<1x!tpu.dma_semaphore, #tpu.memory_space<semaphore_mem>> -> memref<!tpu.dma_semaphore, #tpu.memory_space<semaphore_mem>>
    tpu.wait_indirect_dma semaphore(%dma_wait3A_2152 : memref<!tpu.dma_semaphore, #tpu.memory_space<semaphore_mem>>) src(%dma_wait3A_2150 : memref<1000000x32xf32, #tpu.memory_space<hbm>>) dst(%dma_wait3A_2144 : memref<128x32xf32, #tpu.memory_space<vmem>>)
    %mul3A_2153 = arith.constant 128 : i32
    %mul3A_2154 = arith.muli %add3A, %mul3A_2153 : i32
    "tpu.region"() ({
      %run_scoped3A = tpu.sem_alloc : memref<!tpu.dma_semaphore, #tpu.memory_space<semaphore_mem>>
      %dma_start3A_2440 = arith.constant 768 : i32
      %dma_start3A_2441 = arith.constant 0 : i32
      %dma_start3A_2442 = tpu.memref_slice %arg7[%dma_start3A_2440, %dma_start3A_2441] : memref<3328x32xf32, #tpu.memory_space<vmem>> -> memref<128x32xf32, #tpu.memory_space<vmem>>
      %dma_start3A_2443 = arith.constant 192 : i32
      %dma_start3A_2444 = tpu.memref_slice %arg4[%mul3A_2154, %dma_start3A_2443] : memref<4096x832xf32, #tpu.memory_space<hbm>> -> memref<128x32xf32, #tpu.memory_space<hbm>>
      %dma_start3A_2445 = arith.constant 192 : i32
      %dma_start3A_2446 = tpu.memref_slice %arg4[%mul3A_2154, %dma_start3A_2445] : memref<4096x832xf32, #tpu.memory_space<hbm>> -> memref<128x32xf32, #tpu.memory_space<hbm>>
      %dma_start3A_2447 = arith.constant 768 : i32
      %dma_start3A_2448 = arith.constant 0 : i32
      %dma_start3A_2449 = tpu.memref_slice %arg7[%dma_start3A_2447, %dma_start3A_2448] : memref<3328x32xf32, #tpu.memory_space<vmem>> -> memref<128x32xf32, #tpu.memory_space<vmem>>
      tpu.enqueue_dma source(%dma_start3A_2449 : memref<128x32xf32, #tpu.memory_space<vmem>>) target(%dma_start3A_2446 : memref<128x32xf32, #tpu.memory_space<hbm>>) target_semaphore(%run_scoped3A : memref<!tpu.dma_semaphore, #tpu.memory_space<semaphore_mem>>)
      %dma_wait3A_2450 = arith.constant 768 : i32
      %dma_wait3A_2451 = arith.constant 0 : i32
      %dma_wait3A_2452 = tpu.memref_slice %arg7[%dma_wait3A_2450, %dma_wait3A_2451] : memref<3328x32xf32, #tpu.memory_space<vmem>> -> memref<128x32xf32, #tpu.memory_space<vmem>>
      %dma_wait3A_2453 = arith.constant 192 : i32
      %dma_wait3A_2454 = tpu.memref_slice %arg4[%mul3A_2154, %dma_wait3A_2453] : memref<4096x832xf32, #tpu.memory_space<hbm>> -> memref<128x32xf32, #tpu.memory_space<hbm>>
      %dma_wait3A_2455 = arith.constant 192 : i32
      %dma_wait3A_2456 = tpu.memref_slice %arg4[%mul3A_2154, %dma_wait3A_2455] : memref<4096x832xf32, #tpu.memory_space<hbm>> -> memref<128x32xf32, #tpu.memory_space<hbm>>
      %dma_wait3A_2457 = arith.constant 768 : i32
      %dma_wait3A_2458 = arith.constant 0 : i32
      %dma_wait3A_2459 = tpu.memref_slice %arg7[%dma_wait3A_2457, %dma_wait3A_2458] : memref<3328x32xf32, #tpu.memory_space<vmem>> -> memref<128x32xf32, #tpu.memory_space<vmem>>
      tpu.wait_dma2 semaphore(%run_scoped3A : memref<!tpu.dma_semaphore, #tpu.memory_space<semaphore_mem>>) src(%dma_wait3A_2459 : memref<128x32xf32, #tpu.memory_space<vmem>>) dst(%dma_wait3A_2456 : memref<128x32xf32, #tpu.memory_space<hbm>>)
      tpu.yield
    }) : () -> ()
    %dma_wait3A_2155 = arith.constant 7 : i32
    %dma_wait3A_2156 = arith.constant 7 : i32
    %dma_wait3A_2157 = arith.constant 896 : i32
    %dma_wait3A_2158 = arith.constant 0 : i32
    %dma_wait3A_2159 = tpu.memref_slice %arg7[%dma_wait3A_2157, %dma_wait3A_2158] : memref<3328x32xf32, #tpu.memory_space<vmem>> -> memref<128x32xf32, #tpu.memory_space<vmem>>
    %dma_wait3A_2160 = arith.constant 0 : i32
    %dma_wait3A_2161 = tpu.memref_slice %arg6[%dma_wait3A_2155, %dma_wait3A_2160] : memref<26x128xi32, #tpu.memory_space<vmem>> -> memref<1x128xi32, #tpu.memory_space<vmem>>
    %dma_wait3A_2162 = tpu.memref_squeeze %dma_wait3A_2161 : memref<1x128xi32, #tpu.memory_space<vmem>> -> memref<128xi32, #tpu.memory_space<vmem>>
    %dma_wait3A_2163 = arith.constant 0 : i32
    %dma_wait3A_2164 = arith.constant 0 : i32
    %dma_wait3A_2165 = tpu.memref_slice %arg2[%dma_wait3A_2163, %dma_wait3A_2164] : memref<1000000x32xf32, #tpu.memory_space<hbm>> -> memref<1000000x32xf32, #tpu.memory_space<hbm>>
    %dma_wait3A_2166 = tpu.memref_slice %arg8[%dma_wait3A_2156] : memref<26x!tpu.dma_semaphore, #tpu.memory_space<semaphore_mem>> -> memref<1x!tpu.dma_semaphore, #tpu.memory_space<semaphore_mem>>
    %dma_wait3A_2167 = tpu.memref_squeeze %dma_wait3A_2166 : memref<1x!tpu.dma_semaphore, #tpu.memory_space<semaphore_mem>> -> memref<!tpu.dma_semaphore, #tpu.memory_space<semaphore_mem>>
    tpu.wait_indirect_dma semaphore(%dma_wait3A_2167 : memref<!tpu.dma_semaphore, #tpu.memory_space<semaphore_mem>>) src(%dma_wait3A_2165 : memref<1000000x32xf32, #tpu.memory_space<hbm>>) dst(%dma_wait3A_2159 : memref<128x32xf32, #tpu.memory_space<vmem>>)
    %mul3A_2168 = arith.constant 128 : i32
    %mul3A_2169 = arith.muli %add3A, %mul3A_2168 : i32
    "tpu.region"() ({
      %run_scoped3A = tpu.sem_alloc : memref<!tpu.dma_semaphore, #tpu.memory_space<semaphore_mem>>
      %dma_start3A_2440 = arith.constant 896 : i32
      %dma_start3A_2441 = arith.constant 0 : i32
      %dma_start3A_2442 = tpu.memref_slice %arg7[%dma_start3A_2440, %dma_start3A_2441] : memref<3328x32xf32, #tpu.memory_space<vmem>> -> memref<128x32xf32, #tpu.memory_space<vmem>>
      %dma_start3A_2443 = arith.constant 224 : i32
      %dma_start3A_2444 = tpu.memref_slice %arg4[%mul3A_2169, %dma_start3A_2443] : memref<4096x832xf32, #tpu.memory_space<hbm>> -> memref<128x32xf32, #tpu.memory_space<hbm>>
      %dma_start3A_2445 = arith.constant 224 : i32
      %dma_start3A_2446 = tpu.memref_slice %arg4[%mul3A_2169, %dma_start3A_2445] : memref<4096x832xf32, #tpu.memory_space<hbm>> -> memref<128x32xf32, #tpu.memory_space<hbm>>
      %dma_start3A_2447 = arith.constant 896 : i32
      %dma_start3A_2448 = arith.constant 0 : i32
      %dma_start3A_2449 = tpu.memref_slice %arg7[%dma_start3A_2447, %dma_start3A_2448] : memref<3328x32xf32, #tpu.memory_space<vmem>> -> memref<128x32xf32, #tpu.memory_space<vmem>>
      tpu.enqueue_dma source(%dma_start3A_2449 : memref<128x32xf32, #tpu.memory_space<vmem>>) target(%dma_start3A_2446 : memref<128x32xf32, #tpu.memory_space<hbm>>) target_semaphore(%run_scoped3A : memref<!tpu.dma_semaphore, #tpu.memory_space<semaphore_mem>>)
      %dma_wait3A_2450 = arith.constant 896 : i32
      %dma_wait3A_2451 = arith.constant 0 : i32
      %dma_wait3A_2452 = tpu.memref_slice %arg7[%dma_wait3A_2450, %dma_wait3A_2451] : memref<3328x32xf32, #tpu.memory_space<vmem>> -> memref<128x32xf32, #tpu.memory_space<vmem>>
      %dma_wait3A_2453 = arith.constant 224 : i32
      %dma_wait3A_2454 = tpu.memref_slice %arg4[%mul3A_2169, %dma_wait3A_2453] : memref<4096x832xf32, #tpu.memory_space<hbm>> -> memref<128x32xf32, #tpu.memory_space<hbm>>
      %dma_wait3A_2455 = arith.constant 224 : i32
      %dma_wait3A_2456 = tpu.memref_slice %arg4[%mul3A_2169, %dma_wait3A_2455] : memref<4096x832xf32, #tpu.memory_space<hbm>> -> memref<128x32xf32, #tpu.memory_space<hbm>>
      %dma_wait3A_2457 = arith.constant 896 : i32
      %dma_wait3A_2458 = arith.constant 0 : i32
      %dma_wait3A_2459 = tpu.memref_slice %arg7[%dma_wait3A_2457, %dma_wait3A_2458] : memref<3328x32xf32, #tpu.memory_space<vmem>> -> memref<128x32xf32, #tpu.memory_space<vmem>>
      tpu.wait_dma2 semaphore(%run_scoped3A : memref<!tpu.dma_semaphore, #tpu.memory_space<semaphore_mem>>) src(%dma_wait3A_2459 : memref<128x32xf32, #tpu.memory_space<vmem>>) dst(%dma_wait3A_2456 : memref<128x32xf32, #tpu.memory_space<hbm>>)
      tpu.yield
    }) : () -> ()
    %dma_wait3A_2170 = arith.constant 8 : i32
    %dma_wait3A_2171 = arith.constant 8 : i32
    %dma_wait3A_2172 = arith.constant 1024 : i32
    %dma_wait3A_2173 = arith.constant 0 : i32
    %dma_wait3A_2174 = tpu.memref_slice %arg7[%dma_wait3A_2172, %dma_wait3A_2173] : memref<3328x32xf32, #tpu.memory_space<vmem>> -> memref<128x32xf32, #tpu.memory_space<vmem>>
    %dma_wait3A_2175 = arith.constant 0 : i32
    %dma_wait3A_2176 = tpu.memref_slice %arg6[%dma_wait3A_2170, %dma_wait3A_2175] : memref<26x128xi32, #tpu.memory_space<vmem>> -> memref<1x128xi32, #tpu.memory_space<vmem>>
    %dma_wait3A_2177 = tpu.memref_squeeze %dma_wait3A_2176 : memref<1x128xi32, #tpu.memory_space<vmem>> -> memref<128xi32, #tpu.memory_space<vmem>>
    %dma_wait3A_2178 = arith.constant 0 : i32
    %dma_wait3A_2179 = arith.constant 0 : i32
    %dma_wait3A_2180 = tpu.memref_slice %arg2[%dma_wait3A_2178, %dma_wait3A_2179] : memref<1000000x32xf32, #tpu.memory_space<hbm>> -> memref<1000000x32xf32, #tpu.memory_space<hbm>>
    %dma_wait3A_2181 = tpu.memref_slice %arg8[%dma_wait3A_2171] : memref<26x!tpu.dma_semaphore, #tpu.memory_space<semaphore_mem>> -> memref<1x!tpu.dma_semaphore, #tpu.memory_space<semaphore_mem>>
    %dma_wait3A_2182 = tpu.memref_squeeze %dma_wait3A_2181 : memref<1x!tpu.dma_semaphore, #tpu.memory_space<semaphore_mem>> -> memref<!tpu.dma_semaphore, #tpu.memory_space<semaphore_mem>>
    tpu.wait_indirect_dma semaphore(%dma_wait3A_2182 : memref<!tpu.dma_semaphore, #tpu.memory_space<semaphore_mem>>) src(%dma_wait3A_2180 : memref<1000000x32xf32, #tpu.memory_space<hbm>>) dst(%dma_wait3A_2174 : memref<128x32xf32, #tpu.memory_space<vmem>>)
    %mul3A_2183 = arith.constant 128 : i32
    %mul3A_2184 = arith.muli %add3A, %mul3A_2183 : i32
    "tpu.region"() ({
      %run_scoped3A = tpu.sem_alloc : memref<!tpu.dma_semaphore, #tpu.memory_space<semaphore_mem>>
      %dma_start3A_2440 = arith.constant 1024 : i32
      %dma_start3A_2441 = arith.constant 0 : i32
      %dma_start3A_2442 = tpu.memref_slice %arg7[%dma_start3A_2440, %dma_start3A_2441] : memref<3328x32xf32, #tpu.memory_space<vmem>> -> memref<128x32xf32, #tpu.memory_space<vmem>>
      %dma_start3A_2443 = arith.constant 256 : i32
      %dma_start3A_2444 = tpu.memref_slice %arg4[%mul3A_2184, %dma_start3A_2443] : memref<4096x832xf32, #tpu.memory_space<hbm>> -> memref<128x32xf32, #tpu.memory_space<hbm>>
      %dma_start3A_2445 = arith.constant 256 : i32
      %dma_start3A_2446 = tpu.memref_slice %arg4[%mul3A_2184, %dma_start3A_2445] : memref<4096x832xf32, #tpu.memory_space<hbm>> -> memref<128x32xf32, #tpu.memory_space<hbm>>
      %dma_start3A_2447 = arith.constant 1024 : i32
      %dma_start3A_2448 = arith.constant 0 : i32
      %dma_start3A_2449 = tpu.memref_slice %arg7[%dma_start3A_2447, %dma_start3A_2448] : memref<3328x32xf32, #tpu.memory_space<vmem>> -> memref<128x32xf32, #tpu.memory_space<vmem>>
      tpu.enqueue_dma source(%dma_start3A_2449 : memref<128x32xf32, #tpu.memory_space<vmem>>) target(%dma_start3A_2446 : memref<128x32xf32, #tpu.memory_space<hbm>>) target_semaphore(%run_scoped3A : memref<!tpu.dma_semaphore, #tpu.memory_space<semaphore_mem>>)
      %dma_wait3A_2450 = arith.constant 1024 : i32
      %dma_wait3A_2451 = arith.constant 0 : i32
      %dma_wait3A_2452 = tpu.memref_slice %arg7[%dma_wait3A_2450, %dma_wait3A_2451] : memref<3328x32xf32, #tpu.memory_space<vmem>> -> memref<128x32xf32, #tpu.memory_space<vmem>>
      %dma_wait3A_2453 = arith.constant 256 : i32
      %dma_wait3A_2454 = tpu.memref_slice %arg4[%mul3A_2184, %dma_wait3A_2453] : memref<4096x832xf32, #tpu.memory_space<hbm>> -> memref<128x32xf32, #tpu.memory_space<hbm>>
      %dma_wait3A_2455 = arith.constant 256 : i32
      %dma_wait3A_2456 = tpu.memref_slice %arg4[%mul3A_2184, %dma_wait3A_2455] : memref<4096x832xf32, #tpu.memory_space<hbm>> -> memref<128x32xf32, #tpu.memory_space<hbm>>
      %dma_wait3A_2457 = arith.constant 1024 : i32
      %dma_wait3A_2458 = arith.constant 0 : i32
      %dma_wait3A_2459 = tpu.memref_slice %arg7[%dma_wait3A_2457, %dma_wait3A_2458] : memref<3328x32xf32, #tpu.memory_space<vmem>> -> memref<128x32xf32, #tpu.memory_space<vmem>>
      tpu.wait_dma2 semaphore(%run_scoped3A : memref<!tpu.dma_semaphore, #tpu.memory_space<semaphore_mem>>) src(%dma_wait3A_2459 : memref<128x32xf32, #tpu.memory_space<vmem>>) dst(%dma_wait3A_2456 : memref<128x32xf32, #tpu.memory_space<hbm>>)
      tpu.yield
    }) : () -> ()
    %dma_wait3A_2185 = arith.constant 9 : i32
    %dma_wait3A_2186 = arith.constant 9 : i32
    %dma_wait3A_2187 = arith.constant 1152 : i32
    %dma_wait3A_2188 = arith.constant 0 : i32
    %dma_wait3A_2189 = tpu.memref_slice %arg7[%dma_wait3A_2187, %dma_wait3A_2188] : memref<3328x32xf32, #tpu.memory_space<vmem>> -> memref<128x32xf32, #tpu.memory_space<vmem>>
    %dma_wait3A_2190 = arith.constant 0 : i32
    %dma_wait3A_2191 = tpu.memref_slice %arg6[%dma_wait3A_2185, %dma_wait3A_2190] : memref<26x128xi32, #tpu.memory_space<vmem>> -> memref<1x128xi32, #tpu.memory_space<vmem>>
    %dma_wait3A_2192 = tpu.memref_squeeze %dma_wait3A_2191 : memref<1x128xi32, #tpu.memory_space<vmem>> -> memref<128xi32, #tpu.memory_space<vmem>>
    %dma_wait3A_2193 = arith.constant 0 : i32
    %dma_wait3A_2194 = arith.constant 0 : i32
    %dma_wait3A_2195 = tpu.memref_slice %arg2[%dma_wait3A_2193, %dma_wait3A_2194] : memref<1000000x32xf32, #tpu.memory_space<hbm>> -> memref<1000000x32xf32, #tpu.memory_space<hbm>>
    %dma_wait3A_2196 = tpu.memref_slice %arg8[%dma_wait3A_2186] : memref<26x!tpu.dma_semaphore, #tpu.memory_space<semaphore_mem>> -> memref<1x!tpu.dma_semaphore, #tpu.memory_space<semaphore_mem>>
    %dma_wait3A_2197 = tpu.memref_squeeze %dma_wait3A_2196 : memref<1x!tpu.dma_semaphore, #tpu.memory_space<semaphore_mem>> -> memref<!tpu.dma_semaphore, #tpu.memory_space<semaphore_mem>>
    tpu.wait_indirect_dma semaphore(%dma_wait3A_2197 : memref<!tpu.dma_semaphore, #tpu.memory_space<semaphore_mem>>) src(%dma_wait3A_2195 : memref<1000000x32xf32, #tpu.memory_space<hbm>>) dst(%dma_wait3A_2189 : memref<128x32xf32, #tpu.memory_space<vmem>>)
    %mul3A_2198 = arith.constant 128 : i32
    %mul3A_2199 = arith.muli %add3A, %mul3A_2198 : i32
    "tpu.region"() ({
      %run_scoped3A = tpu.sem_alloc : memref<!tpu.dma_semaphore, #tpu.memory_space<semaphore_mem>>
      %dma_start3A_2440 = arith.constant 1152 : i32
      %dma_start3A_2441 = arith.constant 0 : i32
      %dma_start3A_2442 = tpu.memref_slice %arg7[%dma_start3A_2440, %dma_start3A_2441] : memref<3328x32xf32, #tpu.memory_space<vmem>> -> memref<128x32xf32, #tpu.memory_space<vmem>>
      %dma_start3A_2443 = arith.constant 288 : i32
      %dma_start3A_2444 = tpu.memref_slice %arg4[%mul3A_2199, %dma_start3A_2443] : memref<4096x832xf32, #tpu.memory_space<hbm>> -> memref<128x32xf32, #tpu.memory_space<hbm>>
      %dma_start3A_2445 = arith.constant 288 : i32
      %dma_start3A_2446 = tpu.memref_slice %arg4[%mul3A_2199, %dma_start3A_2445] : memref<4096x832xf32, #tpu.memory_space<hbm>> -> memref<128x32xf32, #tpu.memory_space<hbm>>
      %dma_start3A_2447 = arith.constant 1152 : i32
      %dma_start3A_2448 = arith.constant 0 : i32
      %dma_start3A_2449 = tpu.memref_slice %arg7[%dma_start3A_2447, %dma_start3A_2448] : memref<3328x32xf32, #tpu.memory_space<vmem>> -> memref<128x32xf32, #tpu.memory_space<vmem>>
      tpu.enqueue_dma source(%dma_start3A_2449 : memref<128x32xf32, #tpu.memory_space<vmem>>) target(%dma_start3A_2446 : memref<128x32xf32, #tpu.memory_space<hbm>>) target_semaphore(%run_scoped3A : memref<!tpu.dma_semaphore, #tpu.memory_space<semaphore_mem>>)
      %dma_wait3A_2450 = arith.constant 1152 : i32
      %dma_wait3A_2451 = arith.constant 0 : i32
      %dma_wait3A_2452 = tpu.memref_slice %arg7[%dma_wait3A_2450, %dma_wait3A_2451] : memref<3328x32xf32, #tpu.memory_space<vmem>> -> memref<128x32xf32, #tpu.memory_space<vmem>>
      %dma_wait3A_2453 = arith.constant 288 : i32
      %dma_wait3A_2454 = tpu.memref_slice %arg4[%mul3A_2199, %dma_wait3A_2453] : memref<4096x832xf32, #tpu.memory_space<hbm>> -> memref<128x32xf32, #tpu.memory_space<hbm>>
      %dma_wait3A_2455 = arith.constant 288 : i32
      %dma_wait3A_2456 = tpu.memref_slice %arg4[%mul3A_2199, %dma_wait3A_2455] : memref<4096x832xf32, #tpu.memory_space<hbm>> -> memref<128x32xf32, #tpu.memory_space<hbm>>
      %dma_wait3A_2457 = arith.constant 1152 : i32
      %dma_wait3A_2458 = arith.constant 0 : i32
      %dma_wait3A_2459 = tpu.memref_slice %arg7[%dma_wait3A_2457, %dma_wait3A_2458] : memref<3328x32xf32, #tpu.memory_space<vmem>> -> memref<128x32xf32, #tpu.memory_space<vmem>>
      tpu.wait_dma2 semaphore(%run_scoped3A : memref<!tpu.dma_semaphore, #tpu.memory_space<semaphore_mem>>) src(%dma_wait3A_2459 : memref<128x32xf32, #tpu.memory_space<vmem>>) dst(%dma_wait3A_2456 : memref<128x32xf32, #tpu.memory_space<hbm>>)
      tpu.yield
    }) : () -> ()
    %dma_wait3A_2200 = arith.constant 10 : i32
    %dma_wait3A_2201 = arith.constant 10 : i32
    %dma_wait3A_2202 = arith.constant 1280 : i32
    %dma_wait3A_2203 = arith.constant 0 : i32
    %dma_wait3A_2204 = tpu.memref_slice %arg7[%dma_wait3A_2202, %dma_wait3A_2203] : memref<3328x32xf32, #tpu.memory_space<vmem>> -> memref<128x32xf32, #tpu.memory_space<vmem>>
    %dma_wait3A_2205 = arith.constant 0 : i32
    %dma_wait3A_2206 = tpu.memref_slice %arg6[%dma_wait3A_2200, %dma_wait3A_2205] : memref<26x128xi32, #tpu.memory_space<vmem>> -> memref<1x128xi32, #tpu.memory_space<vmem>>
    %dma_wait3A_2207 = tpu.memref_squeeze %dma_wait3A_2206 : memref<1x128xi32, #tpu.memory_space<vmem>> -> memref<128xi32, #tpu.memory_space<vmem>>
    %dma_wait3A_2208 = arith.constant 0 : i32
    %dma_wait3A_2209 = arith.constant 0 : i32
    %dma_wait3A_2210 = tpu.memref_slice %arg2[%dma_wait3A_2208, %dma_wait3A_2209] : memref<1000000x32xf32, #tpu.memory_space<hbm>> -> memref<1000000x32xf32, #tpu.memory_space<hbm>>
    %dma_wait3A_2211 = tpu.memref_slice %arg8[%dma_wait3A_2201] : memref<26x!tpu.dma_semaphore, #tpu.memory_space<semaphore_mem>> -> memref<1x!tpu.dma_semaphore, #tpu.memory_space<semaphore_mem>>
    %dma_wait3A_2212 = tpu.memref_squeeze %dma_wait3A_2211 : memref<1x!tpu.dma_semaphore, #tpu.memory_space<semaphore_mem>> -> memref<!tpu.dma_semaphore, #tpu.memory_space<semaphore_mem>>
    tpu.wait_indirect_dma semaphore(%dma_wait3A_2212 : memref<!tpu.dma_semaphore, #tpu.memory_space<semaphore_mem>>) src(%dma_wait3A_2210 : memref<1000000x32xf32, #tpu.memory_space<hbm>>) dst(%dma_wait3A_2204 : memref<128x32xf32, #tpu.memory_space<vmem>>)
    %mul3A_2213 = arith.constant 128 : i32
    %mul3A_2214 = arith.muli %add3A, %mul3A_2213 : i32
    "tpu.region"() ({
      %run_scoped3A = tpu.sem_alloc : memref<!tpu.dma_semaphore, #tpu.memory_space<semaphore_mem>>
      %dma_start3A_2440 = arith.constant 1280 : i32
      %dma_start3A_2441 = arith.constant 0 : i32
      %dma_start3A_2442 = tpu.memref_slice %arg7[%dma_start3A_2440, %dma_start3A_2441] : memref<3328x32xf32, #tpu.memory_space<vmem>> -> memref<128x32xf32, #tpu.memory_space<vmem>>
      %dma_start3A_2443 = arith.constant 320 : i32
      %dma_start3A_2444 = tpu.memref_slice %arg4[%mul3A_2214, %dma_start3A_2443] : memref<4096x832xf32, #tpu.memory_space<hbm>> -> memref<128x32xf32, #tpu.memory_space<hbm>>
      %dma_start3A_2445 = arith.constant 320 : i32
      %dma_start3A_2446 = tpu.memref_slice %arg4[%mul3A_2214, %dma_start3A_2445] : memref<4096x832xf32, #tpu.memory_space<hbm>> -> memref<128x32xf32, #tpu.memory_space<hbm>>
      %dma_start3A_2447 = arith.constant 1280 : i32
      %dma_start3A_2448 = arith.constant 0 : i32
      %dma_start3A_2449 = tpu.memref_slice %arg7[%dma_start3A_2447, %dma_start3A_2448] : memref<3328x32xf32, #tpu.memory_space<vmem>> -> memref<128x32xf32, #tpu.memory_space<vmem>>
      tpu.enqueue_dma source(%dma_start3A_2449 : memref<128x32xf32, #tpu.memory_space<vmem>>) target(%dma_start3A_2446 : memref<128x32xf32, #tpu.memory_space<hbm>>) target_semaphore(%run_scoped3A : memref<!tpu.dma_semaphore, #tpu.memory_space<semaphore_mem>>)
      %dma_wait3A_2450 = arith.constant 1280 : i32
      %dma_wait3A_2451 = arith.constant 0 : i32
      %dma_wait3A_2452 = tpu.memref_slice %arg7[%dma_wait3A_2450, %dma_wait3A_2451] : memref<3328x32xf32, #tpu.memory_space<vmem>> -> memref<128x32xf32, #tpu.memory_space<vmem>>
      %dma_wait3A_2453 = arith.constant 320 : i32
      %dma_wait3A_2454 = tpu.memref_slice %arg4[%mul3A_2214, %dma_wait3A_2453] : memref<4096x832xf32, #tpu.memory_space<hbm>> -> memref<128x32xf32, #tpu.memory_space<hbm>>
      %dma_wait3A_2455 = arith.constant 320 : i32
      %dma_wait3A_2456 = tpu.memref_slice %arg4[%mul3A_2214, %dma_wait3A_2455] : memref<4096x832xf32, #tpu.memory_space<hbm>> -> memref<128x32xf32, #tpu.memory_space<hbm>>
      %dma_wait3A_2457 = arith.constant 1280 : i32
      %dma_wait3A_2458 = arith.constant 0 : i32
      %dma_wait3A_2459 = tpu.memref_slice %arg7[%dma_wait3A_2457, %dma_wait3A_2458] : memref<3328x32xf32, #tpu.memory_space<vmem>> -> memref<128x32xf32, #tpu.memory_space<vmem>>
      tpu.wait_dma2 semaphore(%run_scoped3A : memref<!tpu.dma_semaphore, #tpu.memory_space<semaphore_mem>>) src(%dma_wait3A_2459 : memref<128x32xf32, #tpu.memory_space<vmem>>) dst(%dma_wait3A_2456 : memref<128x32xf32, #tpu.memory_space<hbm>>)
      tpu.yield
    }) : () -> ()
    %dma_wait3A_2215 = arith.constant 11 : i32
    %dma_wait3A_2216 = arith.constant 11 : i32
    %dma_wait3A_2217 = arith.constant 1408 : i32
    %dma_wait3A_2218 = arith.constant 0 : i32
    %dma_wait3A_2219 = tpu.memref_slice %arg7[%dma_wait3A_2217, %dma_wait3A_2218] : memref<3328x32xf32, #tpu.memory_space<vmem>> -> memref<128x32xf32, #tpu.memory_space<vmem>>
    %dma_wait3A_2220 = arith.constant 0 : i32
    %dma_wait3A_2221 = tpu.memref_slice %arg6[%dma_wait3A_2215, %dma_wait3A_2220] : memref<26x128xi32, #tpu.memory_space<vmem>> -> memref<1x128xi32, #tpu.memory_space<vmem>>
    %dma_wait3A_2222 = tpu.memref_squeeze %dma_wait3A_2221 : memref<1x128xi32, #tpu.memory_space<vmem>> -> memref<128xi32, #tpu.memory_space<vmem>>
    %dma_wait3A_2223 = arith.constant 0 : i32
    %dma_wait3A_2224 = arith.constant 0 : i32
    %dma_wait3A_2225 = tpu.memref_slice %arg2[%dma_wait3A_2223, %dma_wait3A_2224] : memref<1000000x32xf32, #tpu.memory_space<hbm>> -> memref<1000000x32xf32, #tpu.memory_space<hbm>>
    %dma_wait3A_2226 = tpu.memref_slice %arg8[%dma_wait3A_2216] : memref<26x!tpu.dma_semaphore, #tpu.memory_space<semaphore_mem>> -> memref<1x!tpu.dma_semaphore, #tpu.memory_space<semaphore_mem>>
    %dma_wait3A_2227 = tpu.memref_squeeze %dma_wait3A_2226 : memref<1x!tpu.dma_semaphore, #tpu.memory_space<semaphore_mem>> -> memref<!tpu.dma_semaphore, #tpu.memory_space<semaphore_mem>>
    tpu.wait_indirect_dma semaphore(%dma_wait3A_2227 : memref<!tpu.dma_semaphore, #tpu.memory_space<semaphore_mem>>) src(%dma_wait3A_2225 : memref<1000000x32xf32, #tpu.memory_space<hbm>>) dst(%dma_wait3A_2219 : memref<128x32xf32, #tpu.memory_space<vmem>>)
    %mul3A_2228 = arith.constant 128 : i32
    %mul3A_2229 = arith.muli %add3A, %mul3A_2228 : i32
    "tpu.region"() ({
      %run_scoped3A = tpu.sem_alloc : memref<!tpu.dma_semaphore, #tpu.memory_space<semaphore_mem>>
      %dma_start3A_2440 = arith.constant 1408 : i32
      %dma_start3A_2441 = arith.constant 0 : i32
      %dma_start3A_2442 = tpu.memref_slice %arg7[%dma_start3A_2440, %dma_start3A_2441] : memref<3328x32xf32, #tpu.memory_space<vmem>> -> memref<128x32xf32, #tpu.memory_space<vmem>>
      %dma_start3A_2443 = arith.constant 352 : i32
      %dma_start3A_2444 = tpu.memref_slice %arg4[%mul3A_2229, %dma_start3A_2443] : memref<4096x832xf32, #tpu.memory_space<hbm>> -> memref<128x32xf32, #tpu.memory_space<hbm>>
      %dma_start3A_2445 = arith.constant 352 : i32
      %dma_start3A_2446 = tpu.memref_slice %arg4[%mul3A_2229, %dma_start3A_2445] : memref<4096x832xf32, #tpu.memory_space<hbm>> -> memref<128x32xf32, #tpu.memory_space<hbm>>
      %dma_start3A_2447 = arith.constant 1408 : i32
      %dma_start3A_2448 = arith.constant 0 : i32
      %dma_start3A_2449 = tpu.memref_slice %arg7[%dma_start3A_2447, %dma_start3A_2448] : memref<3328x32xf32, #tpu.memory_space<vmem>> -> memref<128x32xf32, #tpu.memory_space<vmem>>
      tpu.enqueue_dma source(%dma_start3A_2449 : memref<128x32xf32, #tpu.memory_space<vmem>>) target(%dma_start3A_2446 : memref<128x32xf32, #tpu.memory_space<hbm>>) target_semaphore(%run_scoped3A : memref<!tpu.dma_semaphore, #tpu.memory_space<semaphore_mem>>)
      %dma_wait3A_2450 = arith.constant 1408 : i32
      %dma_wait3A_2451 = arith.constant 0 : i32
      %dma_wait3A_2452 = tpu.memref_slice %arg7[%dma_wait3A_2450, %dma_wait3A_2451] : memref<3328x32xf32, #tpu.memory_space<vmem>> -> memref<128x32xf32, #tpu.memory_space<vmem>>
      %dma_wait3A_2453 = arith.constant 352 : i32
      %dma_wait3A_2454 = tpu.memref_slice %arg4[%mul3A_2229, %dma_wait3A_2453] : memref<4096x832xf32, #tpu.memory_space<hbm>> -> memref<128x32xf32, #tpu.memory_space<hbm>>
      %dma_wait3A_2455 = arith.constant 352 : i32
      %dma_wait3A_2456 = tpu.memref_slice %arg4[%mul3A_2229, %dma_wait3A_2455] : memref<4096x832xf32, #tpu.memory_space<hbm>> -> memref<128x32xf32, #tpu.memory_space<hbm>>
      %dma_wait3A_2457 = arith.constant 1408 : i32
      %dma_wait3A_2458 = arith.constant 0 : i32
      %dma_wait3A_2459 = tpu.memref_slice %arg7[%dma_wait3A_2457, %dma_wait3A_2458] : memref<3328x32xf32, #tpu.memory_space<vmem>> -> memref<128x32xf32, #tpu.memory_space<vmem>>
      tpu.wait_dma2 semaphore(%run_scoped3A : memref<!tpu.dma_semaphore, #tpu.memory_space<semaphore_mem>>) src(%dma_wait3A_2459 : memref<128x32xf32, #tpu.memory_space<vmem>>) dst(%dma_wait3A_2456 : memref<128x32xf32, #tpu.memory_space<hbm>>)
      tpu.yield
    }) : () -> ()
    %dma_wait3A_2230 = arith.constant 12 : i32
    %dma_wait3A_2231 = arith.constant 12 : i32
    %dma_wait3A_2232 = arith.constant 1536 : i32
    %dma_wait3A_2233 = arith.constant 0 : i32
    %dma_wait3A_2234 = tpu.memref_slice %arg7[%dma_wait3A_2232, %dma_wait3A_2233] : memref<3328x32xf32, #tpu.memory_space<vmem>> -> memref<128x32xf32, #tpu.memory_space<vmem>>
    %dma_wait3A_2235 = arith.constant 0 : i32
    %dma_wait3A_2236 = tpu.memref_slice %arg6[%dma_wait3A_2230, %dma_wait3A_2235] : memref<26x128xi32, #tpu.memory_space<vmem>> -> memref<1x128xi32, #tpu.memory_space<vmem>>
    %dma_wait3A_2237 = tpu.memref_squeeze %dma_wait3A_2236 : memref<1x128xi32, #tpu.memory_space<vmem>> -> memref<128xi32, #tpu.memory_space<vmem>>
    %dma_wait3A_2238 = arith.constant 0 : i32
    %dma_wait3A_2239 = arith.constant 0 : i32
    %dma_wait3A_2240 = tpu.memref_slice %arg2[%dma_wait3A_2238, %dma_wait3A_2239] : memref<1000000x32xf32, #tpu.memory_space<hbm>> -> memref<1000000x32xf32, #tpu.memory_space<hbm>>
    %dma_wait3A_2241 = tpu.memref_slice %arg8[%dma_wait3A_2231] : memref<26x!tpu.dma_semaphore, #tpu.memory_space<semaphore_mem>> -> memref<1x!tpu.dma_semaphore, #tpu.memory_space<semaphore_mem>>
    %dma_wait3A_2242 = tpu.memref_squeeze %dma_wait3A_2241 : memref<1x!tpu.dma_semaphore, #tpu.memory_space<semaphore_mem>> -> memref<!tpu.dma_semaphore, #tpu.memory_space<semaphore_mem>>
    tpu.wait_indirect_dma semaphore(%dma_wait3A_2242 : memref<!tpu.dma_semaphore, #tpu.memory_space<semaphore_mem>>) src(%dma_wait3A_2240 : memref<1000000x32xf32, #tpu.memory_space<hbm>>) dst(%dma_wait3A_2234 : memref<128x32xf32, #tpu.memory_space<vmem>>)
    %mul3A_2243 = arith.constant 128 : i32
    %mul3A_2244 = arith.muli %add3A, %mul3A_2243 : i32
    "tpu.region"() ({
      %run_scoped3A = tpu.sem_alloc : memref<!tpu.dma_semaphore, #tpu.memory_space<semaphore_mem>>
      %dma_start3A_2440 = arith.constant 1536 : i32
      %dma_start3A_2441 = arith.constant 0 : i32
      %dma_start3A_2442 = tpu.memref_slice %arg7[%dma_start3A_2440, %dma_start3A_2441] : memref<3328x32xf32, #tpu.memory_space<vmem>> -> memref<128x32xf32, #tpu.memory_space<vmem>>
      %dma_start3A_2443 = arith.constant 384 : i32
      %dma_start3A_2444 = tpu.memref_slice %arg4[%mul3A_2244, %dma_start3A_2443] : memref<4096x832xf32, #tpu.memory_space<hbm>> -> memref<128x32xf32, #tpu.memory_space<hbm>>
      %dma_start3A_2445 = arith.constant 384 : i32
      %dma_start3A_2446 = tpu.memref_slice %arg4[%mul3A_2244, %dma_start3A_2445] : memref<4096x832xf32, #tpu.memory_space<hbm>> -> memref<128x32xf32, #tpu.memory_space<hbm>>
      %dma_start3A_2447 = arith.constant 1536 : i32
      %dma_start3A_2448 = arith.constant 0 : i32
      %dma_start3A_2449 = tpu.memref_slice %arg7[%dma_start3A_2447, %dma_start3A_2448] : memref<3328x32xf32, #tpu.memory_space<vmem>> -> memref<128x32xf32, #tpu.memory_space<vmem>>
      tpu.enqueue_dma source(%dma_start3A_2449 : memref<128x32xf32, #tpu.memory_space<vmem>>) target(%dma_start3A_2446 : memref<128x32xf32, #tpu.memory_space<hbm>>) target_semaphore(%run_scoped3A : memref<!tpu.dma_semaphore, #tpu.memory_space<semaphore_mem>>)
      %dma_wait3A_2450 = arith.constant 1536 : i32
      %dma_wait3A_2451 = arith.constant 0 : i32
      %dma_wait3A_2452 = tpu.memref_slice %arg7[%dma_wait3A_2450, %dma_wait3A_2451] : memref<3328x32xf32, #tpu.memory_space<vmem>> -> memref<128x32xf32, #tpu.memory_space<vmem>>
      %dma_wait3A_2453 = arith.constant 384 : i32
      %dma_wait3A_2454 = tpu.memref_slice %arg4[%mul3A_2244, %dma_wait3A_2453] : memref<4096x832xf32, #tpu.memory_space<hbm>> -> memref<128x32xf32, #tpu.memory_space<hbm>>
      %dma_wait3A_2455 = arith.constant 384 : i32
      %dma_wait3A_2456 = tpu.memref_slice %arg4[%mul3A_2244, %dma_wait3A_2455] : memref<4096x832xf32, #tpu.memory_space<hbm>> -> memref<128x32xf32, #tpu.memory_space<hbm>>
      %dma_wait3A_2457 = arith.constant 1536 : i32
      %dma_wait3A_2458 = arith.constant 0 : i32
      %dma_wait3A_2459 = tpu.memref_slice %arg7[%dma_wait3A_2457, %dma_wait3A_2458] : memref<3328x32xf32, #tpu.memory_space<vmem>> -> memref<128x32xf32, #tpu.memory_space<vmem>>
      tpu.wait_dma2 semaphore(%run_scoped3A : memref<!tpu.dma_semaphore, #tpu.memory_space<semaphore_mem>>) src(%dma_wait3A_2459 : memref<128x32xf32, #tpu.memory_space<vmem>>) dst(%dma_wait3A_2456 : memref<128x32xf32, #tpu.memory_space<hbm>>)
      tpu.yield
    }) : () -> ()
    %dma_wait3A_2245 = arith.constant 13 : i32
    %dma_wait3A_2246 = arith.constant 13 : i32
    %dma_wait3A_2247 = arith.constant 1664 : i32
    %dma_wait3A_2248 = arith.constant 0 : i32
    %dma_wait3A_2249 = tpu.memref_slice %arg7[%dma_wait3A_2247, %dma_wait3A_2248] : memref<3328x32xf32, #tpu.memory_space<vmem>> -> memref<128x32xf32, #tpu.memory_space<vmem>>
    %dma_wait3A_2250 = arith.constant 0 : i32
    %dma_wait3A_2251 = tpu.memref_slice %arg6[%dma_wait3A_2245, %dma_wait3A_2250] : memref<26x128xi32, #tpu.memory_space<vmem>> -> memref<1x128xi32, #tpu.memory_space<vmem>>
    %dma_wait3A_2252 = tpu.memref_squeeze %dma_wait3A_2251 : memref<1x128xi32, #tpu.memory_space<vmem>> -> memref<128xi32, #tpu.memory_space<vmem>>
    %dma_wait3A_2253 = arith.constant 0 : i32
    %dma_wait3A_2254 = arith.constant 0 : i32
    %dma_wait3A_2255 = tpu.memref_slice %arg2[%dma_wait3A_2253, %dma_wait3A_2254] : memref<1000000x32xf32, #tpu.memory_space<hbm>> -> memref<1000000x32xf32, #tpu.memory_space<hbm>>
    %dma_wait3A_2256 = tpu.memref_slice %arg8[%dma_wait3A_2246] : memref<26x!tpu.dma_semaphore, #tpu.memory_space<semaphore_mem>> -> memref<1x!tpu.dma_semaphore, #tpu.memory_space<semaphore_mem>>
    %dma_wait3A_2257 = tpu.memref_squeeze %dma_wait3A_2256 : memref<1x!tpu.dma_semaphore, #tpu.memory_space<semaphore_mem>> -> memref<!tpu.dma_semaphore, #tpu.memory_space<semaphore_mem>>
    tpu.wait_indirect_dma semaphore(%dma_wait3A_2257 : memref<!tpu.dma_semaphore, #tpu.memory_space<semaphore_mem>>) src(%dma_wait3A_2255 : memref<1000000x32xf32, #tpu.memory_space<hbm>>) dst(%dma_wait3A_2249 : memref<128x32xf32, #tpu.memory_space<vmem>>)
    %mul3A_2258 = arith.constant 128 : i32
    %mul3A_2259 = arith.muli %add3A, %mul3A_2258 : i32
    "tpu.region"() ({
      %run_scoped3A = tpu.sem_alloc : memref<!tpu.dma_semaphore, #tpu.memory_space<semaphore_mem>>
      %dma_start3A_2440 = arith.constant 1664 : i32
      %dma_start3A_2441 = arith.constant 0 : i32
      %dma_start3A_2442 = tpu.memref_slice %arg7[%dma_start3A_2440, %dma_start3A_2441] : memref<3328x32xf32, #tpu.memory_space<vmem>> -> memref<128x32xf32, #tpu.memory_space<vmem>>
      %dma_start3A_2443 = arith.constant 416 : i32
      %dma_start3A_2444 = tpu.memref_slice %arg4[%mul3A_2259, %dma_start3A_2443] : memref<4096x832xf32, #tpu.memory_space<hbm>> -> memref<128x32xf32, #tpu.memory_space<hbm>>
      %dma_start3A_2445 = arith.constant 416 : i32
      %dma_start3A_2446 = tpu.memref_slice %arg4[%mul3A_2259, %dma_start3A_2445] : memref<4096x832xf32, #tpu.memory_space<hbm>> -> memref<128x32xf32, #tpu.memory_space<hbm>>
      %dma_start3A_2447 = arith.constant 1664 : i32
      %dma_start3A_2448 = arith.constant 0 : i32
      %dma_start3A_2449 = tpu.memref_slice %arg7[%dma_start3A_2447, %dma_start3A_2448] : memref<3328x32xf32, #tpu.memory_space<vmem>> -> memref<128x32xf32, #tpu.memory_space<vmem>>
      tpu.enqueue_dma source(%dma_start3A_2449 : memref<128x32xf32, #tpu.memory_space<vmem>>) target(%dma_start3A_2446 : memref<128x32xf32, #tpu.memory_space<hbm>>) target_semaphore(%run_scoped3A : memref<!tpu.dma_semaphore, #tpu.memory_space<semaphore_mem>>)
      %dma_wait3A_2450 = arith.constant 1664 : i32
      %dma_wait3A_2451 = arith.constant 0 : i32
      %dma_wait3A_2452 = tpu.memref_slice %arg7[%dma_wait3A_2450, %dma_wait3A_2451] : memref<3328x32xf32, #tpu.memory_space<vmem>> -> memref<128x32xf32, #tpu.memory_space<vmem>>
      %dma_wait3A_2453 = arith.constant 416 : i32
      %dma_wait3A_2454 = tpu.memref_slice %arg4[%mul3A_2259, %dma_wait3A_2453] : memref<4096x832xf32, #tpu.memory_space<hbm>> -> memref<128x32xf32, #tpu.memory_space<hbm>>
      %dma_wait3A_2455 = arith.constant 416 : i32
      %dma_wait3A_2456 = tpu.memref_slice %arg4[%mul3A_2259, %dma_wait3A_2455] : memref<4096x832xf32, #tpu.memory_space<hbm>> -> memref<128x32xf32, #tpu.memory_space<hbm>>
      %dma_wait3A_2457 = arith.constant 1664 : i32
      %dma_wait3A_2458 = arith.constant 0 : i32
      %dma_wait3A_2459 = tpu.memref_slice %arg7[%dma_wait3A_2457, %dma_wait3A_2458] : memref<3328x32xf32, #tpu.memory_space<vmem>> -> memref<128x32xf32, #tpu.memory_space<vmem>>
      tpu.wait_dma2 semaphore(%run_scoped3A : memref<!tpu.dma_semaphore, #tpu.memory_space<semaphore_mem>>) src(%dma_wait3A_2459 : memref<128x32xf32, #tpu.memory_space<vmem>>) dst(%dma_wait3A_2456 : memref<128x32xf32, #tpu.memory_space<hbm>>)
      tpu.yield
    }) : () -> ()
    %dma_wait3A_2260 = arith.constant 14 : i32
    %dma_wait3A_2261 = arith.constant 14 : i32
    %dma_wait3A_2262 = arith.constant 1792 : i32
    %dma_wait3A_2263 = arith.constant 0 : i32
    %dma_wait3A_2264 = tpu.memref_slice %arg7[%dma_wait3A_2262, %dma_wait3A_2263] : memref<3328x32xf32, #tpu.memory_space<vmem>> -> memref<128x32xf32, #tpu.memory_space<vmem>>
    %dma_wait3A_2265 = arith.constant 0 : i32
    %dma_wait3A_2266 = tpu.memref_slice %arg6[%dma_wait3A_2260, %dma_wait3A_2265] : memref<26x128xi32, #tpu.memory_space<vmem>> -> memref<1x128xi32, #tpu.memory_space<vmem>>
    %dma_wait3A_2267 = tpu.memref_squeeze %dma_wait3A_2266 : memref<1x128xi32, #tpu.memory_space<vmem>> -> memref<128xi32, #tpu.memory_space<vmem>>
    %dma_wait3A_2268 = arith.constant 0 : i32
    %dma_wait3A_2269 = arith.constant 0 : i32
    %dma_wait3A_2270 = tpu.memref_slice %arg2[%dma_wait3A_2268, %dma_wait3A_2269] : memref<1000000x32xf32, #tpu.memory_space<hbm>> -> memref<1000000x32xf32, #tpu.memory_space<hbm>>
    %dma_wait3A_2271 = tpu.memref_slice %arg8[%dma_wait3A_2261] : memref<26x!tpu.dma_semaphore, #tpu.memory_space<semaphore_mem>> -> memref<1x!tpu.dma_semaphore, #tpu.memory_space<semaphore_mem>>
    %dma_wait3A_2272 = tpu.memref_squeeze %dma_wait3A_2271 : memref<1x!tpu.dma_semaphore, #tpu.memory_space<semaphore_mem>> -> memref<!tpu.dma_semaphore, #tpu.memory_space<semaphore_mem>>
    tpu.wait_indirect_dma semaphore(%dma_wait3A_2272 : memref<!tpu.dma_semaphore, #tpu.memory_space<semaphore_mem>>) src(%dma_wait3A_2270 : memref<1000000x32xf32, #tpu.memory_space<hbm>>) dst(%dma_wait3A_2264 : memref<128x32xf32, #tpu.memory_space<vmem>>)
    %mul3A_2273 = arith.constant 128 : i32
    %mul3A_2274 = arith.muli %add3A, %mul3A_2273 : i32
    "tpu.region"() ({
      %run_scoped3A = tpu.sem_alloc : memref<!tpu.dma_semaphore, #tpu.memory_space<semaphore_mem>>
      %dma_start3A_2440 = arith.constant 1792 : i32
      %dma_start3A_2441 = arith.constant 0 : i32
      %dma_start3A_2442 = tpu.memref_slice %arg7[%dma_start3A_2440, %dma_start3A_2441] : memref<3328x32xf32, #tpu.memory_space<vmem>> -> memref<128x32xf32, #tpu.memory_space<vmem>>
      %dma_start3A_2443 = arith.constant 448 : i32
      %dma_start3A_2444 = tpu.memref_slice %arg4[%mul3A_2274, %dma_start3A_2443] : memref<4096x832xf32, #tpu.memory_space<hbm>> -> memref<128x32xf32, #tpu.memory_space<hbm>>
      %dma_start3A_2445 = arith.constant 448 : i32
      %dma_start3A_2446 = tpu.memref_slice %arg4[%mul3A_2274, %dma_start3A_2445] : memref<4096x832xf32, #tpu.memory_space<hbm>> -> memref<128x32xf32, #tpu.memory_space<hbm>>
      %dma_start3A_2447 = arith.constant 1792 : i32
      %dma_start3A_2448 = arith.constant 0 : i32
      %dma_start3A_2449 = tpu.memref_slice %arg7[%dma_start3A_2447, %dma_start3A_2448] : memref<3328x32xf32, #tpu.memory_space<vmem>> -> memref<128x32xf32, #tpu.memory_space<vmem>>
      tpu.enqueue_dma source(%dma_start3A_2449 : memref<128x32xf32, #tpu.memory_space<vmem>>) target(%dma_start3A_2446 : memref<128x32xf32, #tpu.memory_space<hbm>>) target_semaphore(%run_scoped3A : memref<!tpu.dma_semaphore, #tpu.memory_space<semaphore_mem>>)
      %dma_wait3A_2450 = arith.constant 1792 : i32
      %dma_wait3A_2451 = arith.constant 0 : i32
      %dma_wait3A_2452 = tpu.memref_slice %arg7[%dma_wait3A_2450, %dma_wait3A_2451] : memref<3328x32xf32, #tpu.memory_space<vmem>> -> memref<128x32xf32, #tpu.memory_space<vmem>>
      %dma_wait3A_2453 = arith.constant 448 : i32
      %dma_wait3A_2454 = tpu.memref_slice %arg4[%mul3A_2274, %dma_wait3A_2453] : memref<4096x832xf32, #tpu.memory_space<hbm>> -> memref<128x32xf32, #tpu.memory_space<hbm>>
      %dma_wait3A_2455 = arith.constant 448 : i32
      %dma_wait3A_2456 = tpu.memref_slice %arg4[%mul3A_2274, %dma_wait3A_2455] : memref<4096x832xf32, #tpu.memory_space<hbm>> -> memref<128x32xf32, #tpu.memory_space<hbm>>
      %dma_wait3A_2457 = arith.constant 1792 : i32
      %dma_wait3A_2458 = arith.constant 0 : i32
      %dma_wait3A_2459 = tpu.memref_slice %arg7[%dma_wait3A_2457, %dma_wait3A_2458] : memref<3328x32xf32, #tpu.memory_space<vmem>> -> memref<128x32xf32, #tpu.memory_space<vmem>>
      tpu.wait_dma2 semaphore(%run_scoped3A : memref<!tpu.dma_semaphore, #tpu.memory_space<semaphore_mem>>) src(%dma_wait3A_2459 : memref<128x32xf32, #tpu.memory_space<vmem>>) dst(%dma_wait3A_2456 : memref<128x32xf32, #tpu.memory_space<hbm>>)
      tpu.yield
    }) : () -> ()
    %dma_wait3A_2275 = arith.constant 15 : i32
    %dma_wait3A_2276 = arith.constant 15 : i32
    %dma_wait3A_2277 = arith.constant 1920 : i32
    %dma_wait3A_2278 = arith.constant 0 : i32
    %dma_wait3A_2279 = tpu.memref_slice %arg7[%dma_wait3A_2277, %dma_wait3A_2278] : memref<3328x32xf32, #tpu.memory_space<vmem>> -> memref<128x32xf32, #tpu.memory_space<vmem>>
    %dma_wait3A_2280 = arith.constant 0 : i32
    %dma_wait3A_2281 = tpu.memref_slice %arg6[%dma_wait3A_2275, %dma_wait3A_2280] : memref<26x128xi32, #tpu.memory_space<vmem>> -> memref<1x128xi32, #tpu.memory_space<vmem>>
    %dma_wait3A_2282 = tpu.memref_squeeze %dma_wait3A_2281 : memref<1x128xi32, #tpu.memory_space<vmem>> -> memref<128xi32, #tpu.memory_space<vmem>>
    %dma_wait3A_2283 = arith.constant 0 : i32
    %dma_wait3A_2284 = arith.constant 0 : i32
    %dma_wait3A_2285 = tpu.memref_slice %arg2[%dma_wait3A_2283, %dma_wait3A_2284] : memref<1000000x32xf32, #tpu.memory_space<hbm>> -> memref<1000000x32xf32, #tpu.memory_space<hbm>>
    %dma_wait3A_2286 = tpu.memref_slice %arg8[%dma_wait3A_2276] : memref<26x!tpu.dma_semaphore, #tpu.memory_space<semaphore_mem>> -> memref<1x!tpu.dma_semaphore, #tpu.memory_space<semaphore_mem>>
    %dma_wait3A_2287 = tpu.memref_squeeze %dma_wait3A_2286 : memref<1x!tpu.dma_semaphore, #tpu.memory_space<semaphore_mem>> -> memref<!tpu.dma_semaphore, #tpu.memory_space<semaphore_mem>>
    tpu.wait_indirect_dma semaphore(%dma_wait3A_2287 : memref<!tpu.dma_semaphore, #tpu.memory_space<semaphore_mem>>) src(%dma_wait3A_2285 : memref<1000000x32xf32, #tpu.memory_space<hbm>>) dst(%dma_wait3A_2279 : memref<128x32xf32, #tpu.memory_space<vmem>>)
    %mul3A_2288 = arith.constant 128 : i32
    %mul3A_2289 = arith.muli %add3A, %mul3A_2288 : i32
    "tpu.region"() ({
      %run_scoped3A = tpu.sem_alloc : memref<!tpu.dma_semaphore, #tpu.memory_space<semaphore_mem>>
      %dma_start3A_2440 = arith.constant 1920 : i32
      %dma_start3A_2441 = arith.constant 0 : i32
      %dma_start3A_2442 = tpu.memref_slice %arg7[%dma_start3A_2440, %dma_start3A_2441] : memref<3328x32xf32, #tpu.memory_space<vmem>> -> memref<128x32xf32, #tpu.memory_space<vmem>>
      %dma_start3A_2443 = arith.constant 480 : i32
      %dma_start3A_2444 = tpu.memref_slice %arg4[%mul3A_2289, %dma_start3A_2443] : memref<4096x832xf32, #tpu.memory_space<hbm>> -> memref<128x32xf32, #tpu.memory_space<hbm>>
      %dma_start3A_2445 = arith.constant 480 : i32
      %dma_start3A_2446 = tpu.memref_slice %arg4[%mul3A_2289, %dma_start3A_2445] : memref<4096x832xf32, #tpu.memory_space<hbm>> -> memref<128x32xf32, #tpu.memory_space<hbm>>
      %dma_start3A_2447 = arith.constant 1920 : i32
      %dma_start3A_2448 = arith.constant 0 : i32
      %dma_start3A_2449 = tpu.memref_slice %arg7[%dma_start3A_2447, %dma_start3A_2448] : memref<3328x32xf32, #tpu.memory_space<vmem>> -> memref<128x32xf32, #tpu.memory_space<vmem>>
      tpu.enqueue_dma source(%dma_start3A_2449 : memref<128x32xf32, #tpu.memory_space<vmem>>) target(%dma_start3A_2446 : memref<128x32xf32, #tpu.memory_space<hbm>>) target_semaphore(%run_scoped3A : memref<!tpu.dma_semaphore, #tpu.memory_space<semaphore_mem>>)
      %dma_wait3A_2450 = arith.constant 1920 : i32
      %dma_wait3A_2451 = arith.constant 0 : i32
      %dma_wait3A_2452 = tpu.memref_slice %arg7[%dma_wait3A_2450, %dma_wait3A_2451] : memref<3328x32xf32, #tpu.memory_space<vmem>> -> memref<128x32xf32, #tpu.memory_space<vmem>>
      %dma_wait3A_2453 = arith.constant 480 : i32
      %dma_wait3A_2454 = tpu.memref_slice %arg4[%mul3A_2289, %dma_wait3A_2453] : memref<4096x832xf32, #tpu.memory_space<hbm>> -> memref<128x32xf32, #tpu.memory_space<hbm>>
      %dma_wait3A_2455 = arith.constant 480 : i32
      %dma_wait3A_2456 = tpu.memref_slice %arg4[%mul3A_2289, %dma_wait3A_2455] : memref<4096x832xf32, #tpu.memory_space<hbm>> -> memref<128x32xf32, #tpu.memory_space<hbm>>
      %dma_wait3A_2457 = arith.constant 1920 : i32
      %dma_wait3A_2458 = arith.constant 0 : i32
      %dma_wait3A_2459 = tpu.memref_slice %arg7[%dma_wait3A_2457, %dma_wait3A_2458] : memref<3328x32xf32, #tpu.memory_space<vmem>> -> memref<128x32xf32, #tpu.memory_space<vmem>>
      tpu.wait_dma2 semaphore(%run_scoped3A : memref<!tpu.dma_semaphore, #tpu.memory_space<semaphore_mem>>) src(%dma_wait3A_2459 : memref<128x32xf32, #tpu.memory_space<vmem>>) dst(%dma_wait3A_2456 : memref<128x32xf32, #tpu.memory_space<hbm>>)
      tpu.yield
    }) : () -> ()
    %dma_wait3A_2290 = arith.constant 16 : i32
    %dma_wait3A_2291 = arith.constant 16 : i32
    %dma_wait3A_2292 = arith.constant 2048 : i32
    %dma_wait3A_2293 = arith.constant 0 : i32
    %dma_wait3A_2294 = tpu.memref_slice %arg7[%dma_wait3A_2292, %dma_wait3A_2293] : memref<3328x32xf32, #tpu.memory_space<vmem>> -> memref<128x32xf32, #tpu.memory_space<vmem>>
    %dma_wait3A_2295 = arith.constant 0 : i32
    %dma_wait3A_2296 = tpu.memref_slice %arg6[%dma_wait3A_2290, %dma_wait3A_2295] : memref<26x128xi32, #tpu.memory_space<vmem>> -> memref<1x128xi32, #tpu.memory_space<vmem>>
    %dma_wait3A_2297 = tpu.memref_squeeze %dma_wait3A_2296 : memref<1x128xi32, #tpu.memory_space<vmem>> -> memref<128xi32, #tpu.memory_space<vmem>>
    %dma_wait3A_2298 = arith.constant 0 : i32
    %dma_wait3A_2299 = arith.constant 0 : i32
    %dma_wait3A_2300 = tpu.memref_slice %arg2[%dma_wait3A_2298, %dma_wait3A_2299] : memref<1000000x32xf32, #tpu.memory_space<hbm>> -> memref<1000000x32xf32, #tpu.memory_space<hbm>>
    %dma_wait3A_2301 = tpu.memref_slice %arg8[%dma_wait3A_2291] : memref<26x!tpu.dma_semaphore, #tpu.memory_space<semaphore_mem>> -> memref<1x!tpu.dma_semaphore, #tpu.memory_space<semaphore_mem>>
    %dma_wait3A_2302 = tpu.memref_squeeze %dma_wait3A_2301 : memref<1x!tpu.dma_semaphore, #tpu.memory_space<semaphore_mem>> -> memref<!tpu.dma_semaphore, #tpu.memory_space<semaphore_mem>>
    tpu.wait_indirect_dma semaphore(%dma_wait3A_2302 : memref<!tpu.dma_semaphore, #tpu.memory_space<semaphore_mem>>) src(%dma_wait3A_2300 : memref<1000000x32xf32, #tpu.memory_space<hbm>>) dst(%dma_wait3A_2294 : memref<128x32xf32, #tpu.memory_space<vmem>>)
    %mul3A_2303 = arith.constant 128 : i32
    %mul3A_2304 = arith.muli %add3A, %mul3A_2303 : i32
    "tpu.region"() ({
      %run_scoped3A = tpu.sem_alloc : memref<!tpu.dma_semaphore, #tpu.memory_space<semaphore_mem>>
      %dma_start3A_2440 = arith.constant 2048 : i32
      %dma_start3A_2441 = arith.constant 0 : i32
      %dma_start3A_2442 = tpu.memref_slice %arg7[%dma_start3A_2440, %dma_start3A_2441] : memref<3328x32xf32, #tpu.memory_space<vmem>> -> memref<128x32xf32, #tpu.memory_space<vmem>>
      %dma_start3A_2443 = arith.constant 512 : i32
      %dma_start3A_2444 = tpu.memref_slice %arg4[%mul3A_2304, %dma_start3A_2443] : memref<4096x832xf32, #tpu.memory_space<hbm>> -> memref<128x32xf32, #tpu.memory_space<hbm>>
      %dma_start3A_2445 = arith.constant 512 : i32
      %dma_start3A_2446 = tpu.memref_slice %arg4[%mul3A_2304, %dma_start3A_2445] : memref<4096x832xf32, #tpu.memory_space<hbm>> -> memref<128x32xf32, #tpu.memory_space<hbm>>
      %dma_start3A_2447 = arith.constant 2048 : i32
      %dma_start3A_2448 = arith.constant 0 : i32
      %dma_start3A_2449 = tpu.memref_slice %arg7[%dma_start3A_2447, %dma_start3A_2448] : memref<3328x32xf32, #tpu.memory_space<vmem>> -> memref<128x32xf32, #tpu.memory_space<vmem>>
      tpu.enqueue_dma source(%dma_start3A_2449 : memref<128x32xf32, #tpu.memory_space<vmem>>) target(%dma_start3A_2446 : memref<128x32xf32, #tpu.memory_space<hbm>>) target_semaphore(%run_scoped3A : memref<!tpu.dma_semaphore, #tpu.memory_space<semaphore_mem>>)
      %dma_wait3A_2450 = arith.constant 2048 : i32
      %dma_wait3A_2451 = arith.constant 0 : i32
      %dma_wait3A_2452 = tpu.memref_slice %arg7[%dma_wait3A_2450, %dma_wait3A_2451] : memref<3328x32xf32, #tpu.memory_space<vmem>> -> memref<128x32xf32, #tpu.memory_space<vmem>>
      %dma_wait3A_2453 = arith.constant 512 : i32
      %dma_wait3A_2454 = tpu.memref_slice %arg4[%mul3A_2304, %dma_wait3A_2453] : memref<4096x832xf32, #tpu.memory_space<hbm>> -> memref<128x32xf32, #tpu.memory_space<hbm>>
      %dma_wait3A_2455 = arith.constant 512 : i32
      %dma_wait3A_2456 = tpu.memref_slice %arg4[%mul3A_2304, %dma_wait3A_2455] : memref<4096x832xf32, #tpu.memory_space<hbm>> -> memref<128x32xf32, #tpu.memory_space<hbm>>
      %dma_wait3A_2457 = arith.constant 2048 : i32
      %dma_wait3A_2458 = arith.constant 0 : i32
      %dma_wait3A_2459 = tpu.memref_slice %arg7[%dma_wait3A_2457, %dma_wait3A_2458] : memref<3328x32xf32, #tpu.memory_space<vmem>> -> memref<128x32xf32, #tpu.memory_space<vmem>>
      tpu.wait_dma2 semaphore(%run_scoped3A : memref<!tpu.dma_semaphore, #tpu.memory_space<semaphore_mem>>) src(%dma_wait3A_2459 : memref<128x32xf32, #tpu.memory_space<vmem>>) dst(%dma_wait3A_2456 : memref<128x32xf32, #tpu.memory_space<hbm>>)
      tpu.yield
    }) : () -> ()
    %dma_wait3A_2305 = arith.constant 17 : i32
    %dma_wait3A_2306 = arith.constant 17 : i32
    %dma_wait3A_2307 = arith.constant 2176 : i32
    %dma_wait3A_2308 = arith.constant 0 : i32
    %dma_wait3A_2309 = tpu.memref_slice %arg7[%dma_wait3A_2307, %dma_wait3A_2308] : memref<3328x32xf32, #tpu.memory_space<vmem>> -> memref<128x32xf32, #tpu.memory_space<vmem>>
    %dma_wait3A_2310 = arith.constant 0 : i32
    %dma_wait3A_2311 = tpu.memref_slice %arg6[%dma_wait3A_2305, %dma_wait3A_2310] : memref<26x128xi32, #tpu.memory_space<vmem>> -> memref<1x128xi32, #tpu.memory_space<vmem>>
    %dma_wait3A_2312 = tpu.memref_squeeze %dma_wait3A_2311 : memref<1x128xi32, #tpu.memory_space<vmem>> -> memref<128xi32, #tpu.memory_space<vmem>>
    %dma_wait3A_2313 = arith.constant 0 : i32
    %dma_wait3A_2314 = arith.constant 0 : i32
    %dma_wait3A_2315 = tpu.memref_slice %arg2[%dma_wait3A_2313, %dma_wait3A_2314] : memref<1000000x32xf32, #tpu.memory_space<hbm>> -> memref<1000000x32xf32, #tpu.memory_space<hbm>>
    %dma_wait3A_2316 = tpu.memref_slice %arg8[%dma_wait3A_2306] : memref<26x!tpu.dma_semaphore, #tpu.memory_space<semaphore_mem>> -> memref<1x!tpu.dma_semaphore, #tpu.memory_space<semaphore_mem>>
    %dma_wait3A_2317 = tpu.memref_squeeze %dma_wait3A_2316 : memref<1x!tpu.dma_semaphore, #tpu.memory_space<semaphore_mem>> -> memref<!tpu.dma_semaphore, #tpu.memory_space<semaphore_mem>>
    tpu.wait_indirect_dma semaphore(%dma_wait3A_2317 : memref<!tpu.dma_semaphore, #tpu.memory_space<semaphore_mem>>) src(%dma_wait3A_2315 : memref<1000000x32xf32, #tpu.memory_space<hbm>>) dst(%dma_wait3A_2309 : memref<128x32xf32, #tpu.memory_space<vmem>>)
    %mul3A_2318 = arith.constant 128 : i32
    %mul3A_2319 = arith.muli %add3A, %mul3A_2318 : i32
    "tpu.region"() ({
      %run_scoped3A = tpu.sem_alloc : memref<!tpu.dma_semaphore, #tpu.memory_space<semaphore_mem>>
      %dma_start3A_2440 = arith.constant 2176 : i32
      %dma_start3A_2441 = arith.constant 0 : i32
      %dma_start3A_2442 = tpu.memref_slice %arg7[%dma_start3A_2440, %dma_start3A_2441] : memref<3328x32xf32, #tpu.memory_space<vmem>> -> memref<128x32xf32, #tpu.memory_space<vmem>>
      %dma_start3A_2443 = arith.constant 544 : i32
      %dma_start3A_2444 = tpu.memref_slice %arg4[%mul3A_2319, %dma_start3A_2443] : memref<4096x832xf32, #tpu.memory_space<hbm>> -> memref<128x32xf32, #tpu.memory_space<hbm>>
      %dma_start3A_2445 = arith.constant 544 : i32
      %dma_start3A_2446 = tpu.memref_slice %arg4[%mul3A_2319, %dma_start3A_2445] : memref<4096x832xf32, #tpu.memory_space<hbm>> -> memref<128x32xf32, #tpu.memory_space<hbm>>
      %dma_start3A_2447 = arith.constant 2176 : i32
      %dma_start3A_2448 = arith.constant 0 : i32
      %dma_start3A_2449 = tpu.memref_slice %arg7[%dma_start3A_2447, %dma_start3A_2448] : memref<3328x32xf32, #tpu.memory_space<vmem>> -> memref<128x32xf32, #tpu.memory_space<vmem>>
      tpu.enqueue_dma source(%dma_start3A_2449 : memref<128x32xf32, #tpu.memory_space<vmem>>) target(%dma_start3A_2446 : memref<128x32xf32, #tpu.memory_space<hbm>>) target_semaphore(%run_scoped3A : memref<!tpu.dma_semaphore, #tpu.memory_space<semaphore_mem>>)
      %dma_wait3A_2450 = arith.constant 2176 : i32
      %dma_wait3A_2451 = arith.constant 0 : i32
      %dma_wait3A_2452 = tpu.memref_slice %arg7[%dma_wait3A_2450, %dma_wait3A_2451] : memref<3328x32xf32, #tpu.memory_space<vmem>> -> memref<128x32xf32, #tpu.memory_space<vmem>>
      %dma_wait3A_2453 = arith.constant 544 : i32
      %dma_wait3A_2454 = tpu.memref_slice %arg4[%mul3A_2319, %dma_wait3A_2453] : memref<4096x832xf32, #tpu.memory_space<hbm>> -> memref<128x32xf32, #tpu.memory_space<hbm>>
      %dma_wait3A_2455 = arith.constant 544 : i32
      %dma_wait3A_2456 = tpu.memref_slice %arg4[%mul3A_2319, %dma_wait3A_2455] : memref<4096x832xf32, #tpu.memory_space<hbm>> -> memref<128x32xf32, #tpu.memory_space<hbm>>
      %dma_wait3A_2457 = arith.constant 2176 : i32
      %dma_wait3A_2458 = arith.constant 0 : i32
      %dma_wait3A_2459 = tpu.memref_slice %arg7[%dma_wait3A_2457, %dma_wait3A_2458] : memref<3328x32xf32, #tpu.memory_space<vmem>> -> memref<128x32xf32, #tpu.memory_space<vmem>>
      tpu.wait_dma2 semaphore(%run_scoped3A : memref<!tpu.dma_semaphore, #tpu.memory_space<semaphore_mem>>) src(%dma_wait3A_2459 : memref<128x32xf32, #tpu.memory_space<vmem>>) dst(%dma_wait3A_2456 : memref<128x32xf32, #tpu.memory_space<hbm>>)
      tpu.yield
    }) : () -> ()
    %dma_wait3A_2320 = arith.constant 18 : i32
    %dma_wait3A_2321 = arith.constant 18 : i32
    %dma_wait3A_2322 = arith.constant 2304 : i32
    %dma_wait3A_2323 = arith.constant 0 : i32
    %dma_wait3A_2324 = tpu.memref_slice %arg7[%dma_wait3A_2322, %dma_wait3A_2323] : memref<3328x32xf32, #tpu.memory_space<vmem>> -> memref<128x32xf32, #tpu.memory_space<vmem>>
    %dma_wait3A_2325 = arith.constant 0 : i32
    %dma_wait3A_2326 = tpu.memref_slice %arg6[%dma_wait3A_2320, %dma_wait3A_2325] : memref<26x128xi32, #tpu.memory_space<vmem>> -> memref<1x128xi32, #tpu.memory_space<vmem>>
    %dma_wait3A_2327 = tpu.memref_squeeze %dma_wait3A_2326 : memref<1x128xi32, #tpu.memory_space<vmem>> -> memref<128xi32, #tpu.memory_space<vmem>>
    %dma_wait3A_2328 = arith.constant 0 : i32
    %dma_wait3A_2329 = arith.constant 0 : i32
    %dma_wait3A_2330 = tpu.memref_slice %arg2[%dma_wait3A_2328, %dma_wait3A_2329] : memref<1000000x32xf32, #tpu.memory_space<hbm>> -> memref<1000000x32xf32, #tpu.memory_space<hbm>>
    %dma_wait3A_2331 = tpu.memref_slice %arg8[%dma_wait3A_2321] : memref<26x!tpu.dma_semaphore, #tpu.memory_space<semaphore_mem>> -> memref<1x!tpu.dma_semaphore, #tpu.memory_space<semaphore_mem>>
    %dma_wait3A_2332 = tpu.memref_squeeze %dma_wait3A_2331 : memref<1x!tpu.dma_semaphore, #tpu.memory_space<semaphore_mem>> -> memref<!tpu.dma_semaphore, #tpu.memory_space<semaphore_mem>>
    tpu.wait_indirect_dma semaphore(%dma_wait3A_2332 : memref<!tpu.dma_semaphore, #tpu.memory_space<semaphore_mem>>) src(%dma_wait3A_2330 : memref<1000000x32xf32, #tpu.memory_space<hbm>>) dst(%dma_wait3A_2324 : memref<128x32xf32, #tpu.memory_space<vmem>>)
    %mul3A_2333 = arith.constant 128 : i32
    %mul3A_2334 = arith.muli %add3A, %mul3A_2333 : i32
    "tpu.region"() ({
      %run_scoped3A = tpu.sem_alloc : memref<!tpu.dma_semaphore, #tpu.memory_space<semaphore_mem>>
      %dma_start3A_2440 = arith.constant 2304 : i32
      %dma_start3A_2441 = arith.constant 0 : i32
      %dma_start3A_2442 = tpu.memref_slice %arg7[%dma_start3A_2440, %dma_start3A_2441] : memref<3328x32xf32, #tpu.memory_space<vmem>> -> memref<128x32xf32, #tpu.memory_space<vmem>>
      %dma_start3A_2443 = arith.constant 576 : i32
      %dma_start3A_2444 = tpu.memref_slice %arg4[%mul3A_2334, %dma_start3A_2443] : memref<4096x832xf32, #tpu.memory_space<hbm>> -> memref<128x32xf32, #tpu.memory_space<hbm>>
      %dma_start3A_2445 = arith.constant 576 : i32
      %dma_start3A_2446 = tpu.memref_slice %arg4[%mul3A_2334, %dma_start3A_2445] : memref<4096x832xf32, #tpu.memory_space<hbm>> -> memref<128x32xf32, #tpu.memory_space<hbm>>
      %dma_start3A_2447 = arith.constant 2304 : i32
      %dma_start3A_2448 = arith.constant 0 : i32
      %dma_start3A_2449 = tpu.memref_slice %arg7[%dma_start3A_2447, %dma_start3A_2448] : memref<3328x32xf32, #tpu.memory_space<vmem>> -> memref<128x32xf32, #tpu.memory_space<vmem>>
      tpu.enqueue_dma source(%dma_start3A_2449 : memref<128x32xf32, #tpu.memory_space<vmem>>) target(%dma_start3A_2446 : memref<128x32xf32, #tpu.memory_space<hbm>>) target_semaphore(%run_scoped3A : memref<!tpu.dma_semaphore, #tpu.memory_space<semaphore_mem>>)
      %dma_wait3A_2450 = arith.constant 2304 : i32
      %dma_wait3A_2451 = arith.constant 0 : i32
      %dma_wait3A_2452 = tpu.memref_slice %arg7[%dma_wait3A_2450, %dma_wait3A_2451] : memref<3328x32xf32, #tpu.memory_space<vmem>> -> memref<128x32xf32, #tpu.memory_space<vmem>>
      %dma_wait3A_2453 = arith.constant 576 : i32
      %dma_wait3A_2454 = tpu.memref_slice %arg4[%mul3A_2334, %dma_wait3A_2453] : memref<4096x832xf32, #tpu.memory_space<hbm>> -> memref<128x32xf32, #tpu.memory_space<hbm>>
      %dma_wait3A_2455 = arith.constant 576 : i32
      %dma_wait3A_2456 = tpu.memref_slice %arg4[%mul3A_2334, %dma_wait3A_2455] : memref<4096x832xf32, #tpu.memory_space<hbm>> -> memref<128x32xf32, #tpu.memory_space<hbm>>
      %dma_wait3A_2457 = arith.constant 2304 : i32
      %dma_wait3A_2458 = arith.constant 0 : i32
      %dma_wait3A_2459 = tpu.memref_slice %arg7[%dma_wait3A_2457, %dma_wait3A_2458] : memref<3328x32xf32, #tpu.memory_space<vmem>> -> memref<128x32xf32, #tpu.memory_space<vmem>>
      tpu.wait_dma2 semaphore(%run_scoped3A : memref<!tpu.dma_semaphore, #tpu.memory_space<semaphore_mem>>) src(%dma_wait3A_2459 : memref<128x32xf32, #tpu.memory_space<vmem>>) dst(%dma_wait3A_2456 : memref<128x32xf32, #tpu.memory_space<hbm>>)
      tpu.yield
    }) : () -> ()
    %dma_wait3A_2335 = arith.constant 19 : i32
    %dma_wait3A_2336 = arith.constant 19 : i32
    %dma_wait3A_2337 = arith.constant 2432 : i32
    %dma_wait3A_2338 = arith.constant 0 : i32
    %dma_wait3A_2339 = tpu.memref_slice %arg7[%dma_wait3A_2337, %dma_wait3A_2338] : memref<3328x32xf32, #tpu.memory_space<vmem>> -> memref<128x32xf32, #tpu.memory_space<vmem>>
    %dma_wait3A_2340 = arith.constant 0 : i32
    %dma_wait3A_2341 = tpu.memref_slice %arg6[%dma_wait3A_2335, %dma_wait3A_2340] : memref<26x128xi32, #tpu.memory_space<vmem>> -> memref<1x128xi32, #tpu.memory_space<vmem>>
    %dma_wait3A_2342 = tpu.memref_squeeze %dma_wait3A_2341 : memref<1x128xi32, #tpu.memory_space<vmem>> -> memref<128xi32, #tpu.memory_space<vmem>>
    %dma_wait3A_2343 = arith.constant 0 : i32
    %dma_wait3A_2344 = arith.constant 0 : i32
    %dma_wait3A_2345 = tpu.memref_slice %arg2[%dma_wait3A_2343, %dma_wait3A_2344] : memref<1000000x32xf32, #tpu.memory_space<hbm>> -> memref<1000000x32xf32, #tpu.memory_space<hbm>>
    %dma_wait3A_2346 = tpu.memref_slice %arg8[%dma_wait3A_2336] : memref<26x!tpu.dma_semaphore, #tpu.memory_space<semaphore_mem>> -> memref<1x!tpu.dma_semaphore, #tpu.memory_space<semaphore_mem>>
    %dma_wait3A_2347 = tpu.memref_squeeze %dma_wait3A_2346 : memref<1x!tpu.dma_semaphore, #tpu.memory_space<semaphore_mem>> -> memref<!tpu.dma_semaphore, #tpu.memory_space<semaphore_mem>>
    tpu.wait_indirect_dma semaphore(%dma_wait3A_2347 : memref<!tpu.dma_semaphore, #tpu.memory_space<semaphore_mem>>) src(%dma_wait3A_2345 : memref<1000000x32xf32, #tpu.memory_space<hbm>>) dst(%dma_wait3A_2339 : memref<128x32xf32, #tpu.memory_space<vmem>>)
    %mul3A_2348 = arith.constant 128 : i32
    %mul3A_2349 = arith.muli %add3A, %mul3A_2348 : i32
    "tpu.region"() ({
      %run_scoped3A = tpu.sem_alloc : memref<!tpu.dma_semaphore, #tpu.memory_space<semaphore_mem>>
      %dma_start3A_2440 = arith.constant 2432 : i32
      %dma_start3A_2441 = arith.constant 0 : i32
      %dma_start3A_2442 = tpu.memref_slice %arg7[%dma_start3A_2440, %dma_start3A_2441] : memref<3328x32xf32, #tpu.memory_space<vmem>> -> memref<128x32xf32, #tpu.memory_space<vmem>>
      %dma_start3A_2443 = arith.constant 608 : i32
      %dma_start3A_2444 = tpu.memref_slice %arg4[%mul3A_2349, %dma_start3A_2443] : memref<4096x832xf32, #tpu.memory_space<hbm>> -> memref<128x32xf32, #tpu.memory_space<hbm>>
      %dma_start3A_2445 = arith.constant 608 : i32
      %dma_start3A_2446 = tpu.memref_slice %arg4[%mul3A_2349, %dma_start3A_2445] : memref<4096x832xf32, #tpu.memory_space<hbm>> -> memref<128x32xf32, #tpu.memory_space<hbm>>
      %dma_start3A_2447 = arith.constant 2432 : i32
      %dma_start3A_2448 = arith.constant 0 : i32
      %dma_start3A_2449 = tpu.memref_slice %arg7[%dma_start3A_2447, %dma_start3A_2448] : memref<3328x32xf32, #tpu.memory_space<vmem>> -> memref<128x32xf32, #tpu.memory_space<vmem>>
      tpu.enqueue_dma source(%dma_start3A_2449 : memref<128x32xf32, #tpu.memory_space<vmem>>) target(%dma_start3A_2446 : memref<128x32xf32, #tpu.memory_space<hbm>>) target_semaphore(%run_scoped3A : memref<!tpu.dma_semaphore, #tpu.memory_space<semaphore_mem>>)
      %dma_wait3A_2450 = arith.constant 2432 : i32
      %dma_wait3A_2451 = arith.constant 0 : i32
      %dma_wait3A_2452 = tpu.memref_slice %arg7[%dma_wait3A_2450, %dma_wait3A_2451] : memref<3328x32xf32, #tpu.memory_space<vmem>> -> memref<128x32xf32, #tpu.memory_space<vmem>>
      %dma_wait3A_2453 = arith.constant 608 : i32
      %dma_wait3A_2454 = tpu.memref_slice %arg4[%mul3A_2349, %dma_wait3A_2453] : memref<4096x832xf32, #tpu.memory_space<hbm>> -> memref<128x32xf32, #tpu.memory_space<hbm>>
      %dma_wait3A_2455 = arith.constant 608 : i32
      %dma_wait3A_2456 = tpu.memref_slice %arg4[%mul3A_2349, %dma_wait3A_2455] : memref<4096x832xf32, #tpu.memory_space<hbm>> -> memref<128x32xf32, #tpu.memory_space<hbm>>
      %dma_wait3A_2457 = arith.constant 2432 : i32
      %dma_wait3A_2458 = arith.constant 0 : i32
      %dma_wait3A_2459 = tpu.memref_slice %arg7[%dma_wait3A_2457, %dma_wait3A_2458] : memref<3328x32xf32, #tpu.memory_space<vmem>> -> memref<128x32xf32, #tpu.memory_space<vmem>>
      tpu.wait_dma2 semaphore(%run_scoped3A : memref<!tpu.dma_semaphore, #tpu.memory_space<semaphore_mem>>) src(%dma_wait3A_2459 : memref<128x32xf32, #tpu.memory_space<vmem>>) dst(%dma_wait3A_2456 : memref<128x32xf32, #tpu.memory_space<hbm>>)
      tpu.yield
    }) : () -> ()
    %dma_wait3A_2350 = arith.constant 20 : i32
    %dma_wait3A_2351 = arith.constant 20 : i32
    %dma_wait3A_2352 = arith.constant 2560 : i32
    %dma_wait3A_2353 = arith.constant 0 : i32
    %dma_wait3A_2354 = tpu.memref_slice %arg7[%dma_wait3A_2352, %dma_wait3A_2353] : memref<3328x32xf32, #tpu.memory_space<vmem>> -> memref<128x32xf32, #tpu.memory_space<vmem>>
    %dma_wait3A_2355 = arith.constant 0 : i32
    %dma_wait3A_2356 = tpu.memref_slice %arg6[%dma_wait3A_2350, %dma_wait3A_2355] : memref<26x128xi32, #tpu.memory_space<vmem>> -> memref<1x128xi32, #tpu.memory_space<vmem>>
    %dma_wait3A_2357 = tpu.memref_squeeze %dma_wait3A_2356 : memref<1x128xi32, #tpu.memory_space<vmem>> -> memref<128xi32, #tpu.memory_space<vmem>>
    %dma_wait3A_2358 = arith.constant 0 : i32
    %dma_wait3A_2359 = arith.constant 0 : i32
    %dma_wait3A_2360 = tpu.memref_slice %arg2[%dma_wait3A_2358, %dma_wait3A_2359] : memref<1000000x32xf32, #tpu.memory_space<hbm>> -> memref<1000000x32xf32, #tpu.memory_space<hbm>>
    %dma_wait3A_2361 = tpu.memref_slice %arg8[%dma_wait3A_2351] : memref<26x!tpu.dma_semaphore, #tpu.memory_space<semaphore_mem>> -> memref<1x!tpu.dma_semaphore, #tpu.memory_space<semaphore_mem>>
    %dma_wait3A_2362 = tpu.memref_squeeze %dma_wait3A_2361 : memref<1x!tpu.dma_semaphore, #tpu.memory_space<semaphore_mem>> -> memref<!tpu.dma_semaphore, #tpu.memory_space<semaphore_mem>>
    tpu.wait_indirect_dma semaphore(%dma_wait3A_2362 : memref<!tpu.dma_semaphore, #tpu.memory_space<semaphore_mem>>) src(%dma_wait3A_2360 : memref<1000000x32xf32, #tpu.memory_space<hbm>>) dst(%dma_wait3A_2354 : memref<128x32xf32, #tpu.memory_space<vmem>>)
    %mul3A_2363 = arith.constant 128 : i32
    %mul3A_2364 = arith.muli %add3A, %mul3A_2363 : i32
    "tpu.region"() ({
      %run_scoped3A = tpu.sem_alloc : memref<!tpu.dma_semaphore, #tpu.memory_space<semaphore_mem>>
      %dma_start3A_2440 = arith.constant 2560 : i32
      %dma_start3A_2441 = arith.constant 0 : i32
      %dma_start3A_2442 = tpu.memref_slice %arg7[%dma_start3A_2440, %dma_start3A_2441] : memref<3328x32xf32, #tpu.memory_space<vmem>> -> memref<128x32xf32, #tpu.memory_space<vmem>>
      %dma_start3A_2443 = arith.constant 640 : i32
      %dma_start3A_2444 = tpu.memref_slice %arg4[%mul3A_2364, %dma_start3A_2443] : memref<4096x832xf32, #tpu.memory_space<hbm>> -> memref<128x32xf32, #tpu.memory_space<hbm>>
      %dma_start3A_2445 = arith.constant 640 : i32
      %dma_start3A_2446 = tpu.memref_slice %arg4[%mul3A_2364, %dma_start3A_2445] : memref<4096x832xf32, #tpu.memory_space<hbm>> -> memref<128x32xf32, #tpu.memory_space<hbm>>
      %dma_start3A_2447 = arith.constant 2560 : i32
      %dma_start3A_2448 = arith.constant 0 : i32
      %dma_start3A_2449 = tpu.memref_slice %arg7[%dma_start3A_2447, %dma_start3A_2448] : memref<3328x32xf32, #tpu.memory_space<vmem>> -> memref<128x32xf32, #tpu.memory_space<vmem>>
      tpu.enqueue_dma source(%dma_start3A_2449 : memref<128x32xf32, #tpu.memory_space<vmem>>) target(%dma_start3A_2446 : memref<128x32xf32, #tpu.memory_space<hbm>>) target_semaphore(%run_scoped3A : memref<!tpu.dma_semaphore, #tpu.memory_space<semaphore_mem>>)
      %dma_wait3A_2450 = arith.constant 2560 : i32
      %dma_wait3A_2451 = arith.constant 0 : i32
      %dma_wait3A_2452 = tpu.memref_slice %arg7[%dma_wait3A_2450, %dma_wait3A_2451] : memref<3328x32xf32, #tpu.memory_space<vmem>> -> memref<128x32xf32, #tpu.memory_space<vmem>>
      %dma_wait3A_2453 = arith.constant 640 : i32
      %dma_wait3A_2454 = tpu.memref_slice %arg4[%mul3A_2364, %dma_wait3A_2453] : memref<4096x832xf32, #tpu.memory_space<hbm>> -> memref<128x32xf32, #tpu.memory_space<hbm>>
      %dma_wait3A_2455 = arith.constant 640 : i32
      %dma_wait3A_2456 = tpu.memref_slice %arg4[%mul3A_2364, %dma_wait3A_2455] : memref<4096x832xf32, #tpu.memory_space<hbm>> -> memref<128x32xf32, #tpu.memory_space<hbm>>
      %dma_wait3A_2457 = arith.constant 2560 : i32
      %dma_wait3A_2458 = arith.constant 0 : i32
      %dma_wait3A_2459 = tpu.memref_slice %arg7[%dma_wait3A_2457, %dma_wait3A_2458] : memref<3328x32xf32, #tpu.memory_space<vmem>> -> memref<128x32xf32, #tpu.memory_space<vmem>>
      tpu.wait_dma2 semaphore(%run_scoped3A : memref<!tpu.dma_semaphore, #tpu.memory_space<semaphore_mem>>) src(%dma_wait3A_2459 : memref<128x32xf32, #tpu.memory_space<vmem>>) dst(%dma_wait3A_2456 : memref<128x32xf32, #tpu.memory_space<hbm>>)
      tpu.yield
    }) : () -> ()
    %dma_wait3A_2365 = arith.constant 21 : i32
    %dma_wait3A_2366 = arith.constant 21 : i32
    %dma_wait3A_2367 = arith.constant 2688 : i32
    %dma_wait3A_2368 = arith.constant 0 : i32
    %dma_wait3A_2369 = tpu.memref_slice %arg7[%dma_wait3A_2367, %dma_wait3A_2368] : memref<3328x32xf32, #tpu.memory_space<vmem>> -> memref<128x32xf32, #tpu.memory_space<vmem>>
    %dma_wait3A_2370 = arith.constant 0 : i32
    %dma_wait3A_2371 = tpu.memref_slice %arg6[%dma_wait3A_2365, %dma_wait3A_2370] : memref<26x128xi32, #tpu.memory_space<vmem>> -> memref<1x128xi32, #tpu.memory_space<vmem>>
    %dma_wait3A_2372 = tpu.memref_squeeze %dma_wait3A_2371 : memref<1x128xi32, #tpu.memory_space<vmem>> -> memref<128xi32, #tpu.memory_space<vmem>>
    %dma_wait3A_2373 = arith.constant 0 : i32
    %dma_wait3A_2374 = arith.constant 0 : i32
    %dma_wait3A_2375 = tpu.memref_slice %arg2[%dma_wait3A_2373, %dma_wait3A_2374] : memref<1000000x32xf32, #tpu.memory_space<hbm>> -> memref<1000000x32xf32, #tpu.memory_space<hbm>>
    %dma_wait3A_2376 = tpu.memref_slice %arg8[%dma_wait3A_2366] : memref<26x!tpu.dma_semaphore, #tpu.memory_space<semaphore_mem>> -> memref<1x!tpu.dma_semaphore, #tpu.memory_space<semaphore_mem>>
    %dma_wait3A_2377 = tpu.memref_squeeze %dma_wait3A_2376 : memref<1x!tpu.dma_semaphore, #tpu.memory_space<semaphore_mem>> -> memref<!tpu.dma_semaphore, #tpu.memory_space<semaphore_mem>>
    tpu.wait_indirect_dma semaphore(%dma_wait3A_2377 : memref<!tpu.dma_semaphore, #tpu.memory_space<semaphore_mem>>) src(%dma_wait3A_2375 : memref<1000000x32xf32, #tpu.memory_space<hbm>>) dst(%dma_wait3A_2369 : memref<128x32xf32, #tpu.memory_space<vmem>>)
    %mul3A_2378 = arith.constant 128 : i32
    %mul3A_2379 = arith.muli %add3A, %mul3A_2378 : i32
    "tpu.region"() ({
      %run_scoped3A = tpu.sem_alloc : memref<!tpu.dma_semaphore, #tpu.memory_space<semaphore_mem>>
      %dma_start3A_2440 = arith.constant 2688 : i32
      %dma_start3A_2441 = arith.constant 0 : i32
      %dma_start3A_2442 = tpu.memref_slice %arg7[%dma_start3A_2440, %dma_start3A_2441] : memref<3328x32xf32, #tpu.memory_space<vmem>> -> memref<128x32xf32, #tpu.memory_space<vmem>>
      %dma_start3A_2443 = arith.constant 672 : i32
      %dma_start3A_2444 = tpu.memref_slice %arg4[%mul3A_2379, %dma_start3A_2443] : memref<4096x832xf32, #tpu.memory_space<hbm>> -> memref<128x32xf32, #tpu.memory_space<hbm>>
      %dma_start3A_2445 = arith.constant 672 : i32
      %dma_start3A_2446 = tpu.memref_slice %arg4[%mul3A_2379, %dma_start3A_2445] : memref<4096x832xf32, #tpu.memory_space<hbm>> -> memref<128x32xf32, #tpu.memory_space<hbm>>
      %dma_start3A_2447 = arith.constant 2688 : i32
      %dma_start3A_2448 = arith.constant 0 : i32
      %dma_start3A_2449 = tpu.memref_slice %arg7[%dma_start3A_2447, %dma_start3A_2448] : memref<3328x32xf32, #tpu.memory_space<vmem>> -> memref<128x32xf32, #tpu.memory_space<vmem>>
      tpu.enqueue_dma source(%dma_start3A_2449 : memref<128x32xf32, #tpu.memory_space<vmem>>) target(%dma_start3A_2446 : memref<128x32xf32, #tpu.memory_space<hbm>>) target_semaphore(%run_scoped3A : memref<!tpu.dma_semaphore, #tpu.memory_space<semaphore_mem>>)
      %dma_wait3A_2450 = arith.constant 2688 : i32
      %dma_wait3A_2451 = arith.constant 0 : i32
      %dma_wait3A_2452 = tpu.memref_slice %arg7[%dma_wait3A_2450, %dma_wait3A_2451] : memref<3328x32xf32, #tpu.memory_space<vmem>> -> memref<128x32xf32, #tpu.memory_space<vmem>>
      %dma_wait3A_2453 = arith.constant 672 : i32
      %dma_wait3A_2454 = tpu.memref_slice %arg4[%mul3A_2379, %dma_wait3A_2453] : memref<4096x832xf32, #tpu.memory_space<hbm>> -> memref<128x32xf32, #tpu.memory_space<hbm>>
      %dma_wait3A_2455 = arith.constant 672 : i32
      %dma_wait3A_2456 = tpu.memref_slice %arg4[%mul3A_2379, %dma_wait3A_2455] : memref<4096x832xf32, #tpu.memory_space<hbm>> -> memref<128x32xf32, #tpu.memory_space<hbm>>
      %dma_wait3A_2457 = arith.constant 2688 : i32
      %dma_wait3A_2458 = arith.constant 0 : i32
      %dma_wait3A_2459 = tpu.memref_slice %arg7[%dma_wait3A_2457, %dma_wait3A_2458] : memref<3328x32xf32, #tpu.memory_space<vmem>> -> memref<128x32xf32, #tpu.memory_space<vmem>>
      tpu.wait_dma2 semaphore(%run_scoped3A : memref<!tpu.dma_semaphore, #tpu.memory_space<semaphore_mem>>) src(%dma_wait3A_2459 : memref<128x32xf32, #tpu.memory_space<vmem>>) dst(%dma_wait3A_2456 : memref<128x32xf32, #tpu.memory_space<hbm>>)
      tpu.yield
    }) : () -> ()
    %dma_wait3A_2380 = arith.constant 22 : i32
    %dma_wait3A_2381 = arith.constant 22 : i32
    %dma_wait3A_2382 = arith.constant 2816 : i32
    %dma_wait3A_2383 = arith.constant 0 : i32
    %dma_wait3A_2384 = tpu.memref_slice %arg7[%dma_wait3A_2382, %dma_wait3A_2383] : memref<3328x32xf32, #tpu.memory_space<vmem>> -> memref<128x32xf32, #tpu.memory_space<vmem>>
    %dma_wait3A_2385 = arith.constant 0 : i32
    %dma_wait3A_2386 = tpu.memref_slice %arg6[%dma_wait3A_2380, %dma_wait3A_2385] : memref<26x128xi32, #tpu.memory_space<vmem>> -> memref<1x128xi32, #tpu.memory_space<vmem>>
    %dma_wait3A_2387 = tpu.memref_squeeze %dma_wait3A_2386 : memref<1x128xi32, #tpu.memory_space<vmem>> -> memref<128xi32, #tpu.memory_space<vmem>>
    %dma_wait3A_2388 = arith.constant 0 : i32
    %dma_wait3A_2389 = arith.constant 0 : i32
    %dma_wait3A_2390 = tpu.memref_slice %arg2[%dma_wait3A_2388, %dma_wait3A_2389] : memref<1000000x32xf32, #tpu.memory_space<hbm>> -> memref<1000000x32xf32, #tpu.memory_space<hbm>>
    %dma_wait3A_2391 = tpu.memref_slice %arg8[%dma_wait3A_2381] : memref<26x!tpu.dma_semaphore, #tpu.memory_space<semaphore_mem>> -> memref<1x!tpu.dma_semaphore, #tpu.memory_space<semaphore_mem>>
    %dma_wait3A_2392 = tpu.memref_squeeze %dma_wait3A_2391 : memref<1x!tpu.dma_semaphore, #tpu.memory_space<semaphore_mem>> -> memref<!tpu.dma_semaphore, #tpu.memory_space<semaphore_mem>>
    tpu.wait_indirect_dma semaphore(%dma_wait3A_2392 : memref<!tpu.dma_semaphore, #tpu.memory_space<semaphore_mem>>) src(%dma_wait3A_2390 : memref<1000000x32xf32, #tpu.memory_space<hbm>>) dst(%dma_wait3A_2384 : memref<128x32xf32, #tpu.memory_space<vmem>>)
    %mul3A_2393 = arith.constant 128 : i32
    %mul3A_2394 = arith.muli %add3A, %mul3A_2393 : i32
    "tpu.region"() ({
      %run_scoped3A = tpu.sem_alloc : memref<!tpu.dma_semaphore, #tpu.memory_space<semaphore_mem>>
      %dma_start3A_2440 = arith.constant 2816 : i32
      %dma_start3A_2441 = arith.constant 0 : i32
      %dma_start3A_2442 = tpu.memref_slice %arg7[%dma_start3A_2440, %dma_start3A_2441] : memref<3328x32xf32, #tpu.memory_space<vmem>> -> memref<128x32xf32, #tpu.memory_space<vmem>>
      %dma_start3A_2443 = arith.constant 704 : i32
      %dma_start3A_2444 = tpu.memref_slice %arg4[%mul3A_2394, %dma_start3A_2443] : memref<4096x832xf32, #tpu.memory_space<hbm>> -> memref<128x32xf32, #tpu.memory_space<hbm>>
      %dma_start3A_2445 = arith.constant 704 : i32
      %dma_start3A_2446 = tpu.memref_slice %arg4[%mul3A_2394, %dma_start3A_2445] : memref<4096x832xf32, #tpu.memory_space<hbm>> -> memref<128x32xf32, #tpu.memory_space<hbm>>
      %dma_start3A_2447 = arith.constant 2816 : i32
      %dma_start3A_2448 = arith.constant 0 : i32
      %dma_start3A_2449 = tpu.memref_slice %arg7[%dma_start3A_2447, %dma_start3A_2448] : memref<3328x32xf32, #tpu.memory_space<vmem>> -> memref<128x32xf32, #tpu.memory_space<vmem>>
      tpu.enqueue_dma source(%dma_start3A_2449 : memref<128x32xf32, #tpu.memory_space<vmem>>) target(%dma_start3A_2446 : memref<128x32xf32, #tpu.memory_space<hbm>>) target_semaphore(%run_scoped3A : memref<!tpu.dma_semaphore, #tpu.memory_space<semaphore_mem>>)
      %dma_wait3A_2450 = arith.constant 2816 : i32
      %dma_wait3A_2451 = arith.constant 0 : i32
      %dma_wait3A_2452 = tpu.memref_slice %arg7[%dma_wait3A_2450, %dma_wait3A_2451] : memref<3328x32xf32, #tpu.memory_space<vmem>> -> memref<128x32xf32, #tpu.memory_space<vmem>>
      %dma_wait3A_2453 = arith.constant 704 : i32
      %dma_wait3A_2454 = tpu.memref_slice %arg4[%mul3A_2394, %dma_wait3A_2453] : memref<4096x832xf32, #tpu.memory_space<hbm>> -> memref<128x32xf32, #tpu.memory_space<hbm>>
      %dma_wait3A_2455 = arith.constant 704 : i32
      %dma_wait3A_2456 = tpu.memref_slice %arg4[%mul3A_2394, %dma_wait3A_2455] : memref<4096x832xf32, #tpu.memory_space<hbm>> -> memref<128x32xf32, #tpu.memory_space<hbm>>
      %dma_wait3A_2457 = arith.constant 2816 : i32
      %dma_wait3A_2458 = arith.constant 0 : i32
      %dma_wait3A_2459 = tpu.memref_slice %arg7[%dma_wait3A_2457, %dma_wait3A_2458] : memref<3328x32xf32, #tpu.memory_space<vmem>> -> memref<128x32xf32, #tpu.memory_space<vmem>>
      tpu.wait_dma2 semaphore(%run_scoped3A : memref<!tpu.dma_semaphore, #tpu.memory_space<semaphore_mem>>) src(%dma_wait3A_2459 : memref<128x32xf32, #tpu.memory_space<vmem>>) dst(%dma_wait3A_2456 : memref<128x32xf32, #tpu.memory_space<hbm>>)
      tpu.yield
    }) : () -> ()
    %dma_wait3A_2395 = arith.constant 23 : i32
    %dma_wait3A_2396 = arith.constant 23 : i32
    %dma_wait3A_2397 = arith.constant 2944 : i32
    %dma_wait3A_2398 = arith.constant 0 : i32
    %dma_wait3A_2399 = tpu.memref_slice %arg7[%dma_wait3A_2397, %dma_wait3A_2398] : memref<3328x32xf32, #tpu.memory_space<vmem>> -> memref<128x32xf32, #tpu.memory_space<vmem>>
    %dma_wait3A_2400 = arith.constant 0 : i32
    %dma_wait3A_2401 = tpu.memref_slice %arg6[%dma_wait3A_2395, %dma_wait3A_2400] : memref<26x128xi32, #tpu.memory_space<vmem>> -> memref<1x128xi32, #tpu.memory_space<vmem>>
    %dma_wait3A_2402 = tpu.memref_squeeze %dma_wait3A_2401 : memref<1x128xi32, #tpu.memory_space<vmem>> -> memref<128xi32, #tpu.memory_space<vmem>>
    %dma_wait3A_2403 = arith.constant 0 : i32
    %dma_wait3A_2404 = arith.constant 0 : i32
    %dma_wait3A_2405 = tpu.memref_slice %arg2[%dma_wait3A_2403, %dma_wait3A_2404] : memref<1000000x32xf32, #tpu.memory_space<hbm>> -> memref<1000000x32xf32, #tpu.memory_space<hbm>>
    %dma_wait3A_2406 = tpu.memref_slice %arg8[%dma_wait3A_2396] : memref<26x!tpu.dma_semaphore, #tpu.memory_space<semaphore_mem>> -> memref<1x!tpu.dma_semaphore, #tpu.memory_space<semaphore_mem>>
    %dma_wait3A_2407 = tpu.memref_squeeze %dma_wait3A_2406 : memref<1x!tpu.dma_semaphore, #tpu.memory_space<semaphore_mem>> -> memref<!tpu.dma_semaphore, #tpu.memory_space<semaphore_mem>>
    tpu.wait_indirect_dma semaphore(%dma_wait3A_2407 : memref<!tpu.dma_semaphore, #tpu.memory_space<semaphore_mem>>) src(%dma_wait3A_2405 : memref<1000000x32xf32, #tpu.memory_space<hbm>>) dst(%dma_wait3A_2399 : memref<128x32xf32, #tpu.memory_space<vmem>>)
    %mul3A_2408 = arith.constant 128 : i32
    %mul3A_2409 = arith.muli %add3A, %mul3A_2408 : i32
    "tpu.region"() ({
      %run_scoped3A = tpu.sem_alloc : memref<!tpu.dma_semaphore, #tpu.memory_space<semaphore_mem>>
      %dma_start3A_2440 = arith.constant 2944 : i32
      %dma_start3A_2441 = arith.constant 0 : i32
      %dma_start3A_2442 = tpu.memref_slice %arg7[%dma_start3A_2440, %dma_start3A_2441] : memref<3328x32xf32, #tpu.memory_space<vmem>> -> memref<128x32xf32, #tpu.memory_space<vmem>>
      %dma_start3A_2443 = arith.constant 736 : i32
      %dma_start3A_2444 = tpu.memref_slice %arg4[%mul3A_2409, %dma_start3A_2443] : memref<4096x832xf32, #tpu.memory_space<hbm>> -> memref<128x32xf32, #tpu.memory_space<hbm>>
      %dma_start3A_2445 = arith.constant 736 : i32
      %dma_start3A_2446 = tpu.memref_slice %arg4[%mul3A_2409, %dma_start3A_2445] : memref<4096x832xf32, #tpu.memory_space<hbm>> -> memref<128x32xf32, #tpu.memory_space<hbm>>
      %dma_start3A_2447 = arith.constant 2944 : i32
      %dma_start3A_2448 = arith.constant 0 : i32
      %dma_start3A_2449 = tpu.memref_slice %arg7[%dma_start3A_2447, %dma_start3A_2448] : memref<3328x32xf32, #tpu.memory_space<vmem>> -> memref<128x32xf32, #tpu.memory_space<vmem>>
      tpu.enqueue_dma source(%dma_start3A_2449 : memref<128x32xf32, #tpu.memory_space<vmem>>) target(%dma_start3A_2446 : memref<128x32xf32, #tpu.memory_space<hbm>>) target_semaphore(%run_scoped3A : memref<!tpu.dma_semaphore, #tpu.memory_space<semaphore_mem>>)
      %dma_wait3A_2450 = arith.constant 2944 : i32
      %dma_wait3A_2451 = arith.constant 0 : i32
      %dma_wait3A_2452 = tpu.memref_slice %arg7[%dma_wait3A_2450, %dma_wait3A_2451] : memref<3328x32xf32, #tpu.memory_space<vmem>> -> memref<128x32xf32, #tpu.memory_space<vmem>>
      %dma_wait3A_2453 = arith.constant 736 : i32
      %dma_wait3A_2454 = tpu.memref_slice %arg4[%mul3A_2409, %dma_wait3A_2453] : memref<4096x832xf32, #tpu.memory_space<hbm>> -> memref<128x32xf32, #tpu.memory_space<hbm>>
      %dma_wait3A_2455 = arith.constant 736 : i32
      %dma_wait3A_2456 = tpu.memref_slice %arg4[%mul3A_2409, %dma_wait3A_2455] : memref<4096x832xf32, #tpu.memory_space<hbm>> -> memref<128x32xf32, #tpu.memory_space<hbm>>
      %dma_wait3A_2457 = arith.constant 2944 : i32
      %dma_wait3A_2458 = arith.constant 0 : i32
      %dma_wait3A_2459 = tpu.memref_slice %arg7[%dma_wait3A_2457, %dma_wait3A_2458] : memref<3328x32xf32, #tpu.memory_space<vmem>> -> memref<128x32xf32, #tpu.memory_space<vmem>>
      tpu.wait_dma2 semaphore(%run_scoped3A : memref<!tpu.dma_semaphore, #tpu.memory_space<semaphore_mem>>) src(%dma_wait3A_2459 : memref<128x32xf32, #tpu.memory_space<vmem>>) dst(%dma_wait3A_2456 : memref<128x32xf32, #tpu.memory_space<hbm>>)
      tpu.yield
    }) : () -> ()
    %dma_wait3A_2410 = arith.constant 24 : i32
    %dma_wait3A_2411 = arith.constant 24 : i32
    %dma_wait3A_2412 = arith.constant 3072 : i32
    %dma_wait3A_2413 = arith.constant 0 : i32
    %dma_wait3A_2414 = tpu.memref_slice %arg7[%dma_wait3A_2412, %dma_wait3A_2413] : memref<3328x32xf32, #tpu.memory_space<vmem>> -> memref<128x32xf32, #tpu.memory_space<vmem>>
    %dma_wait3A_2415 = arith.constant 0 : i32
    %dma_wait3A_2416 = tpu.memref_slice %arg6[%dma_wait3A_2410, %dma_wait3A_2415] : memref<26x128xi32, #tpu.memory_space<vmem>> -> memref<1x128xi32, #tpu.memory_space<vmem>>
    %dma_wait3A_2417 = tpu.memref_squeeze %dma_wait3A_2416 : memref<1x128xi32, #tpu.memory_space<vmem>> -> memref<128xi32, #tpu.memory_space<vmem>>
    %dma_wait3A_2418 = arith.constant 0 : i32
    %dma_wait3A_2419 = arith.constant 0 : i32
    %dma_wait3A_2420 = tpu.memref_slice %arg2[%dma_wait3A_2418, %dma_wait3A_2419] : memref<1000000x32xf32, #tpu.memory_space<hbm>> -> memref<1000000x32xf32, #tpu.memory_space<hbm>>
    %dma_wait3A_2421 = tpu.memref_slice %arg8[%dma_wait3A_2411] : memref<26x!tpu.dma_semaphore, #tpu.memory_space<semaphore_mem>> -> memref<1x!tpu.dma_semaphore, #tpu.memory_space<semaphore_mem>>
    %dma_wait3A_2422 = tpu.memref_squeeze %dma_wait3A_2421 : memref<1x!tpu.dma_semaphore, #tpu.memory_space<semaphore_mem>> -> memref<!tpu.dma_semaphore, #tpu.memory_space<semaphore_mem>>
    tpu.wait_indirect_dma semaphore(%dma_wait3A_2422 : memref<!tpu.dma_semaphore, #tpu.memory_space<semaphore_mem>>) src(%dma_wait3A_2420 : memref<1000000x32xf32, #tpu.memory_space<hbm>>) dst(%dma_wait3A_2414 : memref<128x32xf32, #tpu.memory_space<vmem>>)
    %mul3A_2423 = arith.constant 128 : i32
    %mul3A_2424 = arith.muli %add3A, %mul3A_2423 : i32
    "tpu.region"() ({
      %run_scoped3A = tpu.sem_alloc : memref<!tpu.dma_semaphore, #tpu.memory_space<semaphore_mem>>
      %dma_start3A_2440 = arith.constant 3072 : i32
      %dma_start3A_2441 = arith.constant 0 : i32
      %dma_start3A_2442 = tpu.memref_slice %arg7[%dma_start3A_2440, %dma_start3A_2441] : memref<3328x32xf32, #tpu.memory_space<vmem>> -> memref<128x32xf32, #tpu.memory_space<vmem>>
      %dma_start3A_2443 = arith.constant 768 : i32
      %dma_start3A_2444 = tpu.memref_slice %arg4[%mul3A_2424, %dma_start3A_2443] : memref<4096x832xf32, #tpu.memory_space<hbm>> -> memref<128x32xf32, #tpu.memory_space<hbm>>
      %dma_start3A_2445 = arith.constant 768 : i32
      %dma_start3A_2446 = tpu.memref_slice %arg4[%mul3A_2424, %dma_start3A_2445] : memref<4096x832xf32, #tpu.memory_space<hbm>> -> memref<128x32xf32, #tpu.memory_space<hbm>>
      %dma_start3A_2447 = arith.constant 3072 : i32
      %dma_start3A_2448 = arith.constant 0 : i32
      %dma_start3A_2449 = tpu.memref_slice %arg7[%dma_start3A_2447, %dma_start3A_2448] : memref<3328x32xf32, #tpu.memory_space<vmem>> -> memref<128x32xf32, #tpu.memory_space<vmem>>
      tpu.enqueue_dma source(%dma_start3A_2449 : memref<128x32xf32, #tpu.memory_space<vmem>>) target(%dma_start3A_2446 : memref<128x32xf32, #tpu.memory_space<hbm>>) target_semaphore(%run_scoped3A : memref<!tpu.dma_semaphore, #tpu.memory_space<semaphore_mem>>)
      %dma_wait3A_2450 = arith.constant 3072 : i32
      %dma_wait3A_2451 = arith.constant 0 : i32
      %dma_wait3A_2452 = tpu.memref_slice %arg7[%dma_wait3A_2450, %dma_wait3A_2451] : memref<3328x32xf32, #tpu.memory_space<vmem>> -> memref<128x32xf32, #tpu.memory_space<vmem>>
      %dma_wait3A_2453 = arith.constant 768 : i32
      %dma_wait3A_2454 = tpu.memref_slice %arg4[%mul3A_2424, %dma_wait3A_2453] : memref<4096x832xf32, #tpu.memory_space<hbm>> -> memref<128x32xf32, #tpu.memory_space<hbm>>
      %dma_wait3A_2455 = arith.constant 768 : i32
      %dma_wait3A_2456 = tpu.memref_slice %arg4[%mul3A_2424, %dma_wait3A_2455] : memref<4096x832xf32, #tpu.memory_space<hbm>> -> memref<128x32xf32, #tpu.memory_space<hbm>>
      %dma_wait3A_2457 = arith.constant 3072 : i32
      %dma_wait3A_2458 = arith.constant 0 : i32
      %dma_wait3A_2459 = tpu.memref_slice %arg7[%dma_wait3A_2457, %dma_wait3A_2458] : memref<3328x32xf32, #tpu.memory_space<vmem>> -> memref<128x32xf32, #tpu.memory_space<vmem>>
      tpu.wait_dma2 semaphore(%run_scoped3A : memref<!tpu.dma_semaphore, #tpu.memory_space<semaphore_mem>>) src(%dma_wait3A_2459 : memref<128x32xf32, #tpu.memory_space<vmem>>) dst(%dma_wait3A_2456 : memref<128x32xf32, #tpu.memory_space<hbm>>)
      tpu.yield
    }) : () -> ()
    %dma_wait3A_2425 = arith.constant 25 : i32
    %dma_wait3A_2426 = arith.constant 25 : i32
    %dma_wait3A_2427 = arith.constant 3200 : i32
    %dma_wait3A_2428 = arith.constant 0 : i32
    %dma_wait3A_2429 = tpu.memref_slice %arg7[%dma_wait3A_2427, %dma_wait3A_2428] : memref<3328x32xf32, #tpu.memory_space<vmem>> -> memref<128x32xf32, #tpu.memory_space<vmem>>
    %dma_wait3A_2430 = arith.constant 0 : i32
    %dma_wait3A_2431 = tpu.memref_slice %arg6[%dma_wait3A_2425, %dma_wait3A_2430] : memref<26x128xi32, #tpu.memory_space<vmem>> -> memref<1x128xi32, #tpu.memory_space<vmem>>
    %dma_wait3A_2432 = tpu.memref_squeeze %dma_wait3A_2431 : memref<1x128xi32, #tpu.memory_space<vmem>> -> memref<128xi32, #tpu.memory_space<vmem>>
    %dma_wait3A_2433 = arith.constant 0 : i32
    %dma_wait3A_2434 = arith.constant 0 : i32
    %dma_wait3A_2435 = tpu.memref_slice %arg2[%dma_wait3A_2433, %dma_wait3A_2434] : memref<1000000x32xf32, #tpu.memory_space<hbm>> -> memref<1000000x32xf32, #tpu.memory_space<hbm>>
    %dma_wait3A_2436 = tpu.memref_slice %arg8[%dma_wait3A_2426] : memref<26x!tpu.dma_semaphore, #tpu.memory_space<semaphore_mem>> -> memref<1x!tpu.dma_semaphore, #tpu.memory_space<semaphore_mem>>
    %dma_wait3A_2437 = tpu.memref_squeeze %dma_wait3A_2436 : memref<1x!tpu.dma_semaphore, #tpu.memory_space<semaphore_mem>> -> memref<!tpu.dma_semaphore, #tpu.memory_space<semaphore_mem>>
    tpu.wait_indirect_dma semaphore(%dma_wait3A_2437 : memref<!tpu.dma_semaphore, #tpu.memory_space<semaphore_mem>>) src(%dma_wait3A_2435 : memref<1000000x32xf32, #tpu.memory_space<hbm>>) dst(%dma_wait3A_2429 : memref<128x32xf32, #tpu.memory_space<vmem>>)
    %mul3A_2438 = arith.constant 128 : i32
    %mul3A_2439 = arith.muli %add3A, %mul3A_2438 : i32
    "tpu.region"() ({
      %run_scoped3A = tpu.sem_alloc : memref<!tpu.dma_semaphore, #tpu.memory_space<semaphore_mem>>
      %dma_start3A_2440 = arith.constant 3200 : i32
      %dma_start3A_2441 = arith.constant 0 : i32
      %dma_start3A_2442 = tpu.memref_slice %arg7[%dma_start3A_2440, %dma_start3A_2441] : memref<3328x32xf32, #tpu.memory_space<vmem>> -> memref<128x32xf32, #tpu.memory_space<vmem>>
      %dma_start3A_2443 = arith.constant 800 : i32
      %dma_start3A_2444 = tpu.memref_slice %arg4[%mul3A_2439, %dma_start3A_2443] : memref<4096x832xf32, #tpu.memory_space<hbm>> -> memref<128x32xf32, #tpu.memory_space<hbm>>
      %dma_start3A_2445 = arith.constant 800 : i32
      %dma_start3A_2446 = tpu.memref_slice %arg4[%mul3A_2439, %dma_start3A_2445] : memref<4096x832xf32, #tpu.memory_space<hbm>> -> memref<128x32xf32, #tpu.memory_space<hbm>>
      %dma_start3A_2447 = arith.constant 3200 : i32
      %dma_start3A_2448 = arith.constant 0 : i32
      %dma_start3A_2449 = tpu.memref_slice %arg7[%dma_start3A_2447, %dma_start3A_2448] : memref<3328x32xf32, #tpu.memory_space<vmem>> -> memref<128x32xf32, #tpu.memory_space<vmem>>
      tpu.enqueue_dma source(%dma_start3A_2449 : memref<128x32xf32, #tpu.memory_space<vmem>>) target(%dma_start3A_2446 : memref<128x32xf32, #tpu.memory_space<hbm>>) target_semaphore(%run_scoped3A : memref<!tpu.dma_semaphore, #tpu.memory_space<semaphore_mem>>)
      %dma_wait3A_2450 = arith.constant 3200 : i32
      %dma_wait3A_2451 = arith.constant 0 : i32
      %dma_wait3A_2452 = tpu.memref_slice %arg7[%dma_wait3A_2450, %dma_wait3A_2451] : memref<3328x32xf32, #tpu.memory_space<vmem>> -> memref<128x32xf32, #tpu.memory_space<vmem>>
      %dma_wait3A_2453 = arith.constant 800 : i32
      %dma_wait3A_2454 = tpu.memref_slice %arg4[%mul3A_2439, %dma_wait3A_2453] : memref<4096x832xf32, #tpu.memory_space<hbm>> -> memref<128x32xf32, #tpu.memory_space<hbm>>
      %dma_wait3A_2455 = arith.constant 800 : i32
      %dma_wait3A_2456 = tpu.memref_slice %arg4[%mul3A_2439, %dma_wait3A_2455] : memref<4096x832xf32, #tpu.memory_space<hbm>> -> memref<128x32xf32, #tpu.memory_space<hbm>>
      %dma_wait3A_2457 = arith.constant 3200 : i32
      %dma_wait3A_2458 = arith.constant 0 : i32
      %dma_wait3A_2459 = tpu.memref_slice %arg7[%dma_wait3A_2457, %dma_wait3A_2458] : memref<3328x32xf32, #tpu.memory_space<vmem>> -> memref<128x32xf32, #tpu.memory_space<vmem>>
      tpu.wait_dma2 semaphore(%run_scoped3A : memref<!tpu.dma_semaphore, #tpu.memory_space<semaphore_mem>>) src(%dma_wait3A_2459 : memref<128x32xf32, #tpu.memory_space<vmem>>) dst(%dma_wait3A_2456 : memref<128x32xf32, #tpu.memory_space<hbm>>)
      tpu.yield
    }) : () -> ()
    return
  }
}

module attributes {stable_mosaic.version = 14 : i64} {
  func.func @_tc_body(%arg0: i32, %arg1: memref<1024x13xf32, #tpu.memory_space<vmem>>, %arg2: memref<1024x832xf32, #tpu.memory_space<vmem>>, %arg3: memref<832x26xf32, #tpu.memory_space<vmem>>, %arg4: memref<13x512xf32, #tpu.memory_space<vmem>>, %arg5: memref<1x512xf32, #tpu.memory_space<vmem>>, %arg6: memref<512x256xf32, #tpu.memory_space<vmem>>, %arg7: memref<1x256xf32, #tpu.memory_space<vmem>>, %arg8: memref<256x32xf32, #tpu.memory_space<vmem>>, %arg9: memref<1x32xf32, #tpu.memory_space<vmem>>, %arg10: memref<383x512xf32, #tpu.memory_space<vmem>>, %arg11: memref<1x512xf32, #tpu.memory_space<vmem>>, %arg12: memref<512x256xf32, #tpu.memory_space<vmem>>, %arg13: memref<1x256xf32, #tpu.memory_space<vmem>>, %arg14: memref<256x128xf32, #tpu.memory_space<vmem>>, %arg15: memref<1x128xf32, #tpu.memory_space<vmem>>, %arg16: memref<1024x128xf32, #tpu.memory_space<vmem>>) attributes {dimension_semantics = [#tpu.dimension_semantics<arbitrary>], iteration_bounds = array<i64: 4>, scalar_prefetch = 0 : i64, scratch_operands = 0 : i64, tpu.core_type = #tpu.core_type<tc>, window_params = [{transform_indices = @transform_0, window_bounds = array<i64: 1024, 13>}, {transform_indices = @transform_1, window_bounds = array<i64: 1024, 832>}, {pipeline_mode = #tpu.pipeline_mode<synchronous>, transform_indices = @transform_2, window_bounds = array<i64: 832, 26>}, {pipeline_mode = #tpu.pipeline_mode<synchronous>, transform_indices = @transform_3, window_bounds = array<i64: 13, 512>}, {pipeline_mode = #tpu.pipeline_mode<synchronous>, transform_indices = @transform_4, window_bounds = array<i64: 1, 512>}, {pipeline_mode = #tpu.pipeline_mode<synchronous>, transform_indices = @transform_5, window_bounds = array<i64: 512, 256>}, {pipeline_mode = #tpu.pipeline_mode<synchronous>, transform_indices = @transform_6, window_bounds = array<i64: 1, 256>}, {pipeline_mode = #tpu.pipeline_mode<synchronous>, transform_indices = @transform_7, window_bounds = array<i64: 256, 32>}, {pipeline_mode = #tpu.pipeline_mode<synchronous>, transform_indices = @transform_8, window_bounds = array<i64: 1, 32>}, {pipeline_mode = #tpu.pipeline_mode<synchronous>, transform_indices = @transform_9, window_bounds = array<i64: 383, 512>}, {pipeline_mode = #tpu.pipeline_mode<synchronous>, transform_indices = @transform_10, window_bounds = array<i64: 1, 512>}, {pipeline_mode = #tpu.pipeline_mode<synchronous>, transform_indices = @transform_11, window_bounds = array<i64: 512, 256>}, {pipeline_mode = #tpu.pipeline_mode<synchronous>, transform_indices = @transform_12, window_bounds = array<i64: 1, 256>}, {pipeline_mode = #tpu.pipeline_mode<synchronous>, transform_indices = @transform_13, window_bounds = array<i64: 256, 128>}, {pipeline_mode = #tpu.pipeline_mode<synchronous>, transform_indices = @transform_14, window_bounds = array<i64: 1, 128>}, {transform_indices = @transform_15, window_bounds = array<i64: 1024, 128>}]} {
    %get3A = arith.constant 0 : index
    %get3A_0 = arith.constant 0 : index
    %get3A_1 = vector.load %arg1[%get3A, %get3A_0] : memref<1024x13xf32, #tpu.memory_space<vmem>>, vector<1024x13xf32>
    %get3A_2 = arith.constant 0 : index
    %get3A_3 = arith.constant 0 : index
    %get3A_4 = vector.load %arg4[%get3A_2, %get3A_3] : memref<13x512xf32, #tpu.memory_space<vmem>>, vector<13x512xf32>
    %dot_general3A = arith.constant dense<0.000000e+00> : vector<1024x512xf32>
    %dot_general3A_5 = tpu.matmul %get3A_1, %get3A_4, %dot_general3A {dimension_numbers = #tpu.dot_dimension_numbers<[1], [0], [0], [1], [0, 0, 1, 1], [], []>, transpose_lhs_hint = false} : vector<1024x13xf32>, vector<13x512xf32>, vector<1024x512xf32> -> vector<1024x512xf32>
    %get3A_6 = arith.constant 0 : index
    %get3A_7 = arith.constant 0 : index
    %get3A_8 = vector.load %arg5[%get3A_6, %get3A_7] : memref<1x512xf32, #tpu.memory_space<vmem>>, vector<1x512xf32>
    %add3A = vector.broadcast %get3A_8 : vector<1x512xf32> to vector<1024x512xf32>
    %add3A_9 = arith.addf %dot_general3A_5, %add3A : vector<1024x512xf32>
    %max3A = arith.constant 0.000000e+00 : f32
    %max3A_10 = vector.broadcast %max3A : f32 to vector<1024x512xf32>
    %max3A_11 = arith.maximumf %add3A_9, %max3A_10 : vector<1024x512xf32>
    %get3A_12 = arith.constant 0 : index
    %get3A_13 = arith.constant 0 : index
    %get3A_14 = vector.load %arg6[%get3A_12, %get3A_13] : memref<512x256xf32, #tpu.memory_space<vmem>>, vector<512x256xf32>
    %dot_general3A_15 = arith.constant dense<0.000000e+00> : vector<1024x256xf32>
    %dot_general3A_16 = tpu.matmul %max3A_11, %get3A_14, %dot_general3A_15 {dimension_numbers = #tpu.dot_dimension_numbers<[1], [0], [0], [1], [0, 0, 1, 1], [], []>, transpose_lhs_hint = false} : vector<1024x512xf32>, vector<512x256xf32>, vector<1024x256xf32> -> vector<1024x256xf32>
    %get3A_17 = arith.constant 0 : index
    %get3A_18 = arith.constant 0 : index
    %get3A_19 = vector.load %arg7[%get3A_17, %get3A_18] : memref<1x256xf32, #tpu.memory_space<vmem>>, vector<1x256xf32>
    %add3A_20 = vector.broadcast %get3A_19 : vector<1x256xf32> to vector<1024x256xf32>
    %add3A_21 = arith.addf %dot_general3A_16, %add3A_20 : vector<1024x256xf32>
    %max3A_22 = arith.constant 0.000000e+00 : f32
    %max3A_23 = vector.broadcast %max3A_22 : f32 to vector<1024x256xf32>
    %max3A_24 = arith.maximumf %add3A_21, %max3A_23 : vector<1024x256xf32>
    %get3A_25 = arith.constant 0 : index
    %get3A_26 = arith.constant 0 : index
    %get3A_27 = vector.load %arg8[%get3A_25, %get3A_26] : memref<256x32xf32, #tpu.memory_space<vmem>>, vector<256x32xf32>
    %dot_general3A_28 = arith.constant dense<0.000000e+00> : vector<1024x32xf32>
    %dot_general3A_29 = tpu.matmul %max3A_24, %get3A_27, %dot_general3A_28 {dimension_numbers = #tpu.dot_dimension_numbers<[1], [0], [0], [1], [0, 0, 1, 1], [], []>, transpose_lhs_hint = false} : vector<1024x256xf32>, vector<256x32xf32>, vector<1024x32xf32> -> vector<1024x32xf32>
    %get3A_30 = arith.constant 0 : index
    %get3A_31 = arith.constant 0 : index
    %get3A_32 = vector.load %arg9[%get3A_30, %get3A_31] : memref<1x32xf32, #tpu.memory_space<vmem>>, vector<1x32xf32>
    %add3A_33 = vector.broadcast %get3A_32 : vector<1x32xf32> to vector<1024x32xf32>
    %add3A_34 = arith.addf %dot_general3A_29, %add3A_33 : vector<1024x32xf32>
    %max3A_35 = arith.constant 0.000000e+00 : f32
    %max3A_36 = vector.broadcast %max3A_35 : f32 to vector<1024x32xf32>
    %max3A_37 = arith.maximumf %add3A_34, %max3A_36 : vector<1024x32xf32>
    %get3A_38 = arith.constant 0 : index
    %get3A_39 = arith.constant 0 : index
    %get3A_40 = vector.load %arg2[%get3A_38, %get3A_39] : memref<1024x832xf32, #tpu.memory_space<vmem>>, vector<1024x832xf32>
    %concatenate3A = tpu.concatenate %max3A_37, %get3A_40 in 1 : vector<1024x32xf32>, vector<1024x832xf32> -> vector<1024x864xf32>
    %slice3A = vector.extract_strided_slice %concatenate3A {offsets = [0, 32], sizes = [1024, 832], strides = [1, 1]} : vector<1024x864xf32> to vector<1024x832xf32>
    %slice3A_41 = vector.extract_strided_slice %concatenate3A {offsets = [0, 64], sizes = [1024, 800], strides = [1, 1]} : vector<1024x864xf32> to vector<1024x800xf32>
    %slice3A_42 = vector.extract_strided_slice %concatenate3A {offsets = [0, 96], sizes = [1024, 768], strides = [1, 1]} : vector<1024x864xf32> to vector<1024x768xf32>
    %get3A_43 = arith.constant 0 : index
    %get3A_44 = arith.constant 0 : index
    %get3A_45 = vector.load %arg3[%get3A_43, %get3A_44] : memref<832x26xf32, #tpu.memory_space<vmem>>, vector<832x26xf32>
    %slice3A_46 = vector.extract_strided_slice %concatenate3A {offsets = [0, 0], sizes = [1024, 832], strides = [1, 1]} : vector<1024x864xf32> to vector<1024x832xf32>
    %mul3A = arith.mulf %slice3A_46, %slice3A : vector<1024x832xf32>
    %dot_general3A_47 = arith.constant dense<0.000000e+00> : vector<1024x26xf32>
    %dot_general3A_48 = tpu.matmul %mul3A, %get3A_45, %dot_general3A_47 {dimension_numbers = #tpu.dot_dimension_numbers<[1], [0], [0], [1], [0, 0, 1, 1], [], []>, transpose_lhs_hint = false} : vector<1024x832xf32>, vector<832x26xf32>, vector<1024x26xf32> -> vector<1024x26xf32>
    %slice3A_49 = vector.extract_strided_slice %concatenate3A {offsets = [0, 0], sizes = [1024, 800], strides = [1, 1]} : vector<1024x864xf32> to vector<1024x800xf32>
    %mul3A_50 = arith.mulf %slice3A_49, %slice3A_41 : vector<1024x800xf32>
    %slice3A_51 = vector.extract_strided_slice %get3A_45 {offsets = [0, 0], sizes = [800, 25], strides = [1, 1]} : vector<832x26xf32> to vector<800x25xf32>
    %dot_general3A_52 = arith.constant dense<0.000000e+00> : vector<1024x25xf32>
    %dot_general3A_53 = tpu.matmul %mul3A_50, %slice3A_51, %dot_general3A_52 {dimension_numbers = #tpu.dot_dimension_numbers<[1], [0], [0], [1], [0, 0, 1, 1], [], []>, transpose_lhs_hint = false} : vector<1024x800xf32>, vector<800x25xf32>, vector<1024x25xf32> -> vector<1024x25xf32>
    %slice3A_54 = vector.extract_strided_slice %concatenate3A {offsets = [0, 0], sizes = [1024, 768], strides = [1, 1]} : vector<1024x864xf32> to vector<1024x768xf32>
    %mul3A_55 = arith.mulf %slice3A_54, %slice3A_42 : vector<1024x768xf32>
    %slice3A_56 = vector.extract_strided_slice %get3A_45 {offsets = [0, 0], sizes = [768, 24], strides = [1, 1]} : vector<832x26xf32> to vector<768x24xf32>
    %dot_general3A_57 = arith.constant dense<0.000000e+00> : vector<1024x24xf32>
    %dot_general3A_58 = tpu.matmul %mul3A_55, %slice3A_56, %dot_general3A_57 {dimension_numbers = #tpu.dot_dimension_numbers<[1], [0], [0], [1], [0, 0, 1, 1], [], []>, transpose_lhs_hint = false} : vector<1024x768xf32>, vector<768x24xf32>, vector<1024x24xf32> -> vector<1024x24xf32>
    %slice3A_59 = vector.extract_strided_slice %concatenate3A {offsets = [0, 0], sizes = [1024, 736], strides = [1, 1]} : vector<1024x864xf32> to vector<1024x736xf32>
    %slice3A_60 = vector.extract_strided_slice %concatenate3A {offsets = [0, 128], sizes = [1024, 736], strides = [1, 1]} : vector<1024x864xf32> to vector<1024x736xf32>
    %mul3A_61 = arith.mulf %slice3A_59, %slice3A_60 : vector<1024x736xf32>
    %slice3A_62 = vector.extract_strided_slice %get3A_45 {offsets = [0, 0], sizes = [736, 23], strides = [1, 1]} : vector<832x26xf32> to vector<736x23xf32>
    %dot_general3A_63 = arith.constant dense<0.000000e+00> : vector<1024x23xf32>
    %dot_general3A_64 = tpu.matmul %mul3A_61, %slice3A_62, %dot_general3A_63 {dimension_numbers = #tpu.dot_dimension_numbers<[1], [0], [0], [1], [0, 0, 1, 1], [], []>, transpose_lhs_hint = false} : vector<1024x736xf32>, vector<736x23xf32>, vector<1024x23xf32> -> vector<1024x23xf32>
    %slice3A_65 = vector.extract_strided_slice %concatenate3A {offsets = [0, 0], sizes = [1024, 704], strides = [1, 1]} : vector<1024x864xf32> to vector<1024x704xf32>
    %slice3A_66 = vector.extract_strided_slice %slice3A {offsets = [0, 128], sizes = [1024, 704], strides = [1, 1]} : vector<1024x832xf32> to vector<1024x704xf32>
    %mul3A_67 = arith.mulf %slice3A_65, %slice3A_66 : vector<1024x704xf32>
    %slice3A_68 = vector.extract_strided_slice %get3A_45 {offsets = [0, 0], sizes = [704, 22], strides = [1, 1]} : vector<832x26xf32> to vector<704x22xf32>
    %dot_general3A_69 = arith.constant dense<0.000000e+00> : vector<1024x22xf32>
    %dot_general3A_70 = tpu.matmul %mul3A_67, %slice3A_68, %dot_general3A_69 {dimension_numbers = #tpu.dot_dimension_numbers<[1], [0], [0], [1], [0, 0, 1, 1], [], []>, transpose_lhs_hint = false} : vector<1024x704xf32>, vector<704x22xf32>, vector<1024x22xf32> -> vector<1024x22xf32>
    %slice3A_71 = vector.extract_strided_slice %concatenate3A {offsets = [0, 0], sizes = [1024, 672], strides = [1, 1]} : vector<1024x864xf32> to vector<1024x672xf32>
    %slice3A_72 = vector.extract_strided_slice %slice3A_41 {offsets = [0, 128], sizes = [1024, 672], strides = [1, 1]} : vector<1024x800xf32> to vector<1024x672xf32>
    %mul3A_73 = arith.mulf %slice3A_71, %slice3A_72 : vector<1024x672xf32>
    %slice3A_74 = vector.extract_strided_slice %get3A_45 {offsets = [0, 0], sizes = [672, 21], strides = [1, 1]} : vector<832x26xf32> to vector<672x21xf32>
    %dot_general3A_75 = arith.constant dense<0.000000e+00> : vector<1024x21xf32>
    %dot_general3A_76 = tpu.matmul %mul3A_73, %slice3A_74, %dot_general3A_75 {dimension_numbers = #tpu.dot_dimension_numbers<[1], [0], [0], [1], [0, 0, 1, 1], [], []>, transpose_lhs_hint = false} : vector<1024x672xf32>, vector<672x21xf32>, vector<1024x21xf32> -> vector<1024x21xf32>
    %slice3A_77 = vector.extract_strided_slice %concatenate3A {offsets = [0, 0], sizes = [1024, 640], strides = [1, 1]} : vector<1024x864xf32> to vector<1024x640xf32>
    %slice3A_78 = vector.extract_strided_slice %slice3A_42 {offsets = [0, 128], sizes = [1024, 640], strides = [1, 1]} : vector<1024x768xf32> to vector<1024x640xf32>
    %mul3A_79 = arith.mulf %slice3A_77, %slice3A_78 : vector<1024x640xf32>
    %slice3A_80 = vector.extract_strided_slice %get3A_45 {offsets = [0, 0], sizes = [640, 20], strides = [1, 1]} : vector<832x26xf32> to vector<640x20xf32>
    %dot_general3A_81 = arith.constant dense<0.000000e+00> : vector<1024x20xf32>
    %dot_general3A_82 = tpu.matmul %mul3A_79, %slice3A_80, %dot_general3A_81 {dimension_numbers = #tpu.dot_dimension_numbers<[1], [0], [0], [1], [0, 0, 1, 1], [], []>, transpose_lhs_hint = false} : vector<1024x640xf32>, vector<640x20xf32>, vector<1024x20xf32> -> vector<1024x20xf32>
    %slice3A_83 = vector.extract_strided_slice %concatenate3A {offsets = [0, 0], sizes = [1024, 608], strides = [1, 1]} : vector<1024x864xf32> to vector<1024x608xf32>
    %slice3A_84 = vector.extract_strided_slice %concatenate3A {offsets = [0, 256], sizes = [1024, 608], strides = [1, 1]} : vector<1024x864xf32> to vector<1024x608xf32>
    %mul3A_85 = arith.mulf %slice3A_83, %slice3A_84 : vector<1024x608xf32>
    %slice3A_86 = vector.extract_strided_slice %get3A_45 {offsets = [0, 0], sizes = [608, 19], strides = [1, 1]} : vector<832x26xf32> to vector<608x19xf32>
    %dot_general3A_87 = arith.constant dense<0.000000e+00> : vector<1024x19xf32>
    %dot_general3A_88 = tpu.matmul %mul3A_85, %slice3A_86, %dot_general3A_87 {dimension_numbers = #tpu.dot_dimension_numbers<[1], [0], [0], [1], [0, 0, 1, 1], [], []>, transpose_lhs_hint = false} : vector<1024x608xf32>, vector<608x19xf32>, vector<1024x19xf32> -> vector<1024x19xf32>
    %slice3A_89 = vector.extract_strided_slice %concatenate3A {offsets = [0, 0], sizes = [1024, 576], strides = [1, 1]} : vector<1024x864xf32> to vector<1024x576xf32>
    %slice3A_90 = vector.extract_strided_slice %slice3A {offsets = [0, 256], sizes = [1024, 576], strides = [1, 1]} : vector<1024x832xf32> to vector<1024x576xf32>
    %mul3A_91 = arith.mulf %slice3A_89, %slice3A_90 : vector<1024x576xf32>
    %slice3A_92 = vector.extract_strided_slice %get3A_45 {offsets = [0, 0], sizes = [576, 18], strides = [1, 1]} : vector<832x26xf32> to vector<576x18xf32>
    %dot_general3A_93 = arith.constant dense<0.000000e+00> : vector<1024x18xf32>
    %dot_general3A_94 = tpu.matmul %mul3A_91, %slice3A_92, %dot_general3A_93 {dimension_numbers = #tpu.dot_dimension_numbers<[1], [0], [0], [1], [0, 0, 1, 1], [], []>, transpose_lhs_hint = false} : vector<1024x576xf32>, vector<576x18xf32>, vector<1024x18xf32> -> vector<1024x18xf32>
    %slice3A_95 = vector.extract_strided_slice %concatenate3A {offsets = [0, 0], sizes = [1024, 544], strides = [1, 1]} : vector<1024x864xf32> to vector<1024x544xf32>
    %slice3A_96 = vector.extract_strided_slice %slice3A_41 {offsets = [0, 256], sizes = [1024, 544], strides = [1, 1]} : vector<1024x800xf32> to vector<1024x544xf32>
    %mul3A_97 = arith.mulf %slice3A_95, %slice3A_96 : vector<1024x544xf32>
    %slice3A_98 = vector.extract_strided_slice %get3A_45 {offsets = [0, 0], sizes = [544, 17], strides = [1, 1]} : vector<832x26xf32> to vector<544x17xf32>
    %dot_general3A_99 = arith.constant dense<0.000000e+00> : vector<1024x17xf32>
    %dot_general3A_100 = tpu.matmul %mul3A_97, %slice3A_98, %dot_general3A_99 {dimension_numbers = #tpu.dot_dimension_numbers<[1], [0], [0], [1], [0, 0, 1, 1], [], []>, transpose_lhs_hint = false} : vector<1024x544xf32>, vector<544x17xf32>, vector<1024x17xf32> -> vector<1024x17xf32>
    %slice3A_101 = vector.extract_strided_slice %concatenate3A {offsets = [0, 0], sizes = [1024, 512], strides = [1, 1]} : vector<1024x864xf32> to vector<1024x512xf32>
    %slice3A_102 = vector.extract_strided_slice %slice3A_42 {offsets = [0, 256], sizes = [1024, 512], strides = [1, 1]} : vector<1024x768xf32> to vector<1024x512xf32>
    %mul3A_103 = arith.mulf %slice3A_101, %slice3A_102 : vector<1024x512xf32>
    %slice3A_104 = vector.extract_strided_slice %get3A_45 {offsets = [0, 0], sizes = [512, 16], strides = [1, 1]} : vector<832x26xf32> to vector<512x16xf32>
    %dot_general3A_105 = arith.constant dense<0.000000e+00> : vector<1024x16xf32>
    %dot_general3A_106 = tpu.matmul %mul3A_103, %slice3A_104, %dot_general3A_105 {dimension_numbers = #tpu.dot_dimension_numbers<[1], [0], [0], [1], [0, 0, 1, 1], [], []>, transpose_lhs_hint = false} : vector<1024x512xf32>, vector<512x16xf32>, vector<1024x16xf32> -> vector<1024x16xf32>
    %slice3A_107 = vector.extract_strided_slice %concatenate3A {offsets = [0, 0], sizes = [1024, 480], strides = [1, 1]} : vector<1024x864xf32> to vector<1024x480xf32>
    %slice3A_108 = vector.extract_strided_slice %concatenate3A {offsets = [0, 384], sizes = [1024, 480], strides = [1, 1]} : vector<1024x864xf32> to vector<1024x480xf32>
    %mul3A_109 = arith.mulf %slice3A_107, %slice3A_108 : vector<1024x480xf32>
    %slice3A_110 = vector.extract_strided_slice %get3A_45 {offsets = [0, 0], sizes = [480, 15], strides = [1, 1]} : vector<832x26xf32> to vector<480x15xf32>
    %dot_general3A_111 = arith.constant dense<0.000000e+00> : vector<1024x15xf32>
    %dot_general3A_112 = tpu.matmul %mul3A_109, %slice3A_110, %dot_general3A_111 {dimension_numbers = #tpu.dot_dimension_numbers<[1], [0], [0], [1], [0, 0, 1, 1], [], []>, transpose_lhs_hint = false} : vector<1024x480xf32>, vector<480x15xf32>, vector<1024x15xf32> -> vector<1024x15xf32>
    %slice3A_113 = vector.extract_strided_slice %concatenate3A {offsets = [0, 0], sizes = [1024, 448], strides = [1, 1]} : vector<1024x864xf32> to vector<1024x448xf32>
    %slice3A_114 = vector.extract_strided_slice %slice3A {offsets = [0, 384], sizes = [1024, 448], strides = [1, 1]} : vector<1024x832xf32> to vector<1024x448xf32>
    %mul3A_115 = arith.mulf %slice3A_113, %slice3A_114 : vector<1024x448xf32>
    %slice3A_116 = vector.extract_strided_slice %get3A_45 {offsets = [0, 0], sizes = [448, 14], strides = [1, 1]} : vector<832x26xf32> to vector<448x14xf32>
    %dot_general3A_117 = arith.constant dense<0.000000e+00> : vector<1024x14xf32>
    %dot_general3A_118 = tpu.matmul %mul3A_115, %slice3A_116, %dot_general3A_117 {dimension_numbers = #tpu.dot_dimension_numbers<[1], [0], [0], [1], [0, 0, 1, 1], [], []>, transpose_lhs_hint = false} : vector<1024x448xf32>, vector<448x14xf32>, vector<1024x14xf32> -> vector<1024x14xf32>
    %slice3A_119 = vector.extract_strided_slice %concatenate3A {offsets = [0, 0], sizes = [1024, 416], strides = [1, 1]} : vector<1024x864xf32> to vector<1024x416xf32>
    %slice3A_120 = vector.extract_strided_slice %slice3A_41 {offsets = [0, 384], sizes = [1024, 416], strides = [1, 1]} : vector<1024x800xf32> to vector<1024x416xf32>
    %mul3A_121 = arith.mulf %slice3A_119, %slice3A_120 : vector<1024x416xf32>
    %slice3A_122 = vector.extract_strided_slice %get3A_45 {offsets = [0, 0], sizes = [416, 13], strides = [1, 1]} : vector<832x26xf32> to vector<416x13xf32>
    %dot_general3A_123 = arith.constant dense<0.000000e+00> : vector<1024x13xf32>
    %dot_general3A_124 = tpu.matmul %mul3A_121, %slice3A_122, %dot_general3A_123 {dimension_numbers = #tpu.dot_dimension_numbers<[1], [0], [0], [1], [0, 0, 1, 1], [], []>, transpose_lhs_hint = false} : vector<1024x416xf32>, vector<416x13xf32>, vector<1024x13xf32> -> vector<1024x13xf32>
    %slice3A_125 = vector.extract_strided_slice %concatenate3A {offsets = [0, 0], sizes = [1024, 384], strides = [1, 1]} : vector<1024x864xf32> to vector<1024x384xf32>
    %slice3A_126 = vector.extract_strided_slice %slice3A_42 {offsets = [0, 384], sizes = [1024, 384], strides = [1, 1]} : vector<1024x768xf32> to vector<1024x384xf32>
    %mul3A_127 = arith.mulf %slice3A_125, %slice3A_126 : vector<1024x384xf32>
    %slice3A_128 = vector.extract_strided_slice %get3A_45 {offsets = [0, 0], sizes = [384, 12], strides = [1, 1]} : vector<832x26xf32> to vector<384x12xf32>
    %dot_general3A_129 = arith.constant dense<0.000000e+00> : vector<1024x12xf32>
    %dot_general3A_130 = tpu.matmul %mul3A_127, %slice3A_128, %dot_general3A_129 {dimension_numbers = #tpu.dot_dimension_numbers<[1], [0], [0], [1], [0, 0, 1, 1], [], []>, transpose_lhs_hint = false} : vector<1024x384xf32>, vector<384x12xf32>, vector<1024x12xf32> -> vector<1024x12xf32>
    %slice3A_131 = vector.extract_strided_slice %concatenate3A {offsets = [0, 0], sizes = [1024, 352], strides = [1, 1]} : vector<1024x864xf32> to vector<1024x352xf32>
    %slice3A_132 = vector.extract_strided_slice %concatenate3A {offsets = [0, 512], sizes = [1024, 352], strides = [1, 1]} : vector<1024x864xf32> to vector<1024x352xf32>
    %mul3A_133 = arith.mulf %slice3A_131, %slice3A_132 : vector<1024x352xf32>
    %slice3A_134 = vector.extract_strided_slice %get3A_45 {offsets = [0, 0], sizes = [352, 11], strides = [1, 1]} : vector<832x26xf32> to vector<352x11xf32>
    %dot_general3A_135 = arith.constant dense<0.000000e+00> : vector<1024x11xf32>
    %dot_general3A_136 = tpu.matmul %mul3A_133, %slice3A_134, %dot_general3A_135 {dimension_numbers = #tpu.dot_dimension_numbers<[1], [0], [0], [1], [0, 0, 1, 1], [], []>, transpose_lhs_hint = false} : vector<1024x352xf32>, vector<352x11xf32>, vector<1024x11xf32> -> vector<1024x11xf32>
    %slice3A_137 = vector.extract_strided_slice %concatenate3A {offsets = [0, 0], sizes = [1024, 320], strides = [1, 1]} : vector<1024x864xf32> to vector<1024x320xf32>
    %slice3A_138 = vector.extract_strided_slice %slice3A {offsets = [0, 512], sizes = [1024, 320], strides = [1, 1]} : vector<1024x832xf32> to vector<1024x320xf32>
    %mul3A_139 = arith.mulf %slice3A_137, %slice3A_138 : vector<1024x320xf32>
    %slice3A_140 = vector.extract_strided_slice %get3A_45 {offsets = [0, 0], sizes = [320, 10], strides = [1, 1]} : vector<832x26xf32> to vector<320x10xf32>
    %dot_general3A_141 = arith.constant dense<0.000000e+00> : vector<1024x10xf32>
    %dot_general3A_142 = tpu.matmul %mul3A_139, %slice3A_140, %dot_general3A_141 {dimension_numbers = #tpu.dot_dimension_numbers<[1], [0], [0], [1], [0, 0, 1, 1], [], []>, transpose_lhs_hint = false} : vector<1024x320xf32>, vector<320x10xf32>, vector<1024x10xf32> -> vector<1024x10xf32>
    %slice3A_143 = vector.extract_strided_slice %concatenate3A {offsets = [0, 0], sizes = [1024, 288], strides = [1, 1]} : vector<1024x864xf32> to vector<1024x288xf32>
    %slice3A_144 = vector.extract_strided_slice %slice3A_41 {offsets = [0, 512], sizes = [1024, 288], strides = [1, 1]} : vector<1024x800xf32> to vector<1024x288xf32>
    %mul3A_145 = arith.mulf %slice3A_143, %slice3A_144 : vector<1024x288xf32>
    %slice3A_146 = vector.extract_strided_slice %get3A_45 {offsets = [0, 0], sizes = [288, 9], strides = [1, 1]} : vector<832x26xf32> to vector<288x9xf32>
    %dot_general3A_147 = arith.constant dense<0.000000e+00> : vector<1024x9xf32>
    %dot_general3A_148 = tpu.matmul %mul3A_145, %slice3A_146, %dot_general3A_147 {dimension_numbers = #tpu.dot_dimension_numbers<[1], [0], [0], [1], [0, 0, 1, 1], [], []>, transpose_lhs_hint = false} : vector<1024x288xf32>, vector<288x9xf32>, vector<1024x9xf32> -> vector<1024x9xf32>
    %slice3A_149 = vector.extract_strided_slice %concatenate3A {offsets = [0, 0], sizes = [1024, 256], strides = [1, 1]} : vector<1024x864xf32> to vector<1024x256xf32>
    %slice3A_150 = vector.extract_strided_slice %slice3A_42 {offsets = [0, 512], sizes = [1024, 256], strides = [1, 1]} : vector<1024x768xf32> to vector<1024x256xf32>
    %mul3A_151 = arith.mulf %slice3A_149, %slice3A_150 : vector<1024x256xf32>
    %slice3A_152 = vector.extract_strided_slice %get3A_45 {offsets = [0, 0], sizes = [256, 8], strides = [1, 1]} : vector<832x26xf32> to vector<256x8xf32>
    %dot_general3A_153 = arith.constant dense<0.000000e+00> : vector<1024x8xf32>
    %dot_general3A_154 = tpu.matmul %mul3A_151, %slice3A_152, %dot_general3A_153 {dimension_numbers = #tpu.dot_dimension_numbers<[1], [0], [0], [1], [0, 0, 1, 1], [], []>, transpose_lhs_hint = false} : vector<1024x256xf32>, vector<256x8xf32>, vector<1024x8xf32> -> vector<1024x8xf32>
    %slice3A_155 = vector.extract_strided_slice %concatenate3A {offsets = [0, 0], sizes = [1024, 224], strides = [1, 1]} : vector<1024x864xf32> to vector<1024x224xf32>
    %slice3A_156 = vector.extract_strided_slice %concatenate3A {offsets = [0, 640], sizes = [1024, 224], strides = [1, 1]} : vector<1024x864xf32> to vector<1024x224xf32>
    %mul3A_157 = arith.mulf %slice3A_155, %slice3A_156 : vector<1024x224xf32>
    %slice3A_158 = vector.extract_strided_slice %get3A_45 {offsets = [0, 0], sizes = [224, 7], strides = [1, 1]} : vector<832x26xf32> to vector<224x7xf32>
    %dot_general3A_159 = arith.constant dense<0.000000e+00> : vector<1024x7xf32>
    %dot_general3A_160 = tpu.matmul %mul3A_157, %slice3A_158, %dot_general3A_159 {dimension_numbers = #tpu.dot_dimension_numbers<[1], [0], [0], [1], [0, 0, 1, 1], [], []>, transpose_lhs_hint = false} : vector<1024x224xf32>, vector<224x7xf32>, vector<1024x7xf32> -> vector<1024x7xf32>
    %slice3A_161 = vector.extract_strided_slice %concatenate3A {offsets = [0, 0], sizes = [1024, 192], strides = [1, 1]} : vector<1024x864xf32> to vector<1024x192xf32>
    %slice3A_162 = vector.extract_strided_slice %slice3A {offsets = [0, 640], sizes = [1024, 192], strides = [1, 1]} : vector<1024x832xf32> to vector<1024x192xf32>
    %mul3A_163 = arith.mulf %slice3A_161, %slice3A_162 : vector<1024x192xf32>
    %slice3A_164 = vector.extract_strided_slice %get3A_45 {offsets = [0, 0], sizes = [192, 6], strides = [1, 1]} : vector<832x26xf32> to vector<192x6xf32>
    %dot_general3A_165 = arith.constant dense<0.000000e+00> : vector<1024x6xf32>
    %dot_general3A_166 = tpu.matmul %mul3A_163, %slice3A_164, %dot_general3A_165 {dimension_numbers = #tpu.dot_dimension_numbers<[1], [0], [0], [1], [0, 0, 1, 1], [], []>, transpose_lhs_hint = false} : vector<1024x192xf32>, vector<192x6xf32>, vector<1024x6xf32> -> vector<1024x6xf32>
    %slice3A_167 = vector.extract_strided_slice %concatenate3A {offsets = [0, 0], sizes = [1024, 160], strides = [1, 1]} : vector<1024x864xf32> to vector<1024x160xf32>
    %slice3A_168 = vector.extract_strided_slice %slice3A_41 {offsets = [0, 640], sizes = [1024, 160], strides = [1, 1]} : vector<1024x800xf32> to vector<1024x160xf32>
    %mul3A_169 = arith.mulf %slice3A_167, %slice3A_168 : vector<1024x160xf32>
    %slice3A_170 = vector.extract_strided_slice %get3A_45 {offsets = [0, 0], sizes = [160, 5], strides = [1, 1]} : vector<832x26xf32> to vector<160x5xf32>
    %dot_general3A_171 = arith.constant dense<0.000000e+00> : vector<1024x5xf32>
    %dot_general3A_172 = tpu.matmul %mul3A_169, %slice3A_170, %dot_general3A_171 {dimension_numbers = #tpu.dot_dimension_numbers<[1], [0], [0], [1], [0, 0, 1, 1], [], []>, transpose_lhs_hint = false} : vector<1024x160xf32>, vector<160x5xf32>, vector<1024x5xf32> -> vector<1024x5xf32>
    %slice3A_173 = vector.extract_strided_slice %concatenate3A {offsets = [0, 0], sizes = [1024, 128], strides = [1, 1]} : vector<1024x864xf32> to vector<1024x128xf32>
    %slice3A_174 = vector.extract_strided_slice %slice3A_42 {offsets = [0, 640], sizes = [1024, 128], strides = [1, 1]} : vector<1024x768xf32> to vector<1024x128xf32>
    %mul3A_175 = arith.mulf %slice3A_173, %slice3A_174 : vector<1024x128xf32>
    %slice3A_176 = vector.extract_strided_slice %get3A_45 {offsets = [0, 0], sizes = [128, 4], strides = [1, 1]} : vector<832x26xf32> to vector<128x4xf32>
    %dot_general3A_177 = arith.constant dense<0.000000e+00> : vector<1024x4xf32>
    %dot_general3A_178 = tpu.matmul %mul3A_175, %slice3A_176, %dot_general3A_177 {dimension_numbers = #tpu.dot_dimension_numbers<[1], [0], [0], [1], [0, 0, 1, 1], [], []>, transpose_lhs_hint = false} : vector<1024x128xf32>, vector<128x4xf32>, vector<1024x4xf32> -> vector<1024x4xf32>
    %slice3A_179 = vector.extract_strided_slice %concatenate3A {offsets = [0, 0], sizes = [1024, 96], strides = [1, 1]} : vector<1024x864xf32> to vector<1024x96xf32>
    %slice3A_180 = vector.extract_strided_slice %concatenate3A {offsets = [0, 768], sizes = [1024, 96], strides = [1, 1]} : vector<1024x864xf32> to vector<1024x96xf32>
    %mul3A_181 = arith.mulf %slice3A_179, %slice3A_180 : vector<1024x96xf32>
    %slice3A_182 = vector.extract_strided_slice %get3A_45 {offsets = [0, 0], sizes = [96, 3], strides = [1, 1]} : vector<832x26xf32> to vector<96x3xf32>
    %dot_general3A_183 = arith.constant dense<0.000000e+00> : vector<1024x3xf32>
    %dot_general3A_184 = tpu.matmul %mul3A_181, %slice3A_182, %dot_general3A_183 {dimension_numbers = #tpu.dot_dimension_numbers<[1], [0], [0], [1], [0, 0, 1, 1], [], []>, transpose_lhs_hint = false} : vector<1024x96xf32>, vector<96x3xf32>, vector<1024x3xf32> -> vector<1024x3xf32>
    %slice3A_185 = vector.extract_strided_slice %concatenate3A {offsets = [0, 0], sizes = [1024, 64], strides = [1, 1]} : vector<1024x864xf32> to vector<1024x64xf32>
    %slice3A_186 = vector.extract_strided_slice %slice3A {offsets = [0, 768], sizes = [1024, 64], strides = [1, 1]} : vector<1024x832xf32> to vector<1024x64xf32>
    %mul3A_187 = arith.mulf %slice3A_185, %slice3A_186 : vector<1024x64xf32>
    %slice3A_188 = vector.extract_strided_slice %get3A_45 {offsets = [0, 0], sizes = [64, 2], strides = [1, 1]} : vector<832x26xf32> to vector<64x2xf32>
    %dot_general3A_189 = arith.constant dense<0.000000e+00> : vector<1024x2xf32>
    %dot_general3A_190 = tpu.matmul %mul3A_187, %slice3A_188, %dot_general3A_189 {dimension_numbers = #tpu.dot_dimension_numbers<[1], [0], [0], [1], [0, 0, 1, 1], [], []>, transpose_lhs_hint = false} : vector<1024x64xf32>, vector<64x2xf32>, vector<1024x2xf32> -> vector<1024x2xf32>
    %slice3A_191 = vector.extract_strided_slice %concatenate3A {offsets = [0, 0], sizes = [1024, 32], strides = [1, 1]} : vector<1024x864xf32> to vector<1024x32xf32>
    %slice3A_192 = vector.extract_strided_slice %slice3A_41 {offsets = [0, 768], sizes = [1024, 32], strides = [1, 1]} : vector<1024x800xf32> to vector<1024x32xf32>
    %mul3A_193 = arith.mulf %slice3A_191, %slice3A_192 : vector<1024x32xf32>
    %slice3A_194 = vector.extract_strided_slice %get3A_45 {offsets = [0, 0], sizes = [32, 1], strides = [1, 1]} : vector<832x26xf32> to vector<32x1xf32>
    %dot_general3A_195 = arith.constant dense<0.000000e+00> : vector<1024x1xf32>
    %dot_general3A_196 = tpu.matmul %mul3A_193, %slice3A_194, %dot_general3A_195 {dimension_numbers = #tpu.dot_dimension_numbers<[1], [0], [0], [1], [0, 0, 1, 1], [], []>, transpose_lhs_hint = false} : vector<1024x32xf32>, vector<32x1xf32>, vector<1024x1xf32> -> vector<1024x1xf32>
    %concatenate3A_197 = tpu.concatenate %max3A_37, %dot_general3A_48, %dot_general3A_53, %dot_general3A_58, %dot_general3A_64, %dot_general3A_70, %dot_general3A_76, %dot_general3A_82, %dot_general3A_88, %dot_general3A_94, %dot_general3A_100, %dot_general3A_106, %dot_general3A_112, %dot_general3A_118, %dot_general3A_124, %dot_general3A_130, %dot_general3A_136, %dot_general3A_142, %dot_general3A_148, %dot_general3A_154, %dot_general3A_160, %dot_general3A_166, %dot_general3A_172, %dot_general3A_178, %dot_general3A_184, %dot_general3A_190, %dot_general3A_196 in 1 : vector<1024x32xf32>, vector<1024x26xf32>, vector<1024x25xf32>, vector<1024x24xf32>, vector<1024x23xf32>, vector<1024x22xf32>, vector<1024x21xf32>, vector<1024x20xf32>, vector<1024x19xf32>, vector<1024x18xf32>, vector<1024x17xf32>, vector<1024x16xf32>, vector<1024x15xf32>, vector<1024x14xf32>, vector<1024x13xf32>, vector<1024x12xf32>, vector<1024x11xf32>, vector<1024x10xf32>, vector<1024x9xf32>, vector<1024x8xf32>, vector<1024x7xf32>, vector<1024x6xf32>, vector<1024x5xf32>, vector<1024x4xf32>, vector<1024x3xf32>, vector<1024x2xf32>, vector<1024x1xf32> -> vector<1024x383xf32>
    %get3A_198 = arith.constant 0 : index
    %get3A_199 = arith.constant 0 : index
    %get3A_200 = vector.load %arg10[%get3A_198, %get3A_199] : memref<383x512xf32, #tpu.memory_space<vmem>>, vector<383x512xf32>
    %dot_general3A_201 = arith.constant dense<0.000000e+00> : vector<1024x512xf32>
    %dot_general3A_202 = tpu.matmul %concatenate3A_197, %get3A_200, %dot_general3A_201 {dimension_numbers = #tpu.dot_dimension_numbers<[1], [0], [0], [1], [0, 0, 1, 1], [], []>, transpose_lhs_hint = false} : vector<1024x383xf32>, vector<383x512xf32>, vector<1024x512xf32> -> vector<1024x512xf32>
    %get3A_203 = arith.constant 0 : index
    %get3A_204 = arith.constant 0 : index
    %get3A_205 = vector.load %arg11[%get3A_203, %get3A_204] : memref<1x512xf32, #tpu.memory_space<vmem>>, vector<1x512xf32>
    %add3A_206 = vector.broadcast %get3A_205 : vector<1x512xf32> to vector<1024x512xf32>
    %add3A_207 = arith.addf %dot_general3A_202, %add3A_206 : vector<1024x512xf32>
    %max3A_208 = arith.constant 0.000000e+00 : f32
    %max3A_209 = vector.broadcast %max3A_208 : f32 to vector<1024x512xf32>
    %max3A_210 = arith.maximumf %add3A_207, %max3A_209 : vector<1024x512xf32>
    %get3A_211 = arith.constant 0 : index
    %get3A_212 = arith.constant 0 : index
    %get3A_213 = vector.load %arg12[%get3A_211, %get3A_212] : memref<512x256xf32, #tpu.memory_space<vmem>>, vector<512x256xf32>
    %dot_general3A_214 = arith.constant dense<0.000000e+00> : vector<1024x256xf32>
    %dot_general3A_215 = tpu.matmul %max3A_210, %get3A_213, %dot_general3A_214 {dimension_numbers = #tpu.dot_dimension_numbers<[1], [0], [0], [1], [0, 0, 1, 1], [], []>, transpose_lhs_hint = false} : vector<1024x512xf32>, vector<512x256xf32>, vector<1024x256xf32> -> vector<1024x256xf32>
    %get3A_216 = arith.constant 0 : index
    %get3A_217 = arith.constant 0 : index
    %get3A_218 = vector.load %arg13[%get3A_216, %get3A_217] : memref<1x256xf32, #tpu.memory_space<vmem>>, vector<1x256xf32>
    %add3A_219 = vector.broadcast %get3A_218 : vector<1x256xf32> to vector<1024x256xf32>
    %add3A_220 = arith.addf %dot_general3A_215, %add3A_219 : vector<1024x256xf32>
    %max3A_221 = arith.constant 0.000000e+00 : f32
    %max3A_222 = vector.broadcast %max3A_221 : f32 to vector<1024x256xf32>
    %max3A_223 = arith.maximumf %add3A_220, %max3A_222 : vector<1024x256xf32>
    %get3A_224 = arith.constant 0 : index
    %get3A_225 = arith.constant 0 : index
    %get3A_226 = vector.load %arg14[%get3A_224, %get3A_225] : memref<256x128xf32, #tpu.memory_space<vmem>>, vector<256x128xf32>
    %dot_general3A_227 = arith.constant dense<0.000000e+00> : vector<1024x128xf32>
    %dot_general3A_228 = tpu.matmul %max3A_223, %get3A_226, %dot_general3A_227 {dimension_numbers = #tpu.dot_dimension_numbers<[1], [0], [0], [1], [0, 0, 1, 1], [], []>, transpose_lhs_hint = false} : vector<1024x256xf32>, vector<256x128xf32>, vector<1024x128xf32> -> vector<1024x128xf32>
    %get3A_229 = arith.constant 0 : index
    %get3A_230 = arith.constant 0 : index
    %get3A_231 = vector.load %arg15[%get3A_229, %get3A_230] : memref<1x128xf32, #tpu.memory_space<vmem>>, vector<1x128xf32>
    %add3A_232 = vector.broadcast %get3A_231 : vector<1x128xf32> to vector<1024x128xf32>
    %add3A_233 = arith.addf %dot_general3A_228, %add3A_232 : vector<1024x128xf32>
    %swap3A = arith.constant 0 : index
    %swap3A_234 = arith.constant 0 : index
    %swap3A_235 = vector.load %arg16[%swap3A, %swap3A_234] : memref<1024x128xf32, #tpu.memory_space<vmem>>, vector<1024x128xf32>
    tpu.vector_store %arg16[%swap3A, %swap3A_234], %add3A_233 {strides = array<i32>} : memref<1024x128xf32, #tpu.memory_space<vmem>>, vector<1024x128xf32>,
    return
  }
  func.func @transform_0(%arg0: i32) -> (i32, i32) {
    %c0_i32 = arith.constant 0 : i32
    %c0_i32_0 = arith.constant 0 : i32
    return %arg0, %c0_i32 : i32, i32
  }
  func.func @transform_1(%arg0: i32) -> (i32, i32) {
    %c0_i32 = arith.constant 0 : i32
    %c0_i32_0 = arith.constant 0 : i32
    return %arg0, %c0_i32 : i32, i32
  }
  func.func @transform_2(%arg0: i32) -> (i32, i32) {
    %c0_i32 = arith.constant 0 : i32
    %c0_i32_0 = arith.constant 0 : i32
    %c0_i32_1 = arith.constant 0 : i32
    return %c0_i32, %c0_i32_0 : i32, i32
  }
  func.func @transform_3(%arg0: i32) -> (i32, i32) {
    %c0_i32 = arith.constant 0 : i32
    %c0_i32_0 = arith.constant 0 : i32
    %c0_i32_1 = arith.constant 0 : i32
    return %c0_i32, %c0_i32_0 : i32, i32
  }
  func.func @transform_4(%arg0: i32) -> (i32, i32) {
    %c0_i32 = arith.constant 0 : i32
    %c0_i32_0 = arith.constant 0 : i32
    %c0_i32_1 = arith.constant 0 : i32
    return %c0_i32, %c0_i32_0 : i32, i32
  }
  func.func @transform_5(%arg0: i32) -> (i32, i32) {
    %c0_i32 = arith.constant 0 : i32
    %c0_i32_0 = arith.constant 0 : i32
    %c0_i32_1 = arith.constant 0 : i32
    return %c0_i32, %c0_i32_0 : i32, i32
  }
  func.func @transform_6(%arg0: i32) -> (i32, i32) {
    %c0_i32 = arith.constant 0 : i32
    %c0_i32_0 = arith.constant 0 : i32
    %c0_i32_1 = arith.constant 0 : i32
    return %c0_i32, %c0_i32_0 : i32, i32
  }
  func.func @transform_7(%arg0: i32) -> (i32, i32) {
    %c0_i32 = arith.constant 0 : i32
    %c0_i32_0 = arith.constant 0 : i32
    %c0_i32_1 = arith.constant 0 : i32
    return %c0_i32, %c0_i32_0 : i32, i32
  }
  func.func @transform_8(%arg0: i32) -> (i32, i32) {
    %c0_i32 = arith.constant 0 : i32
    %c0_i32_0 = arith.constant 0 : i32
    %c0_i32_1 = arith.constant 0 : i32
    return %c0_i32, %c0_i32_0 : i32, i32
  }
  func.func @transform_9(%arg0: i32) -> (i32, i32) {
    %c0_i32 = arith.constant 0 : i32
    %c0_i32_0 = arith.constant 0 : i32
    %c0_i32_1 = arith.constant 0 : i32
    return %c0_i32, %c0_i32_0 : i32, i32
  }
  func.func @transform_10(%arg0: i32) -> (i32, i32) {
    %c0_i32 = arith.constant 0 : i32
    %c0_i32_0 = arith.constant 0 : i32
    %c0_i32_1 = arith.constant 0 : i32
    return %c0_i32, %c0_i32_0 : i32, i32
  }
  func.func @transform_11(%arg0: i32) -> (i32, i32) {
    %c0_i32 = arith.constant 0 : i32
    %c0_i32_0 = arith.constant 0 : i32
    %c0_i32_1 = arith.constant 0 : i32
    return %c0_i32, %c0_i32_0 : i32, i32
  }
  func.func @transform_12(%arg0: i32) -> (i32, i32) {
    %c0_i32 = arith.constant 0 : i32
    %c0_i32_0 = arith.constant 0 : i32
    %c0_i32_1 = arith.constant 0 : i32
    return %c0_i32, %c0_i32_0 : i32, i32
  }
  func.func @transform_13(%arg0: i32) -> (i32, i32) {
    %c0_i32 = arith.constant 0 : i32
    %c0_i32_0 = arith.constant 0 : i32
    %c0_i32_1 = arith.constant 0 : i32
    return %c0_i32, %c0_i32_0 : i32, i32
  }
  func.func @transform_14(%arg0: i32) -> (i32, i32) {
    %c0_i32 = arith.constant 0 : i32
    %c0_i32_0 = arith.constant 0 : i32
    %c0_i32_1 = arith.constant 0 : i32
    return %c0_i32, %c0_i32_0 : i32, i32
  }
  func.func @transform_15(%arg0: i32) -> (i32, i32) {
    %c0_i32 = arith.constant 0 : i32
    %c0_i32_0 = arith.constant 0 : i32
    return %arg0, %c0_i32 : i32, i32
  }
}

</mosaic_0001>

<sc_bundles>
// kernel: kernel.4.cloned.1.call-start
scs
__scs_entry_jumppad:
0x0: {  	(pc) =	sbr.rel $0x88, $3  }
0x1: {  	(tag) =	ssettag $0x0;
	lr =	simm.s32 $0x1  }
0x2: {  	[smem:$0x3F92] =	sst lr;
	_ =	strace $0xD0000000  }
0x3: {  	_ = 	snop  }
0x4: {  	_ = 	snop  }
0x5: {  	_ = 	snop  }
0x6: {  	_ = 	snop  }
0x7: {  	_ = 	snop  }
__scs_overlays_trampoline_lowered:
0x8: {  	[smem:$0x3FA1] =	sst s0  }
0x9: {  	[smem:$0x3FA2] =	sst s1  }
0xa: {  	[smem:$0x3FA3] =	sst s2  }
0xb: {  	[smem:$0x3FA4] =	sst s3  }
0xc: {  	[smem:$0x3FA5] =	sst s4  }
0xd: {  	[smem:$0x3FA6] =	sst s5  }
0xe: {  	[smem:$0x3FA7] =	sst s6  }
0xf: {  	[smem:$0x3FA8] =	sst s7  }
0x10: {  	[smem:$0x3FA9] =	sst s8  }
0x11: {  	[smem:$0x3FAA] =	sst s9;
	s0 =	simm.s32 @!p0 $0x0  }
0x12: {  	s1 =	sld [smem:$0x3F90];
	s0 =	simm.s32 @p0 $0x1  }
0x13: {  	[smem:$0x3FAB] =	sst s0;
	s0 =	simm.s32 @!p1 $0x0  }
0x14: {  	s2 =	sld [smem:$0x3F8F];
	s0 =	simm.s32 @p1 $0x1  }
0x15: {  	[smem:$0x3FAC] =	sst s0;
	s0 =	simm.s32 @!p2 $0x0  }
0x16: {  	s3 =	sld [smem:$0x3FDB];
	s0 =	simm.s32 @p2 $0x1  }
0x17: {  	s4 =	simm.s32 $0x1BF5;
	[smem:$0x3FAE] =	sst s0  }
0x18: {  	s0 =	sld [smem:$0x3F91];
	_ =	swait.ge [sflag:s4], $0x0  }
0x19: {  	s7 =	sld [smem:$0x3F92]  }
0x1a: {  	s8 =	sadd.s32 $0xFFFFE003, lr  }
0x1b: {  	s9 =	sadd.s32 $0xFFFFFEF7, lr;
	s5 =	simm.s32 $0xFFFFFFFF;
	p2 =	slt.u32 s8, $0xFFFFF086  }
0x1c: {  	p1 =	slt.u32 s9, $0xF7A;
	s5 =	simm.s32 @!p2 $0x0  }
0x1d: {  	s5 =	simm.s32 @p1 $0x1;
	p0 =	seq.s32 s7, s2  }
0x1e: {  	s7 =	smul.u32 @!p0 $0xF7A, s2;
	p2 =	seq.s32 @!p0 s5, $0x0  }
0x1f: {  	s9 =	smul.u32 $0xF7A, s1;
	s8 =	simm.s32 @!p0 $0x1BF5;
	p2 =	por !p2, p0  }
0x20: {  	[sflag:s8] =	ssyncset.s32 @!p0 $0xFFFFF086;
	s6 =	sadd.s32 @!p0 s3, s7;
	s7 =	simm.s32 @!p0 $0x108  }
0x21: {  	s3 =	sadd.s32 s3, s9;
	s6 =	sadd.s32 @!p0 $0x88, s6;
	s7 =	simm.s32 @p2 $0x1082  }
0x22: {  	[simem:s7], [sflag:s8] =	dma.local @!p0 [hbm:s6], $0xF7A  }
0x23: {  	s9 =	sor.u32 $0xD0000000, s2;
	s6 =	simm.s32 $0x108;
	_ =	swait.ge @!p0 [sflag:s8], $0x0  }
0x24: {  	s3 =	sadd.s32 $0x88, s3;
	s6 =	simm.s32 @!p1 $0x1082;
	[sflag:s4] =	ssyncset.s32 $0xFFFFF086  }
0x25: {  	[simem:s6], [sflag:s4] =	dma.local [hbm:s3], $0xF7A  }
0x26: {  	[smem:$0x3F92] =	sst s1;
	(tag) =	ssettag s2;
	_ =	strace s9  }
0x27: {  	s1 =	sld [smem:$0x3FA2]  }
0x28: {  	s2 =	sld [smem:$0x3FA3]  }
0x29: {  	s4 =	sld [smem:$0x3FA5]  }
0x2a: {  	p0 =	seq.s32 s5, $0x0;
	s5 =	sld [smem:$0x3FA6]  }
0x2b: {  	s6 =	sld [smem:$0x3FA7]  }
0x2c: {  	s7 =	sld [smem:$0x3FA8]  }
0x2d: {  	s3 =	simm.s32 $0x108;
	s8 =	sld [smem:$0x3FA9]  }
0x2e: {  	s3 =	simm.s32 @!p0 $0x1082;
	s9 =	sld [smem:$0x3FAA]  }
0x2f: {  	lr =	sadd.s32 s0, s3;
	s0 =	sld [smem:$0x3FA1]  }
0x30: {  	s3 =	sld [smem:$0x3FA4]  }
0x31: {  	[smem:$0x3FAD] =	sst s10  }
0x32: {  	s10 =	sld [smem:$0x3FAB];
	_ =	sdelay $0x3  }
0x33: {  	p0 =	seq.s32 s10, $0x1;
	s10 =	sld [smem:$0x3FAD];
	_ =	sdelay $0x3  }
0x34: {  	[smem:$0x3FAD] =	sst s10  }
0x35: {  	s10 =	sld [smem:$0x3FAC];
	_ =	sdelay $0x3  }
0x36: {  	p1 =	seq.s32 s10, $0x1;
	s10 =	sld [smem:$0x3FAD];
	_ =	sdelay $0x3  }
0x37: {  	[smem:$0x3FAD] =	sst s10  }
0x38: {  	s10 =	sld [smem:$0x3FAE]  }
0x39: {  	_ = 	snop;
	(pc) =	sbr.ind lr, $3  }
0x3a: {  	_ = 	snop  }
0x3b: {  	_ = 	snop  }
0x3c: {  	p2 =	seq.s32 s10, $0x1;
	s10 =	sld [smem:$0x3FAD]  }
0x3d: {  	_ =	shalt  }
0x3e: {  	_ =	shalt  }
0x3f: {  	_ =	shalt  }
0x40: {  	_ =	shalt  }
0x41: {  	_ =	shalt  }
0x42: {  	_ =	shalt  }
0x43: {  	_ =	shalt  }
0x44: {  	_ =	shalt  }
0x45: {  	_ =	shalt  }
0x46: {  	_ =	shalt  }
0x47: {  	_ =	shalt  }
0x48: {  	_ =	shalt  }
0x49: {  	_ =	shalt  }
0x4a: {  	_ =	shalt  }
0x4b: {  	_ =	shalt  }
0x4c: {  	_ =	shalt  }
0x4d: {  	_ =	shalt  }
0x4e: {  	_ =	shalt  }
0x4f: {  	_ =	shalt  }
0x50: {  	_ =	shalt  }
0x51: {  	_ =	shalt  }
0x52: {  	_ =	shalt  }
0x53: {  	_ =	shalt  }
0x54: {  	_ =	shalt  }
0x55: {  	_ =	shalt  }
0x56: {  	_ =	shalt  }
0x57: {  	_ =	shalt  }
0x58: {  	_ =	shalt  }
0x59: {  	_ =	shalt  }
0x5a: {  	_ =	shalt  }
0x5b: {  	_ =	shalt  }
0x5c: {  	_ =	shalt  }
0x5d: {  	_ =	shalt  }
0x5e: {  	_ =	shalt  }
0x5f: {  	_ =	shalt  }
0x60: {  	_ =	shalt  }
0x61: {  	_ =	shalt  }
0x62: {  	_ =	shalt  }
0x63: {  	_ =	shalt  }
0x64: {  	_ =	shalt  }
0x65: {  	_ =	shalt  }
0x66: {  	_ =	shalt  }
0x67: {  	_ =	shalt  }
0x68: {  	_ =	shalt  }
0x69: {  	_ =	shalt  }
0x6a: {  	_ =	shalt  }
0x6b: {  	_ =	shalt  }
0x6c: {  	_ =	shalt  }
0x6d: {  	_ =	shalt  }
0x6e: {  	_ =	shalt  }
0x6f: {  	_ =	shalt  }
0x70: {  	_ =	shalt  }
0x71: {  	_ =	shalt  }
0x72: {  	_ =	shalt  }
0x73: {  	_ =	shalt  }
0x74: {  	_ =	shalt  }
0x75: {  	_ =	shalt  }
0x76: {  	_ =	shalt  }
0x77: {  	_ =	shalt  }
0x78: {  	_ =	shalt  }
0x79: {  	_ =	shalt  }
0x7a: {  	_ =	shalt  }
0x7b: {  	_ =	shalt  }
0x7c: {  	_ =	shalt  }
0x7d: {  	_ =	shalt  }
0x7e: {  	_ =	shalt  }
0x7f: {  	_ =	shalt  }
0x80: {  	_ =	shalt  }
0x81: {  	_ =	shalt  }
0x82: {  	_ =	shalt  }
0x83: {  	_ =	shalt  }
0x84: {  	_ =	shalt  }
0x85: {  	_ =	shalt  }
0x86: {  	_ =	shalt  }
0x87: {  	_ =	shalt  }
.Lfunc_end0:
.L_simem_size_0:
called_computation_lowered:
.L_overlay_start_0:
0x88: {  	s2 =	sld [smem:$0x3FD9]  }
0x89: {  	s3 =	sld [smem:$0x3FFE];
	_ =	sdelay $0x1  }
0x8a: {  	s1 =	srdreg.scid  }
0x8b: {  	s0 =	sand.u32 $0x1, s1  }
0x8c: {  	s16 =	sshll.u32 s0, $0xA;
	s2 =	sadd.s32 s3, s2  }
0x8d: {  	s2 =	sadd.s32 s2, s16  }
0x8e: {  	[smem:$0x3FB9] =	sst s2  }
0x8f: {  	_ = 	snop  }
0x90: {  	(tm) =	ssettm $0x1  }
0x91: {  	s17 =	sld [smem:$0x3FFB];
	_ =	sdelay $0x3  }
0x92: {  	_ =	strace s17  }
0x93: {  	s2 =	sld [smem:$0x3FFC];
	_ =	sdelay $0x3  }
0x94: {  	_ =	strace s2  }
0x95: {  	s2 =	sld [smem:$0x3FFD];
	_ =	sdelay $0x3  }
0x96: {  	_ =	strace s2  }
0x97: {  	_ =	strace $0x8FFFFFFF  }
0x98: {  	s18 =	sld [smem:$0x3FDB];
	_ =	sdelay $0x1  }
0x99: {  	s19 =	simm.s32 $_scs_section_size  }
0x9a: {  	s4 =	simm.s32 $_size__tile_overlayer_lowered;
	s5 =	simm.s32 $_tile_overlayer_lowered  }
0x9b: {  	s22 =	simm.s32 $0x1BFF;
	s21 =	sshll.u32 s5, $0x1;
	s2 =	sadd.s32 s19, s18  }
0x9c: {  	s6 =	simm.s32 $0x0;
	s20 =	sshll.u32 s4, $0x1;
	s4 =	sadd.s32 s21, s2  }
0x9d: {  	[timem:s6], [sflag:s22] =	dma.local [hbm:s4], s20  }
0x9e: {  	_ =	swait.ge [sflag:s22], s20  }
0x9f: {  	s3 =	ssub.s32 $0x0, s20;
	[sflag:s22] =	ssyncset.done $0x0  }
0xa0: {  	[sflag:s22] =	ssyncadd.s32 s3;
	_ =	sdelay $0x1  }
0xa1: {  	s23 =	simm.s32 $0x1B8B  }
0xa2: {  	_ =	swait.ge [sflag:s23], $0x1  }
0xa3: {  	[sflag:s23] =	ssyncset.done $0x0  }
0xa4: {  	s25 =	simm.s32 $0x1B8E;
	s24 =	sld [smem:$0x3FFE];
	[sflag:s23] =	ssyncadd.s32 $0xFFFFFFFF  }
0xa5: {  	s26 =	simm.s32 $execute0_lowered;
	[smem:$0x3FD2] =	sst s25  }
0xa6: {  	s4 =	sshll.u32 s26, $0x1;
	_ =	strace $0x80000046;
	[dreg:$0x1] =	wrdreg $0xFFFFFFFF  }
0xa7: {  	s28 =	simm.s32 $_size_execute0_lowered;
	s2 =	sadd.s32 s2, s4;
	[dreg:$0x0] =	wrdreg $0x0  }
0xa8: {  	s4 =	sshll.u32 s28, $0x1;
	[dreg:$0x2] =	wrdreg s2  }
0xa9: {  	[dreg:$0x3] =	wrdreg s4  }
0xaa: {  	[dreg:$0x4] =	wrdreg $0xC0  }
0xab: {  	_ =	task [dreg:s6], $0x5FFFF  }
0xac: {  	[dreg:$0x1] =	wrdreg $0xFFFFFFFF  }
0xad: {  	[dreg:$0x0] =	wrdreg $0x60  }
0xae: {  	[dreg:$0x2] =	wrdreg s24  }
0xaf: {  	[dreg:$0x3] =	wrdreg $0x9  }
0xb0: {  	_ =	task.clear_ibuf [dreg:s6], $0x4FFFF;
	_ =	strace $0x90000046  }
0xb1: {  	s29 =	simm.s32 $0x9;
	_ =	strace $0x80000048  }
0xb2: {  	_ =	swait.ge [sflag:s29], $0x1  }
0xb3: {  	[sflag:s29] =	ssyncadd.s32 $0xFFFFFFFF  }
0xb4: {  	_ =	strace $0x90000048  }
0xb5: {  	_ =	sfence  }
0xb6: {  	s30 =	sld [smem:$0x0];
	_ =	sdelay $0x2  }
0xb7: {  	s31 =	sshll.u32 s1, $0xD;
	s1 =	sshrl.u32 s1, $0x2  }
0xb8: {  	s3 =	sand.u32 $0x4000, s31;
	s1 =	sadd.s32 s1, s30  }
0xb9: {  	s0 =	sor.u32 s3, s0;
	s1 =	sshll.u32 s1, $0x11  }
0xba: {  	s0 =	sor.u32 s1, s0  }
0xbb: {  	s0 =	sadd.s32 $0x8F2B, s0  }
0xbc: {  	[sflag:s0] =	ssyncadd.remote.s32 $0x1  }
0xbd: {  	_ =	sfence.sel $0xFFFF  }
0xbe: {  	[dreg:$0x0] =	wrdreg $0xFFFFFFFF;
	(pc) =	sbr.abs _section_cstart, $3  }
0xbf: {  	[dreg:$0x1] =	wrdreg $0xFFFFFFFF  }
0xc0: {  	_ =	task.clear_ibuf [dreg:s6], $0x2FFFF;
	_ =	strace $0x9FFFFFFF  }
0xc1: {  	(tm) =	ssettm $0x7FFFFFFF  }
tec
execute0_lowered:
.L_overlay_start_1:
0x0: {  	(tag) =	ssettag $0x1  }
0x1: {  	s0 =	srdreg.scid;
	s2 =	stileid.u32  }
0x2: {  	s0 =	sand.u32 $0x1, s0;
	s2 =	sshll.u32 s2, $0x1  }
0x3: {  	s3 =	sor.u32 s0, s2  }
0x4: {  	s1 =	rddreg [dreg:$0x0];
	s4 =	sshll.u32 s3, $0x9;
	s3 =	smul.u32 $0x3400, s3  }
0x5: {  	s2 =	simm.s32 $0x0;
	s4 =	sadd.s32 s4, s1  }
0x6: {  	[smem:$0x7FF] =	sst s2;
	s3 =	sadd.s32 s3, s1;
	s4 =	sadd.s32 $0x2200, s4  }
0x7: {  	_ =	strace $0x80000047;
	[dreg:$0x2] =	wrdreg s4;
	s20 =	sadd.s32 $0x6200, s3  }
0x8: {  	s21 =	sadd.s32 $0x6204, s3;
	[dreg:$0x3] =	wrdreg s20  }
0x9: {  	s22 =	sadd.s32 $0x6208, s3;
	[dreg:$0x4] =	wrdreg s21  }
0xa: {  	s23 =	sadd.s32 $0x620C, s3;
	[dreg:$0x5] =	wrdreg s22  }
0xb: {  	s24 =	sadd.s32 $0x6210, s3;
	[dreg:$0x6] =	wrdreg s23  }
0xc: {  	s25 =	sadd.s32 $0x6214, s3;
	[dreg:$0x7] =	wrdreg s24  }
0xd: {  	s26 =	sadd.s32 $0x6218, s3;
	[dreg:$0x8] =	wrdreg s25  }
0xe: {  	s5 =	sadd.s32 $0x621C, s3;
	[dreg:$0x9] =	wrdreg s26  }
0xf: {  	s6 =	sadd.s32 $0x6220, s3;
	[dreg:$0xa] =	wrdreg s5  }
0x10: {  	s7 =	sadd.s32 $0x6224, s3;
	[dreg:$0xb] =	wrdreg s6  }
0x11: {  	s8 =	sadd.s32 $0x6228, s3;
	[dreg:$0xc] =	wrdreg s7  }
0x12: {  	s9 =	sadd.s32 $0x622C, s3;
	[dreg:$0xd] =	wrdreg s8  }
0x13: {  	s10 =	sadd.s32 $0x6230, s3;
	[dreg:$0xe] =	wrdreg s9  }
0x14: {  	s11 =	sadd.s32 $0x6234, s3;
	[dreg:$0xf] =	wrdreg s10  }
0x15: {  	s12 =	sadd.s32 $0x6238, s3;
	[dreg:$0x10] =	wrdreg s11  }
0x16: {  	s13 =	sadd.s32 $0x623C, s3;
	[dreg:$0x11] =	wrdreg s12  }
0x17: {  	s14 =	sadd.s32 $0x6240, s3;
	[dreg:$0x12] =	wrdreg s13  }
0x18: {  	s15 =	sadd.s32 $0x6244, s3;
	[dreg:$0x13] =	wrdreg s14  }
0x19: {  	s16 =	sadd.s32 $0x6248, s3;
	[dreg:$0x14] =	wrdreg s15  }
0x1a: {  	s17 =	sadd.s32 $0x624C, s3;
	[dreg:$0x15] =	wrdreg s16  }
0x1b: {  	s18 =	sadd.s32 $0x6250, s3;
	[dreg:$0x16] =	wrdreg s17  }
0x1c: {  	s19 =	sadd.s32 $0x6254, s3;
	[dreg:$0x17] =	wrdreg s18  }
0x1d: {  	s4 =	simm.s32 $0x1200;
	[dreg:$0x18] =	wrdreg s19  }
0x1e: {  	s20 =	sadd.s32 $0x6258, s3;
	[smem:$0x7E8] =	sst s4  }
0x1f: {  	s21 =	sadd.s32 $0x625C, s3;
	[dreg:$0x19] =	wrdreg s20  }
0x20: {  	s22 =	sadd.s32 $0x6260, s3;
	[dreg:$0x1a] =	wrdreg s21  }
0x21: {  	s3 =	sadd.s32 $0x6264, s3;
	[dreg:$0x1b] =	wrdreg s22  }
0x22: {  	s23 =	simm.s32 $0x1000;
	[dreg:$0x1c] =	wrdreg s3  }
0x23: {  	s24 =	simm.s32 $0x1080;
	[dreg:$0x1d] =	wrdreg s23  }
0x24: {  	s25 =	simm.s32 $0x1100;
	[dreg:$0x1e] =	wrdreg s24  }
0x25: {  	s26 =	simm.s32 $0x1180;
	[dreg:$0x1f] =	wrdreg s25  }
0x26: {  	s6 =	simm.s32 $0x1280;
	[smem:$0x7E7] =	sst s26  }
0x27: {  	v0 =	vlaneseq.u32;
	s7 =	simm.s32 $0x1300;
	[smem:$0x7E9] =	sst s6  }
0x28: {  	v0 =	vmul.u32 $0x20, v0;
	s8 =	simm.s32 $0x1380;
	[smem:$0x7EA] =	sst s7  }
0x29: {  	s9 =	simm.s32 $0x1400;
	[smem:$0x7EB] =	sst s8  }
0x2a: {  	s28 =	simm.s32 $0xFD00;
	v1 =	vor.u32 $0x200, v0;
	v3 =	vor.u32 $0x600, v0;
	v4 =	vor.u32 $0x800, v0;
	s10 =	simm.s32 $0x1480;
	[smem:$0x7EC] =	sst s9  }
0x2b: {  	s29 =	simm.s32 $0x10D00;
	v5 =	vor.u32 $0xA00, v0;
	v6 =	vor.u32 $0xC00, v0;
	v7 =	vor.u32 $0xE00, v0;
	s11 =	simm.s32 $0x1500;
	[smem:$0x7ED] =	sst s10  }
0x2c: {  	s30 =	simm.s32 $0x11D00;
	v8 =	vor.u32 $0x1, v0;
	v9 =	vor.u32 $0x201, v0;
	v10 =	vor.u32 $0x401, v0;
	s12 =	simm.s32 $0x1580;
	[smem:$0x7EE] =	sst s11  }
0x2d: {  	s31 =	simm.s32 $0x12D00;
	v11 =	vor.u32 $0x601, v0;
	v12 =	vor.u32 $0x801, v0;
	v13 =	vor.u32 $0xA01, v0;
	s13 =	simm.s32 $0x1600;
	[smem:$0x7EF] =	sst s12  }
0x2e: {  	s0 =	ssub.s32 $0x2, s0;
	v14 =	vor.u32 $0xC01, v0;
	v15 =	vor.u32 $0xE01, v0;
	v16 =	vor.u32 $0x2, v0;
	s14 =	simm.s32 $0x1680;
	[smem:$0x7F0] =	sst s13  }
0x2f: {  	v17 =	vor.u32 $0x202, v0;
	v18 =	vor.u32 $0x402, v0;
	v19 =	vor.u32 $0x602, v0;
	s5 =	sshrl.u32 s0, $0x1;
	s15 =	simm.s32 $0x1700;
	[smem:$0x7F1] =	sst s14  }
0x30: {  	v20 =	vor.u32 $0x802, v0;
	v21 =	vor.u32 $0xA02, v0;
	v22 =	vor.u32 $0xC02, v0;
	s16 =	simm.s32 $0x1780;
	s17 =	simm.s32 $0x1800;
	[smem:$0x7F2] =	sst s15  }
0x31: {  	v23 =	vor.u32 $0xE02, v0;
	v24 =	vor.u32 $0x3, v0;
	v25 =	vor.u32 $0x203, v0;
	s18 =	simm.s32 $0x1880;
	s19 =	simm.s32 $0x1900;
	[smem:$0x7F3] =	sst s16  }
0x32: {  	v26 =	vor.u32 $0x403, v0;
	v27 =	vor.u32 $0x603, v0;
	v28 =	vor.u32 $0x803, v0;
	s3 =	sadd.s32 $0xF44600, s1;
	s0 =	ssub.s32 s0, s5;
	[smem:$0x7F4] =	sst s17  }
0x33: {  	v29 =	vor.u32 $0xA03, v0;
	v30 =	vor.u32 $0xC03, v0;
	v31 =	vor.u32 $0xE03, v0;
	s5 =	simm.s32 $0x1B;
	s6 =	simm.s32 $0x80;
	[smem:$0x7F5] =	sst s18  }
0x34: {  	v32 =	vor.u32 $0x4, v0;
	v33 =	vor.u32 $0x204, v0;
	v34 =	vor.u32 $0x404, v0;
	[smem:$0x7F6] =	sst s19;
	s20 =	simm.s32 $0x1980;
	s21 =	simm.s32 $0x1A00  }
0x35: {  	v35 =	vor.u32 $0x604, v0;
	v36 =	vor.u32 $0x804, v0;
	v37 =	vor.u32 $0xA04, v0;
	s22 =	simm.s32 $0x1A80;
	s23 =	simm.s32 $0x1B00;
	s24 =	simm.s32 $0x1B80  }
0x36: {  	v38 =	vor.u32 $0xC04, v0;
	v39 =	vor.u32 $0xE04, v0;
	v40 =	vor.u32 $0x5, v0;
	s25 =	simm.s32 $0x1C00;
	s26 =	simm.s32 $0x1C80;
	[smem:$0x7F7] =	sst s20  }
0x37: {  	v41 =	vor.u32 $0x205, v0;
	v42 =	vor.u32 $0x405, v0;
	v43 =	vor.u32 $0x605, v0;
	s8 =	simm.s32 $0x20;
	s9 =	simm.s32 $0x340;
	[smem:$0x7F8] =	sst s21  }
0x38: {  	v44 =	vor.u32 $0x805, v0;
	v45 =	vor.u32 $0xA05, v0;
	v46 =	vor.u32 $0xC05, v0;
	s13 =	simm.s32 $0x1D00;
	s14 =	simm.s32 $0x2D00;
	[smem:$0x7F9] =	sst s22  }
0x39: {  	v47 =	vor.u32 $0xE05, v0;
	v49 =	vor.u32 $0x206, v0;
	v50 =	vor.u32 $0x406, v0;
	s15 =	simm.s32 $0x3D00;
	s16 =	simm.s32 $0x4D00;
	[smem:$0x7FA] =	sst s23  }
0x3a: {  	v51 =	vor.u32 $0x606, v0;
	v52 =	vor.u32 $0x806, v0;
	v53 =	vor.u32 $0xA06, v0;
	s17 =	simm.s32 $0x5D00;
	s18 =	simm.s32 $0x6D00;
	[smem:$0x7FB] =	sst s24  }
0x3b: {  	v54 =	vor.u32 $0xC06, v0;
	v55 =	vor.u32 $0xE06, v0;
	v57 =	vor.u32 $0x207, v0;
	s19 =	simm.s32 $0x7D00;
	s7 =	simm.s32 $0x15D00;
	[smem:$0x7FC] =	sst s25  }
0x3c: {  	v58 =	vor.u32 $0x407, v0;
	v59 =	vor.u32 $0x607, v0;
	v60 =	vor.u32 $0x807, v0;
	s4 =	smax.u32 s0, $0x1;
	[smem:$0x7FD] =	sst s26;
	s20 =	simm.s32 $0x8D00  }
0x3d: {  	v48 =	vor.u32 $0x6, v0;
	v61 =	vor.u32 $0xA07, v0;
	[tilespmem:$0x1FFE0] =	vst v1;
	v1 =	vor.u32 $0x400, v0;
	s21 =	simm.s32 $0x9D00;
	s22 =	simm.s32 $0xAD00;
	s23 =	simm.s32 $0xBD00  }
0x3e: {  	v56 =	vor.u32 $0x7, v0;
	v62 =	vor.u32 $0xC07, v0;
	v63 =	vor.u32 $0xE07, v0;
	[tilespmem:$0x1FFF0] =	vst v1;
	s24 =	simm.s32 $0xCD00;
	s25 =	simm.s32 $0xDD00;
	s26 =	simm.s32 $0xED00  }
.LBB2_1:
0x3f: {  	s11 =	rddreg [dreg:$0x2]  }
0x40: {  	[tilespmem:s2], [sflag:$0x1B] =	stream.linear.gather [hbm4b:s11+s2], $0x1000, $0x38;
	[tilespmem:$0x1BD00] =	vst v63  }
0x41: {  	_ =	swait.ge [sflag:s5], $0x1000  }
0x42: {  	[sflag:s5] =	ssyncset.done $0x0  }
0x43: {  	[sflag:s5] =	ssyncadd.s32 $0xFFFFF000  }
0x44: {  	v1 =	vld.idx.msk [tilespmem:v0+s2+$0x0], $0xffff;
	_ =	sdelay $0x4  }
0x45: {  	[tilespmem:$0x1000] =	vst v1;
	v1 =	vld [tilespmem:$0x1FFE0];
	_ =	sdelay $0x7  }
0x46: {  	v1 =	vld.idx.msk [tilespmem:v1+s2+$0x0], $0xffff;
	_ =	sdelay $0x4  }
0x47: {  	[tilespmem:$0x1010] =	vst v1;
	v1 =	vld [tilespmem:$0x1FFF0];
	_ =	sdelay $0x7  }
0x48: {  	v1 =	vld.idx.msk [tilespmem:v1+s2+$0x0], $0xffff;
	_ =	sdelay $0x4  }
0x49: {  	[tilespmem:$0x1020] =	vst v1  }
0x4a: {  	v1 =	vld.idx.msk [tilespmem:v3+s2+$0x0], $0xffff;
	_ =	sdelay $0x4  }
0x4b: {  	[tilespmem:$0x1030] =	vst v1  }
0x4c: {  	v1 =	vld.idx.msk [tilespmem:v4+s2+$0x0], $0xffff;
	_ =	sdelay $0x4  }
0x4d: {  	[tilespmem:$0x1040] =	vst v1  }
0x4e: {  	v1 =	vld.idx.msk [tilespmem:v5+s2+$0x0], $0xffff;
	_ =	sdelay $0x4  }
0x4f: {  	[tilespmem:$0x1050] =	vst v1  }
0x50: {  	v1 =	vld.idx.msk [tilespmem:v6+s2+$0x0], $0xffff;
	_ =	sdelay $0x4  }
0x51: {  	[tilespmem:$0x1060] =	vst v1  }
0x52: {  	v1 =	vld.idx.msk [tilespmem:v7+s2+$0x0], $0xffff;
	_ =	sdelay $0x4  }
0x53: {  	[tilespmem:$0x1070] =	vst v1  }
0x54: {  	v1 =	vld.idx.msk [tilespmem:v8+s2+$0x0], $0xffff;
	_ =	sdelay $0x4  }
0x55: {  	[tilespmem:$0x1080] =	vst v1  }
0x56: {  	v1 =	vld.idx.msk [tilespmem:v9+s2+$0x0], $0xffff;
	_ =	sdelay $0x4  }
0x57: {  	[tilespmem:$0x1090] =	vst v1  }
0x58: {  	v1 =	vld.idx.msk [tilespmem:v10+s2+$0x0], $0xffff;
	_ =	sdelay $0x4  }
0x59: {  	[tilespmem:$0x10A0] =	vst v1  }
0x5a: {  	v1 =	vld.idx.msk [tilespmem:v11+s2+$0x0], $0xffff;
	_ =	sdelay $0x4  }
0x5b: {  	[tilespmem:$0x10B0] =	vst v1  }
0x5c: {  	v1 =	vld.idx.msk [tilespmem:v12+s2+$0x0], $0xffff;
	_ =	sdelay $0x4  }
0x5d: {  	[tilespmem:$0x10C0] =	vst v1  }
0x5e: {  	v1 =	vld.idx.msk [tilespmem:v13+s2+$0x0], $0xffff;
	_ =	sdelay $0x4  }
0x5f: {  	[tilespmem:$0x10D0] =	vst v1  }
0x60: {  	v1 =	vld.idx.msk [tilespmem:v14+s2+$0x0], $0xffff;
	_ =	sdelay $0x4  }
0x61: {  	[tilespmem:$0x10E0] =	vst v1  }
0x62: {  	v1 =	vld.idx.msk [tilespmem:v15+s2+$0x0], $0xffff;
	_ =	sdelay $0x4  }
0x63: {  	[tilespmem:$0x10F0] =	vst v1  }
0x64: {  	v1 =	vld.idx.msk [tilespmem:v16+s2+$0x0], $0xffff;
	_ =	sdelay $0x4  }
0x65: {  	[tilespmem:$0x1100] =	vst v1  }
0x66: {  	v1 =	vld.idx.msk [tilespmem:v17+s2+$0x0], $0xffff;
	_ =	sdelay $0x4  }
0x67: {  	[tilespmem:$0x1110] =	vst v1  }
0x68: {  	v1 =	vld.idx.msk [tilespmem:v18+s2+$0x0], $0xffff;
	_ =	sdelay $0x4  }
0x69: {  	[tilespmem:$0x1120] =	vst v1  }
0x6a: {  	v1 =	vld.idx.msk [tilespmem:v19+s2+$0x0], $0xffff;
	_ =	sdelay $0x4  }
0x6b: {  	[tilespmem:$0x1130] =	vst v1  }
0x6c: {  	v1 =	vld.idx.msk [tilespmem:v20+s2+$0x0], $0xffff;
	_ =	sdelay $0x4  }
0x6d: {  	[tilespmem:$0x1140] =	vst v1  }
0x6e: {  	v1 =	vld.idx.msk [tilespmem:v21+s2+$0x0], $0xffff;
	_ =	sdelay $0x4  }
0x6f: {  	[tilespmem:$0x1150] =	vst v1  }
0x70: {  	v1 =	vld.idx.msk [tilespmem:v22+s2+$0x0], $0xffff;
	_ =	sdelay $0x4  }
0x71: {  	[tilespmem:$0x1160] =	vst v1  }
0x72: {  	v1 =	vld.idx.msk [tilespmem:v23+s2+$0x0], $0xffff;
	_ =	sdelay $0x4  }
0x73: {  	[tilespmem:$0x1170] =	vst v1  }
0x74: {  	v1 =	vld.idx.msk [tilespmem:v24+s2+$0x0], $0xffff;
	_ =	sdelay $0x4  }
0x75: {  	[tilespmem:$0x1180] =	vst v1  }
0x76: {  	v1 =	vld.idx.msk [tilespmem:v25+s2+$0x0], $0xffff;
	_ =	sdelay $0x4  }
0x77: {  	[tilespmem:$0x1190] =	vst v1  }
0x78: {  	v1 =	vld.idx.msk [tilespmem:v26+s2+$0x0], $0xffff;
	_ =	sdelay $0x4  }
0x79: {  	[tilespmem:$0x11A0] =	vst v1  }
0x7a: {  	v1 =	vld.idx.msk [tilespmem:v27+s2+$0x0], $0xffff;
	_ =	sdelay $0x4  }
0x7b: {  	[tilespmem:$0x11B0] =	vst v1  }
0x7c: {  	v1 =	vld.idx.msk [tilespmem:v28+s2+$0x0], $0xffff;
	_ =	sdelay $0x4  }
0x7d: {  	[tilespmem:$0x11C0] =	vst v1  }
0x7e: {  	v1 =	vld.idx.msk [tilespmem:v29+s2+$0x0], $0xffff;
	_ =	sdelay $0x4  }
0x7f: {  	[tilespmem:$0x11D0] =	vst v1  }
0x80: {  	v1 =	vld.idx.msk [tilespmem:v30+s2+$0x0], $0xffff;
	_ =	sdelay $0x4  }
0x81: {  	[tilespmem:$0x11E0] =	vst v1  }
0x82: {  	v1 =	vld.idx.msk [tilespmem:v31+s2+$0x0], $0xffff;
	_ =	sdelay $0x4  }
0x83: {  	[tilespmem:$0x11F0] =	vst v1  }
0x84: {  	v1 =	vld.idx.msk [tilespmem:v32+s2+$0x0], $0xffff;
	_ =	sdelay $0x4  }
0x85: {  	[tilespmem:$0x1200] =	vst v1  }
0x86: {  	v1 =	vld.idx.msk [tilespmem:v33+s2+$0x0], $0xffff;
	_ =	sdelay $0x4  }
0x87: {  	[tilespmem:$0x1210] =	vst v1  }
0x88: {  	v1 =	vld.idx.msk [tilespmem:v34+s2+$0x0], $0xffff;
	_ =	sdelay $0x4  }
0x89: {  	[tilespmem:$0x1220] =	vst v1  }
0x8a: {  	v1 =	vld.idx.msk [tilespmem:v35+s2+$0x0], $0xffff;
	_ =	sdelay $0x4  }
0x8b: {  	[tilespmem:$0x1230] =	vst v1  }
0x8c: {  	v1 =	vld.idx.msk [tilespmem:v36+s2+$0x0], $0xffff;
	_ =	sdelay $0x4  }
0x8d: {  	[tilespmem:$0x1240] =	vst v1  }
0x8e: {  	v1 =	vld.idx.msk [tilespmem:v37+s2+$0x0], $0xffff;
	_ =	sdelay $0x4  }
0x8f: {  	[tilespmem:$0x1250] =	vst v1  }
0x90: {  	v1 =	vld.idx.msk [tilespmem:v38+s2+$0x0], $0xffff;
	_ =	sdelay $0x4  }
0x91: {  	[tilespmem:$0x1260] =	vst v1  }
0x92: {  	v1 =	vld.idx.msk [tilespmem:v39+s2+$0x0], $0xffff;
	_ =	sdelay $0x4  }
0x93: {  	[tilespmem:$0x1270] =	vst v1  }
0x94: {  	v1 =	vld.idx.msk [tilespmem:v40+s2+$0x0], $0xffff;
	_ =	sdelay $0x4  }
0x95: {  	[tilespmem:$0x1280] =	vst v1  }
0x96: {  	v1 =	vld.idx.msk [tilespmem:v41+s2+$0x0], $0xffff;
	_ =	sdelay $0x4  }
0x97: {  	[tilespmem:$0x1290] =	vst v1  }
0x98: {  	v1 =	vld.idx.msk [tilespmem:v42+s2+$0x0], $0xffff;
	_ =	sdelay $0x4  }
0x99: {  	[tilespmem:$0x12A0] =	vst v1  }
0x9a: {  	v1 =	vld.idx.msk [tilespmem:v43+s2+$0x0], $0xffff;
	_ =	sdelay $0x4  }
0x9b: {  	[tilespmem:$0x12B0] =	vst v1  }
0x9c: {  	v1 =	vld.idx.msk [tilespmem:v44+s2+$0x0], $0xffff;
	_ =	sdelay $0x4  }
0x9d: {  	[tilespmem:$0x12C0] =	vst v1  }
0x9e: {  	v1 =	vld.idx.msk [tilespmem:v45+s2+$0x0], $0xffff;
	_ =	sdelay $0x4  }
0x9f: {  	[tilespmem:$0x12D0] =	vst v1  }
0xa0: {  	v1 =	vld.idx.msk [tilespmem:v46+s2+$0x0], $0xffff;
	_ =	sdelay $0x4  }
0xa1: {  	[tilespmem:$0x12E0] =	vst v1  }
0xa2: {  	v1 =	vld.idx.msk [tilespmem:v47+s2+$0x0], $0xffff;
	_ =	sdelay $0x4  }
0xa3: {  	[tilespmem:$0x12F0] =	vst v1  }
0xa4: {  	v1 =	vld.idx.msk [tilespmem:v48+s2+$0x0], $0xffff;
	_ =	sdelay $0x4  }
0xa5: {  	[tilespmem:$0x1300] =	vst v1  }
0xa6: {  	v1 =	vld.idx.msk [tilespmem:v49+s2+$0x0], $0xffff;
	_ =	sdelay $0x4  }
0xa7: {  	[tilespmem:$0x1310] =	vst v1  }
0xa8: {  	v1 =	vld.idx.msk [tilespmem:v50+s2+$0x0], $0xffff;
	_ =	sdelay $0x4  }
0xa9: {  	[tilespmem:$0x1320] =	vst v1  }
0xaa: {  	v1 =	vld.idx.msk [tilespmem:v51+s2+$0x0], $0xffff;
	_ =	sdelay $0x4  }
0xab: {  	[tilespmem:$0x1330] =	vst v1  }
0xac: {  	v1 =	vld.idx.msk [tilespmem:v52+s2+$0x0], $0xffff;
	_ =	sdelay $0x4  }
0xad: {  	[tilespmem:$0x1340] =	vst v1  }
0xae: {  	v1 =	vld.idx.msk [tilespmem:v53+s2+$0x0], $0xffff;
	_ =	sdelay $0x4  }
0xaf: {  	[tilespmem:$0x1350] =	vst v1  }
0xb0: {  	v1 =	vld.idx.msk [tilespmem:v54+s2+$0x0], $0xffff;
	_ =	sdelay $0x4  }
0xb1: {  	[tilespmem:$0x1360] =	vst v1  }
0xb2: {  	v1 =	vld.idx.msk [tilespmem:v55+s2+$0x0], $0xffff;
	_ =	sdelay $0x4  }
0xb3: {  	[tilespmem:$0x1370] =	vst v1  }
0xb4: {  	v1 =	vld.idx.msk [tilespmem:v56+s2+$0x0], $0xffff;
	_ =	sdelay $0x4  }
0xb5: {  	[tilespmem:$0x1380] =	vst v1  }
0xb6: {  	v1 =	vld.idx.msk [tilespmem:v57+s2+$0x0], $0xffff;
	_ =	sdelay $0x4  }
0xb7: {  	[tilespmem:$0x1390] =	vst v1  }
0xb8: {  	v1 =	vld.idx.msk [tilespmem:v58+s2+$0x0], $0xffff;
	_ =	sdelay $0x4  }
0xb9: {  	[tilespmem:$0x13A0] =	vst v1  }
0xba: {  	v1 =	vld.idx.msk [tilespmem:v59+s2+$0x0], $0xffff;
	_ =	sdelay $0x4  }
0xbb: {  	[tilespmem:$0x13B0] =	vst v1  }
0xbc: {  	v1 =	vld.idx.msk [tilespmem:v60+s2+$0x0], $0xffff;
	_ =	sdelay $0x4  }
0xbd: {  	[tilespmem:$0x13C0] =	vst v1  }
0xbe: {  	v1 =	vld.idx.msk [tilespmem:v61+s2+$0x0], $0xffff;
	_ =	sdelay $0x4  }
0xbf: {  	[tilespmem:$0x13D0] =	vst v1  }
0xc0: {  	v1 =	vld.idx.msk [tilespmem:v62+s2+$0x0], $0xffff;
	_ =	sdelay $0x4  }
0xc1: {  	[tilespmem:$0x13E0] =	vst v1  }
0xc2: {  	v1 =	vld.idx.msk [tilespmem:v63+s2+$0x0], $0xffff  }
0xc3: {  	v2 =	vor.u32 $0x8, v0;
	_ =	sdelay $0x3  }
0xc4: {  	[tilespmem:$0x13F0] =	vst v1  }
0xc5: {  	v1 =	vld.idx.msk [tilespmem:v2+s2+$0x0], $0xffff  }
0xc6: {  	v2 =	vor.u32 $0x208, v0;
	_ =	sdelay $0x3  }
0xc7: {  	[tilespmem:$0x1400] =	vst v1  }
0xc8: {  	v1 =	vld.idx.msk [tilespmem:v2+s2+$0x0], $0xffff  }
0xc9: {  	v2 =	vor.u32 $0x408, v0;
	_ =	sdelay $0x3  }
0xca: {  	[tilespmem:$0x1410] =	vst v1  }
0xcb: {  	v1 =	vld.idx.msk [tilespmem:v2+s2+$0x0], $0xffff  }
0xcc: {  	v2 =	vor.u32 $0x608, v0;
	_ =	sdelay $0x3  }
0xcd: {  	[tilespmem:$0x1420] =	vst v1  }
0xce: {  	v1 =	vld.idx.msk [tilespmem:v2+s2+$0x0], $0xffff  }
0xcf: {  	v2 =	vor.u32 $0x808, v0;
	_ =	sdelay $0x3  }
0xd0: {  	[tilespmem:$0x1430] =	vst v1  }
0xd1: {  	v1 =	vld.idx.msk [tilespmem:v2+s2+$0x0], $0xffff  }
0xd2: {  	v2 =	vor.u32 $0xA08, v0;
	_ =	sdelay $0x3  }
0xd3: {  	[tilespmem:$0x1440] =	vst v1  }
0xd4: {  	v1 =	vld.idx.msk [tilespmem:v2+s2+$0x0], $0xffff  }
0xd5: {  	v2 =	vor.u32 $0xC08, v0;
	_ =	sdelay $0x3  }
0xd6: {  	[tilespmem:$0x1450] =	vst v1  }
0xd7: {  	v1 =	vld.idx.msk [tilespmem:v2+s2+$0x0], $0xffff  }
0xd8: {  	v2 =	vor.u32 $0xE08, v0;
	_ =	sdelay $0x3  }
0xd9: {  	[tilespmem:$0x1460] =	vst v1  }
0xda: {  	v1 =	vld.idx.msk [tilespmem:v2+s2+$0x0], $0xffff  }
0xdb: {  	v2 =	vor.u32 $0x9, v0;
	_ =	sdelay $0x3  }
0xdc: {  	[tilespmem:$0x1470] =	vst v1  }
0xdd: {  	v1 =	vld.idx.msk [tilespmem:v2+s2+$0x0], $0xffff  }
0xde: {  	v2 =	vor.u32 $0x209, v0;
	_ =	sdelay $0x3  }
0xdf: {  	[tilespmem:$0x1480] =	vst v1  }
0xe0: {  	v1 =	vld.idx.msk [tilespmem:v2+s2+$0x0], $0xffff  }
0xe1: {  	v2 =	vor.u32 $0x409, v0;
	_ =	sdelay $0x3  }
0xe2: {  	[tilespmem:$0x1490] =	vst v1  }
0xe3: {  	v1 =	vld.idx.msk [tilespmem:v2+s2+$0x0], $0xffff  }
0xe4: {  	v2 =	vor.u32 $0x609, v0;
	_ =	sdelay $0x3  }
0xe5: {  	[tilespmem:$0x14A0] =	vst v1  }
0xe6: {  	v1 =	vld.idx.msk [tilespmem:v2+s2+$0x0], $0xffff  }
0xe7: {  	v2 =	vor.u32 $0x809, v0;
	_ =	sdelay $0x3  }
0xe8: {  	[tilespmem:$0x14B0] =	vst v1  }
0xe9: {  	v1 =	vld.idx.msk [tilespmem:v2+s2+$0x0], $0xffff  }
0xea: {  	v2 =	vor.u32 $0xA09, v0;
	_ =	sdelay $0x3  }
0xeb: {  	[tilespmem:$0x14C0] =	vst v1  }
0xec: {  	v1 =	vld.idx.msk [tilespmem:v2+s2+$0x0], $0xffff  }
0xed: {  	v2 =	vor.u32 $0xC09, v0;
	_ =	sdelay $0x3  }
0xee: {  	[tilespmem:$0x14D0] =	vst v1  }
0xef: {  	v1 =	vld.idx.msk [tilespmem:v2+s2+$0x0], $0xffff  }
0xf0: {  	v2 =	vor.u32 $0xE09, v0;
	_ =	sdelay $0x3  }
0xf1: {  	[tilespmem:$0x14E0] =	vst v1  }
0xf2: {  	v1 =	vld.idx.msk [tilespmem:v2+s2+$0x0], $0xffff  }
0xf3: {  	v2 =	vor.u32 $0xA, v0;
	_ =	sdelay $0x3  }
0xf4: {  	[tilespmem:$0x14F0] =	vst v1  }
0xf5: {  	v1 =	vld.idx.msk [tilespmem:v2+s2+$0x0], $0xffff  }
0xf6: {  	v2 =	vor.u32 $0x20A, v0;
	_ =	sdelay $0x3  }
0xf7: {  	[tilespmem:$0x1500] =	vst v1  }
0xf8: {  	v1 =	vld.idx.msk [tilespmem:v2+s2+$0x0], $0xffff  }
0xf9: {  	v2 =	vor.u32 $0x40A, v0;
	_ =	sdelay $0x3  }
0xfa: {  	[tilespmem:$0x1510] =	vst v1  }
0xfb: {  	v1 =	vld.idx.msk [tilespmem:v2+s2+$0x0], $0xffff  }
0xfc: {  	v2 =	vor.u32 $0x60A, v0;
	_ =	sdelay $0x3  }
0xfd: {  	[tilespmem:$0x1520] =	vst v1  }
0xfe: {  	v1 =	vld.idx.msk [tilespmem:v2+s2+$0x0], $0xffff  }
0xff: {  	v2 =	vor.u32 $0x80A, v0;
	_ =	sdelay $0x3  }
0x100: {  	[tilespmem:$0x1530] =	vst v1  }
0x101: {  	v1 =	vld.idx.msk [tilespmem:v2+s2+$0x0], $0xffff  }
0x102: {  	v2 =	vor.u32 $0xA0A, v0;
	_ =	sdelay $0x3  }
0x103: {  	[tilespmem:$0x1540] =	vst v1  }
0x104: {  	v1 =	vld.idx.msk [tilespmem:v2+s2+$0x0], $0xffff  }
0x105: {  	v2 =	vor.u32 $0xC0A, v0;
	_ =	sdelay $0x3  }
0x106: {  	[tilespmem:$0x1550] =	vst v1  }
0x107: {  	v1 =	vld.idx.msk [tilespmem:v2+s2+$0x0], $0xffff  }
0x108: {  	v2 =	vor.u32 $0xE0A, v0;
	_ =	sdelay $0x3  }
0x109: {  	[tilespmem:$0x1560] =	vst v1  }
0x10a: {  	v1 =	vld.idx.msk [tilespmem:v2+s2+$0x0], $0xffff  }
0x10b: {  	v2 =	vor.u32 $0xB, v0;
	_ =	sdelay $0x3  }
0x10c: {  	[tilespmem:$0x1570] =	vst v1  }
0x10d: {  	v1 =	vld.idx.msk [tilespmem:v2+s2+$0x0], $0xffff  }
0x10e: {  	v2 =	vor.u32 $0x20B, v0;
	_ =	sdelay $0x3  }
0x10f: {  	[tilespmem:$0x1580] =	vst v1  }
0x110: {  	v1 =	vld.idx.msk [tilespmem:v2+s2+$0x0], $0xffff  }
0x111: {  	v2 =	vor.u32 $0x40B, v0;
	_ =	sdelay $0x3  }
0x112: {  	[tilespmem:$0x1590] =	vst v1  }
0x113: {  	v1 =	vld.idx.msk [tilespmem:v2+s2+$0x0], $0xffff  }
0x114: {  	v2 =	vor.u32 $0x60B, v0;
	_ =	sdelay $0x3  }
0x115: {  	[tilespmem:$0x15A0] =	vst v1  }
0x116: {  	v1 =	vld.idx.msk [tilespmem:v2+s2+$0x0], $0xffff  }
0x117: {  	v2 =	vor.u32 $0x80B, v0;
	_ =	sdelay $0x3  }
0x118: {  	[tilespmem:$0x15B0] =	vst v1  }
0x119: {  	v1 =	vld.idx.msk [tilespmem:v2+s2+$0x0], $0xffff  }
0x11a: {  	v2 =	vor.u32 $0xA0B, v0;
	_ =	sdelay $0x3  }
0x11b: {  	[tilespmem:$0x15C0] =	vst v1  }
0x11c: {  	v1 =	vld.idx.msk [tilespmem:v2+s2+$0x0], $0xffff  }
0x11d: {  	v2 =	vor.u32 $0xC0B, v0;
	_ =	sdelay $0x3  }
0x11e: {  	[tilespmem:$0x15D0] =	vst v1  }
0x11f: {  	v1 =	vld.idx.msk [tilespmem:v2+s2+$0x0], $0xffff  }
0x120: {  	v2 =	vor.u32 $0xE0B, v0;
	_ =	sdelay $0x3  }
0x121: {  	[tilespmem:$0x15E0] =	vst v1  }
0x122: {  	v1 =	vld.idx.msk [tilespmem:v2+s2+$0x0], $0xffff  }
0x123: {  	v2 =	vor.u32 $0xC, v0;
	_ =	sdelay $0x3  }
0x124: {  	[tilespmem:$0x15F0] =	vst v1  }
0x125: {  	v1 =	vld.idx.msk [tilespmem:v2+s2+$0x0], $0xffff  }
0x126: {  	v2 =	vor.u32 $0x20C, v0;
	_ =	sdelay $0x3  }
0x127: {  	[tilespmem:$0x1600] =	vst v1  }
0x128: {  	v1 =	vld.idx.msk [tilespmem:v2+s2+$0x0], $0xffff  }
0x129: {  	v2 =	vor.u32 $0x40C, v0;
	_ =	sdelay $0x3  }
0x12a: {  	[tilespmem:$0x1610] =	vst v1  }
0x12b: {  	v1 =	vld.idx.msk [tilespmem:v2+s2+$0x0], $0xffff  }
0x12c: {  	v2 =	vor.u32 $0x60C, v0;
	_ =	sdelay $0x3  }
0x12d: {  	[tilespmem:$0x1620] =	vst v1  }
0x12e: {  	v1 =	vld.idx.msk [tilespmem:v2+s2+$0x0], $0xffff  }
0x12f: {  	v2 =	vor.u32 $0x80C, v0;
	_ =	sdelay $0x3  }
0x130: {  	[tilespmem:$0x1630] =	vst v1  }
0x131: {  	v1 =	vld.idx.msk [tilespmem:v2+s2+$0x0], $0xffff  }
0x132: {  	v2 =	vor.u32 $0xA0C, v0;
	_ =	sdelay $0x3  }
0x133: {  	[tilespmem:$0x1640] =	vst v1  }
0x134: {  	v1 =	vld.idx.msk [tilespmem:v2+s2+$0x0], $0xffff  }
0x135: {  	v2 =	vor.u32 $0xC0C, v0;
	_ =	sdelay $0x3  }
0x136: {  	[tilespmem:$0x1650] =	vst v1  }
0x137: {  	v1 =	vld.idx.msk [tilespmem:v2+s2+$0x0], $0xffff  }
0x138: {  	v2 =	vor.u32 $0xE0C, v0;
	_ =	sdelay $0x3  }
0x139: {  	[tilespmem:$0x1660] =	vst v1  }
0x13a: {  	v1 =	vld.idx.msk [tilespmem:v2+s2+$0x0], $0xffff  }
0x13b: {  	v2 =	vor.u32 $0xD, v0;
	_ =	sdelay $0x3  }
0x13c: {  	[tilespmem:$0x1670] =	vst v1  }
0x13d: {  	v1 =	vld.idx.msk [tilespmem:v2+s2+$0x0], $0xffff  }
0x13e: {  	v2 =	vor.u32 $0x20D, v0;
	_ =	sdelay $0x3  }
0x13f: {  	[tilespmem:$0x1680] =	vst v1  }
0x140: {  	v1 =	vld.idx.msk [tilespmem:v2+s2+$0x0], $0xffff  }
0x141: {  	v2 =	vor.u32 $0x40D, v0;
	_ =	sdelay $0x3  }
0x142: {  	[tilespmem:$0x1690] =	vst v1  }
0x143: {  	v1 =	vld.idx.msk [tilespmem:v2+s2+$0x0], $0xffff  }
0x144: {  	v2 =	vor.u32 $0x60D, v0;
	_ =	sdelay $0x3  }
0x145: {  	[tilespmem:$0x16A0] =	vst v1  }
0x146: {  	v1 =	vld.idx.msk [tilespmem:v2+s2+$0x0], $0xffff  }
0x147: {  	v2 =	vor.u32 $0x80D, v0;
	_ =	sdelay $0x3  }
0x148: {  	[tilespmem:$0x16B0] =	vst v1  }
0x149: {  	v1 =	vld.idx.msk [tilespmem:v2+s2+$0x0], $0xffff  }
0x14a: {  	v2 =	vor.u32 $0xA0D, v0;
	_ =	sdelay $0x3  }
0x14b: {  	[tilespmem:$0x16C0] =	vst v1  }
0x14c: {  	v1 =	vld.idx.msk [tilespmem:v2+s2+$0x0], $0xffff  }
0x14d: {  	v2 =	vor.u32 $0xC0D, v0;
	_ =	sdelay $0x3  }
0x14e: {  	[tilespmem:$0x16D0] =	vst v1  }
0x14f: {  	v1 =	vld.idx.msk [tilespmem:v2+s2+$0x0], $0xffff  }
0x150: {  	v2 =	vor.u32 $0xE0D, v0;
	_ =	sdelay $0x3  }
0x151: {  	[tilespmem:$0x16E0] =	vst v1  }
0x152: {  	v1 =	vld.idx.msk [tilespmem:v2+s2+$0x0], $0xffff  }
0x153: {  	v2 =	vor.u32 $0xE, v0;
	_ =	sdelay $0x3  }
0x154: {  	[tilespmem:$0x16F0] =	vst v1  }
0x155: {  	v1 =	vld.idx.msk [tilespmem:v2+s2+$0x0], $0xffff  }
0x156: {  	v2 =	vor.u32 $0x20E, v0;
	_ =	sdelay $0x3  }
0x157: {  	[tilespmem:$0x1700] =	vst v1  }
0x158: {  	v1 =	vld.idx.msk [tilespmem:v2+s2+$0x0], $0xffff  }
0x159: {  	v2 =	vor.u32 $0x40E, v0;
	_ =	sdelay $0x3  }
0x15a: {  	[tilespmem:$0x1710] =	vst v1  }
0x15b: {  	v1 =	vld.idx.msk [tilespmem:v2+s2+$0x0], $0xffff  }
0x15c: {  	v2 =	vor.u32 $0x60E, v0;
	_ =	sdelay $0x3  }
0x15d: {  	[tilespmem:$0x1720] =	vst v1  }
0x15e: {  	v1 =	vld.idx.msk [tilespmem:v2+s2+$0x0], $0xffff  }
0x15f: {  	v2 =	vor.u32 $0x80E, v0;
	_ =	sdelay $0x3  }
0x160: {  	[tilespmem:$0x1730] =	vst v1  }
0x161: {  	v1 =	vld.idx.msk [tilespmem:v2+s2+$0x0], $0xffff  }
0x162: {  	v2 =	vor.u32 $0xA0E, v0;
	_ =	sdelay $0x3  }
0x163: {  	[tilespmem:$0x1740] =	vst v1  }
0x164: {  	v1 =	vld.idx.msk [tilespmem:v2+s2+$0x0], $0xffff  }
0x165: {  	v2 =	vor.u32 $0xC0E, v0;
	_ =	sdelay $0x3  }
0x166: {  	[tilespmem:$0x1750] =	vst v1  }
0x167: {  	v1 =	vld.idx.msk [tilespmem:v2+s2+$0x0], $0xffff  }
0x168: {  	v2 =	vor.u32 $0xE0E, v0;
	_ =	sdelay $0x3  }
0x169: {  	[tilespmem:$0x1760] =	vst v1  }
0x16a: {  	v1 =	vld.idx.msk [tilespmem:v2+s2+$0x0], $0xffff  }
0x16b: {  	v2 =	vor.u32 $0xF, v0;
	_ =	sdelay $0x3  }
0x16c: {  	[tilespmem:$0x1770] =	vst v1  }
0x16d: {  	v1 =	vld.idx.msk [tilespmem:v2+s2+$0x0], $0xffff  }
0x16e: {  	v2 =	vor.u32 $0x20F, v0;
	_ =	sdelay $0x3  }
0x16f: {  	[tilespmem:$0x1780] =	vst v1  }
0x170: {  	v1 =	vld.idx.msk [tilespmem:v2+s2+$0x0], $0xffff  }
0x171: {  	v2 =	vor.u32 $0x40F, v0;
	_ =	sdelay $0x3  }
0x172: {  	[tilespmem:$0x1790] =	vst v1  }
0x173: {  	v1 =	vld.idx.msk [tilespmem:v2+s2+$0x0], $0xffff  }
0x174: {  	v2 =	vor.u32 $0x60F, v0;
	_ =	sdelay $0x3  }
0x175: {  	[tilespmem:$0x17A0] =	vst v1  }
0x176: {  	v1 =	vld.idx.msk [tilespmem:v2+s2+$0x0], $0xffff  }
0x177: {  	v2 =	vor.u32 $0x80F, v0;
	_ =	sdelay $0x3  }
0x178: {  	[tilespmem:$0x17B0] =	vst v1  }
0x179: {  	v1 =	vld.idx.msk [tilespmem:v2+s2+$0x0], $0xffff  }
0x17a: {  	v2 =	vor.u32 $0xA0F, v0;
	_ =	sdelay $0x3  }
0x17b: {  	[tilespmem:$0x17C0] =	vst v1  }
0x17c: {  	v1 =	vld.idx.msk [tilespmem:v2+s2+$0x0], $0xffff  }
0x17d: {  	v2 =	vor.u32 $0xC0F, v0;
	_ =	sdelay $0x3  }
0x17e: {  	[tilespmem:$0x17D0] =	vst v1  }
0x17f: {  	v1 =	vld.idx.msk [tilespmem:v2+s2+$0x0], $0xffff  }
0x180: {  	v2 =	vor.u32 $0xE0F, v0;
	_ =	sdelay $0x3  }
0x181: {  	[tilespmem:$0x17E0] =	vst v1  }
0x182: {  	v1 =	vld.idx.msk [tilespmem:v2+s2+$0x0], $0xffff  }
0x183: {  	v2 =	vor.u32 $0x10, v0;
	_ =	sdelay $0x3  }
0x184: {  	[tilespmem:$0x17F0] =	vst v1  }
0x185: {  	v1 =	vld.idx.msk [tilespmem:v2+s2+$0x0], $0xffff  }
0x186: {  	v2 =	vor.u32 $0x210, v0;
	_ =	sdelay $0x3  }
0x187: {  	[tilespmem:$0x1800] =	vst v1  }
0x188: {  	v1 =	vld.idx.msk [tilespmem:v2+s2+$0x0], $0xffff  }
0x189: {  	v2 =	vor.u32 $0x410, v0;
	_ =	sdelay $0x3  }
0x18a: {  	[tilespmem:$0x1810] =	vst v1  }
0x18b: {  	v1 =	vld.idx.msk [tilespmem:v2+s2+$0x0], $0xffff  }
0x18c: {  	v2 =	vor.u32 $0x610, v0;
	_ =	sdelay $0x3  }
0x18d: {  	[tilespmem:$0x1820] =	vst v1  }
0x18e: {  	v1 =	vld.idx.msk [tilespmem:v2+s2+$0x0], $0xffff  }
0x18f: {  	v2 =	vor.u32 $0x810, v0;
	_ =	sdelay $0x3  }
0x190: {  	[tilespmem:$0x1830] =	vst v1  }
0x191: {  	v1 =	vld.idx.msk [tilespmem:v2+s2+$0x0], $0xffff  }
0x192: {  	v2 =	vor.u32 $0xA10, v0;
	_ =	sdelay $0x3  }
0x193: {  	[tilespmem:$0x1840] =	vst v1  }
0x194: {  	v1 =	vld.idx.msk [tilespmem:v2+s2+$0x0], $0xffff  }
0x195: {  	v2 =	vor.u32 $0xC10, v0;
	_ =	sdelay $0x3  }
0x196: {  	[tilespmem:$0x1850] =	vst v1  }
0x197: {  	v1 =	vld.idx.msk [tilespmem:v2+s2+$0x0], $0xffff  }
0x198: {  	v2 =	vor.u32 $0xE10, v0;
	_ =	sdelay $0x3  }
0x199: {  	[tilespmem:$0x1860] =	vst v1  }
0x19a: {  	v1 =	vld.idx.msk [tilespmem:v2+s2+$0x0], $0xffff  }
0x19b: {  	v2 =	vor.u32 $0x11, v0;
	_ =	sdelay $0x3  }
0x19c: {  	[tilespmem:$0x1870] =	vst v1  }
0x19d: {  	v1 =	vld.idx.msk [tilespmem:v2+s2+$0x0], $0xffff  }
0x19e: {  	v2 =	vor.u32 $0x211, v0;
	_ =	sdelay $0x3  }
0x19f: {  	[tilespmem:$0x1880] =	vst v1  }
0x1a0: {  	v1 =	vld.idx.msk [tilespmem:v2+s2+$0x0], $0xffff  }
0x1a1: {  	v2 =	vor.u32 $0x411, v0;
	_ =	sdelay $0x3  }
0x1a2: {  	[tilespmem:$0x1890] =	vst v1  }
0x1a3: {  	v1 =	vld.idx.msk [tilespmem:v2+s2+$0x0], $0xffff  }
0x1a4: {  	v2 =	vor.u32 $0x611, v0;
	_ =	sdelay $0x3  }
0x1a5: {  	[tilespmem:$0x18A0] =	vst v1  }
0x1a6: {  	v1 =	vld.idx.msk [tilespmem:v2+s2+$0x0], $0xffff  }
0x1a7: {  	v2 =	vor.u32 $0x811, v0;
	_ =	sdelay $0x3  }
0x1a8: {  	[tilespmem:$0x18B0] =	vst v1  }
0x1a9: {  	v1 =	vld.idx.msk [tilespmem:v2+s2+$0x0], $0xffff  }
0x1aa: {  	v2 =	vor.u32 $0xA11, v0;
	_ =	sdelay $0x3  }
0x1ab: {  	[tilespmem:$0x18C0] =	vst v1  }
0x1ac: {  	v1 =	vld.idx.msk [tilespmem:v2+s2+$0x0], $0xffff  }
0x1ad: {  	v2 =	vor.u32 $0xC11, v0;
	_ =	sdelay $0x3  }
0x1ae: {  	[tilespmem:$0x18D0] =	vst v1  }
0x1af: {  	v1 =	vld.idx.msk [tilespmem:v2+s2+$0x0], $0xffff  }
0x1b0: {  	v2 =	vor.u32 $0xE11, v0;
	_ =	sdelay $0x3  }
0x1b1: {  	[tilespmem:$0x18E0] =	vst v1  }
0x1b2: {  	v1 =	vld.idx.msk [tilespmem:v2+s2+$0x0], $0xffff  }
0x1b3: {  	v2 =	vor.u32 $0x12, v0;
	_ =	sdelay $0x3  }
0x1b4: {  	[tilespmem:$0x18F0] =	vst v1  }
0x1b5: {  	v1 =	vld.idx.msk [tilespmem:v2+s2+$0x0], $0xffff  }
0x1b6: {  	v2 =	vor.u32 $0x212, v0;
	_ =	sdelay $0x3  }
0x1b7: {  	[tilespmem:$0x1900] =	vst v1  }
0x1b8: {  	v1 =	vld.idx.msk [tilespmem:v2+s2+$0x0], $0xffff  }
0x1b9: {  	v2 =	vor.u32 $0x412, v0;
	_ =	sdelay $0x3  }
0x1ba: {  	[tilespmem:$0x1910] =	vst v1  }
0x1bb: {  	v1 =	vld.idx.msk [tilespmem:v2+s2+$0x0], $0xffff  }
0x1bc: {  	v2 =	vor.u32 $0x612, v0;
	_ =	sdelay $0x3  }
0x1bd: {  	[tilespmem:$0x1920] =	vst v1  }
0x1be: {  	v1 =	vld.idx.msk [tilespmem:v2+s2+$0x0], $0xffff  }
0x1bf: {  	v2 =	vor.u32 $0x812, v0;
	_ =	sdelay $0x3  }
0x1c0: {  	[tilespmem:$0x1930] =	vst v1  }
0x1c1: {  	v1 =	vld.idx.msk [tilespmem:v2+s2+$0x0], $0xffff  }
0x1c2: {  	v2 =	vor.u32 $0xA12, v0;
	_ =	sdelay $0x3  }
0x1c3: {  	[tilespmem:$0x1940] =	vst v1  }
0x1c4: {  	v1 =	vld.idx.msk [tilespmem:v2+s2+$0x0], $0xffff  }
0x1c5: {  	v2 =	vor.u32 $0xC12, v0;
	_ =	sdelay $0x3  }
0x1c6: {  	[tilespmem:$0x1950] =	vst v1  }
0x1c7: {  	v1 =	vld.idx.msk [tilespmem:v2+s2+$0x0], $0xffff  }
0x1c8: {  	v2 =	vor.u32 $0xE12, v0;
	_ =	sdelay $0x3  }
0x1c9: {  	[tilespmem:$0x1960] =	vst v1  }
0x1ca: {  	v1 =	vld.idx.msk [tilespmem:v2+s2+$0x0], $0xffff  }
0x1cb: {  	v2 =	vor.u32 $0x13, v0;
	_ =	sdelay $0x3  }
0x1cc: {  	[tilespmem:$0x1970] =	vst v1  }
0x1cd: {  	v1 =	vld.idx.msk [tilespmem:v2+s2+$0x0], $0xffff  }
0x1ce: {  	v2 =	vor.u32 $0x213, v0;
	_ =	sdelay $0x3  }
0x1cf: {  	[tilespmem:$0x1980] =	vst v1  }
0x1d0: {  	v1 =	vld.idx.msk [tilespmem:v2+s2+$0x0], $0xffff  }
0x1d1: {  	v2 =	vor.u32 $0x413, v0;
	_ =	sdelay $0x3  }
0x1d2: {  	[tilespmem:$0x1990] =	vst v1  }
0x1d3: {  	v1 =	vld.idx.msk [tilespmem:v2+s2+$0x0], $0xffff  }
0x1d4: {  	v2 =	vor.u32 $0x613, v0;
	_ =	sdelay $0x3  }
0x1d5: {  	[tilespmem:$0x19A0] =	vst v1  }
0x1d6: {  	v1 =	vld.idx.msk [tilespmem:v2+s2+$0x0], $0xffff  }
0x1d7: {  	v2 =	vor.u32 $0x813, v0;
	_ =	sdelay $0x3  }
0x1d8: {  	[tilespmem:$0x19B0] =	vst v1  }
0x1d9: {  	v1 =	vld.idx.msk [tilespmem:v2+s2+$0x0], $0xffff  }
0x1da: {  	v2 =	vor.u32 $0xA13, v0;
	_ =	sdelay $0x3  }
0x1db: {  	[tilespmem:$0x19C0] =	vst v1  }
0x1dc: {  	v1 =	vld.idx.msk [tilespmem:v2+s2+$0x0], $0xffff  }
0x1dd: {  	v2 =	vor.u32 $0xC13, v0;
	_ =	sdelay $0x3  }
0x1de: {  	[tilespmem:$0x19D0] =	vst v1  }
0x1df: {  	v1 =	vld.idx.msk [tilespmem:v2+s2+$0x0], $0xffff  }
0x1e0: {  	v2 =	vor.u32 $0xE13, v0;
	_ =	sdelay $0x3  }
0x1e1: {  	[tilespmem:$0x19E0] =	vst v1  }
0x1e2: {  	v1 =	vld.idx.msk [tilespmem:v2+s2+$0x0], $0xffff  }
0x1e3: {  	v2 =	vor.u32 $0x14, v0;
	_ =	sdelay $0x3  }
0x1e4: {  	[tilespmem:$0x19F0] =	vst v1  }
0x1e5: {  	v1 =	vld.idx.msk [tilespmem:v2+s2+$0x0], $0xffff  }
0x1e6: {  	v2 =	vor.u32 $0x214, v0;
	_ =	sdelay $0x3  }
0x1e7: {  	[tilespmem:$0x1A00] =	vst v1  }
0x1e8: {  	v1 =	vld.idx.msk [tilespmem:v2+s2+$0x0], $0xffff  }
0x1e9: {  	v2 =	vor.u32 $0x414, v0;
	_ =	sdelay $0x3  }
0x1ea: {  	[tilespmem:$0x1A10] =	vst v1  }
0x1eb: {  	v1 =	vld.idx.msk [tilespmem:v2+s2+$0x0], $0xffff  }
0x1ec: {  	v2 =	vor.u32 $0x614, v0;
	_ =	sdelay $0x3  }
0x1ed: {  	[tilespmem:$0x1A20] =	vst v1  }
0x1ee: {  	v1 =	vld.idx.msk [tilespmem:v2+s2+$0x0], $0xffff  }
0x1ef: {  	v2 =	vor.u32 $0x814, v0;
	_ =	sdelay $0x3  }
0x1f0: {  	[tilespmem:$0x1A30] =	vst v1  }
0x1f1: {  	v1 =	vld.idx.msk [tilespmem:v2+s2+$0x0], $0xffff  }
0x1f2: {  	v2 =	vor.u32 $0xA14, v0;
	_ =	sdelay $0x3  }
0x1f3: {  	[tilespmem:$0x1A40] =	vst v1  }
0x1f4: {  	v1 =	vld.idx.msk [tilespmem:v2+s2+$0x0], $0xffff  }
0x1f5: {  	v2 =	vor.u32 $0xC14, v0;
	_ =	sdelay $0x3  }
0x1f6: {  	[tilespmem:$0x1A50] =	vst v1  }
0x1f7: {  	v1 =	vld.idx.msk [tilespmem:v2+s2+$0x0], $0xffff  }
0x1f8: {  	v2 =	vor.u32 $0xE14, v0;
	_ =	sdelay $0x3  }
0x1f9: {  	[tilespmem:$0x1A60] =	vst v1  }
0x1fa: {  	v1 =	vld.idx.msk [tilespmem:v2+s2+$0x0], $0xffff  }
0x1fb: {  	v2 =	vor.u32 $0x15, v0;
	_ =	sdelay $0x3  }
0x1fc: {  	[tilespmem:$0x1A70] =	vst v1  }
0x1fd: {  	v1 =	vld.idx.msk [tilespmem:v2+s2+$0x0], $0xffff  }
0x1fe: {  	v2 =	vor.u32 $0x215, v0;
	_ =	sdelay $0x3  }
0x1ff: {  	[tilespmem:$0x1A80] =	vst v1  }
0x200: {  	v1 =	vld.idx.msk [tilespmem:v2+s2+$0x0], $0xffff  }
0x201: {  	v2 =	vor.u32 $0x415, v0;
	_ =	sdelay $0x3  }
0x202: {  	[tilespmem:$0x1A90] =	vst v1  }
0x203: {  	v1 =	vld.idx.msk [tilespmem:v2+s2+$0x0], $0xffff  }
0x204: {  	v2 =	vor.u32 $0x615, v0;
	_ =	sdelay $0x3  }
0x205: {  	[tilespmem:$0x1AA0] =	vst v1  }
0x206: {  	v1 =	vld.idx.msk [tilespmem:v2+s2+$0x0], $0xffff  }
0x207: {  	v2 =	vor.u32 $0x815, v0;
	_ =	sdelay $0x3  }
0x208: {  	[tilespmem:$0x1AB0] =	vst v1  }
0x209: {  	v1 =	vld.idx.msk [tilespmem:v2+s2+$0x0], $0xffff  }
0x20a: {  	v2 =	vor.u32 $0xA15, v0;
	_ =	sdelay $0x3  }
0x20b: {  	[tilespmem:$0x1AC0] =	vst v1  }
0x20c: {  	v1 =	vld.idx.msk [tilespmem:v2+s2+$0x0], $0xffff  }
0x20d: {  	v2 =	vor.u32 $0xC15, v0;
	_ =	sdelay $0x3  }
0x20e: {  	[tilespmem:$0x1AD0] =	vst v1  }
0x20f: {  	v1 =	vld.idx.msk [tilespmem:v2+s2+$0x0], $0xffff  }
0x210: {  	v2 =	vor.u32 $0xE15, v0;
	_ =	sdelay $0x3  }
0x211: {  	[tilespmem:$0x1AE0] =	vst v1  }
0x212: {  	v1 =	vld.idx.msk [tilespmem:v2+s2+$0x0], $0xffff  }
0x213: {  	v2 =	vor.u32 $0x16, v0;
	_ =	sdelay $0x3  }
0x214: {  	[tilespmem:$0x1AF0] =	vst v1  }
0x215: {  	v1 =	vld.idx.msk [tilespmem:v2+s2+$0x0], $0xffff  }
0x216: {  	v2 =	vor.u32 $0x216, v0;
	_ =	sdelay $0x3  }
0x217: {  	[tilespmem:$0x1B00] =	vst v1  }
0x218: {  	v1 =	vld.idx.msk [tilespmem:v2+s2+$0x0], $0xffff  }
0x219: {  	v2 =	vor.u32 $0x416, v0;
	_ =	sdelay $0x3  }
0x21a: {  	[tilespmem:$0x1B10] =	vst v1  }
0x21b: {  	v1 =	vld.idx.msk [tilespmem:v2+s2+$0x0], $0xffff  }
0x21c: {  	v2 =	vor.u32 $0x616, v0;
	_ =	sdelay $0x3  }
0x21d: {  	[tilespmem:$0x1B20] =	vst v1  }
0x21e: {  	v1 =	vld.idx.msk [tilespmem:v2+s2+$0x0], $0xffff  }
0x21f: {  	v2 =	vor.u32 $0x816, v0;
	_ =	sdelay $0x3  }
0x220: {  	[tilespmem:$0x1B30] =	vst v1  }
0x221: {  	v1 =	vld.idx.msk [tilespmem:v2+s2+$0x0], $0xffff  }
0x222: {  	v2 =	vor.u32 $0xA16, v0;
	_ =	sdelay $0x3  }
0x223: {  	[tilespmem:$0x1B40] =	vst v1  }
0x224: {  	v1 =	vld.idx.msk [tilespmem:v2+s2+$0x0], $0xffff  }
0x225: {  	v2 =	vor.u32 $0xC16, v0;
	_ =	sdelay $0x3  }
0x226: {  	[tilespmem:$0x1B50] =	vst v1  }
0x227: {  	v1 =	vld.idx.msk [tilespmem:v2+s2+$0x0], $0xffff  }
0x228: {  	v2 =	vor.u32 $0xE16, v0;
	_ =	sdelay $0x3  }
0x229: {  	[tilespmem:$0x1B60] =	vst v1  }
0x22a: {  	v1 =	vld.idx.msk [tilespmem:v2+s2+$0x0], $0xffff  }
0x22b: {  	v2 =	vor.u32 $0x17, v0;
	_ =	sdelay $0x3  }
0x22c: {  	[tilespmem:$0x1B70] =	vst v1  }
0x22d: {  	v1 =	vld.idx.msk [tilespmem:v2+s2+$0x0], $0xffff  }
0x22e: {  	v2 =	vor.u32 $0x217, v0;
	_ =	sdelay $0x3  }
0x22f: {  	[tilespmem:$0x1B80] =	vst v1  }
0x230: {  	v1 =	vld.idx.msk [tilespmem:v2+s2+$0x0], $0xffff  }
0x231: {  	v2 =	vor.u32 $0x417, v0;
	_ =	sdelay $0x3  }
0x232: {  	[tilespmem:$0x1B90] =	vst v1  }
0x233: {  	v1 =	vld.idx.msk [tilespmem:v2+s2+$0x0], $0xffff  }
0x234: {  	v2 =	vor.u32 $0x617, v0;
	_ =	sdelay $0x3  }
0x235: {  	[tilespmem:$0x1BA0] =	vst v1  }
0x236: {  	v1 =	vld.idx.msk [tilespmem:v2+s2+$0x0], $0xffff  }
0x237: {  	v2 =	vor.u32 $0x817, v0;
	_ =	sdelay $0x3  }
0x238: {  	[tilespmem:$0x1BB0] =	vst v1  }
0x239: {  	v1 =	vld.idx.msk [tilespmem:v2+s2+$0x0], $0xffff  }
0x23a: {  	v2 =	vor.u32 $0xA17, v0;
	_ =	sdelay $0x3  }
0x23b: {  	[tilespmem:$0x1BC0] =	vst v1  }
0x23c: {  	v1 =	vld.idx.msk [tilespmem:v2+s2+$0x0], $0xffff  }
0x23d: {  	v2 =	vor.u32 $0xC17, v0;
	_ =	sdelay $0x3  }
0x23e: {  	[tilespmem:$0x1BD0] =	vst v1  }
0x23f: {  	v1 =	vld.idx.msk [tilespmem:v2+s2+$0x0], $0xffff  }
0x240: {  	v2 =	vor.u32 $0xE17, v0;
	_ =	sdelay $0x3  }
0x241: {  	[tilespmem:$0x1BE0] =	vst v1  }
0x242: {  	v1 =	vld.idx.msk [tilespmem:v2+s2+$0x0], $0xffff  }
0x243: {  	v2 =	vor.u32 $0x18, v0;
	_ =	sdelay $0x3  }
0x244: {  	[tilespmem:$0x1BF0] =	vst v1  }
0x245: {  	v1 =	vld.idx.msk [tilespmem:v2+s2+$0x0], $0xffff  }
0x246: {  	v2 =	vor.u32 $0x218, v0;
	_ =	sdelay $0x3  }
0x247: {  	[tilespmem:$0x1C00] =	vst v1  }
0x248: {  	v1 =	vld.idx.msk [tilespmem:v2+s2+$0x0], $0xffff  }
0x249: {  	v2 =	vor.u32 $0x418, v0;
	_ =	sdelay $0x3  }
0x24a: {  	[tilespmem:$0x1C10] =	vst v1  }
0x24b: {  	v1 =	vld.idx.msk [tilespmem:v2+s2+$0x0], $0xffff  }
0x24c: {  	v2 =	vor.u32 $0x618, v0;
	_ =	sdelay $0x3  }
0x24d: {  	[tilespmem:$0x1C20] =	vst v1  }
0x24e: {  	v1 =	vld.idx.msk [tilespmem:v2+s2+$0x0], $0xffff  }
0x24f: {  	v2 =	vor.u32 $0x818, v0;
	_ =	sdelay $0x3  }
0x250: {  	[tilespmem:$0x1C30] =	vst v1  }
0x251: {  	v1 =	vld.idx.msk [tilespmem:v2+s2+$0x0], $0xffff  }
0x252: {  	v2 =	vor.u32 $0xA18, v0;
	_ =	sdelay $0x3  }
0x253: {  	[tilespmem:$0x1C40] =	vst v1  }
0x254: {  	v1 =	vld.idx.msk [tilespmem:v2+s2+$0x0], $0xffff  }
0x255: {  	v2 =	vor.u32 $0xC18, v0;
	_ =	sdelay $0x3  }
0x256: {  	[tilespmem:$0x1C50] =	vst v1  }
0x257: {  	v1 =	vld.idx.msk [tilespmem:v2+s2+$0x0], $0xffff  }
0x258: {  	v2 =	vor.u32 $0xE18, v0;
	_ =	sdelay $0x3  }
0x259: {  	[tilespmem:$0x1C60] =	vst v1  }
0x25a: {  	v1 =	vld.idx.msk [tilespmem:v2+s2+$0x0], $0xffff  }
0x25b: {  	v2 =	vor.u32 $0x19, v0;
	_ =	sdelay $0x3  }
0x25c: {  	[tilespmem:$0x1C70] =	vst v1  }
0x25d: {  	v1 =	vld.idx.msk [tilespmem:v2+s2+$0x0], $0xffff  }
0x25e: {  	v2 =	vor.u32 $0x219, v0;
	_ =	sdelay $0x3  }
0x25f: {  	[tilespmem:$0x1C80] =	vst v1  }
0x260: {  	v1 =	vld.idx.msk [tilespmem:v2+s2+$0x0], $0xffff  }
0x261: {  	v2 =	vor.u32 $0x419, v0;
	_ =	sdelay $0x3  }
0x262: {  	[tilespmem:$0x1C90] =	vst v1  }
0x263: {  	v1 =	vld.idx.msk [tilespmem:v2+s2+$0x0], $0xffff  }
0x264: {  	v2 =	vor.u32 $0x619, v0;
	_ =	sdelay $0x3  }
0x265: {  	[tilespmem:$0x1CA0] =	vst v1  }
0x266: {  	v1 =	vld.idx.msk [tilespmem:v2+s2+$0x0], $0xffff  }
0x267: {  	v2 =	vor.u32 $0x819, v0;
	_ =	sdelay $0x3  }
0x268: {  	[tilespmem:$0x1CB0] =	vst v1  }
0x269: {  	v1 =	vld.idx.msk [tilespmem:v2+s2+$0x0], $0xffff  }
0x26a: {  	v2 =	vor.u32 $0xA19, v0;
	_ =	sdelay $0x3  }
0x26b: {  	[tilespmem:$0x1CC0] =	vst v1  }
0x26c: {  	v1 =	vld.idx.msk [tilespmem:v2+s2+$0x0], $0xffff  }
0x26d: {  	v2 =	vor.u32 $0xC19, v0;
	_ =	sdelay $0x3  }
0x26e: {  	[tilespmem:$0x1CD0] =	vst v1  }
0x26f: {  	v1 =	vld.idx.msk [tilespmem:v2+s2+$0x0], $0xffff  }
0x270: {  	v2 =	vor.u32 $0xE19, v0;
	_ =	sdelay $0x3  }
0x271: {  	[tilespmem:$0x1CE0] =	vst v1  }
0x272: {  	v1 =	vld.idx.msk [tilespmem:v2+s2+$0x0], $0xffff;
	_ =	sdelay $0x3  }
0x273: {  	s1 =	rddreg [dreg:$0x1d]  }
0x274: {  	s12 =	rddreg [dreg:$0x1e];
	[tilespmem:$0x1CF0] =	vst v1  }
0x275: {  	[tilespmem:s13], [sflag:$0x1] =	stream.indirect.gather [hbm4b:s3+s6], $0x20, s1, s6, $0xb8;
	[tilespmem:$0x1BD00] =	vst v63  }
0x276: {  	s10 =	rddreg [dreg:$0x1f]  }
0x277: {  	[tilespmem:s14], [sflag:$0x2] =	stream.indirect.gather [hbm4b:s3+s6], $0x20, s12, s6, $0xb8;
	[tilespmem:$0x1BD00] =	vst v63  }
0x278: {  	s0 =	sld [smem:$0x7E7]  }
0x279: {  	[tilespmem:s15], [sflag:$0x3] =	stream.indirect.gather [hbm4b:s3+s6], $0x20, s10, s6, $0xb8;
	[tilespmem:$0x1BD00] =	vst v63  }
0x27a: {  	s1 =	sld [smem:$0x7E8]  }
0x27b: {  	[tilespmem:s16], [sflag:$0x4] =	stream.indirect.gather [hbm4b:s3+s6], $0x20, s0, s6, $0xb8;
	[tilespmem:$0x1BD00] =	vst v63  }
0x27c: {  	s10 =	sld [smem:$0x7E9]  }
0x27d: {  	[tilespmem:s17], [sflag:$0x5] =	stream.indirect.gather [hbm4b:s3+s6], $0x20, s1, s6, $0xb8;
	[tilespmem:$0x1BD00] =	vst v63  }
0x27e: {  	s0 =	sld [smem:$0x7EA]  }
0x27f: {  	[tilespmem:s18], [sflag:$0x6] =	stream.indirect.gather [hbm4b:s3+s6], $0x20, s10, s6, $0xb8;
	[tilespmem:$0x1BD00] =	vst v63  }
0x280: {  	s1 =	sld [smem:$0x7EB]  }
0x281: {  	[tilespmem:s19], [sflag:$0x7] =	stream.indirect.gather [hbm4b:s3+s6], $0x20, s0, s6, $0xb8;
	[tilespmem:$0x1BD00] =	vst v63  }
0x282: {  	s10 =	sld [smem:$0x7EC]  }
0x283: {  	[tilespmem:s20], [sflag:$0x8] =	stream.indirect.gather [hbm4b:s3+s6], $0x20, s1, s6, $0xb8;
	[tilespmem:$0x1BD00] =	vst v63  }
0x284: {  	s0 =	sld [smem:$0x7ED]  }
0x285: {  	[tilespmem:s21], [sflag:$0x9] =	stream.indirect.gather [hbm4b:s3+s6], $0x20, s10, s6, $0xb8;
	[tilespmem:$0x1BD00] =	vst v63  }
0x286: {  	s1 =	sld [smem:$0x7EE]  }
0x287: {  	[tilespmem:s22], [sflag:$0xA] =	stream.indirect.gather [hbm4b:s3+s6], $0x20, s0, s6, $0xb8;
	[tilespmem:$0x1BD00] =	vst v63  }
0x288: {  	s10 =	sld [smem:$0x7EF]  }
0x289: {  	[tilespmem:s23], [sflag:$0xB] =	stream.indirect.gather [hbm4b:s3+s6], $0x20, s1, s6, $0xb8;
	[tilespmem:$0x1BD00] =	vst v63  }
0x28a: {  	s0 =	sld [smem:$0x7F0]  }
0x28b: {  	[tilespmem:s24], [sflag:$0xC] =	stream.indirect.gather [hbm4b:s3+s6], $0x20, s10, s6, $0xb8;
	[tilespmem:$0x1BD00] =	vst v63  }
0x28c: {  	s1 =	sld [smem:$0x7F1]  }
0x28d: {  	[tilespmem:s25], [sflag:$0xD] =	stream.indirect.gather [hbm4b:s3+s6], $0x20, s0, s6, $0xb8;
	[tilespmem:$0x1BD00] =	vst v63  }
0x28e: {  	s10 =	sld [smem:$0x7F2]  }
0x28f: {  	[tilespmem:s26], [sflag:$0xE] =	stream.indirect.gather [hbm4b:s3+s6], $0x20, s1, s6, $0xb8;
	[tilespmem:$0x1BD00] =	vst v63  }
0x290: {  	s0 =	sld [smem:$0x7F3]  }
0x291: {  	[tilespmem:s28], [sflag:$0xF] =	stream.indirect.gather [hbm4b:s3+s6], $0x20, s10, s6, $0xb8;
	[tilespmem:$0x1BD00] =	vst v63  }
0x292: {  	s1 =	sld [smem:$0x7F4]  }
0x293: {  	[tilespmem:s29], [sflag:$0x10] =	stream.indirect.gather [hbm4b:s3+s6], $0x20, s0, s6, $0xb8;
	[tilespmem:$0x1BD00] =	vst v63  }
0x294: {  	s10 =	sld [smem:$0x7F5]  }
0x295: {  	[tilespmem:s30], [sflag:$0x11] =	stream.indirect.gather [hbm4b:s3+s6], $0x20, s1, s6, $0xb8;
	[tilespmem:$0x1BD00] =	vst v63  }
0x296: {  	s0 =	sld [smem:$0x7F6]  }
0x297: {  	[tilespmem:s31], [sflag:$0x12] =	stream.indirect.gather [hbm4b:s3+s6], $0x20, s10, s6, $0xb8;
	[tilespmem:$0x1BD00] =	vst v63  }
0x298: {  	s12 =	sld [smem:$0x7F7];
	s1 =	simm.s32 $0x13D00  }
0x299: {  	[tilespmem:s1], [sflag:$0x13] =	stream.indirect.gather [hbm4b:s3+s6], $0x20, s0, s6, $0xb8;
	[tilespmem:$0x1BD00] =	vst v63  }
0x29a: {  	s10 =	sld [smem:$0x7F8];
	s0 =	simm.s32 $0x14D00  }
0x29b: {  	[tilespmem:s0], [sflag:$0x14] =	stream.indirect.gather [hbm4b:s3+s6], $0x20, s12, s6, $0xb8;
	[tilespmem:$0x1BD00] =	vst v63  }
0x29c: {  	s12 =	sld [smem:$0x7F9]  }
0x29d: {  	[tilespmem:s7], [sflag:$0x15] =	stream.indirect.gather [hbm4b:s3+s6], $0x20, s10, s6, $0xb8;
	[tilespmem:$0x1BD00] =	vst v63  }
0x29e: {  	s11 =	sld [smem:$0x7FA];
	s10 =	simm.s32 $0x16D00  }
0x29f: {  	[tilespmem:s10], [sflag:$0x16] =	stream.indirect.gather [hbm4b:s3+s6], $0x20, s12, s6, $0xb8;
	[tilespmem:$0x1BD00] =	vst v63  }
0x2a0: {  	s12 =	sld [smem:$0x7FB];
	s10 =	simm.s32 $0x17D00  }
0x2a1: {  	[tilespmem:s10], [sflag:$0x17] =	stream.indirect.gather [hbm4b:s3+s6], $0x20, s11, s6, $0xb8;
	[tilespmem:$0x1BD00] =	vst v63  }
0x2a2: {  	s11 =	sld [smem:$0x7FC];
	s10 =	simm.s32 $0x18D00  }
0x2a3: {  	[tilespmem:s10], [sflag:$0x18] =	stream.indirect.gather [hbm4b:s3+s6], $0x20, s12, s6, $0xb8;
	[tilespmem:$0x1BD00] =	vst v63  }
0x2a4: {  	s12 =	sld [smem:$0x7FD];
	s10 =	simm.s32 $0x19D00  }
0x2a5: {  	[tilespmem:s10], [sflag:$0x19] =	stream.indirect.gather [hbm4b:s3+s6], $0x20, s11, s6, $0xb8;
	[tilespmem:$0x1BD00] =	vst v63  }
0x2a6: {  	s11 =	simm.s32 $0x1AD00  }
0x2a7: {  	[tilespmem:s11], [sflag:$0x1A] =	stream.indirect.gather [hbm4b:s3+s6], $0x20, s12, s6, $0xb8;
	[tilespmem:$0x1BD00] =	vst v63  }
0x2a8: {  	s12 =	simm.s32 $0x1  }
0x2a9: {  	_ =	swait.ge [sflag:s12], $0x1000  }
0x2aa: {  	[sflag:s12] =	ssyncset.done $0x0  }
0x2ab: {  	s11 =	rddreg [dreg:$0x3];
	[sflag:s12] =	ssyncadd.s32 $0xFFFFF000  }
0x2ac: {  	[hbm4b:s11+s8] =	stream.strided.scatter [tilespmem:s13], [sflag:$0x1B], $0x1000, s9, s8, $0x38;
	[tilespmem:$0x1BD00] =	vst v63  }
0x2ad: {  	_ =	swait.ge [sflag:s5], $0x1000  }
0x2ae: {  	[sflag:s5] =	ssyncset.done $0x0  }
0x2af: {  	s12 =	simm.s32 $0x2;
	[sflag:s5] =	ssyncadd.s32 $0xFFFFF000  }
0x2b0: {  	_ =	swait.ge [sflag:s12], $0x1000  }
0x2b1: {  	[sflag:s12] =	ssyncset.done $0x0  }
0x2b2: {  	s11 =	rddreg [dreg:$0x4];
	[sflag:s12] =	ssyncadd.s32 $0xFFFFF000  }
0x2b3: {  	[hbm4b:s11+s8] =	stream.strided.scatter [tilespmem:s14], [sflag:$0x1B], $0x1000, s9, s8, $0x38;
	[tilespmem:$0x1BD00] =	vst v63  }
0x2b4: {  	_ =	swait.ge [sflag:s5], $0x1000  }
0x2b5: {  	[sflag:s5] =	ssyncset.done $0x0  }
0x2b6: {  	s12 =	simm.s32 $0x3;
	[sflag:s5] =	ssyncadd.s32 $0xFFFFF000  }
0x2b7: {  	_ =	swait.ge [sflag:s12], $0x1000  }
0x2b8: {  	[sflag:s12] =	ssyncset.done $0x0  }
0x2b9: {  	s11 =	rddreg [dreg:$0x5];
	[sflag:s12] =	ssyncadd.s32 $0xFFFFF000  }
0x2ba: {  	[hbm4b:s11+s8] =	stream.strided.scatter [tilespmem:s15], [sflag:$0x1B], $0x1000, s9, s8, $0x38;
	[tilespmem:$0x1BD00] =	vst v63  }
0x2bb: {  	_ =	swait.ge [sflag:s5], $0x1000  }
0x2bc: {  	[sflag:s5] =	ssyncset.done $0x0  }
0x2bd: {  	s12 =	simm.s32 $0x4;
	[sflag:s5] =	ssyncadd.s32 $0xFFFFF000  }
0x2be: {  	_ =	swait.ge [sflag:s12], $0x1000  }
0x2bf: {  	[sflag:s12] =	ssyncset.done $0x0  }
0x2c0: {  	s11 =	rddreg [dreg:$0x6];
	[sflag:s12] =	ssyncadd.s32 $0xFFFFF000  }
0x2c1: {  	[hbm4b:s11+s8] =	stream.strided.scatter [tilespmem:s16], [sflag:$0x1B], $0x1000, s9, s8, $0x38;
	[tilespmem:$0x1BD00] =	vst v63  }
0x2c2: {  	_ =	swait.ge [sflag:s5], $0x1000  }
0x2c3: {  	[sflag:s5] =	ssyncset.done $0x0  }
0x2c4: {  	s12 =	simm.s32 $0x5;
	[sflag:s5] =	ssyncadd.s32 $0xFFFFF000  }
0x2c5: {  	_ =	swait.ge [sflag:s12], $0x1000  }
0x2c6: {  	[sflag:s12] =	ssyncset.done $0x0  }
0x2c7: {  	s11 =	rddreg [dreg:$0x7];
	[sflag:s12] =	ssyncadd.s32 $0xFFFFF000  }
0x2c8: {  	[hbm4b:s11+s8] =	stream.strided.scatter [tilespmem:s17], [sflag:$0x1B], $0x1000, s9, s8, $0x38;
	[tilespmem:$0x1BD00] =	vst v63  }
0x2c9: {  	_ =	swait.ge [sflag:s5], $0x1000  }
0x2ca: {  	[sflag:s5] =	ssyncset.done $0x0  }
0x2cb: {  	s12 =	simm.s32 $0x6;
	[sflag:s5] =	ssyncadd.s32 $0xFFFFF000  }
0x2cc: {  	_ =	swait.ge [sflag:s12], $0x1000  }
0x2cd: {  	[sflag:s12] =	ssyncset.done $0x0  }
0x2ce: {  	s11 =	rddreg [dreg:$0x8];
	[sflag:s12] =	ssyncadd.s32 $0xFFFFF000  }
0x2cf: {  	[hbm4b:s11+s8] =	stream.strided.scatter [tilespmem:s18], [sflag:$0x1B], $0x1000, s9, s8, $0x38;
	[tilespmem:$0x1BD00] =	vst v63  }
0x2d0: {  	_ =	swait.ge [sflag:s5], $0x1000  }
0x2d1: {  	[sflag:s5] =	ssyncset.done $0x0  }
0x2d2: {  	s12 =	simm.s32 $0x7;
	[sflag:s5] =	ssyncadd.s32 $0xFFFFF000  }
0x2d3: {  	_ =	swait.ge [sflag:s12], $0x1000  }
0x2d4: {  	[sflag:s12] =	ssyncset.done $0x0  }
0x2d5: {  	s11 =	rddreg [dreg:$0x9];
	[sflag:s12] =	ssyncadd.s32 $0xFFFFF000  }
0x2d6: {  	[hbm4b:s11+s8] =	stream.strided.scatter [tilespmem:s19], [sflag:$0x1B], $0x1000, s9, s8, $0x38;
	[tilespmem:$0x1BD00] =	vst v63  }
0x2d7: {  	_ =	swait.ge [sflag:s5], $0x1000  }
0x2d8: {  	[sflag:s5] =	ssyncset.done $0x0  }
0x2d9: {  	s12 =	simm.s32 $0x8;
	[sflag:s5] =	ssyncadd.s32 $0xFFFFF000  }
0x2da: {  	_ =	swait.ge [sflag:s12], $0x1000  }
0x2db: {  	[sflag:s12] =	ssyncset.done $0x0  }
0x2dc: {  	s11 =	rddreg [dreg:$0xa];
	[sflag:s12] =	ssyncadd.s32 $0xFFFFF000  }
0x2dd: {  	[hbm4b:s11+s8] =	stream.strided.scatter [tilespmem:s20], [sflag:$0x1B], $0x1000, s9, s8, $0x38;
	[tilespmem:$0x1BD00] =	vst v63  }
0x2de: {  	_ =	swait.ge [sflag:s5], $0x1000  }
0x2df: {  	[sflag:s5] =	ssyncset.done $0x0  }
0x2e0: {  	s12 =	simm.s32 $0x9;
	[sflag:s5] =	ssyncadd.s32 $0xFFFFF000  }
0x2e1: {  	_ =	swait.ge [sflag:s12], $0x1000  }
0x2e2: {  	[sflag:s12] =	ssyncset.done $0x0  }
0x2e3: {  	s11 =	rddreg [dreg:$0xb];
	[sflag:s12] =	ssyncadd.s32 $0xFFFFF000  }
0x2e4: {  	[hbm4b:s11+s8] =	stream.strided.scatter [tilespmem:s21], [sflag:$0x1B], $0x1000, s9, s8, $0x38;
	[tilespmem:$0x1BD00] =	vst v63  }
0x2e5: {  	_ =	swait.ge [sflag:s5], $0x1000  }
0x2e6: {  	[sflag:s5] =	ssyncset.done $0x0  }
0x2e7: {  	s12 =	simm.s32 $0xA;
	[sflag:s5] =	ssyncadd.s32 $0xFFFFF000  }
0x2e8: {  	_ =	swait.ge [sflag:s12], $0x1000  }
0x2e9: {  	[sflag:s12] =	ssyncset.done $0x0  }
0x2ea: {  	s11 =	rddreg [dreg:$0xc];
	[sflag:s12] =	ssyncadd.s32 $0xFFFFF000  }
0x2eb: {  	[hbm4b:s11+s8] =	stream.strided.scatter [tilespmem:s22], [sflag:$0x1B], $0x1000, s9, s8, $0x38;
	[tilespmem:$0x1BD00] =	vst v63  }
0x2ec: {  	_ =	swait.ge [sflag:s5], $0x1000  }
0x2ed: {  	[sflag:s5] =	ssyncset.done $0x0  }
0x2ee: {  	s12 =	simm.s32 $0xB;
	[sflag:s5] =	ssyncadd.s32 $0xFFFFF000  }
0x2ef: {  	_ =	swait.ge [sflag:s12], $0x1000  }
0x2f0: {  	[sflag:s12] =	ssyncset.done $0x0  }
0x2f1: {  	s11 =	rddreg [dreg:$0xd];
	[sflag:s12] =	ssyncadd.s32 $0xFFFFF000  }
0x2f2: {  	[hbm4b:s11+s8] =	stream.strided.scatter [tilespmem:s23], [sflag:$0x1B], $0x1000, s9, s8, $0x38;
	[tilespmem:$0x1BD00] =	vst v63  }
0x2f3: {  	_ =	swait.ge [sflag:s5], $0x1000  }
0x2f4: {  	[sflag:s5] =	ssyncset.done $0x0  }
0x2f5: {  	s12 =	simm.s32 $0xC;
	[sflag:s5] =	ssyncadd.s32 $0xFFFFF000  }
0x2f6: {  	_ =	swait.ge [sflag:s12], $0x1000  }
0x2f7: {  	[sflag:s12] =	ssyncset.done $0x0  }
0x2f8: {  	s11 =	rddreg [dreg:$0xe];
	[sflag:s12] =	ssyncadd.s32 $0xFFFFF000  }
0x2f9: {  	[hbm4b:s11+s8] =	stream.strided.scatter [tilespmem:s24], [sflag:$0x1B], $0x1000, s9, s8, $0x38;
	[tilespmem:$0x1BD00] =	vst v63  }
0x2fa: {  	_ =	swait.ge [sflag:s5], $0x1000  }
0x2fb: {  	[sflag:s5] =	ssyncset.done $0x0  }
0x2fc: {  	s12 =	simm.s32 $0xD;
	[sflag:s5] =	ssyncadd.s32 $0xFFFFF000  }
0x2fd: {  	_ =	swait.ge [sflag:s12], $0x1000  }
0x2fe: {  	[sflag:s12] =	ssyncset.done $0x0  }
0x2ff: {  	s11 =	rddreg [dreg:$0xf];
	[sflag:s12] =	ssyncadd.s32 $0xFFFFF000  }
0x300: {  	[hbm4b:s11+s8] =	stream.strided.scatter [tilespmem:s25], [sflag:$0x1B], $0x1000, s9, s8, $0x38;
	[tilespmem:$0x1BD00] =	vst v63  }
0x301: {  	_ =	swait.ge [sflag:s5], $0x1000  }
0x302: {  	[sflag:s5] =	ssyncset.done $0x0  }
0x303: {  	s12 =	simm.s32 $0xE;
	[sflag:s5] =	ssyncadd.s32 $0xFFFFF000  }
0x304: {  	_ =	swait.ge [sflag:s12], $0x1000  }
0x305: {  	[sflag:s12] =	ssyncset.done $0x0  }
0x306: {  	s11 =	rddreg [dreg:$0x10];
	[sflag:s12] =	ssyncadd.s32 $0xFFFFF000  }
0x307: {  	[hbm4b:s11+s8] =	stream.strided.scatter [tilespmem:s26], [sflag:$0x1B], $0x1000, s9, s8, $0x38;
	[tilespmem:$0x1BD00] =	vst v63  }
0x308: {  	_ =	swait.ge [sflag:s5], $0x1000  }
0x309: {  	[sflag:s5] =	ssyncset.done $0x0  }
0x30a: {  	s12 =	simm.s32 $0xF;
	[sflag:s5] =	ssyncadd.s32 $0xFFFFF000  }
0x30b: {  	_ =	swait.ge [sflag:s12], $0x1000  }
0x30c: {  	[sflag:s12] =	ssyncset.done $0x0  }
0x30d: {  	s11 =	rddreg [dreg:$0x11];
	[sflag:s12] =	ssyncadd.s32 $0xFFFFF000  }
0x30e: {  	[hbm4b:s11+s8] =	stream.strided.scatter [tilespmem:s28], [sflag:$0x1B], $0x1000, s9, s8, $0x38;
	[tilespmem:$0x1BD00] =	vst v63  }
0x30f: {  	_ =	swait.ge [sflag:s5], $0x1000  }
0x310: {  	[sflag:s5] =	ssyncset.done $0x0  }
0x311: {  	s12 =	simm.s32 $0x10;
	[sflag:s5] =	ssyncadd.s32 $0xFFFFF000  }
0x312: {  	_ =	swait.ge [sflag:s12], $0x1000  }
0x313: {  	[sflag:s12] =	ssyncset.done $0x0  }
0x314: {  	s11 =	rddreg [dreg:$0x12];
	[sflag:s12] =	ssyncadd.s32 $0xFFFFF000  }
0x315: {  	[hbm4b:s11+s8] =	stream.strided.scatter [tilespmem:s29], [sflag:$0x1B], $0x1000, s9, s8, $0x38;
	[tilespmem:$0x1BD00] =	vst v63  }
0x316: {  	_ =	swait.ge [sflag:s5], $0x1000  }
0x317: {  	[sflag:s5] =	ssyncset.done $0x0  }
0x318: {  	s12 =	simm.s32 $0x11;
	[sflag:s5] =	ssyncadd.s32 $0xFFFFF000  }
0x319: {  	_ =	swait.ge [sflag:s12], $0x1000  }
0x31a: {  	[sflag:s12] =	ssyncset.done $0x0  }
0x31b: {  	s11 =	rddreg [dreg:$0x13];
	[sflag:s12] =	ssyncadd.s32 $0xFFFFF000  }
0x31c: {  	[hbm4b:s11+s8] =	stream.strided.scatter [tilespmem:s30], [sflag:$0x1B], $0x1000, s9, s8, $0x38;
	[tilespmem:$0x1BD00] =	vst v63  }
0x31d: {  	_ =	swait.ge [sflag:s5], $0x1000  }
0x31e: {  	[sflag:s5] =	ssyncset.done $0x0  }
0x31f: {  	s12 =	simm.s32 $0x12;
	[sflag:s5] =	ssyncadd.s32 $0xFFFFF000  }
0x320: {  	_ =	swait.ge [sflag:s12], $0x1000  }
0x321: {  	[sflag:s12] =	ssyncset.done $0x0  }
0x322: {  	s11 =	rddreg [dreg:$0x14];
	[sflag:s12] =	ssyncadd.s32 $0xFFFFF000  }
0x323: {  	[hbm4b:s11+s8] =	stream.strided.scatter [tilespmem:s31], [sflag:$0x1B], $0x1000, s9, s8, $0x38;
	[tilespmem:$0x1BD00] =	vst v63  }
0x324: {  	_ =	swait.ge [sflag:s5], $0x1000  }
0x325: {  	[sflag:s5] =	ssyncset.done $0x0  }
0x326: {  	s12 =	simm.s32 $0x13;
	[sflag:s5] =	ssyncadd.s32 $0xFFFFF000  }
0x327: {  	_ =	swait.ge [sflag:s12], $0x1000  }
0x328: {  	[sflag:s12] =	ssyncset.done $0x0  }
0x329: {  	s11 =	rddreg [dreg:$0x15];
	[sflag:s12] =	ssyncadd.s32 $0xFFFFF000  }
0x32a: {  	[hbm4b:s11+s8] =	stream.strided.scatter [tilespmem:s1], [sflag:$0x1B], $0x1000, s9, s8, $0x38;
	[tilespmem:$0x1BD00] =	vst v63  }
0x32b: {  	_ =	swait.ge [sflag:s5], $0x1000  }
0x32c: {  	[sflag:s5] =	ssyncset.done $0x0  }
0x32d: {  	s11 =	simm.s32 $0x14;
	[sflag:s5] =	ssyncadd.s32 $0xFFFFF000  }
0x32e: {  	_ =	swait.ge [sflag:s11], $0x1000  }
0x32f: {  	[sflag:s11] =	ssyncset.done $0x0  }
0x330: {  	s12 =	rddreg [dreg:$0x16];
	[sflag:s11] =	ssyncadd.s32 $0xFFFFF000  }
0x331: {  	[hbm4b:s12+s8] =	stream.strided.scatter [tilespmem:s0], [sflag:$0x1B], $0x1000, s9, s8, $0x38;
	[tilespmem:$0x1BD00] =	vst v63  }
0x332: {  	_ =	swait.ge [sflag:s5], $0x1000  }
0x333: {  	[sflag:s5] =	ssyncset.done $0x0  }
0x334: {  	s12 =	simm.s32 $0x15;
	[sflag:s5] =	ssyncadd.s32 $0xFFFFF000  }
0x335: {  	_ =	swait.ge [sflag:s12], $0x1000  }
0x336: {  	[sflag:s12] =	ssyncset.done $0x0  }
0x337: {  	s1 =	rddreg [dreg:$0x17];
	[sflag:s12] =	ssyncadd.s32 $0xFFFFF000  }
0x338: {  	[hbm4b:s1+s8] =	stream.strided.scatter [tilespmem:s7], [sflag:$0x1B], $0x1000, s9, s8, $0x38;
	[tilespmem:$0x1BD00] =	vst v63  }
0x339: {  	_ =	swait.ge [sflag:s5], $0x1000  }
0x33a: {  	[sflag:s5] =	ssyncset.done $0x0  }
0x33b: {  	s11 =	simm.s32 $0x16;
	[sflag:s5] =	ssyncadd.s32 $0xFFFFF000  }
0x33c: {  	_ =	swait.ge [sflag:s11], $0x1000  }
0x33d: {  	[sflag:s11] =	ssyncset.done $0x0  }
0x33e: {  	s1 =	simm.s32 $0x16D00;
	s12 =	rddreg [dreg:$0x18];
	[sflag:s11] =	ssyncadd.s32 $0xFFFFF000  }
0x33f: {  	[hbm4b:s12+s8] =	stream.strided.scatter [tilespmem:s1], [sflag:$0x1B], $0x1000, s9, s8, $0x38;
	[tilespmem:$0x1BD00] =	vst v63  }
0x340: {  	_ =	swait.ge [sflag:s5], $0x1000  }
0x341: {  	[sflag:s5] =	ssyncset.done $0x0  }
0x342: {  	s11 =	simm.s32 $0x17;
	[sflag:s5] =	ssyncadd.s32 $0xFFFFF000  }
0x343: {  	_ =	swait.ge [sflag:s11], $0x1000  }
0x344: {  	[sflag:s11] =	ssyncset.done $0x0  }
0x345: {  	s1 =	simm.s32 $0x17D00;
	s12 =	rddreg [dreg:$0x19];
	[sflag:s11] =	ssyncadd.s32 $0xFFFFF000  }
0x346: {  	[hbm4b:s12+s8] =	stream.strided.scatter [tilespmem:s1], [sflag:$0x1B], $0x1000, s9, s8, $0x38;
	[tilespmem:$0x1BD00] =	vst v63  }
0x347: {  	_ =	swait.ge [sflag:s5], $0x1000  }
0x348: {  	[sflag:s5] =	ssyncset.done $0x0  }
0x349: {  	s11 =	simm.s32 $0x18;
	[sflag:s5] =	ssyncadd.s32 $0xFFFFF000  }
0x34a: {  	_ =	swait.ge [sflag:s11], $0x1000  }
0x34b: {  	[sflag:s11] =	ssyncset.done $0x0  }
0x34c: {  	s1 =	simm.s32 $0x18D00;
	s12 =	rddreg [dreg:$0x1a];
	[sflag:s11] =	ssyncadd.s32 $0xFFFFF000  }
0x34d: {  	[hbm4b:s12+s8] =	stream.strided.scatter [tilespmem:s1], [sflag:$0x1B], $0x1000, s9, s8, $0x38;
	[tilespmem:$0x1BD00] =	vst v63  }
0x34e: {  	_ =	swait.ge [sflag:s5], $0x1000  }
0x34f: {  	[sflag:s5] =	ssyncset.done $0x0  }
0x350: {  	s11 =	simm.s32 $0x19;
	[sflag:s5] =	ssyncadd.s32 $0xFFFFF000  }
0x351: {  	_ =	swait.ge [sflag:s11], $0x1000  }
0x352: {  	[sflag:s11] =	ssyncset.done $0x0  }
0x353: {  	s10 =	simm.s32 $0x19D00;
	s12 =	rddreg [dreg:$0x1b];
	[sflag:s11] =	ssyncadd.s32 $0xFFFFF000  }
0x354: {  	[hbm4b:s12+s8] =	stream.strided.scatter [tilespmem:s10], [sflag:$0x1B], $0x1000, s9, s8, $0x38;
	[tilespmem:$0x1BD00] =	vst v63  }
0x355: {  	_ =	swait.ge [sflag:s5], $0x1000  }
0x356: {  	[sflag:s5] =	ssyncset.done $0x0  }
0x357: {  	s1 =	simm.s32 $0x1A;
	[sflag:s5] =	ssyncadd.s32 $0xFFFFF000  }
0x358: {  	_ =	swait.ge [sflag:s1], $0x1000  }
0x359: {  	p0 =	sne.s32 s4, $0x1;
	s12 =	simm.s32 $0x1AD00;
	[sflag:s1] =	ssyncset.done $0x0  }
.Ltmp0:
0x35a: {  	s10 =	rddreg [dreg:$0x1c];
	[sflag:s1] =	ssyncadd.s32 $0xFFFFF000;
	(pc) =	sbr.rel @p0 .LBB2_1-.Ltmp0, $4  }
0x35b: {  	[hbm4b:s10+s8] =	stream.strided.scatter [tilespmem:s12], [sflag:$0x1B], $0x1000, s9, s8, $0x38;
	[tilespmem:$0x1BD00] =	vst v63  }
0x35c: {  	_ =	swait.ge [sflag:s5], $0x1000  }
0x35d: {  	[sflag:s5] =	ssyncset.done $0x0  }
0x35e: {  	s4 =	sadd.s32 $0xFFFFFFFF, s4;
	[sflag:s5] =	ssyncadd.s32 $0xFFFFF000  }
0x35f: {  	_ =	sfence.sel $0x180000  }
0x360: {  	[bflag:$0x0] =	sbarrier.arrive $0xFFFF  }
0x361: {  	_ =	strace $0x90000047  }
0x362: {  	s0 =	stileid.u32;
	[bflag:$0x2] =	sbarrier.arrive $0xFFFF  }
0x363: {  	p0 =	sne.s32 s0, $0x0;
	s0 =	rddreg [dreg:$0x1]  }
0x364: {  	s0 =	sadd.s32 @!p0 $0x100000, s0  }
0x365: {  	[sflag:s0] =	ssyncadd.tile.s32 @!p0 $0x1;
	_ =	shalt  }
.Lfunc_end2:
_tile_overlayer_lowered:
.L_overlay_start_2:
0x366: {  	(tag) =	ssettag $0x2  }
0x367: {  	s0 =	rddreg [dreg:$0x0];
	s2 =	stileid.u32  }
0x368: {  	s1 =	rddreg [dreg:$0x1];
	p0 =	sne.s32 s2, $0x0  }
0x369: {  	s3 =	rddreg [dreg:$0x2];
	[bflag:$0x3] =	sbarrier.arrive $0xFFFF;
	s2 =	simm.s32 @!p0 $0x1C1B  }
0x36a: {  	[timem:s3], [sflag:s2] =	dma.local @!p0 [hbm:s0], s1  }
0x36b: {  	s0 =	simm.s32 @!p0 $0x1B  }
0x36c: {  	_ =	swait.ge @!p0 [sflag:s0], s1  }
0x36d: {  	s1 =	ssub.s32 @!p0 $0x0, s1;
	[sflag:s0] =	ssyncset.done @!p0 $0x0  }
0x36e: {  	[sflag:s0] =	ssyncadd.s32 @!p0 s1  }
0x36f: {  	[bflag:$0x3] =	sbarrier.arrive $0xFFFF  }
0x370: {  	_ =	shalt  }

</sc_bundles>
